<compile_context>
chip_gen: v7x
topology: tpu7x:2x2x1
jax: 0.10.2.dev20260603
libtpu: 0.0.44.dev20260713+nightly
codegen_flags: <defaults>
</compile_context>

<pallas_src>
import jax
import jax.numpy as jnp
from jax import lax
from jax.experimental import pallas as pl
from jax.experimental.pallas import tpu as pltpu
from jax.experimental.pallas import tpu_sc as plsc

B = 16384
D = 4096
NC = 2
NS = 16
NW = NC * NS
RPW = B // NW
R = 8
NCH = RPW // R
L = 16
NQ = 4
DQ = D // NQ


def _body(x_ref, perm_ref, y_ref, ld_ref,
          perm_v, in0, in1, out0, out1, out2, out3, z_v,
          isem0, isem1, osem0, osem1, osem2, osem3):
    c = lax.axis_index("c")
    s = lax.axis_index("s")
    wid = s * NC + c
    base = wid * RPW

    def in_copy_q(g, qq, buf, sem):
        row0 = base + g * R
        return pltpu.make_async_copy(
            x_ref.at[pl.ds(row0, R), pl.ds(qq * DQ, DQ)],
            buf.at[:, pl.ds(qq * DQ, DQ)], sem)

    def start_in(g, buf, sem):
        for qq in range(NQ):
            in_copy_q(g, qq, buf, sem).start()

    def wait_in(g, buf, sem):
        for qq in range(NQ):
            in_copy_q(g, qq, buf, sem).wait()

    def out_copy(g, q, buf, sem):
        row0 = base + g * R
        return pltpu.make_async_copy(
            buf, y_ref.at[pl.ds(row0, R), pl.ds(q * DQ, DQ)], sem)

    def compute(ibuf, obuf, q):
        @plsc.parallel_loop(0, DQ // L, 1, unroll=8)
        def _jbody(jj):
            idx = perm_v[pl.ds(q * DQ + jj * L, L)]
            for r in range(R):
                rvec = jnp.full((L,), r, jnp.int32)
                obuf[r, pl.ds(jj * L, L)] = plsc.load_gather(
                    ibuf, [rvec, idx]
                )

    obufs = ((out0, osem0), (out1, osem1), (out2, osem2), (out3, osem3))
    ibufs = ((in0, isem0), (in1, isem1))

    start_in(0, in0, isem0)
    start_in(1, in1, isem1)

    pltpu.sync_copy(perm_ref, perm_v)

    @plsc.parallel_loop(0, RPW // L, 1, unroll=8)
    def _zero(i):
        z_v[pl.ds(i * L, L)] = jnp.zeros((L,), jnp.float32)

    pltpu.sync_copy(z_v, ld_ref.at[pl.ds(base, RPW)])

    def gg_body(gg, carry):
        for b, (ibuf, isem) in enumerate(ibufs):
            g = 2 * gg + b
            wait_in(g, ibuf, isem)

            for q, (obuf, osem) in enumerate(obufs):
                if b == 0:
                    @pl.when(gg > 0)
                    def _wait_prev_out():
                        out_copy(g - 1, q, obuf, osem).wait()
                else:
                    out_copy(g - 1, q, obuf, osem).wait()
                compute(ibuf, obuf, q)
                out_copy(g, q, obuf, osem).start()

            @pl.when(g + 2 < NCH)
            def _start_next_in():
                start_in(g + 2, ibuf, isem)

        return carry

    lax.fori_loop(0, NCH // 2, gg_body, 0)

    for q, (obuf, osem) in enumerate(obufs):
        out_copy(NCH - 1, q, obuf, osem).wait()


@jax.jit
def kernel(x, perm):
    mesh = plsc.VectorSubcoreMesh(
        core_axis_name="c", subcore_axis_name="s", num_cores=NC, num_subcores=NS
    )
    f = pl.kernel(
        _body,
        out_type=(
            jax.ShapeDtypeStruct((B, D), jnp.float32),
            jax.ShapeDtypeStruct((B,), jnp.float32),
        ),
        mesh=mesh,
        compiler_params=pltpu.CompilerParams(
            needs_layout_passes=False,
            use_tc_tiling_on_sc=True,
        ),
        scratch_types=[
            pltpu.VMEM((D,), jnp.int32),
            pltpu.VMEM((R, D), jnp.float32),
            pltpu.VMEM((R, D), jnp.float32),
            pltpu.VMEM((R, DQ), jnp.float32),
            pltpu.VMEM((R, DQ), jnp.float32),
            pltpu.VMEM((R, DQ), jnp.float32),
            pltpu.VMEM((R, DQ), jnp.float32),
            pltpu.VMEM((RPW,), jnp.float32),
            pltpu.SemaphoreType.DMA,
            pltpu.SemaphoreType.DMA,
            pltpu.SemaphoreType.DMA,
            pltpu.SemaphoreType.DMA,
            pltpu.SemaphoreType.DMA,
            pltpu.SemaphoreType.DMA,
        ],
    )
    return f(x, perm)

# --- scband reference (transcript-rebuilt; emitter-appended) ---
"""Pipeline reference for scband-permutation-layer-79456894976201 (READ-ONLY COPY).

The authoritative reference and input builder live on the scoring server;
editing this copy changes nothing except your own understanding.
"""

import jax, jax.numpy as jnp
import numpy as np

DIM = 4096

def setup_inputs(seed: int = 0) -> dict:
    key = jax.random.key(seed)
    kx, kp = jax.random.split(key)
    x = jax.random.normal(kx, (16384, DIM), dtype=jnp.float32)
    # fixed random permutation buffer (as in nn.Module __init__)
    perm = jax.random.permutation(kp, DIM).astype(jnp.int32)
    return {"x": x, "perm": perm}

def reference(x, perm):
    # forward: return (x[:, perm], zeros(B))
    y = jnp.take(x, perm, axis=1)
    logdet = jnp.zeros((x.shape[0],), dtype=x.dtype)
    return (y, logdet)

if __name__ == "__main__":
    import jax
    _d = setup_inputs()
    print(jax.jit(kernel)(*tuple(_d.values())))

</pallas_src>

<mosaic_0001>
#map = affine_map<(d0, d1) -> (0, 0)>
#map1 = affine_map<(d0, d1) -> (0)>
module attributes {stable_mosaic.version = 14 : i64} {
  func.func @_body(%arg0: i32, %arg1: i32, %arg2: memref<16384x4096xf32, #tpu.memory_space<hbm>>, %arg3: memref<4096xi32, #tpu.memory_space<hbm>>, %arg4: memref<16384x4096xf32, #tpu.memory_space<hbm>>, %arg5: memref<16384xf32, #tpu.memory_space<hbm>>, %arg6: memref<4096xi32, #tpu.memory_space<vmem>>, %arg7: memref<8x4096xf32, #tpu.memory_space<vmem>>, %arg8: memref<8x4096xf32, #tpu.memory_space<vmem>>, %arg9: memref<8x1024xf32, #tpu.memory_space<vmem>>, %arg10: memref<8x1024xf32, #tpu.memory_space<vmem>>, %arg11: memref<8x1024xf32, #tpu.memory_space<vmem>>, %arg12: memref<8x1024xf32, #tpu.memory_space<vmem>>, %arg13: memref<512xf32, #tpu.memory_space<vmem>>, %arg14: memref<!tpu.dma_semaphore, #tpu.memory_space<semaphore_mem>>, %arg15: memref<!tpu.dma_semaphore, #tpu.memory_space<semaphore_mem>>, %arg16: memref<!tpu.dma_semaphore, #tpu.memory_space<semaphore_mem>>, %arg17: memref<!tpu.dma_semaphore, #tpu.memory_space<semaphore_mem>>, %arg18: memref<!tpu.dma_semaphore, #tpu.memory_space<semaphore_mem>>, %arg19: memref<!tpu.dma_semaphore, #tpu.memory_space<semaphore_mem>>) attributes {dimension_semantics = [#tpu.dimension_semantics<core_parallel>, #tpu.dimension_semantics<subcore_parallel>], iteration_bounds = array<i64: 2, 16>, scalar_prefetch = 0 : i64, scratch_operands = 14 : i64, tpu.core_type = #tpu.core_type<sc_vector_subcore>, window_params = [{transform_indices = #map}, {transform_indices = #map1}, {transform_indices = #map}, {transform_indices = #map1}]} {
    %mul3A = arith.constant 2 : i32
    %mul3A_0 = arith.muli %arg1, %mul3A : i32
    %add3A = arith.addi %mul3A_0, %arg0 : i32
    %mul3A_1 = arith.constant 512 : i32
    %mul3A_2 = arith.muli %add3A, %mul3A_1 : i32
    %add3A_3 = arith.constant 0 : i32
    %add3A_4 = arith.addi %mul3A_2, %add3A_3 : i32
    %dma_start3A = arith.constant 0 : i32
    %dma_start3A_5 = arith.constant 0 : i32
    %dma_start3A_6 = tpu.memref_slice %arg7[%dma_start3A, %dma_start3A_5] : memref<8x4096xf32, #tpu.memory_space<vmem>> -> memref<8x1024xf32, #tpu.memory_space<vmem>>
    %dma_start3A_7 = arith.constant 0 : i32
    %dma_start3A_8 = tpu.memref_slice %arg2[%add3A_4, %dma_start3A_7] : memref<16384x4096xf32, #tpu.memory_space<hbm>> -> memref<8x1024xf32, #tpu.memory_space<hbm>>
    %dma_start3A_9 = arith.constant 0 : i32
    %dma_start3A_10 = arith.constant 0 : i32
    %dma_start3A_11 = tpu.memref_slice %arg7[%dma_start3A_9, %dma_start3A_10] : memref<8x4096xf32, #tpu.memory_space<vmem>> -> memref<8x1024xf32, #tpu.memory_space<vmem>>
    %dma_start3A_12 = arith.constant 0 : i32
    %dma_start3A_13 = tpu.memref_slice %arg2[%add3A_4, %dma_start3A_12] : memref<16384x4096xf32, #tpu.memory_space<hbm>> -> memref<8x1024xf32, #tpu.memory_space<hbm>>
    tpu.enqueue_dma source(%dma_start3A_13 : memref<8x1024xf32, #tpu.memory_space<hbm>>) target(%dma_start3A_11 : memref<8x1024xf32, #tpu.memory_space<vmem>>) target_semaphore(%arg14 : memref<!tpu.dma_semaphore, #tpu.memory_space<semaphore_mem>>)
    %add3A_14 = arith.constant 0 : i32
    %add3A_15 = arith.addi %mul3A_2, %add3A_14 : i32
    %dma_start3A_16 = arith.constant 0 : i32
    %dma_start3A_17 = arith.constant 1024 : i32
    %dma_start3A_18 = tpu.memref_slice %arg7[%dma_start3A_16, %dma_start3A_17] : memref<8x4096xf32, #tpu.memory_space<vmem>> -> memref<8x1024xf32, #tpu.memory_space<vmem>>
    %dma_start3A_19 = arith.constant 1024 : i32
    %dma_start3A_20 = tpu.memref_slice %arg2[%add3A_15, %dma_start3A_19] : memref<16384x4096xf32, #tpu.memory_space<hbm>> -> memref<8x1024xf32, #tpu.memory_space<hbm>>
    %dma_start3A_21 = arith.constant 0 : i32
    %dma_start3A_22 = arith.constant 1024 : i32
    %dma_start3A_23 = tpu.memref_slice %arg7[%dma_start3A_21, %dma_start3A_22] : memref<8x4096xf32, #tpu.memory_space<vmem>> -> memref<8x1024xf32, #tpu.memory_space<vmem>>
    %dma_start3A_24 = arith.constant 1024 : i32
    %dma_start3A_25 = tpu.memref_slice %arg2[%add3A_15, %dma_start3A_24] : memref<16384x4096xf32, #tpu.memory_space<hbm>> -> memref<8x1024xf32, #tpu.memory_space<hbm>>
    tpu.enqueue_dma source(%dma_start3A_25 : memref<8x1024xf32, #tpu.memory_space<hbm>>) target(%dma_start3A_23 : memref<8x1024xf32, #tpu.memory_space<vmem>>) target_semaphore(%arg14 : memref<!tpu.dma_semaphore, #tpu.memory_space<semaphore_mem>>)
    %add3A_26 = arith.constant 0 : i32
    %add3A_27 = arith.addi %mul3A_2, %add3A_26 : i32
    %dma_start3A_28 = arith.constant 0 : i32
    %dma_start3A_29 = arith.constant 2048 : i32
    %dma_start3A_30 = tpu.memref_slice %arg7[%dma_start3A_28, %dma_start3A_29] : memref<8x4096xf32, #tpu.memory_space<vmem>> -> memref<8x1024xf32, #tpu.memory_space<vmem>>
    %dma_start3A_31 = arith.constant 2048 : i32
    %dma_start3A_32 = tpu.memref_slice %arg2[%add3A_27, %dma_start3A_31] : memref<16384x4096xf32, #tpu.memory_space<hbm>> -> memref<8x1024xf32, #tpu.memory_space<hbm>>
    %dma_start3A_33 = arith.constant 0 : i32
    %dma_start3A_34 = arith.constant 2048 : i32
    %dma_start3A_35 = tpu.memref_slice %arg7[%dma_start3A_33, %dma_start3A_34] : memref<8x4096xf32, #tpu.memory_space<vmem>> -> memref<8x1024xf32, #tpu.memory_space<vmem>>
    %dma_start3A_36 = arith.constant 2048 : i32
    %dma_start3A_37 = tpu.memref_slice %arg2[%add3A_27, %dma_start3A_36] : memref<16384x4096xf32, #tpu.memory_space<hbm>> -> memref<8x1024xf32, #tpu.memory_space<hbm>>
    tpu.enqueue_dma source(%dma_start3A_37 : memref<8x1024xf32, #tpu.memory_space<hbm>>) target(%dma_start3A_35 : memref<8x1024xf32, #tpu.memory_space<vmem>>) target_semaphore(%arg14 : memref<!tpu.dma_semaphore, #tpu.memory_space<semaphore_mem>>)
    %add3A_38 = arith.constant 0 : i32
    %add3A_39 = arith.addi %mul3A_2, %add3A_38 : i32
    %dma_start3A_40 = arith.constant 0 : i32
    %dma_start3A_41 = arith.constant 3072 : i32
    %dma_start3A_42 = tpu.memref_slice %arg7[%dma_start3A_40, %dma_start3A_41] : memref<8x4096xf32, #tpu.memory_space<vmem>> -> memref<8x1024xf32, #tpu.memory_space<vmem>>
    %dma_start3A_43 = arith.constant 3072 : i32
    %dma_start3A_44 = tpu.memref_slice %arg2[%add3A_39, %dma_start3A_43] : memref<16384x4096xf32, #tpu.memory_space<hbm>> -> memref<8x1024xf32, #tpu.memory_space<hbm>>
    %dma_start3A_45 = arith.constant 0 : i32
    %dma_start3A_46 = arith.constant 3072 : i32
    %dma_start3A_47 = tpu.memref_slice %arg7[%dma_start3A_45, %dma_start3A_46] : memref<8x4096xf32, #tpu.memory_space<vmem>> -> memref<8x1024xf32, #tpu.memory_space<vmem>>
    %dma_start3A_48 = arith.constant 3072 : i32
    %dma_start3A_49 = tpu.memref_slice %arg2[%add3A_39, %dma_start3A_48] : memref<16384x4096xf32, #tpu.memory_space<hbm>> -> memref<8x1024xf32, #tpu.memory_space<hbm>>
    tpu.enqueue_dma source(%dma_start3A_49 : memref<8x1024xf32, #tpu.memory_space<hbm>>) target(%dma_start3A_47 : memref<8x1024xf32, #tpu.memory_space<vmem>>) target_semaphore(%arg14 : memref<!tpu.dma_semaphore, #tpu.memory_space<semaphore_mem>>)
    %add3A_50 = arith.constant 8 : i32
    %add3A_51 = arith.addi %mul3A_2, %add3A_50 : i32
    %dma_start3A_52 = arith.constant 0 : i32
    %dma_start3A_53 = arith.constant 0 : i32
    %dma_start3A_54 = tpu.memref_slice %arg8[%dma_start3A_52, %dma_start3A_53] : memref<8x4096xf32, #tpu.memory_space<vmem>> -> memref<8x1024xf32, #tpu.memory_space<vmem>>
    %dma_start3A_55 = arith.constant 0 : i32
    %dma_start3A_56 = tpu.memref_slice %arg2[%add3A_51, %dma_start3A_55] : memref<16384x4096xf32, #tpu.memory_space<hbm>> -> memref<8x1024xf32, #tpu.memory_space<hbm>>
    %dma_start3A_57 = arith.constant 0 : i32
    %dma_start3A_58 = arith.constant 0 : i32
    %dma_start3A_59 = tpu.memref_slice %arg8[%dma_start3A_57, %dma_start3A_58] : memref<8x4096xf32, #tpu.memory_space<vmem>> -> memref<8x1024xf32, #tpu.memory_space<vmem>>
    %dma_start3A_60 = arith.constant 0 : i32
    %dma_start3A_61 = tpu.memref_slice %arg2[%add3A_51, %dma_start3A_60] : memref<16384x4096xf32, #tpu.memory_space<hbm>> -> memref<8x1024xf32, #tpu.memory_space<hbm>>
    tpu.enqueue_dma source(%dma_start3A_61 : memref<8x1024xf32, #tpu.memory_space<hbm>>) target(%dma_start3A_59 : memref<8x1024xf32, #tpu.memory_space<vmem>>) target_semaphore(%arg15 : memref<!tpu.dma_semaphore, #tpu.memory_space<semaphore_mem>>)
    %add3A_62 = arith.constant 8 : i32
    %add3A_63 = arith.addi %mul3A_2, %add3A_62 : i32
    %dma_start3A_64 = arith.constant 0 : i32
    %dma_start3A_65 = arith.constant 1024 : i32
    %dma_start3A_66 = tpu.memref_slice %arg8[%dma_start3A_64, %dma_start3A_65] : memref<8x4096xf32, #tpu.memory_space<vmem>> -> memref<8x1024xf32, #tpu.memory_space<vmem>>
    %dma_start3A_67 = arith.constant 1024 : i32
    %dma_start3A_68 = tpu.memref_slice %arg2[%add3A_63, %dma_start3A_67] : memref<16384x4096xf32, #tpu.memory_space<hbm>> -> memref<8x1024xf32, #tpu.memory_space<hbm>>
    %dma_start3A_69 = arith.constant 0 : i32
    %dma_start3A_70 = arith.constant 1024 : i32
    %dma_start3A_71 = tpu.memref_slice %arg8[%dma_start3A_69, %dma_start3A_70] : memref<8x4096xf32, #tpu.memory_space<vmem>> -> memref<8x1024xf32, #tpu.memory_space<vmem>>
    %dma_start3A_72 = arith.constant 1024 : i32
    %dma_start3A_73 = tpu.memref_slice %arg2[%add3A_63, %dma_start3A_72] : memref<16384x4096xf32, #tpu.memory_space<hbm>> -> memref<8x1024xf32, #tpu.memory_space<hbm>>
    tpu.enqueue_dma source(%dma_start3A_73 : memref<8x1024xf32, #tpu.memory_space<hbm>>) target(%dma_start3A_71 : memref<8x1024xf32, #tpu.memory_space<vmem>>) target_semaphore(%arg15 : memref<!tpu.dma_semaphore, #tpu.memory_space<semaphore_mem>>)
    %add3A_74 = arith.constant 8 : i32
    %add3A_75 = arith.addi %mul3A_2, %add3A_74 : i32
    %dma_start3A_76 = arith.constant 0 : i32
    %dma_start3A_77 = arith.constant 2048 : i32
    %dma_start3A_78 = tpu.memref_slice %arg8[%dma_start3A_76, %dma_start3A_77] : memref<8x4096xf32, #tpu.memory_space<vmem>> -> memref<8x1024xf32, #tpu.memory_space<vmem>>
    %dma_start3A_79 = arith.constant 2048 : i32
    %dma_start3A_80 = tpu.memref_slice %arg2[%add3A_75, %dma_start3A_79] : memref<16384x4096xf32, #tpu.memory_space<hbm>> -> memref<8x1024xf32, #tpu.memory_space<hbm>>
    %dma_start3A_81 = arith.constant 0 : i32
    %dma_start3A_82 = arith.constant 2048 : i32
    %dma_start3A_83 = tpu.memref_slice %arg8[%dma_start3A_81, %dma_start3A_82] : memref<8x4096xf32, #tpu.memory_space<vmem>> -> memref<8x1024xf32, #tpu.memory_space<vmem>>
    %dma_start3A_84 = arith.constant 2048 : i32
    %dma_start3A_85 = tpu.memref_slice %arg2[%add3A_75, %dma_start3A_84] : memref<16384x4096xf32, #tpu.memory_space<hbm>> -> memref<8x1024xf32, #tpu.memory_space<hbm>>
    tpu.enqueue_dma source(%dma_start3A_85 : memref<8x1024xf32, #tpu.memory_space<hbm>>) target(%dma_start3A_83 : memref<8x1024xf32, #tpu.memory_space<vmem>>) target_semaphore(%arg15 : memref<!tpu.dma_semaphore, #tpu.memory_space<semaphore_mem>>)
    %add3A_86 = arith.constant 8 : i32
    %add3A_87 = arith.addi %mul3A_2, %add3A_86 : i32
    %dma_start3A_88 = arith.constant 0 : i32
    %dma_start3A_89 = arith.constant 3072 : i32
    %dma_start3A_90 = tpu.memref_slice %arg8[%dma_start3A_88, %dma_start3A_89] : memref<8x4096xf32, #tpu.memory_space<vmem>> -> memref<8x1024xf32, #tpu.memory_space<vmem>>
    %dma_start3A_91 = arith.constant 3072 : i32
    %dma_start3A_92 = tpu.memref_slice %arg2[%add3A_87, %dma_start3A_91] : memref<16384x4096xf32, #tpu.memory_space<hbm>> -> memref<8x1024xf32, #tpu.memory_space<hbm>>
    %dma_start3A_93 = arith.constant 0 : i32
    %dma_start3A_94 = arith.constant 3072 : i32
    %dma_start3A_95 = tpu.memref_slice %arg8[%dma_start3A_93, %dma_start3A_94] : memref<8x4096xf32, #tpu.memory_space<vmem>> -> memref<8x1024xf32, #tpu.memory_space<vmem>>
    %dma_start3A_96 = arith.constant 3072 : i32
    %dma_start3A_97 = tpu.memref_slice %arg2[%add3A_87, %dma_start3A_96] : memref<16384x4096xf32, #tpu.memory_space<hbm>> -> memref<8x1024xf32, #tpu.memory_space<hbm>>
    tpu.enqueue_dma source(%dma_start3A_97 : memref<8x1024xf32, #tpu.memory_space<hbm>>) target(%dma_start3A_95 : memref<8x1024xf32, #tpu.memory_space<vmem>>) target_semaphore(%arg15 : memref<!tpu.dma_semaphore, #tpu.memory_space<semaphore_mem>>)
    "tpu.region"() ({
      %run_scoped3A = tpu.sem_alloc : memref<!tpu.dma_semaphore, #tpu.memory_space<semaphore_mem>>
      tpu.enqueue_dma source(%arg3 : memref<4096xi32, #tpu.memory_space<hbm>>) target(%arg6 : memref<4096xi32, #tpu.memory_space<vmem>>) target_semaphore(%run_scoped3A : memref<!tpu.dma_semaphore, #tpu.memory_space<semaphore_mem>>)
      tpu.wait_dma2 semaphore(%run_scoped3A : memref<!tpu.dma_semaphore, #tpu.memory_space<semaphore_mem>>) src(%arg3 : memref<4096xi32, #tpu.memory_space<hbm>>) dst(%arg6 : memref<4096xi32, #tpu.memory_space<vmem>>)
      tpu.yield
    }) : () -> ()
    %parallel_loop3A = arith.constant 0 : i32
    %parallel_loop3A_98 = arith.constant 32 : i32
    %parallel_loop3A_99 = arith.constant 1 : i32
    scf.for %parallel_loop3A_128 = %parallel_loop3A to %parallel_loop3A_98 step %parallel_loop3A_99  : i32 {
      %parallel_loop3A_129 = arith.constant 0.000000e+00 : f32
      %parallel_loop3A_130 = vector.broadcast %parallel_loop3A_129 : f32 to vector<16xf32>
      %parallel_loop3A_131 = arith.constant 16 : i32
      %parallel_loop3A_132 = arith.muli %parallel_loop3A_128, %parallel_loop3A_131 : i32
      %parallel_loop3A_133 = arith.index_cast %parallel_loop3A_132 : i32 to index
      %parallel_loop3A_134 = tpu.vector_load %arg13[%parallel_loop3A_133] {strides = array<i32>} : memref<512xf32, #tpu.memory_space<vmem>>, vector<16xf32>,
      tpu.vector_store %arg13[%parallel_loop3A_133], %parallel_loop3A_130 {strides = array<i32>} : memref<512xf32, #tpu.memory_space<vmem>>, vector<16xf32>,
    } {sc.loop_unroll_factor = 8 : i64, sc.parallel_access}
    "tpu.region"() ({
      %run_scoped3A = tpu.sem_alloc : memref<!tpu.dma_semaphore, #tpu.memory_space<semaphore_mem>>
      %dma_start3A_128 = tpu.memref_slice %arg5[%mul3A_2] : memref<16384xf32, #tpu.memory_space<hbm>> -> memref<512xf32, #tpu.memory_space<hbm>>
      %dma_start3A_129 = tpu.memref_slice %arg5[%mul3A_2] : memref<16384xf32, #tpu.memory_space<hbm>> -> memref<512xf32, #tpu.memory_space<hbm>>
      tpu.enqueue_dma source(%arg13 : memref<512xf32, #tpu.memory_space<vmem>>) target(%dma_start3A_129 : memref<512xf32, #tpu.memory_space<hbm>>) target_semaphore(%run_scoped3A : memref<!tpu.dma_semaphore, #tpu.memory_space<semaphore_mem>>)
      %dma_wait3A_130 = tpu.memref_slice %arg5[%mul3A_2] : memref<16384xf32, #tpu.memory_space<hbm>> -> memref<512xf32, #tpu.memory_space<hbm>>
      %dma_wait3A_131 = tpu.memref_slice %arg5[%mul3A_2] : memref<16384xf32, #tpu.memory_space<hbm>> -> memref<512xf32, #tpu.memory_space<hbm>>
      tpu.wait_dma2 semaphore(%run_scoped3A : memref<!tpu.dma_semaphore, #tpu.memory_space<semaphore_mem>>) src(%arg13 : memref<512xf32, #tpu.memory_space<vmem>>) dst(%dma_wait3A_131 : memref<512xf32, #tpu.memory_space<hbm>>)
      tpu.yield
    }) : () -> ()
    %scan3A = arith.constant 0 : i32
    %scan3A_100 = arith.constant 0 : i32
    %scan3A_101 = arith.constant 32 : i32
    %scan3A_102 = arith.addi %scan3A_100, %scan3A_101 : i32
    %scan3A_103 = arith.constant 1 : i32
    scf.for %scan3A_128 = %scan3A_100 to %scan3A_102 step %scan3A_103  : i32 {
      %mul3A_129 = arith.constant 2 : i32
      %mul3A_130 = arith.muli %mul3A_129, %scan3A_128 : i32
      %add3A_131 = arith.constant 0 : i32
      %add3A_132 = arith.addi %mul3A_130, %add3A_131 : i32
      %mul3A_133 = arith.constant 8 : i32
      %mul3A_134 = arith.muli %add3A_132, %mul3A_133 : i32
      %add3A_135 = arith.addi %mul3A_2, %mul3A_134 : i32
      %dma_wait3A_136 = arith.constant 0 : i32
      %dma_wait3A_137 = arith.constant 0 : i32
      %dma_wait3A_138 = tpu.memref_slice %arg7[%dma_wait3A_136, %dma_wait3A_137] : memref<8x4096xf32, #tpu.memory_space<vmem>> -> memref<8x1024xf32, #tpu.memory_space<vmem>>
      %dma_wait3A_139 = arith.constant 0 : i32
      %dma_wait3A_140 = tpu.memref_slice %arg2[%add3A_135, %dma_wait3A_139] : memref<16384x4096xf32, #tpu.memory_space<hbm>> -> memref<8x1024xf32, #tpu.memory_space<hbm>>
      %dma_wait3A_141 = arith.constant 0 : i32
      %dma_wait3A_142 = arith.constant 0 : i32
      %dma_wait3A_143 = tpu.memref_slice %arg7[%dma_wait3A_141, %dma_wait3A_142] : memref<8x4096xf32, #tpu.memory_space<vmem>> -> memref<8x1024xf32, #tpu.memory_space<vmem>>
      %dma_wait3A_144 = arith.constant 0 : i32
      %dma_wait3A_145 = tpu.memref_slice %arg2[%add3A_135, %dma_wait3A_144] : memref<16384x4096xf32, #tpu.memory_space<hbm>> -> memref<8x1024xf32, #tpu.memory_space<hbm>>
      tpu.wait_dma2 semaphore(%arg14 : memref<!tpu.dma_semaphore, #tpu.memory_space<semaphore_mem>>) src(%dma_wait3A_145 : memref<8x1024xf32, #tpu.memory_space<hbm>>) dst(%dma_wait3A_143 : memref<8x1024xf32, #tpu.memory_space<vmem>>)
      %mul3A_146 = arith.constant 8 : i32
      %mul3A_147 = arith.muli %add3A_132, %mul3A_146 : i32
      %add3A_148 = arith.addi %mul3A_2, %mul3A_147 : i32
      %dma_wait3A_149 = arith.constant 0 : i32
      %dma_wait3A_150 = arith.constant 1024 : i32
      %dma_wait3A_151 = tpu.memref_slice %arg7[%dma_wait3A_149, %dma_wait3A_150] : memref<8x4096xf32, #tpu.memory_space<vmem>> -> memref<8x1024xf32, #tpu.memory_space<vmem>>
      %dma_wait3A_152 = arith.constant 1024 : i32
      %dma_wait3A_153 = tpu.memref_slice %arg2[%add3A_148, %dma_wait3A_152] : memref<16384x4096xf32, #tpu.memory_space<hbm>> -> memref<8x1024xf32, #tpu.memory_space<hbm>>
      %dma_wait3A_154 = arith.constant 0 : i32
      %dma_wait3A_155 = arith.constant 1024 : i32
      %dma_wait3A_156 = tpu.memref_slice %arg7[%dma_wait3A_154, %dma_wait3A_155] : memref<8x4096xf32, #tpu.memory_space<vmem>> -> memref<8x1024xf32, #tpu.memory_space<vmem>>
      %dma_wait3A_157 = arith.constant 1024 : i32
      %dma_wait3A_158 = tpu.memref_slice %arg2[%add3A_148, %dma_wait3A_157] : memref<16384x4096xf32, #tpu.memory_space<hbm>> -> memref<8x1024xf32, #tpu.memory_space<hbm>>
      tpu.wait_dma2 semaphore(%arg14 : memref<!tpu.dma_semaphore, #tpu.memory_space<semaphore_mem>>) src(%dma_wait3A_158 : memref<8x1024xf32, #tpu.memory_space<hbm>>) dst(%dma_wait3A_156 : memref<8x1024xf32, #tpu.memory_space<vmem>>)
      %mul3A_159 = arith.constant 8 : i32
      %mul3A_160 = arith.muli %add3A_132, %mul3A_159 : i32
      %add3A_161 = arith.addi %mul3A_2, %mul3A_160 : i32
      %dma_wait3A_162 = arith.constant 0 : i32
      %dma_wait3A_163 = arith.constant 2048 : i32
      %dma_wait3A_164 = tpu.memref_slice %arg7[%dma_wait3A_162, %dma_wait3A_163] : memref<8x4096xf32, #tpu.memory_space<vmem>> -> memref<8x1024xf32, #tpu.memory_space<vmem>>
      %dma_wait3A_165 = arith.constant 2048 : i32
      %dma_wait3A_166 = tpu.memref_slice %arg2[%add3A_161, %dma_wait3A_165] : memref<16384x4096xf32, #tpu.memory_space<hbm>> -> memref<8x1024xf32, #tpu.memory_space<hbm>>
      %dma_wait3A_167 = arith.constant 0 : i32
      %dma_wait3A_168 = arith.constant 2048 : i32
      %dma_wait3A_169 = tpu.memref_slice %arg7[%dma_wait3A_167, %dma_wait3A_168] : memref<8x4096xf32, #tpu.memory_space<vmem>> -> memref<8x1024xf32, #tpu.memory_space<vmem>>
      %dma_wait3A_170 = arith.constant 2048 : i32
      %dma_wait3A_171 = tpu.memref_slice %arg2[%add3A_161, %dma_wait3A_170] : memref<16384x4096xf32, #tpu.memory_space<hbm>> -> memref<8x1024xf32, #tpu.memory_space<hbm>>
      tpu.wait_dma2 semaphore(%arg14 : memref<!tpu.dma_semaphore, #tpu.memory_space<semaphore_mem>>) src(%dma_wait3A_171 : memref<8x1024xf32, #tpu.memory_space<hbm>>) dst(%dma_wait3A_169 : memref<8x1024xf32, #tpu.memory_space<vmem>>)
      %mul3A_172 = arith.constant 8 : i32
      %mul3A_173 = arith.muli %add3A_132, %mul3A_172 : i32
      %add3A_174 = arith.addi %mul3A_2, %mul3A_173 : i32
      %dma_wait3A_175 = arith.constant 0 : i32
      %dma_wait3A_176 = arith.constant 3072 : i32
      %dma_wait3A_177 = tpu.memref_slice %arg7[%dma_wait3A_175, %dma_wait3A_176] : memref<8x4096xf32, #tpu.memory_space<vmem>> -> memref<8x1024xf32, #tpu.memory_space<vmem>>
      %dma_wait3A_178 = arith.constant 3072 : i32
      %dma_wait3A_179 = tpu.memref_slice %arg2[%add3A_174, %dma_wait3A_178] : memref<16384x4096xf32, #tpu.memory_space<hbm>> -> memref<8x1024xf32, #tpu.memory_space<hbm>>
      %dma_wait3A_180 = arith.constant 0 : i32
      %dma_wait3A_181 = arith.constant 3072 : i32
      %dma_wait3A_182 = tpu.memref_slice %arg7[%dma_wait3A_180, %dma_wait3A_181] : memref<8x4096xf32, #tpu.memory_space<vmem>> -> memref<8x1024xf32, #tpu.memory_space<vmem>>
      %dma_wait3A_183 = arith.constant 3072 : i32
      %dma_wait3A_184 = tpu.memref_slice %arg2[%add3A_174, %dma_wait3A_183] : memref<16384x4096xf32, #tpu.memory_space<hbm>> -> memref<8x1024xf32, #tpu.memory_space<hbm>>
      tpu.wait_dma2 semaphore(%arg14 : memref<!tpu.dma_semaphore, #tpu.memory_space<semaphore_mem>>) src(%dma_wait3A_184 : memref<8x1024xf32, #tpu.memory_space<hbm>>) dst(%dma_wait3A_182 : memref<8x1024xf32, #tpu.memory_space<vmem>>)
      %gt3A = arith.constant 0 : i32
      %gt3A_185 = arith.cmpi sgt, %scan3A_128, %gt3A : i32
      %convert_element_type3A = arith.extui %gt3A_185 : i1 to i32
      %cond3A = arith.constant 0 : i32
      %cond3A_186 = arith.cmpi ne, %convert_element_type3A, %cond3A : i32
      scf.if %cond3A_186 {
        %sub3A_386 = arith.constant 1 : i32
        %sub3A_387 = arith.subi %add3A_132, %sub3A_386 : i32
        %mul3A_388 = arith.constant 8 : i32
        %mul3A_389 = arith.muli %sub3A_387, %mul3A_388 : i32
        %add3A_390 = arith.addi %mul3A_2, %mul3A_389 : i32
        %dma_wait3A_391 = arith.constant 0 : i32
        %dma_wait3A_392 = tpu.memref_slice %arg4[%add3A_390, %dma_wait3A_391] : memref<16384x4096xf32, #tpu.memory_space<hbm>> -> memref<8x1024xf32, #tpu.memory_space<hbm>>
        %dma_wait3A_393 = arith.constant 0 : i32
        %dma_wait3A_394 = tpu.memref_slice %arg4[%add3A_390, %dma_wait3A_393] : memref<16384x4096xf32, #tpu.memory_space<hbm>> -> memref<8x1024xf32, #tpu.memory_space<hbm>>
        tpu.wait_dma2 semaphore(%arg16 : memref<!tpu.dma_semaphore, #tpu.memory_space<semaphore_mem>>) src(%arg9 : memref<8x1024xf32, #tpu.memory_space<vmem>>) dst(%dma_wait3A_394 : memref<8x1024xf32, #tpu.memory_space<hbm>>)
      } else {
      }
      %parallel_loop3A_187 = arith.constant 0 : i32
      %parallel_loop3A_188 = arith.constant 64 : i32
      %parallel_loop3A_189 = arith.constant 1 : i32
      scf.for %parallel_loop3A_386 = %parallel_loop3A_187 to %parallel_loop3A_188 step %parallel_loop3A_189  : i32 {
        %parallel_loop3A_387 = arith.constant 16 : i32
        %parallel_loop3A_388 = arith.muli %parallel_loop3A_386, %parallel_loop3A_387 : i32
        %parallel_loop3A_389 = arith.constant 0 : i32
        %parallel_loop3A_390 = arith.addi %parallel_loop3A_389, %parallel_loop3A_388 : i32
        %parallel_loop3A_391 = arith.index_cast %parallel_loop3A_390 : i32 to index
        %parallel_loop3A_392 = tpu.vector_load %arg6[%parallel_loop3A_391] {strides = array<i32>} : memref<4096xi32, #tpu.memory_space<vmem>>, vector<16xi32>,
        %parallel_loop3A_393 = arith.constant 0 : i32
        %parallel_loop3A_394 = vector.broadcast %parallel_loop3A_393 : i32 to vector<16xi32>
        %parallel_loop3A_395 = tpu.vector_load_idx %arg7[%parallel_loop3A_394, %parallel_loop3A_392] : memref<8x4096xf32, #tpu.memory_space<vmem>>[vector<16xi32>, vector<16xi32>], vector<16xf32>,
        %parallel_loop3A_396 = arith.constant 16 : i32
        %parallel_loop3A_397 = arith.muli %parallel_loop3A_386, %parallel_loop3A_396 : i32
        %parallel_loop3A_398 = arith.constant 0 : i32
        %parallel_loop3A_399 = arith.index_cast %parallel_loop3A_398 : i32 to index
        %parallel_loop3A_400 = arith.index_cast %parallel_loop3A_397 : i32 to index
        %parallel_loop3A_401 = tpu.vector_load %arg9[%parallel_loop3A_399, %parallel_loop3A_400] {strides = array<i32>} : memref<8x1024xf32, #tpu.memory_space<vmem>>, vector<16xf32>,
        tpu.vector_store %arg9[%parallel_loop3A_399, %parallel_loop3A_400], %parallel_loop3A_395 {strides = array<i32>} : memref<8x1024xf32, #tpu.memory_space<vmem>>, vector<16xf32>,
        %parallel_loop3A_402 = arith.constant 1 : i32
        %parallel_loop3A_403 = vector.broadcast %parallel_loop3A_402 : i32 to vector<16xi32>
        %parallel_loop3A_404 = tpu.vector_load_idx %arg7[%parallel_loop3A_403, %parallel_loop3A_392] : memref<8x4096xf32, #tpu.memory_space<vmem>>[vector<16xi32>, vector<16xi32>], vector<16xf32>,
        %parallel_loop3A_405 = arith.constant 16 : i32
        %parallel_loop3A_406 = arith.muli %parallel_loop3A_386, %parallel_loop3A_405 : i32
        %parallel_loop3A_407 = arith.constant 1 : i32
        %parallel_loop3A_408 = arith.index_cast %parallel_loop3A_407 : i32 to index
        %parallel_loop3A_409 = arith.index_cast %parallel_loop3A_406 : i32 to index
        %parallel_loop3A_410 = tpu.vector_load %arg9[%parallel_loop3A_408, %parallel_loop3A_409] {strides = array<i32>} : memref<8x1024xf32, #tpu.memory_space<vmem>>, vector<16xf32>,
        tpu.vector_store %arg9[%parallel_loop3A_408, %parallel_loop3A_409], %parallel_loop3A_404 {strides = array<i32>} : memref<8x1024xf32, #tpu.memory_space<vmem>>, vector<16xf32>,
        %parallel_loop3A_411 = arith.constant 2 : i32
        %parallel_loop3A_412 = vector.broadcast %parallel_loop3A_411 : i32 to vector<16xi32>
        %parallel_loop3A_413 = tpu.vector_load_idx %arg7[%parallel_loop3A_412, %parallel_loop3A_392] : memref<8x4096xf32, #tpu.memory_space<vmem>>[vector<16xi32>, vector<16xi32>], vector<16xf32>,
        %parallel_loop3A_414 = arith.constant 16 : i32
        %parallel_loop3A_415 = arith.muli %parallel_loop3A_386, %parallel_loop3A_414 : i32
        %parallel_loop3A_416 = arith.constant 2 : i32
        %parallel_loop3A_417 = arith.index_cast %parallel_loop3A_416 : i32 to index
        %parallel_loop3A_418 = arith.index_cast %parallel_loop3A_415 : i32 to index
        %parallel_loop3A_419 = tpu.vector_load %arg9[%parallel_loop3A_417, %parallel_loop3A_418] {strides = array<i32>} : memref<8x1024xf32, #tpu.memory_space<vmem>>, vector<16xf32>,
        tpu.vector_store %arg9[%parallel_loop3A_417, %parallel_loop3A_418], %parallel_loop3A_413 {strides = array<i32>} : memref<8x1024xf32, #tpu.memory_space<vmem>>, vector<16xf32>,
        %parallel_loop3A_420 = arith.constant 3 : i32
        %parallel_loop3A_421 = vector.broadcast %parallel_loop3A_420 : i32 to vector<16xi32>
        %parallel_loop3A_422 = tpu.vector_load_idx %arg7[%parallel_loop3A_421, %parallel_loop3A_392] : memref<8x4096xf32, #tpu.memory_space<vmem>>[vector<16xi32>, vector<16xi32>], vector<16xf32>,
        %parallel_loop3A_423 = arith.constant 16 : i32
        %parallel_loop3A_424 = arith.muli %parallel_loop3A_386, %parallel_loop3A_423 : i32
        %parallel_loop3A_425 = arith.constant 3 : i32
        %parallel_loop3A_426 = arith.index_cast %parallel_loop3A_425 : i32 to index
        %parallel_loop3A_427 = arith.index_cast %parallel_loop3A_424 : i32 to index
        %parallel_loop3A_428 = tpu.vector_load %arg9[%parallel_loop3A_426, %parallel_loop3A_427] {strides = array<i32>} : memref<8x1024xf32, #tpu.memory_space<vmem>>, vector<16xf32>,
        tpu.vector_store %arg9[%parallel_loop3A_426, %parallel_loop3A_427], %parallel_loop3A_422 {strides = array<i32>} : memref<8x1024xf32, #tpu.memory_space<vmem>>, vector<16xf32>,
        %parallel_loop3A_429 = arith.constant 4 : i32
        %parallel_loop3A_430 = vector.broadcast %parallel_loop3A_429 : i32 to vector<16xi32>
        %parallel_loop3A_431 = tpu.vector_load_idx %arg7[%parallel_loop3A_430, %parallel_loop3A_392] : memref<8x4096xf32, #tpu.memory_space<vmem>>[vector<16xi32>, vector<16xi32>], vector<16xf32>,
        %parallel_loop3A_432 = arith.constant 16 : i32
        %parallel_loop3A_433 = arith.muli %parallel_loop3A_386, %parallel_loop3A_432 : i32
        %parallel_loop3A_434 = arith.constant 4 : i32
        %parallel_loop3A_435 = arith.index_cast %parallel_loop3A_434 : i32 to index
        %parallel_loop3A_436 = arith.index_cast %parallel_loop3A_433 : i32 to index
        %parallel_loop3A_437 = tpu.vector_load %arg9[%parallel_loop3A_435, %parallel_loop3A_436] {strides = array<i32>} : memref<8x1024xf32, #tpu.memory_space<vmem>>, vector<16xf32>,
        tpu.vector_store %arg9[%parallel_loop3A_435, %parallel_loop3A_436], %parallel_loop3A_431 {strides = array<i32>} : memref<8x1024xf32, #tpu.memory_space<vmem>>, vector<16xf32>,
        %parallel_loop3A_438 = arith.constant 5 : i32
        %parallel_loop3A_439 = vector.broadcast %parallel_loop3A_438 : i32 to vector<16xi32>
        %parallel_loop3A_440 = tpu.vector_load_idx %arg7[%parallel_loop3A_439, %parallel_loop3A_392] : memref<8x4096xf32, #tpu.memory_space<vmem>>[vector<16xi32>, vector<16xi32>], vector<16xf32>,
        %parallel_loop3A_441 = arith.constant 16 : i32
        %parallel_loop3A_442 = arith.muli %parallel_loop3A_386, %parallel_loop3A_441 : i32
        %parallel_loop3A_443 = arith.constant 5 : i32
        %parallel_loop3A_444 = arith.index_cast %parallel_loop3A_443 : i32 to index
        %parallel_loop3A_445 = arith.index_cast %parallel_loop3A_442 : i32 to index
        %parallel_loop3A_446 = tpu.vector_load %arg9[%parallel_loop3A_444, %parallel_loop3A_445] {strides = array<i32>} : memref<8x1024xf32, #tpu.memory_space<vmem>>, vector<16xf32>,
        tpu.vector_store %arg9[%parallel_loop3A_444, %parallel_loop3A_445], %parallel_loop3A_440 {strides = array<i32>} : memref<8x1024xf32, #tpu.memory_space<vmem>>, vector<16xf32>,
        %parallel_loop3A_447 = arith.constant 6 : i32
        %parallel_loop3A_448 = vector.broadcast %parallel_loop3A_447 : i32 to vector<16xi32>
        %parallel_loop3A_449 = tpu.vector_load_idx %arg7[%parallel_loop3A_448, %parallel_loop3A_392] : memref<8x4096xf32, #tpu.memory_space<vmem>>[vector<16xi32>, vector<16xi32>], vector<16xf32>,
        %parallel_loop3A_450 = arith.constant 16 : i32
        %parallel_loop3A_451 = arith.muli %parallel_loop3A_386, %parallel_loop3A_450 : i32
        %parallel_loop3A_452 = arith.constant 6 : i32
        %parallel_loop3A_453 = arith.index_cast %parallel_loop3A_452 : i32 to index
        %parallel_loop3A_454 = arith.index_cast %parallel_loop3A_451 : i32 to index
        %parallel_loop3A_455 = tpu.vector_load %arg9[%parallel_loop3A_453, %parallel_loop3A_454] {strides = array<i32>} : memref<8x1024xf32, #tpu.memory_space<vmem>>, vector<16xf32>,
        tpu.vector_store %arg9[%parallel_loop3A_453, %parallel_loop3A_454], %parallel_loop3A_449 {strides = array<i32>} : memref<8x1024xf32, #tpu.memory_space<vmem>>, vector<16xf32>,
        %parallel_loop3A_456 = arith.constant 7 : i32
        %parallel_loop3A_457 = vector.broadcast %parallel_loop3A_456 : i32 to vector<16xi32>
        %parallel_loop3A_458 = tpu.vector_load_idx %arg7[%parallel_loop3A_457, %parallel_loop3A_392] : memref<8x4096xf32, #tpu.memory_space<vmem>>[vector<16xi32>, vector<16xi32>], vector<16xf32>,
        %parallel_loop3A_459 = arith.constant 16 : i32
        %parallel_loop3A_460 = arith.muli %parallel_loop3A_386, %parallel_loop3A_459 : i32
        %parallel_loop3A_461 = arith.constant 7 : i32
        %parallel_loop3A_462 = arith.index_cast %parallel_loop3A_461 : i32 to index
        %parallel_loop3A_463 = arith.index_cast %parallel_loop3A_460 : i32 to index
        %parallel_loop3A_464 = tpu.vector_load %arg9[%parallel_loop3A_462, %parallel_loop3A_463] {strides = array<i32>} : memref<8x1024xf32, #tpu.memory_space<vmem>>, vector<16xf32>,
        tpu.vector_store %arg9[%parallel_loop3A_462, %parallel_loop3A_463], %parallel_loop3A_458 {strides = array<i32>} : memref<8x1024xf32, #tpu.memory_space<vmem>>, vector<16xf32>,
      } {sc.loop_unroll_factor = 8 : i64, sc.parallel_access}
      %mul3A_190 = arith.constant 8 : i32
      %mul3A_191 = arith.muli %add3A_132, %mul3A_190 : i32
      %add3A_192 = arith.addi %mul3A_2, %mul3A_191 : i32
      %dma_start3A_193 = arith.constant 0 : i32
      %dma_start3A_194 = tpu.memref_slice %arg4[%add3A_192, %dma_start3A_193] : memref<16384x4096xf32, #tpu.memory_space<hbm>> -> memref<8x1024xf32, #tpu.memory_space<hbm>>
      %dma_start3A_195 = arith.constant 0 : i32
      %dma_start3A_196 = tpu.memref_slice %arg4[%add3A_192, %dma_start3A_195] : memref<16384x4096xf32, #tpu.memory_space<hbm>> -> memref<8x1024xf32, #tpu.memory_space<hbm>>
      tpu.enqueue_dma source(%arg9 : memref<8x1024xf32, #tpu.memory_space<vmem>>) target(%dma_start3A_196 : memref<8x1024xf32, #tpu.memory_space<hbm>>) target_semaphore(%arg16 : memref<!tpu.dma_semaphore, #tpu.memory_space<semaphore_mem>>)
      %gt3A_197 = arith.constant 0 : i32
      %gt3A_198 = arith.cmpi sgt, %scan3A_128, %gt3A_197 : i32
      %convert_element_type3A_199 = arith.extui %gt3A_198 : i1 to i32
      %cond3A_200 = arith.constant 0 : i32
      %cond3A_201 = arith.cmpi ne, %convert_element_type3A_199, %cond3A_200 : i32
      scf.if %cond3A_201 {
        %sub3A_386 = arith.constant 1 : i32
        %sub3A_387 = arith.subi %add3A_132, %sub3A_386 : i32
        %mul3A_388 = arith.constant 8 : i32
        %mul3A_389 = arith.muli %sub3A_387, %mul3A_388 : i32
        %add3A_390 = arith.addi %mul3A_2, %mul3A_389 : i32
        %dma_wait3A_391 = arith.constant 1024 : i32
        %dma_wait3A_392 = tpu.memref_slice %arg4[%add3A_390, %dma_wait3A_391] : memref<16384x4096xf32, #tpu.memory_space<hbm>> -> memref<8x1024xf32, #tpu.memory_space<hbm>>
        %dma_wait3A_393 = arith.constant 1024 : i32
        %dma_wait3A_394 = tpu.memref_slice %arg4[%add3A_390, %dma_wait3A_393] : memref<16384x4096xf32, #tpu.memory_space<hbm>> -> memref<8x1024xf32, #tpu.memory_space<hbm>>
        tpu.wait_dma2 semaphore(%arg17 : memref<!tpu.dma_semaphore, #tpu.memory_space<semaphore_mem>>) src(%arg10 : memref<8x1024xf32, #tpu.memory_space<vmem>>) dst(%dma_wait3A_394 : memref<8x1024xf32, #tpu.memory_space<hbm>>)
      } else {
      }
      %parallel_loop3A_202 = arith.constant 0 : i32
      %parallel_loop3A_203 = arith.constant 64 : i32
      %parallel_loop3A_204 = arith.constant 1 : i32
      scf.for %parallel_loop3A_386 = %parallel_loop3A_202 to %parallel_loop3A_203 step %parallel_loop3A_204  : i32 {
        %parallel_loop3A_387 = arith.constant 16 : i32
        %parallel_loop3A_388 = arith.muli %parallel_loop3A_386, %parallel_loop3A_387 : i32
        %parallel_loop3A_389 = arith.constant 1024 : i32
        %parallel_loop3A_390 = arith.addi %parallel_loop3A_389, %parallel_loop3A_388 : i32
        %parallel_loop3A_391 = arith.index_cast %parallel_loop3A_390 : i32 to index
        %parallel_loop3A_392 = tpu.vector_load %arg6[%parallel_loop3A_391] {strides = array<i32>} : memref<4096xi32, #tpu.memory_space<vmem>>, vector<16xi32>,
        %parallel_loop3A_393 = arith.constant 0 : i32
        %parallel_loop3A_394 = vector.broadcast %parallel_loop3A_393 : i32 to vector<16xi32>
        %parallel_loop3A_395 = tpu.vector_load_idx %arg7[%parallel_loop3A_394, %parallel_loop3A_392] : memref<8x4096xf32, #tpu.memory_space<vmem>>[vector<16xi32>, vector<16xi32>], vector<16xf32>,
        %parallel_loop3A_396 = arith.constant 16 : i32
        %parallel_loop3A_397 = arith.muli %parallel_loop3A_386, %parallel_loop3A_396 : i32
        %parallel_loop3A_398 = arith.constant 0 : i32
        %parallel_loop3A_399 = arith.index_cast %parallel_loop3A_398 : i32 to index
        %parallel_loop3A_400 = arith.index_cast %parallel_loop3A_397 : i32 to index
        %parallel_loop3A_401 = tpu.vector_load %arg10[%parallel_loop3A_399, %parallel_loop3A_400] {strides = array<i32>} : memref<8x1024xf32, #tpu.memory_space<vmem>>, vector<16xf32>,
        tpu.vector_store %arg10[%parallel_loop3A_399, %parallel_loop3A_400], %parallel_loop3A_395 {strides = array<i32>} : memref<8x1024xf32, #tpu.memory_space<vmem>>, vector<16xf32>,
        %parallel_loop3A_402 = arith.constant 1 : i32
        %parallel_loop3A_403 = vector.broadcast %parallel_loop3A_402 : i32 to vector<16xi32>
        %parallel_loop3A_404 = tpu.vector_load_idx %arg7[%parallel_loop3A_403, %parallel_loop3A_392] : memref<8x4096xf32, #tpu.memory_space<vmem>>[vector<16xi32>, vector<16xi32>], vector<16xf32>,
        %parallel_loop3A_405 = arith.constant 16 : i32
        %parallel_loop3A_406 = arith.muli %parallel_loop3A_386, %parallel_loop3A_405 : i32
        %parallel_loop3A_407 = arith.constant 1 : i32
        %parallel_loop3A_408 = arith.index_cast %parallel_loop3A_407 : i32 to index
        %parallel_loop3A_409 = arith.index_cast %parallel_loop3A_406 : i32 to index
        %parallel_loop3A_410 = tpu.vector_load %arg10[%parallel_loop3A_408, %parallel_loop3A_409] {strides = array<i32>} : memref<8x1024xf32, #tpu.memory_space<vmem>>, vector<16xf32>,
        tpu.vector_store %arg10[%parallel_loop3A_408, %parallel_loop3A_409], %parallel_loop3A_404 {strides = array<i32>} : memref<8x1024xf32, #tpu.memory_space<vmem>>, vector<16xf32>,
        %parallel_loop3A_411 = arith.constant 2 : i32
        %parallel_loop3A_412 = vector.broadcast %parallel_loop3A_411 : i32 to vector<16xi32>
        %parallel_loop3A_413 = tpu.vector_load_idx %arg7[%parallel_loop3A_412, %parallel_loop3A_392] : memref<8x4096xf32, #tpu.memory_space<vmem>>[vector<16xi32>, vector<16xi32>], vector<16xf32>,
        %parallel_loop3A_414 = arith.constant 16 : i32
        %parallel_loop3A_415 = arith.muli %parallel_loop3A_386, %parallel_loop3A_414 : i32
        %parallel_loop3A_416 = arith.constant 2 : i32
        %parallel_loop3A_417 = arith.index_cast %parallel_loop3A_416 : i32 to index
        %parallel_loop3A_418 = arith.index_cast %parallel_loop3A_415 : i32 to index
        %parallel_loop3A_419 = tpu.vector_load %arg10[%parallel_loop3A_417, %parallel_loop3A_418] {strides = array<i32>} : memref<8x1024xf32, #tpu.memory_space<vmem>>, vector<16xf32>,
        tpu.vector_store %arg10[%parallel_loop3A_417, %parallel_loop3A_418], %parallel_loop3A_413 {strides = array<i32>} : memref<8x1024xf32, #tpu.memory_space<vmem>>, vector<16xf32>,
        %parallel_loop3A_420 = arith.constant 3 : i32
        %parallel_loop3A_421 = vector.broadcast %parallel_loop3A_420 : i32 to vector<16xi32>
        %parallel_loop3A_422 = tpu.vector_load_idx %arg7[%parallel_loop3A_421, %parallel_loop3A_392] : memref<8x4096xf32, #tpu.memory_space<vmem>>[vector<16xi32>, vector<16xi32>], vector<16xf32>,
        %parallel_loop3A_423 = arith.constant 16 : i32
        %parallel_loop3A_424 = arith.muli %parallel_loop3A_386, %parallel_loop3A_423 : i32
        %parallel_loop3A_425 = arith.constant 3 : i32
        %parallel_loop3A_426 = arith.index_cast %parallel_loop3A_425 : i32 to index
        %parallel_loop3A_427 = arith.index_cast %parallel_loop3A_424 : i32 to index
        %parallel_loop3A_428 = tpu.vector_load %arg10[%parallel_loop3A_426, %parallel_loop3A_427] {strides = array<i32>} : memref<8x1024xf32, #tpu.memory_space<vmem>>, vector<16xf32>,
        tpu.vector_store %arg10[%parallel_loop3A_426, %parallel_loop3A_427], %parallel_loop3A_422 {strides = array<i32>} : memref<8x1024xf32, #tpu.memory_space<vmem>>, vector<16xf32>,
        %parallel_loop3A_429 = arith.constant 4 : i32
        %parallel_loop3A_430 = vector.broadcast %parallel_loop3A_429 : i32 to vector<16xi32>
        %parallel_loop3A_431 = tpu.vector_load_idx %arg7[%parallel_loop3A_430, %parallel_loop3A_392] : memref<8x4096xf32, #tpu.memory_space<vmem>>[vector<16xi32>, vector<16xi32>], vector<16xf32>,
        %parallel_loop3A_432 = arith.constant 16 : i32
        %parallel_loop3A_433 = arith.muli %parallel_loop3A_386, %parallel_loop3A_432 : i32
        %parallel_loop3A_434 = arith.constant 4 : i32
        %parallel_loop3A_435 = arith.index_cast %parallel_loop3A_434 : i32 to index
        %parallel_loop3A_436 = arith.index_cast %parallel_loop3A_433 : i32 to index
        %parallel_loop3A_437 = tpu.vector_load %arg10[%parallel_loop3A_435, %parallel_loop3A_436] {strides = array<i32>} : memref<8x1024xf32, #tpu.memory_space<vmem>>, vector<16xf32>,
        tpu.vector_store %arg10[%parallel_loop3A_435, %parallel_loop3A_436], %parallel_loop3A_431 {strides = array<i32>} : memref<8x1024xf32, #tpu.memory_space<vmem>>, vector<16xf32>,
        %parallel_loop3A_438 = arith.constant 5 : i32
        %parallel_loop3A_439 = vector.broadcast %parallel_loop3A_438 : i32 to vector<16xi32>
        %parallel_loop3A_440 = tpu.vector_load_idx %arg7[%parallel_loop3A_439, %parallel_loop3A_392] : memref<8x4096xf32, #tpu.memory_space<vmem>>[vector<16xi32>, vector<16xi32>], vector<16xf32>,
        %parallel_loop3A_441 = arith.constant 16 : i32
        %parallel_loop3A_442 = arith.muli %parallel_loop3A_386, %parallel_loop3A_441 : i32
        %parallel_loop3A_443 = arith.constant 5 : i32
        %parallel_loop3A_444 = arith.index_cast %parallel_loop3A_443 : i32 to index
        %parallel_loop3A_445 = arith.index_cast %parallel_loop3A_442 : i32 to index
        %parallel_loop3A_446 = tpu.vector_load %arg10[%parallel_loop3A_444, %parallel_loop3A_445] {strides = array<i32>} : memref<8x1024xf32, #tpu.memory_space<vmem>>, vector<16xf32>,
        tpu.vector_store %arg10[%parallel_loop3A_444, %parallel_loop3A_445], %parallel_loop3A_440 {strides = array<i32>} : memref<8x1024xf32, #tpu.memory_space<vmem>>, vector<16xf32>,
        %parallel_loop3A_447 = arith.constant 6 : i32
        %parallel_loop3A_448 = vector.broadcast %parallel_loop3A_447 : i32 to vector<16xi32>
        %parallel_loop3A_449 = tpu.vector_load_idx %arg7[%parallel_loop3A_448, %parallel_loop3A_392] : memref<8x4096xf32, #tpu.memory_space<vmem>>[vector<16xi32>, vector<16xi32>], vector<16xf32>,
        %parallel_loop3A_450 = arith.constant 16 : i32
        %parallel_loop3A_451 = arith.muli %parallel_loop3A_386, %parallel_loop3A_450 : i32
        %parallel_loop3A_452 = arith.constant 6 : i32
        %parallel_loop3A_453 = arith.index_cast %parallel_loop3A_452 : i32 to index
        %parallel_loop3A_454 = arith.index_cast %parallel_loop3A_451 : i32 to index
        %parallel_loop3A_455 = tpu.vector_load %arg10[%parallel_loop3A_453, %parallel_loop3A_454] {strides = array<i32>} : memref<8x1024xf32, #tpu.memory_space<vmem>>, vector<16xf32>,
        tpu.vector_store %arg10[%parallel_loop3A_453, %parallel_loop3A_454], %parallel_loop3A_449 {strides = array<i32>} : memref<8x1024xf32, #tpu.memory_space<vmem>>, vector<16xf32>,
        %parallel_loop3A_456 = arith.constant 7 : i32
        %parallel_loop3A_457 = vector.broadcast %parallel_loop3A_456 : i32 to vector<16xi32>
        %parallel_loop3A_458 = tpu.vector_load_idx %arg7[%parallel_loop3A_457, %parallel_loop3A_392] : memref<8x4096xf32, #tpu.memory_space<vmem>>[vector<16xi32>, vector<16xi32>], vector<16xf32>,
        %parallel_loop3A_459 = arith.constant 16 : i32
        %parallel_loop3A_460 = arith.muli %parallel_loop3A_386, %parallel_loop3A_459 : i32
        %parallel_loop3A_461 = arith.constant 7 : i32
        %parallel_loop3A_462 = arith.index_cast %parallel_loop3A_461 : i32 to index
        %parallel_loop3A_463 = arith.index_cast %parallel_loop3A_460 : i32 to index
        %parallel_loop3A_464 = tpu.vector_load %arg10[%parallel_loop3A_462, %parallel_loop3A_463] {strides = array<i32>} : memref<8x1024xf32, #tpu.memory_space<vmem>>, vector<16xf32>,
        tpu.vector_store %arg10[%parallel_loop3A_462, %parallel_loop3A_463], %parallel_loop3A_458 {strides = array<i32>} : memref<8x1024xf32, #tpu.memory_space<vmem>>, vector<16xf32>,
      } {sc.loop_unroll_factor = 8 : i64, sc.parallel_access}
      %mul3A_205 = arith.constant 8 : i32
      %mul3A_206 = arith.muli %add3A_132, %mul3A_205 : i32
      %add3A_207 = arith.addi %mul3A_2, %mul3A_206 : i32
      %dma_start3A_208 = arith.constant 1024 : i32
      %dma_start3A_209 = tpu.memref_slice %arg4[%add3A_207, %dma_start3A_208] : memref<16384x4096xf32, #tpu.memory_space<hbm>> -> memref<8x1024xf32, #tpu.memory_space<hbm>>
      %dma_start3A_210 = arith.constant 1024 : i32
      %dma_start3A_211 = tpu.memref_slice %arg4[%add3A_207, %dma_start3A_210] : memref<16384x4096xf32, #tpu.memory_space<hbm>> -> memref<8x1024xf32, #tpu.memory_space<hbm>>
      tpu.enqueue_dma source(%arg10 : memref<8x1024xf32, #tpu.memory_space<vmem>>) target(%dma_start3A_211 : memref<8x1024xf32, #tpu.memory_space<hbm>>) target_semaphore(%arg17 : memref<!tpu.dma_semaphore, #tpu.memory_space<semaphore_mem>>)
      %gt3A_212 = arith.constant 0 : i32
      %gt3A_213 = arith.cmpi sgt, %scan3A_128, %gt3A_212 : i32
      %convert_element_type3A_214 = arith.extui %gt3A_213 : i1 to i32
      %cond3A_215 = arith.constant 0 : i32
      %cond3A_216 = arith.cmpi ne, %convert_element_type3A_214, %cond3A_215 : i32
      scf.if %cond3A_216 {
        %sub3A_386 = arith.constant 1 : i32
        %sub3A_387 = arith.subi %add3A_132, %sub3A_386 : i32
        %mul3A_388 = arith.constant 8 : i32
        %mul3A_389 = arith.muli %sub3A_387, %mul3A_388 : i32
        %add3A_390 = arith.addi %mul3A_2, %mul3A_389 : i32
        %dma_wait3A_391 = arith.constant 2048 : i32
        %dma_wait3A_392 = tpu.memref_slice %arg4[%add3A_390, %dma_wait3A_391] : memref<16384x4096xf32, #tpu.memory_space<hbm>> -> memref<8x1024xf32, #tpu.memory_space<hbm>>
        %dma_wait3A_393 = arith.constant 2048 : i32
        %dma_wait3A_394 = tpu.memref_slice %arg4[%add3A_390, %dma_wait3A_393] : memref<16384x4096xf32, #tpu.memory_space<hbm>> -> memref<8x1024xf32, #tpu.memory_space<hbm>>
        tpu.wait_dma2 semaphore(%arg18 : memref<!tpu.dma_semaphore, #tpu.memory_space<semaphore_mem>>) src(%arg11 : memref<8x1024xf32, #tpu.memory_space<vmem>>) dst(%dma_wait3A_394 : memref<8x1024xf32, #tpu.memory_space<hbm>>)
      } else {
      }
      %parallel_loop3A_217 = arith.constant 0 : i32
      %parallel_loop3A_218 = arith.constant 64 : i32
      %parallel_loop3A_219 = arith.constant 1 : i32
      scf.for %parallel_loop3A_386 = %parallel_loop3A_217 to %parallel_loop3A_218 step %parallel_loop3A_219  : i32 {
        %parallel_loop3A_387 = arith.constant 16 : i32
        %parallel_loop3A_388 = arith.muli %parallel_loop3A_386, %parallel_loop3A_387 : i32
        %parallel_loop3A_389 = arith.constant 2048 : i32
        %parallel_loop3A_390 = arith.addi %parallel_loop3A_389, %parallel_loop3A_388 : i32
        %parallel_loop3A_391 = arith.index_cast %parallel_loop3A_390 : i32 to index
        %parallel_loop3A_392 = tpu.vector_load %arg6[%parallel_loop3A_391] {strides = array<i32>} : memref<4096xi32, #tpu.memory_space<vmem>>, vector<16xi32>,
        %parallel_loop3A_393 = arith.constant 0 : i32
        %parallel_loop3A_394 = vector.broadcast %parallel_loop3A_393 : i32 to vector<16xi32>
        %parallel_loop3A_395 = tpu.vector_load_idx %arg7[%parallel_loop3A_394, %parallel_loop3A_392] : memref<8x4096xf32, #tpu.memory_space<vmem>>[vector<16xi32>, vector<16xi32>], vector<16xf32>,
        %parallel_loop3A_396 = arith.constant 16 : i32
        %parallel_loop3A_397 = arith.muli %parallel_loop3A_386, %parallel_loop3A_396 : i32
        %parallel_loop3A_398 = arith.constant 0 : i32
        %parallel_loop3A_399 = arith.index_cast %parallel_loop3A_398 : i32 to index
        %parallel_loop3A_400 = arith.index_cast %parallel_loop3A_397 : i32 to index
        %parallel_loop3A_401 = tpu.vector_load %arg11[%parallel_loop3A_399, %parallel_loop3A_400] {strides = array<i32>} : memref<8x1024xf32, #tpu.memory_space<vmem>>, vector<16xf32>,
        tpu.vector_store %arg11[%parallel_loop3A_399, %parallel_loop3A_400], %parallel_loop3A_395 {strides = array<i32>} : memref<8x1024xf32, #tpu.memory_space<vmem>>, vector<16xf32>,
        %parallel_loop3A_402 = arith.constant 1 : i32
        %parallel_loop3A_403 = vector.broadcast %parallel_loop3A_402 : i32 to vector<16xi32>
        %parallel_loop3A_404 = tpu.vector_load_idx %arg7[%parallel_loop3A_403, %parallel_loop3A_392] : memref<8x4096xf32, #tpu.memory_space<vmem>>[vector<16xi32>, vector<16xi32>], vector<16xf32>,
        %parallel_loop3A_405 = arith.constant 16 : i32
        %parallel_loop3A_406 = arith.muli %parallel_loop3A_386, %parallel_loop3A_405 : i32
        %parallel_loop3A_407 = arith.constant 1 : i32
        %parallel_loop3A_408 = arith.index_cast %parallel_loop3A_407 : i32 to index
        %parallel_loop3A_409 = arith.index_cast %parallel_loop3A_406 : i32 to index
        %parallel_loop3A_410 = tpu.vector_load %arg11[%parallel_loop3A_408, %parallel_loop3A_409] {strides = array<i32>} : memref<8x1024xf32, #tpu.memory_space<vmem>>, vector<16xf32>,
        tpu.vector_store %arg11[%parallel_loop3A_408, %parallel_loop3A_409], %parallel_loop3A_404 {strides = array<i32>} : memref<8x1024xf32, #tpu.memory_space<vmem>>, vector<16xf32>,
        %parallel_loop3A_411 = arith.constant 2 : i32
        %parallel_loop3A_412 = vector.broadcast %parallel_loop3A_411 : i32 to vector<16xi32>
        %parallel_loop3A_413 = tpu.vector_load_idx %arg7[%parallel_loop3A_412, %parallel_loop3A_392] : memref<8x4096xf32, #tpu.memory_space<vmem>>[vector<16xi32>, vector<16xi32>], vector<16xf32>,
        %parallel_loop3A_414 = arith.constant 16 : i32
        %parallel_loop3A_415 = arith.muli %parallel_loop3A_386, %parallel_loop3A_414 : i32
        %parallel_loop3A_416 = arith.constant 2 : i32
        %parallel_loop3A_417 = arith.index_cast %parallel_loop3A_416 : i32 to index
        %parallel_loop3A_418 = arith.index_cast %parallel_loop3A_415 : i32 to index
        %parallel_loop3A_419 = tpu.vector_load %arg11[%parallel_loop3A_417, %parallel_loop3A_418] {strides = array<i32>} : memref<8x1024xf32, #tpu.memory_space<vmem>>, vector<16xf32>,
        tpu.vector_store %arg11[%parallel_loop3A_417, %parallel_loop3A_418], %parallel_loop3A_413 {strides = array<i32>} : memref<8x1024xf32, #tpu.memory_space<vmem>>, vector<16xf32>,
        %parallel_loop3A_420 = arith.constant 3 : i32
        %parallel_loop3A_421 = vector.broadcast %parallel_loop3A_420 : i32 to vector<16xi32>
        %parallel_loop3A_422 = tpu.vector_load_idx %arg7[%parallel_loop3A_421, %parallel_loop3A_392] : memref<8x4096xf32, #tpu.memory_space<vmem>>[vector<16xi32>, vector<16xi32>], vector<16xf32>,
        %parallel_loop3A_423 = arith.constant 16 : i32
        %parallel_loop3A_424 = arith.muli %parallel_loop3A_386, %parallel_loop3A_423 : i32
        %parallel_loop3A_425 = arith.constant 3 : i32
        %parallel_loop3A_426 = arith.index_cast %parallel_loop3A_425 : i32 to index
        %parallel_loop3A_427 = arith.index_cast %parallel_loop3A_424 : i32 to index
        %parallel_loop3A_428 = tpu.vector_load %arg11[%parallel_loop3A_426, %parallel_loop3A_427] {strides = array<i32>} : memref<8x1024xf32, #tpu.memory_space<vmem>>, vector<16xf32>,
        tpu.vector_store %arg11[%parallel_loop3A_426, %parallel_loop3A_427], %parallel_loop3A_422 {strides = array<i32>} : memref<8x1024xf32, #tpu.memory_space<vmem>>, vector<16xf32>,
        %parallel_loop3A_429 = arith.constant 4 : i32
        %parallel_loop3A_430 = vector.broadcast %parallel_loop3A_429 : i32 to vector<16xi32>
        %parallel_loop3A_431 = tpu.vector_load_idx %arg7[%parallel_loop3A_430, %parallel_loop3A_392] : memref<8x4096xf32, #tpu.memory_space<vmem>>[vector<16xi32>, vector<16xi32>], vector<16xf32>,
        %parallel_loop3A_432 = arith.constant 16 : i32
        %parallel_loop3A_433 = arith.muli %parallel_loop3A_386, %parallel_loop3A_432 : i32
        %parallel_loop3A_434 = arith.constant 4 : i32
        %parallel_loop3A_435 = arith.index_cast %parallel_loop3A_434 : i32 to index
        %parallel_loop3A_436 = arith.index_cast %parallel_loop3A_433 : i32 to index
        %parallel_loop3A_437 = tpu.vector_load %arg11[%parallel_loop3A_435, %parallel_loop3A_436] {strides = array<i32>} : memref<8x1024xf32, #tpu.memory_space<vmem>>, vector<16xf32>,
        tpu.vector_store %arg11[%parallel_loop3A_435, %parallel_loop3A_436], %parallel_loop3A_431 {strides = array<i32>} : memref<8x1024xf32, #tpu.memory_space<vmem>>, vector<16xf32>,
        %parallel_loop3A_438 = arith.constant 5 : i32
        %parallel_loop3A_439 = vector.broadcast %parallel_loop3A_438 : i32 to vector<16xi32>
        %parallel_loop3A_440 = tpu.vector_load_idx %arg7[%parallel_loop3A_439, %parallel_loop3A_392] : memref<8x4096xf32, #tpu.memory_space<vmem>>[vector<16xi32>, vector<16xi32>], vector<16xf32>,
        %parallel_loop3A_441 = arith.constant 16 : i32
        %parallel_loop3A_442 = arith.muli %parallel_loop3A_386, %parallel_loop3A_441 : i32
        %parallel_loop3A_443 = arith.constant 5 : i32
        %parallel_loop3A_444 = arith.index_cast %parallel_loop3A_443 : i32 to index
        %parallel_loop3A_445 = arith.index_cast %parallel_loop3A_442 : i32 to index
        %parallel_loop3A_446 = tpu.vector_load %arg11[%parallel_loop3A_444, %parallel_loop3A_445] {strides = array<i32>} : memref<8x1024xf32, #tpu.memory_space<vmem>>, vector<16xf32>,
        tpu.vector_store %arg11[%parallel_loop3A_444, %parallel_loop3A_445], %parallel_loop3A_440 {strides = array<i32>} : memref<8x1024xf32, #tpu.memory_space<vmem>>, vector<16xf32>,
        %parallel_loop3A_447 = arith.constant 6 : i32
        %parallel_loop3A_448 = vector.broadcast %parallel_loop3A_447 : i32 to vector<16xi32>
        %parallel_loop3A_449 = tpu.vector_load_idx %arg7[%parallel_loop3A_448, %parallel_loop3A_392] : memref<8x4096xf32, #tpu.memory_space<vmem>>[vector<16xi32>, vector<16xi32>], vector<16xf32>,
        %parallel_loop3A_450 = arith.constant 16 : i32
        %parallel_loop3A_451 = arith.muli %parallel_loop3A_386, %parallel_loop3A_450 : i32
        %parallel_loop3A_452 = arith.constant 6 : i32
        %parallel_loop3A_453 = arith.index_cast %parallel_loop3A_452 : i32 to index
        %parallel_loop3A_454 = arith.index_cast %parallel_loop3A_451 : i32 to index
        %parallel_loop3A_455 = tpu.vector_load %arg11[%parallel_loop3A_453, %parallel_loop3A_454] {strides = array<i32>} : memref<8x1024xf32, #tpu.memory_space<vmem>>, vector<16xf32>,
        tpu.vector_store %arg11[%parallel_loop3A_453, %parallel_loop3A_454], %parallel_loop3A_449 {strides = array<i32>} : memref<8x1024xf32, #tpu.memory_space<vmem>>, vector<16xf32>,
        %parallel_loop3A_456 = arith.constant 7 : i32
        %parallel_loop3A_457 = vector.broadcast %parallel_loop3A_456 : i32 to vector<16xi32>
        %parallel_loop3A_458 = tpu.vector_load_idx %arg7[%parallel_loop3A_457, %parallel_loop3A_392] : memref<8x4096xf32, #tpu.memory_space<vmem>>[vector<16xi32>, vector<16xi32>], vector<16xf32>,
        %parallel_loop3A_459 = arith.constant 16 : i32
        %parallel_loop3A_460 = arith.muli %parallel_loop3A_386, %parallel_loop3A_459 : i32
        %parallel_loop3A_461 = arith.constant 7 : i32
        %parallel_loop3A_462 = arith.index_cast %parallel_loop3A_461 : i32 to index
        %parallel_loop3A_463 = arith.index_cast %parallel_loop3A_460 : i32 to index
        %parallel_loop3A_464 = tpu.vector_load %arg11[%parallel_loop3A_462, %parallel_loop3A_463] {strides = array<i32>} : memref<8x1024xf32, #tpu.memory_space<vmem>>, vector<16xf32>,
        tpu.vector_store %arg11[%parallel_loop3A_462, %parallel_loop3A_463], %parallel_loop3A_458 {strides = array<i32>} : memref<8x1024xf32, #tpu.memory_space<vmem>>, vector<16xf32>,
      } {sc.loop_unroll_factor = 8 : i64, sc.parallel_access}
      %mul3A_220 = arith.constant 8 : i32
      %mul3A_221 = arith.muli %add3A_132, %mul3A_220 : i32
      %add3A_222 = arith.addi %mul3A_2, %mul3A_221 : i32
      %dma_start3A_223 = arith.constant 2048 : i32
      %dma_start3A_224 = tpu.memref_slice %arg4[%add3A_222, %dma_start3A_223] : memref<16384x4096xf32, #tpu.memory_space<hbm>> -> memref<8x1024xf32, #tpu.memory_space<hbm>>
      %dma_start3A_225 = arith.constant 2048 : i32
      %dma_start3A_226 = tpu.memref_slice %arg4[%add3A_222, %dma_start3A_225] : memref<16384x4096xf32, #tpu.memory_space<hbm>> -> memref<8x1024xf32, #tpu.memory_space<hbm>>
      tpu.enqueue_dma source(%arg11 : memref<8x1024xf32, #tpu.memory_space<vmem>>) target(%dma_start3A_226 : memref<8x1024xf32, #tpu.memory_space<hbm>>) target_semaphore(%arg18 : memref<!tpu.dma_semaphore, #tpu.memory_space<semaphore_mem>>)
      %gt3A_227 = arith.constant 0 : i32
      %gt3A_228 = arith.cmpi sgt, %scan3A_128, %gt3A_227 : i32
      %convert_element_type3A_229 = arith.extui %gt3A_228 : i1 to i32
      %cond3A_230 = arith.constant 0 : i32
      %cond3A_231 = arith.cmpi ne, %convert_element_type3A_229, %cond3A_230 : i32
      scf.if %cond3A_231 {
        %sub3A_386 = arith.constant 1 : i32
        %sub3A_387 = arith.subi %add3A_132, %sub3A_386 : i32
        %mul3A_388 = arith.constant 8 : i32
        %mul3A_389 = arith.muli %sub3A_387, %mul3A_388 : i32
        %add3A_390 = arith.addi %mul3A_2, %mul3A_389 : i32
        %dma_wait3A_391 = arith.constant 3072 : i32
        %dma_wait3A_392 = tpu.memref_slice %arg4[%add3A_390, %dma_wait3A_391] : memref<16384x4096xf32, #tpu.memory_space<hbm>> -> memref<8x1024xf32, #tpu.memory_space<hbm>>
        %dma_wait3A_393 = arith.constant 3072 : i32
        %dma_wait3A_394 = tpu.memref_slice %arg4[%add3A_390, %dma_wait3A_393] : memref<16384x4096xf32, #tpu.memory_space<hbm>> -> memref<8x1024xf32, #tpu.memory_space<hbm>>
        tpu.wait_dma2 semaphore(%arg19 : memref<!tpu.dma_semaphore, #tpu.memory_space<semaphore_mem>>) src(%arg12 : memref<8x1024xf32, #tpu.memory_space<vmem>>) dst(%dma_wait3A_394 : memref<8x1024xf32, #tpu.memory_space<hbm>>)
      } else {
      }
      %parallel_loop3A_232 = arith.constant 0 : i32
      %parallel_loop3A_233 = arith.constant 64 : i32
      %parallel_loop3A_234 = arith.constant 1 : i32
      scf.for %parallel_loop3A_386 = %parallel_loop3A_232 to %parallel_loop3A_233 step %parallel_loop3A_234  : i32 {
        %parallel_loop3A_387 = arith.constant 16 : i32
        %parallel_loop3A_388 = arith.muli %parallel_loop3A_386, %parallel_loop3A_387 : i32
        %parallel_loop3A_389 = arith.constant 3072 : i32
        %parallel_loop3A_390 = arith.addi %parallel_loop3A_389, %parallel_loop3A_388 : i32
        %parallel_loop3A_391 = arith.index_cast %parallel_loop3A_390 : i32 to index
        %parallel_loop3A_392 = tpu.vector_load %arg6[%parallel_loop3A_391] {strides = array<i32>} : memref<4096xi32, #tpu.memory_space<vmem>>, vector<16xi32>,
        %parallel_loop3A_393 = arith.constant 0 : i32
        %parallel_loop3A_394 = vector.broadcast %parallel_loop3A_393 : i32 to vector<16xi32>
        %parallel_loop3A_395 = tpu.vector_load_idx %arg7[%parallel_loop3A_394, %parallel_loop3A_392] : memref<8x4096xf32, #tpu.memory_space<vmem>>[vector<16xi32>, vector<16xi32>], vector<16xf32>,
        %parallel_loop3A_396 = arith.constant 16 : i32
        %parallel_loop3A_397 = arith.muli %parallel_loop3A_386, %parallel_loop3A_396 : i32
        %parallel_loop3A_398 = arith.constant 0 : i32
        %parallel_loop3A_399 = arith.index_cast %parallel_loop3A_398 : i32 to index
        %parallel_loop3A_400 = arith.index_cast %parallel_loop3A_397 : i32 to index
        %parallel_loop3A_401 = tpu.vector_load %arg12[%parallel_loop3A_399, %parallel_loop3A_400] {strides = array<i32>} : memref<8x1024xf32, #tpu.memory_space<vmem>>, vector<16xf32>,
        tpu.vector_store %arg12[%parallel_loop3A_399, %parallel_loop3A_400], %parallel_loop3A_395 {strides = array<i32>} : memref<8x1024xf32, #tpu.memory_space<vmem>>, vector<16xf32>,
        %parallel_loop3A_402 = arith.constant 1 : i32
        %parallel_loop3A_403 = vector.broadcast %parallel_loop3A_402 : i32 to vector<16xi32>
        %parallel_loop3A_404 = tpu.vector_load_idx %arg7[%parallel_loop3A_403, %parallel_loop3A_392] : memref<8x4096xf32, #tpu.memory_space<vmem>>[vector<16xi32>, vector<16xi32>], vector<16xf32>,
        %parallel_loop3A_405 = arith.constant 16 : i32
        %parallel_loop3A_406 = arith.muli %parallel_loop3A_386, %parallel_loop3A_405 : i32
        %parallel_loop3A_407 = arith.constant 1 : i32
        %parallel_loop3A_408 = arith.index_cast %parallel_loop3A_407 : i32 to index
        %parallel_loop3A_409 = arith.index_cast %parallel_loop3A_406 : i32 to index
        %parallel_loop3A_410 = tpu.vector_load %arg12[%parallel_loop3A_408, %parallel_loop3A_409] {strides = array<i32>} : memref<8x1024xf32, #tpu.memory_space<vmem>>, vector<16xf32>,
        tpu.vector_store %arg12[%parallel_loop3A_408, %parallel_loop3A_409], %parallel_loop3A_404 {strides = array<i32>} : memref<8x1024xf32, #tpu.memory_space<vmem>>, vector<16xf32>,
        %parallel_loop3A_411 = arith.constant 2 : i32
        %parallel_loop3A_412 = vector.broadcast %parallel_loop3A_411 : i32 to vector<16xi32>
        %parallel_loop3A_413 = tpu.vector_load_idx %arg7[%parallel_loop3A_412, %parallel_loop3A_392] : memref<8x4096xf32, #tpu.memory_space<vmem>>[vector<16xi32>, vector<16xi32>], vector<16xf32>,
        %parallel_loop3A_414 = arith.constant 16 : i32
        %parallel_loop3A_415 = arith.muli %parallel_loop3A_386, %parallel_loop3A_414 : i32
        %parallel_loop3A_416 = arith.constant 2 : i32
        %parallel_loop3A_417 = arith.index_cast %parallel_loop3A_416 : i32 to index
        %parallel_loop3A_418 = arith.index_cast %parallel_loop3A_415 : i32 to index
        %parallel_loop3A_419 = tpu.vector_load %arg12[%parallel_loop3A_417, %parallel_loop3A_418] {strides = array<i32>} : memref<8x1024xf32, #tpu.memory_space<vmem>>, vector<16xf32>,
        tpu.vector_store %arg12[%parallel_loop3A_417, %parallel_loop3A_418], %parallel_loop3A_413 {strides = array<i32>} : memref<8x1024xf32, #tpu.memory_space<vmem>>, vector<16xf32>,
        %parallel_loop3A_420 = arith.constant 3 : i32
        %parallel_loop3A_421 = vector.broadcast %parallel_loop3A_420 : i32 to vector<16xi32>
        %parallel_loop3A_422 = tpu.vector_load_idx %arg7[%parallel_loop3A_421, %parallel_loop3A_392] : memref<8x4096xf32, #tpu.memory_space<vmem>>[vector<16xi32>, vector<16xi32>], vector<16xf32>,
        %parallel_loop3A_423 = arith.constant 16 : i32
        %parallel_loop3A_424 = arith.muli %parallel_loop3A_386, %parallel_loop3A_423 : i32
        %parallel_loop3A_425 = arith.constant 3 : i32
        %parallel_loop3A_426 = arith.index_cast %parallel_loop3A_425 : i32 to index
        %parallel_loop3A_427 = arith.index_cast %parallel_loop3A_424 : i32 to index
        %parallel_loop3A_428 = tpu.vector_load %arg12[%parallel_loop3A_426, %parallel_loop3A_427] {strides = array<i32>} : memref<8x1024xf32, #tpu.memory_space<vmem>>, vector<16xf32>,
        tpu.vector_store %arg12[%parallel_loop3A_426, %parallel_loop3A_427], %parallel_loop3A_422 {strides = array<i32>} : memref<8x1024xf32, #tpu.memory_space<vmem>>, vector<16xf32>,
        %parallel_loop3A_429 = arith.constant 4 : i32
        %parallel_loop3A_430 = vector.broadcast %parallel_loop3A_429 : i32 to vector<16xi32>
        %parallel_loop3A_431 = tpu.vector_load_idx %arg7[%parallel_loop3A_430, %parallel_loop3A_392] : memref<8x4096xf32, #tpu.memory_space<vmem>>[vector<16xi32>, vector<16xi32>], vector<16xf32>,
        %parallel_loop3A_432 = arith.constant 16 : i32
        %parallel_loop3A_433 = arith.muli %parallel_loop3A_386, %parallel_loop3A_432 : i32
        %parallel_loop3A_434 = arith.constant 4 : i32
        %parallel_loop3A_435 = arith.index_cast %parallel_loop3A_434 : i32 to index
        %parallel_loop3A_436 = arith.index_cast %parallel_loop3A_433 : i32 to index
        %parallel_loop3A_437 = tpu.vector_load %arg12[%parallel_loop3A_435, %parallel_loop3A_436] {strides = array<i32>} : memref<8x1024xf32, #tpu.memory_space<vmem>>, vector<16xf32>,
        tpu.vector_store %arg12[%parallel_loop3A_435, %parallel_loop3A_436], %parallel_loop3A_431 {strides = array<i32>} : memref<8x1024xf32, #tpu.memory_space<vmem>>, vector<16xf32>,
        %parallel_loop3A_438 = arith.constant 5 : i32
        %parallel_loop3A_439 = vector.broadcast %parallel_loop3A_438 : i32 to vector<16xi32>
        %parallel_loop3A_440 = tpu.vector_load_idx %arg7[%parallel_loop3A_439, %parallel_loop3A_392] : memref<8x4096xf32, #tpu.memory_space<vmem>>[vector<16xi32>, vector<16xi32>], vector<16xf32>,
        %parallel_loop3A_441 = arith.constant 16 : i32
        %parallel_loop3A_442 = arith.muli %parallel_loop3A_386, %parallel_loop3A_441 : i32
        %parallel_loop3A_443 = arith.constant 5 : i32
        %parallel_loop3A_444 = arith.index_cast %parallel_loop3A_443 : i32 to index
        %parallel_loop3A_445 = arith.index_cast %parallel_loop3A_442 : i32 to index
        %parallel_loop3A_446 = tpu.vector_load %arg12[%parallel_loop3A_444, %parallel_loop3A_445] {strides = array<i32>} : memref<8x1024xf32, #tpu.memory_space<vmem>>, vector<16xf32>,
        tpu.vector_store %arg12[%parallel_loop3A_444, %parallel_loop3A_445], %parallel_loop3A_440 {strides = array<i32>} : memref<8x1024xf32, #tpu.memory_space<vmem>>, vector<16xf32>,
        %parallel_loop3A_447 = arith.constant 6 : i32
        %parallel_loop3A_448 = vector.broadcast %parallel_loop3A_447 : i32 to vector<16xi32>
        %parallel_loop3A_449 = tpu.vector_load_idx %arg7[%parallel_loop3A_448, %parallel_loop3A_392] : memref<8x4096xf32, #tpu.memory_space<vmem>>[vector<16xi32>, vector<16xi32>], vector<16xf32>,
        %parallel_loop3A_450 = arith.constant 16 : i32
        %parallel_loop3A_451 = arith.muli %parallel_loop3A_386, %parallel_loop3A_450 : i32
        %parallel_loop3A_452 = arith.constant 6 : i32
        %parallel_loop3A_453 = arith.index_cast %parallel_loop3A_452 : i32 to index
        %parallel_loop3A_454 = arith.index_cast %parallel_loop3A_451 : i32 to index
        %parallel_loop3A_455 = tpu.vector_load %arg12[%parallel_loop3A_453, %parallel_loop3A_454] {strides = array<i32>} : memref<8x1024xf32, #tpu.memory_space<vmem>>, vector<16xf32>,
        tpu.vector_store %arg12[%parallel_loop3A_453, %parallel_loop3A_454], %parallel_loop3A_449 {strides = array<i32>} : memref<8x1024xf32, #tpu.memory_space<vmem>>, vector<16xf32>,
        %parallel_loop3A_456 = arith.constant 7 : i32
        %parallel_loop3A_457 = vector.broadcast %parallel_loop3A_456 : i32 to vector<16xi32>
        %parallel_loop3A_458 = tpu.vector_load_idx %arg7[%parallel_loop3A_457, %parallel_loop3A_392] : memref<8x4096xf32, #tpu.memory_space<vmem>>[vector<16xi32>, vector<16xi32>], vector<16xf32>,
        %parallel_loop3A_459 = arith.constant 16 : i32
        %parallel_loop3A_460 = arith.muli %parallel_loop3A_386, %parallel_loop3A_459 : i32
        %parallel_loop3A_461 = arith.constant 7 : i32
        %parallel_loop3A_462 = arith.index_cast %parallel_loop3A_461 : i32 to index
        %parallel_loop3A_463 = arith.index_cast %parallel_loop3A_460 : i32 to index
        %parallel_loop3A_464 = tpu.vector_load %arg12[%parallel_loop3A_462, %parallel_loop3A_463] {strides = array<i32>} : memref<8x1024xf32, #tpu.memory_space<vmem>>, vector<16xf32>,
        tpu.vector_store %arg12[%parallel_loop3A_462, %parallel_loop3A_463], %parallel_loop3A_458 {strides = array<i32>} : memref<8x1024xf32, #tpu.memory_space<vmem>>, vector<16xf32>,
      } {sc.loop_unroll_factor = 8 : i64, sc.parallel_access}
      %mul3A_235 = arith.constant 8 : i32
      %mul3A_236 = arith.muli %add3A_132, %mul3A_235 : i32
      %add3A_237 = arith.addi %mul3A_2, %mul3A_236 : i32
      %dma_start3A_238 = arith.constant 3072 : i32
      %dma_start3A_239 = tpu.memref_slice %arg4[%add3A_237, %dma_start3A_238] : memref<16384x4096xf32, #tpu.memory_space<hbm>> -> memref<8x1024xf32, #tpu.memory_space<hbm>>
      %dma_start3A_240 = arith.constant 3072 : i32
      %dma_start3A_241 = tpu.memref_slice %arg4[%add3A_237, %dma_start3A_240] : memref<16384x4096xf32, #tpu.memory_space<hbm>> -> memref<8x1024xf32, #tpu.memory_space<hbm>>
      tpu.enqueue_dma source(%arg12 : memref<8x1024xf32, #tpu.memory_space<vmem>>) target(%dma_start3A_241 : memref<8x1024xf32, #tpu.memory_space<hbm>>) target_semaphore(%arg19 : memref<!tpu.dma_semaphore, #tpu.memory_space<semaphore_mem>>)
      %add3A_242 = arith.constant 2 : i32
      %add3A_243 = arith.addi %add3A_132, %add3A_242 : i32
      %lt3A = arith.constant 64 : i32
      %lt3A_244 = arith.cmpi slt, %add3A_243, %lt3A : i32
      %convert_element_type3A_245 = arith.extui %lt3A_244 : i1 to i32
      %cond3A_246 = arith.constant 0 : i32
      %cond3A_247 = arith.cmpi ne, %convert_element_type3A_245, %cond3A_246 : i32
      scf.if %cond3A_247 {
        %add3A_386 = arith.constant 2 : i32
        %add3A_387 = arith.addi %add3A_132, %add3A_386 : i32
        %mul3A_388 = arith.constant 8 : i32
        %mul3A_389 = arith.muli %add3A_387, %mul3A_388 : i32
        %add3A_390 = arith.addi %mul3A_2, %mul3A_389 : i32
        %dma_start3A_391 = arith.constant 0 : i32
        %dma_start3A_392 = arith.constant 0 : i32
        %dma_start3A_393 = tpu.memref_slice %arg7[%dma_start3A_391, %dma_start3A_392] : memref<8x4096xf32, #tpu.memory_space<vmem>> -> memref<8x1024xf32, #tpu.memory_space<vmem>>
        %dma_start3A_394 = arith.constant 0 : i32
        %dma_start3A_395 = tpu.memref_slice %arg2[%add3A_390, %dma_start3A_394] : memref<16384x4096xf32, #tpu.memory_space<hbm>> -> memref<8x1024xf32, #tpu.memory_space<hbm>>
        %dma_start3A_396 = arith.constant 0 : i32
        %dma_start3A_397 = arith.constant 0 : i32
        %dma_start3A_398 = tpu.memref_slice %arg7[%dma_start3A_396, %dma_start3A_397] : memref<8x4096xf32, #tpu.memory_space<vmem>> -> memref<8x1024xf32, #tpu.memory_space<vmem>>
        %dma_start3A_399 = arith.constant 0 : i32
        %dma_start3A_400 = tpu.memref_slice %arg2[%add3A_390, %dma_start3A_399] : memref<16384x4096xf32, #tpu.memory_space<hbm>> -> memref<8x1024xf32, #tpu.memory_space<hbm>>
        tpu.enqueue_dma source(%dma_start3A_400 : memref<8x1024xf32, #tpu.memory_space<hbm>>) target(%dma_start3A_398 : memref<8x1024xf32, #tpu.memory_space<vmem>>) target_semaphore(%arg14 : memref<!tpu.dma_semaphore, #tpu.memory_space<semaphore_mem>>)
        %mul3A_401 = arith.constant 8 : i32
        %mul3A_402 = arith.muli %add3A_387, %mul3A_401 : i32
        %add3A_403 = arith.addi %mul3A_2, %mul3A_402 : i32
        %dma_start3A_404 = arith.constant 0 : i32
        %dma_start3A_405 = arith.constant 1024 : i32
        %dma_start3A_406 = tpu.memref_slice %arg7[%dma_start3A_404, %dma_start3A_405] : memref<8x4096xf32, #tpu.memory_space<vmem>> -> memref<8x1024xf32, #tpu.memory_space<vmem>>
        %dma_start3A_407 = arith.constant 1024 : i32
        %dma_start3A_408 = tpu.memref_slice %arg2[%add3A_403, %dma_start3A_407] : memref<16384x4096xf32, #tpu.memory_space<hbm>> -> memref<8x1024xf32, #tpu.memory_space<hbm>>
        %dma_start3A_409 = arith.constant 0 : i32
        %dma_start3A_410 = arith.constant 1024 : i32
        %dma_start3A_411 = tpu.memref_slice %arg7[%dma_start3A_409, %dma_start3A_410] : memref<8x4096xf32, #tpu.memory_space<vmem>> -> memref<8x1024xf32, #tpu.memory_space<vmem>>
        %dma_start3A_412 = arith.constant 1024 : i32
        %dma_start3A_413 = tpu.memref_slice %arg2[%add3A_403, %dma_start3A_412] : memref<16384x4096xf32, #tpu.memory_space<hbm>> -> memref<8x1024xf32, #tpu.memory_space<hbm>>
        tpu.enqueue_dma source(%dma_start3A_413 : memref<8x1024xf32, #tpu.memory_space<hbm>>) target(%dma_start3A_411 : memref<8x1024xf32, #tpu.memory_space<vmem>>) target_semaphore(%arg14 : memref<!tpu.dma_semaphore, #tpu.memory_space<semaphore_mem>>)
        %mul3A_414 = arith.constant 8 : i32
        %mul3A_415 = arith.muli %add3A_387, %mul3A_414 : i32
        %add3A_416 = arith.addi %mul3A_2, %mul3A_415 : i32
        %dma_start3A_417 = arith.constant 0 : i32
        %dma_start3A_418 = arith.constant 2048 : i32
        %dma_start3A_419 = tpu.memref_slice %arg7[%dma_start3A_417, %dma_start3A_418] : memref<8x4096xf32, #tpu.memory_space<vmem>> -> memref<8x1024xf32, #tpu.memory_space<vmem>>
        %dma_start3A_420 = arith.constant 2048 : i32
        %dma_start3A_421 = tpu.memref_slice %arg2[%add3A_416, %dma_start3A_420] : memref<16384x4096xf32, #tpu.memory_space<hbm>> -> memref<8x1024xf32, #tpu.memory_space<hbm>>
        %dma_start3A_422 = arith.constant 0 : i32
        %dma_start3A_423 = arith.constant 2048 : i32
        %dma_start3A_424 = tpu.memref_slice %arg7[%dma_start3A_422, %dma_start3A_423] : memref<8x4096xf32, #tpu.memory_space<vmem>> -> memref<8x1024xf32, #tpu.memory_space<vmem>>
        %dma_start3A_425 = arith.constant 2048 : i32
        %dma_start3A_426 = tpu.memref_slice %arg2[%add3A_416, %dma_start3A_425] : memref<16384x4096xf32, #tpu.memory_space<hbm>> -> memref<8x1024xf32, #tpu.memory_space<hbm>>
        tpu.enqueue_dma source(%dma_start3A_426 : memref<8x1024xf32, #tpu.memory_space<hbm>>) target(%dma_start3A_424 : memref<8x1024xf32, #tpu.memory_space<vmem>>) target_semaphore(%arg14 : memref<!tpu.dma_semaphore, #tpu.memory_space<semaphore_mem>>)
        %mul3A_427 = arith.constant 8 : i32
        %mul3A_428 = arith.muli %add3A_387, %mul3A_427 : i32
        %add3A_429 = arith.addi %mul3A_2, %mul3A_428 : i32
        %dma_start3A_430 = arith.constant 0 : i32
        %dma_start3A_431 = arith.constant 3072 : i32
        %dma_start3A_432 = tpu.memref_slice %arg7[%dma_start3A_430, %dma_start3A_431] : memref<8x4096xf32, #tpu.memory_space<vmem>> -> memref<8x1024xf32, #tpu.memory_space<vmem>>
        %dma_start3A_433 = arith.constant 3072 : i32
        %dma_start3A_434 = tpu.memref_slice %arg2[%add3A_429, %dma_start3A_433] : memref<16384x4096xf32, #tpu.memory_space<hbm>> -> memref<8x1024xf32, #tpu.memory_space<hbm>>
        %dma_start3A_435 = arith.constant 0 : i32
        %dma_start3A_436 = arith.constant 3072 : i32
        %dma_start3A_437 = tpu.memref_slice %arg7[%dma_start3A_435, %dma_start3A_436] : memref<8x4096xf32, #tpu.memory_space<vmem>> -> memref<8x1024xf32, #tpu.memory_space<vmem>>
        %dma_start3A_438 = arith.constant 3072 : i32
        %dma_start3A_439 = tpu.memref_slice %arg2[%add3A_429, %dma_start3A_438] : memref<16384x4096xf32, #tpu.memory_space<hbm>> -> memref<8x1024xf32, #tpu.memory_space<hbm>>
        tpu.enqueue_dma source(%dma_start3A_439 : memref<8x1024xf32, #tpu.memory_space<hbm>>) target(%dma_start3A_437 : memref<8x1024xf32, #tpu.memory_space<vmem>>) target_semaphore(%arg14 : memref<!tpu.dma_semaphore, #tpu.memory_space<semaphore_mem>>)
      } else {
      }
      %mul3A_248 = arith.constant 2 : i32
      %mul3A_249 = arith.muli %mul3A_248, %scan3A_128 : i32
      %add3A_250 = arith.constant 1 : i32
      %add3A_251 = arith.addi %mul3A_249, %add3A_250 : i32
      %mul3A_252 = arith.constant 8 : i32
      %mul3A_253 = arith.muli %add3A_251, %mul3A_252 : i32
      %add3A_254 = arith.addi %mul3A_2, %mul3A_253 : i32
      %dma_wait3A_255 = arith.constant 0 : i32
      %dma_wait3A_256 = arith.constant 0 : i32
      %dma_wait3A_257 = tpu.memref_slice %arg8[%dma_wait3A_255, %dma_wait3A_256] : memref<8x4096xf32, #tpu.memory_space<vmem>> -> memref<8x1024xf32, #tpu.memory_space<vmem>>
      %dma_wait3A_258 = arith.constant 0 : i32
      %dma_wait3A_259 = tpu.memref_slice %arg2[%add3A_254, %dma_wait3A_258] : memref<16384x4096xf32, #tpu.memory_space<hbm>> -> memref<8x1024xf32, #tpu.memory_space<hbm>>
      %dma_wait3A_260 = arith.constant 0 : i32
      %dma_wait3A_261 = arith.constant 0 : i32
      %dma_wait3A_262 = tpu.memref_slice %arg8[%dma_wait3A_260, %dma_wait3A_261] : memref<8x4096xf32, #tpu.memory_space<vmem>> -> memref<8x1024xf32, #tpu.memory_space<vmem>>
      %dma_wait3A_263 = arith.constant 0 : i32
      %dma_wait3A_264 = tpu.memref_slice %arg2[%add3A_254, %dma_wait3A_263] : memref<16384x4096xf32, #tpu.memory_space<hbm>> -> memref<8x1024xf32, #tpu.memory_space<hbm>>
      tpu.wait_dma2 semaphore(%arg15 : memref<!tpu.dma_semaphore, #tpu.memory_space<semaphore_mem>>) src(%dma_wait3A_264 : memref<8x1024xf32, #tpu.memory_space<hbm>>) dst(%dma_wait3A_262 : memref<8x1024xf32, #tpu.memory_space<vmem>>)
      %mul3A_265 = arith.constant 8 : i32
      %mul3A_266 = arith.muli %add3A_251, %mul3A_265 : i32
      %add3A_267 = arith.addi %mul3A_2, %mul3A_266 : i32
      %dma_wait3A_268 = arith.constant 0 : i32
      %dma_wait3A_269 = arith.constant 1024 : i32
      %dma_wait3A_270 = tpu.memref_slice %arg8[%dma_wait3A_268, %dma_wait3A_269] : memref<8x4096xf32, #tpu.memory_space<vmem>> -> memref<8x1024xf32, #tpu.memory_space<vmem>>
      %dma_wait3A_271 = arith.constant 1024 : i32
      %dma_wait3A_272 = tpu.memref_slice %arg2[%add3A_267, %dma_wait3A_271] : memref<16384x4096xf32, #tpu.memory_space<hbm>> -> memref<8x1024xf32, #tpu.memory_space<hbm>>
      %dma_wait3A_273 = arith.constant 0 : i32
      %dma_wait3A_274 = arith.constant 1024 : i32
      %dma_wait3A_275 = tpu.memref_slice %arg8[%dma_wait3A_273, %dma_wait3A_274] : memref<8x4096xf32, #tpu.memory_space<vmem>> -> memref<8x1024xf32, #tpu.memory_space<vmem>>
      %dma_wait3A_276 = arith.constant 1024 : i32
      %dma_wait3A_277 = tpu.memref_slice %arg2[%add3A_267, %dma_wait3A_276] : memref<16384x4096xf32, #tpu.memory_space<hbm>> -> memref<8x1024xf32, #tpu.memory_space<hbm>>
      tpu.wait_dma2 semaphore(%arg15 : memref<!tpu.dma_semaphore, #tpu.memory_space<semaphore_mem>>) src(%dma_wait3A_277 : memref<8x1024xf32, #tpu.memory_space<hbm>>) dst(%dma_wait3A_275 : memref<8x1024xf32, #tpu.memory_space<vmem>>)
      %mul3A_278 = arith.constant 8 : i32
      %mul3A_279 = arith.muli %add3A_251, %mul3A_278 : i32
      %add3A_280 = arith.addi %mul3A_2, %mul3A_279 : i32
      %dma_wait3A_281 = arith.constant 0 : i32
      %dma_wait3A_282 = arith.constant 2048 : i32
      %dma_wait3A_283 = tpu.memref_slice %arg8[%dma_wait3A_281, %dma_wait3A_282] : memref<8x4096xf32, #tpu.memory_space<vmem>> -> memref<8x1024xf32, #tpu.memory_space<vmem>>
      %dma_wait3A_284 = arith.constant 2048 : i32
      %dma_wait3A_285 = tpu.memref_slice %arg2[%add3A_280, %dma_wait3A_284] : memref<16384x4096xf32, #tpu.memory_space<hbm>> -> memref<8x1024xf32, #tpu.memory_space<hbm>>
      %dma_wait3A_286 = arith.constant 0 : i32
      %dma_wait3A_287 = arith.constant 2048 : i32
      %dma_wait3A_288 = tpu.memref_slice %arg8[%dma_wait3A_286, %dma_wait3A_287] : memref<8x4096xf32, #tpu.memory_space<vmem>> -> memref<8x1024xf32, #tpu.memory_space<vmem>>
      %dma_wait3A_289 = arith.constant 2048 : i32
      %dma_wait3A_290 = tpu.memref_slice %arg2[%add3A_280, %dma_wait3A_289] : memref<16384x4096xf32, #tpu.memory_space<hbm>> -> memref<8x1024xf32, #tpu.memory_space<hbm>>
      tpu.wait_dma2 semaphore(%arg15 : memref<!tpu.dma_semaphore, #tpu.memory_space<semaphore_mem>>) src(%dma_wait3A_290 : memref<8x1024xf32, #tpu.memory_space<hbm>>) dst(%dma_wait3A_288 : memref<8x1024xf32, #tpu.memory_space<vmem>>)
      %mul3A_291 = arith.constant 8 : i32
      %mul3A_292 = arith.muli %add3A_251, %mul3A_291 : i32
      %add3A_293 = arith.addi %mul3A_2, %mul3A_292 : i32
      %dma_wait3A_294 = arith.constant 0 : i32
      %dma_wait3A_295 = arith.constant 3072 : i32
      %dma_wait3A_296 = tpu.memref_slice %arg8[%dma_wait3A_294, %dma_wait3A_295] : memref<8x4096xf32, #tpu.memory_space<vmem>> -> memref<8x1024xf32, #tpu.memory_space<vmem>>
      %dma_wait3A_297 = arith.constant 3072 : i32
      %dma_wait3A_298 = tpu.memref_slice %arg2[%add3A_293, %dma_wait3A_297] : memref<16384x4096xf32, #tpu.memory_space<hbm>> -> memref<8x1024xf32, #tpu.memory_space<hbm>>
      %dma_wait3A_299 = arith.constant 0 : i32
      %dma_wait3A_300 = arith.constant 3072 : i32
      %dma_wait3A_301 = tpu.memref_slice %arg8[%dma_wait3A_299, %dma_wait3A_300] : memref<8x4096xf32, #tpu.memory_space<vmem>> -> memref<8x1024xf32, #tpu.memory_space<vmem>>
      %dma_wait3A_302 = arith.constant 3072 : i32
      %dma_wait3A_303 = tpu.memref_slice %arg2[%add3A_293, %dma_wait3A_302] : memref<16384x4096xf32, #tpu.memory_space<hbm>> -> memref<8x1024xf32, #tpu.memory_space<hbm>>
      tpu.wait_dma2 semaphore(%arg15 : memref<!tpu.dma_semaphore, #tpu.memory_space<semaphore_mem>>) src(%dma_wait3A_303 : memref<8x1024xf32, #tpu.memory_space<hbm>>) dst(%dma_wait3A_301 : memref<8x1024xf32, #tpu.memory_space<vmem>>)
      %sub3A = arith.constant 1 : i32
      %sub3A_304 = arith.subi %add3A_251, %sub3A : i32
      %mul3A_305 = arith.constant 8 : i32
      %mul3A_306 = arith.muli %sub3A_304, %mul3A_305 : i32
      %add3A_307 = arith.addi %mul3A_2, %mul3A_306 : i32
      %dma_wait3A_308 = arith.constant 0 : i32
      %dma_wait3A_309 = tpu.memref_slice %arg4[%add3A_307, %dma_wait3A_308] : memref<16384x4096xf32, #tpu.memory_space<hbm>> -> memref<8x1024xf32, #tpu.memory_space<hbm>>
      %dma_wait3A_310 = arith.constant 0 : i32
      %dma_wait3A_311 = tpu.memref_slice %arg4[%add3A_307, %dma_wait3A_310] : memref<16384x4096xf32, #tpu.memory_space<hbm>> -> memref<8x1024xf32, #tpu.memory_space<hbm>>
      tpu.wait_dma2 semaphore(%arg16 : memref<!tpu.dma_semaphore, #tpu.memory_space<semaphore_mem>>) src(%arg9 : memref<8x1024xf32, #tpu.memory_space<vmem>>) dst(%dma_wait3A_311 : memref<8x1024xf32, #tpu.memory_space<hbm>>)
      %parallel_loop3A_312 = arith.constant 0 : i32
      %parallel_loop3A_313 = arith.constant 64 : i32
      %parallel_loop3A_314 = arith.constant 1 : i32
      scf.for %parallel_loop3A_386 = %parallel_loop3A_312 to %parallel_loop3A_313 step %parallel_loop3A_314  : i32 {
        %parallel_loop3A_387 = arith.constant 16 : i32
        %parallel_loop3A_388 = arith.muli %parallel_loop3A_386, %parallel_loop3A_387 : i32
        %parallel_loop3A_389 = arith.constant 0 : i32
        %parallel_loop3A_390 = arith.addi %parallel_loop3A_389, %parallel_loop3A_388 : i32
        %parallel_loop3A_391 = arith.index_cast %parallel_loop3A_390 : i32 to index
        %parallel_loop3A_392 = tpu.vector_load %arg6[%parallel_loop3A_391] {strides = array<i32>} : memref<4096xi32, #tpu.memory_space<vmem>>, vector<16xi32>,
        %parallel_loop3A_393 = arith.constant 0 : i32
        %parallel_loop3A_394 = vector.broadcast %parallel_loop3A_393 : i32 to vector<16xi32>
        %parallel_loop3A_395 = tpu.vector_load_idx %arg8[%parallel_loop3A_394, %parallel_loop3A_392] : memref<8x4096xf32, #tpu.memory_space<vmem>>[vector<16xi32>, vector<16xi32>], vector<16xf32>,
        %parallel_loop3A_396 = arith.constant 16 : i32
        %parallel_loop3A_397 = arith.muli %parallel_loop3A_386, %parallel_loop3A_396 : i32
        %parallel_loop3A_398 = arith.constant 0 : i32
        %parallel_loop3A_399 = arith.index_cast %parallel_loop3A_398 : i32 to index
        %parallel_loop3A_400 = arith.index_cast %parallel_loop3A_397 : i32 to index
        %parallel_loop3A_401 = tpu.vector_load %arg9[%parallel_loop3A_399, %parallel_loop3A_400] {strides = array<i32>} : memref<8x1024xf32, #tpu.memory_space<vmem>>, vector<16xf32>,
        tpu.vector_store %arg9[%parallel_loop3A_399, %parallel_loop3A_400], %parallel_loop3A_395 {strides = array<i32>} : memref<8x1024xf32, #tpu.memory_space<vmem>>, vector<16xf32>,
        %parallel_loop3A_402 = arith.constant 1 : i32
        %parallel_loop3A_403 = vector.broadcast %parallel_loop3A_402 : i32 to vector<16xi32>
        %parallel_loop3A_404 = tpu.vector_load_idx %arg8[%parallel_loop3A_403, %parallel_loop3A_392] : memref<8x4096xf32, #tpu.memory_space<vmem>>[vector<16xi32>, vector<16xi32>], vector<16xf32>,
        %parallel_loop3A_405 = arith.constant 16 : i32
        %parallel_loop3A_406 = arith.muli %parallel_loop3A_386, %parallel_loop3A_405 : i32
        %parallel_loop3A_407 = arith.constant 1 : i32
        %parallel_loop3A_408 = arith.index_cast %parallel_loop3A_407 : i32 to index
        %parallel_loop3A_409 = arith.index_cast %parallel_loop3A_406 : i32 to index
        %parallel_loop3A_410 = tpu.vector_load %arg9[%parallel_loop3A_408, %parallel_loop3A_409] {strides = array<i32>} : memref<8x1024xf32, #tpu.memory_space<vmem>>, vector<16xf32>,
        tpu.vector_store %arg9[%parallel_loop3A_408, %parallel_loop3A_409], %parallel_loop3A_404 {strides = array<i32>} : memref<8x1024xf32, #tpu.memory_space<vmem>>, vector<16xf32>,
        %parallel_loop3A_411 = arith.constant 2 : i32
        %parallel_loop3A_412 = vector.broadcast %parallel_loop3A_411 : i32 to vector<16xi32>
        %parallel_loop3A_413 = tpu.vector_load_idx %arg8[%parallel_loop3A_412, %parallel_loop3A_392] : memref<8x4096xf32, #tpu.memory_space<vmem>>[vector<16xi32>, vector<16xi32>], vector<16xf32>,
        %parallel_loop3A_414 = arith.constant 16 : i32
        %parallel_loop3A_415 = arith.muli %parallel_loop3A_386, %parallel_loop3A_414 : i32
        %parallel_loop3A_416 = arith.constant 2 : i32
        %parallel_loop3A_417 = arith.index_cast %parallel_loop3A_416 : i32 to index
        %parallel_loop3A_418 = arith.index_cast %parallel_loop3A_415 : i32 to index
        %parallel_loop3A_419 = tpu.vector_load %arg9[%parallel_loop3A_417, %parallel_loop3A_418] {strides = array<i32>} : memref<8x1024xf32, #tpu.memory_space<vmem>>, vector<16xf32>,
        tpu.vector_store %arg9[%parallel_loop3A_417, %parallel_loop3A_418], %parallel_loop3A_413 {strides = array<i32>} : memref<8x1024xf32, #tpu.memory_space<vmem>>, vector<16xf32>,
        %parallel_loop3A_420 = arith.constant 3 : i32
        %parallel_loop3A_421 = vector.broadcast %parallel_loop3A_420 : i32 to vector<16xi32>
        %parallel_loop3A_422 = tpu.vector_load_idx %arg8[%parallel_loop3A_421, %parallel_loop3A_392] : memref<8x4096xf32, #tpu.memory_space<vmem>>[vector<16xi32>, vector<16xi32>], vector<16xf32>,
        %parallel_loop3A_423 = arith.constant 16 : i32
        %parallel_loop3A_424 = arith.muli %parallel_loop3A_386, %parallel_loop3A_423 : i32
        %parallel_loop3A_425 = arith.constant 3 : i32
        %parallel_loop3A_426 = arith.index_cast %parallel_loop3A_425 : i32 to index
        %parallel_loop3A_427 = arith.index_cast %parallel_loop3A_424 : i32 to index
        %parallel_loop3A_428 = tpu.vector_load %arg9[%parallel_loop3A_426, %parallel_loop3A_427] {strides = array<i32>} : memref<8x1024xf32, #tpu.memory_space<vmem>>, vector<16xf32>,
        tpu.vector_store %arg9[%parallel_loop3A_426, %parallel_loop3A_427], %parallel_loop3A_422 {strides = array<i32>} : memref<8x1024xf32, #tpu.memory_space<vmem>>, vector<16xf32>,
        %parallel_loop3A_429 = arith.constant 4 : i32
        %parallel_loop3A_430 = vector.broadcast %parallel_loop3A_429 : i32 to vector<16xi32>
        %parallel_loop3A_431 = tpu.vector_load_idx %arg8[%parallel_loop3A_430, %parallel_loop3A_392] : memref<8x4096xf32, #tpu.memory_space<vmem>>[vector<16xi32>, vector<16xi32>], vector<16xf32>,
        %parallel_loop3A_432 = arith.constant 16 : i32
        %parallel_loop3A_433 = arith.muli %parallel_loop3A_386, %parallel_loop3A_432 : i32
        %parallel_loop3A_434 = arith.constant 4 : i32
        %parallel_loop3A_435 = arith.index_cast %parallel_loop3A_434 : i32 to index
        %parallel_loop3A_436 = arith.index_cast %parallel_loop3A_433 : i32 to index
        %parallel_loop3A_437 = tpu.vector_load %arg9[%parallel_loop3A_435, %parallel_loop3A_436] {strides = array<i32>} : memref<8x1024xf32, #tpu.memory_space<vmem>>, vector<16xf32>,
        tpu.vector_store %arg9[%parallel_loop3A_435, %parallel_loop3A_436], %parallel_loop3A_431 {strides = array<i32>} : memref<8x1024xf32, #tpu.memory_space<vmem>>, vector<16xf32>,
        %parallel_loop3A_438 = arith.constant 5 : i32
        %parallel_loop3A_439 = vector.broadcast %parallel_loop3A_438 : i32 to vector<16xi32>
        %parallel_loop3A_440 = tpu.vector_load_idx %arg8[%parallel_loop3A_439, %parallel_loop3A_392] : memref<8x4096xf32, #tpu.memory_space<vmem>>[vector<16xi32>, vector<16xi32>], vector<16xf32>,
        %parallel_loop3A_441 = arith.constant 16 : i32
        %parallel_loop3A_442 = arith.muli %parallel_loop3A_386, %parallel_loop3A_441 : i32
        %parallel_loop3A_443 = arith.constant 5 : i32
        %parallel_loop3A_444 = arith.index_cast %parallel_loop3A_443 : i32 to index
        %parallel_loop3A_445 = arith.index_cast %parallel_loop3A_442 : i32 to index
        %parallel_loop3A_446 = tpu.vector_load %arg9[%parallel_loop3A_444, %parallel_loop3A_445] {strides = array<i32>} : memref<8x1024xf32, #tpu.memory_space<vmem>>, vector<16xf32>,
        tpu.vector_store %arg9[%parallel_loop3A_444, %parallel_loop3A_445], %parallel_loop3A_440 {strides = array<i32>} : memref<8x1024xf32, #tpu.memory_space<vmem>>, vector<16xf32>,
        %parallel_loop3A_447 = arith.constant 6 : i32
        %parallel_loop3A_448 = vector.broadcast %parallel_loop3A_447 : i32 to vector<16xi32>
        %parallel_loop3A_449 = tpu.vector_load_idx %arg8[%parallel_loop3A_448, %parallel_loop3A_392] : memref<8x4096xf32, #tpu.memory_space<vmem>>[vector<16xi32>, vector<16xi32>], vector<16xf32>,
        %parallel_loop3A_450 = arith.constant 16 : i32
        %parallel_loop3A_451 = arith.muli %parallel_loop3A_386, %parallel_loop3A_450 : i32
        %parallel_loop3A_452 = arith.constant 6 : i32
        %parallel_loop3A_453 = arith.index_cast %parallel_loop3A_452 : i32 to index
        %parallel_loop3A_454 = arith.index_cast %parallel_loop3A_451 : i32 to index
        %parallel_loop3A_455 = tpu.vector_load %arg9[%parallel_loop3A_453, %parallel_loop3A_454] {strides = array<i32>} : memref<8x1024xf32, #tpu.memory_space<vmem>>, vector<16xf32>,
        tpu.vector_store %arg9[%parallel_loop3A_453, %parallel_loop3A_454], %parallel_loop3A_449 {strides = array<i32>} : memref<8x1024xf32, #tpu.memory_space<vmem>>, vector<16xf32>,
        %parallel_loop3A_456 = arith.constant 7 : i32
        %parallel_loop3A_457 = vector.broadcast %parallel_loop3A_456 : i32 to vector<16xi32>
        %parallel_loop3A_458 = tpu.vector_load_idx %arg8[%parallel_loop3A_457, %parallel_loop3A_392] : memref<8x4096xf32, #tpu.memory_space<vmem>>[vector<16xi32>, vector<16xi32>], vector<16xf32>,
        %parallel_loop3A_459 = arith.constant 16 : i32
        %parallel_loop3A_460 = arith.muli %parallel_loop3A_386, %parallel_loop3A_459 : i32
        %parallel_loop3A_461 = arith.constant 7 : i32
        %parallel_loop3A_462 = arith.index_cast %parallel_loop3A_461 : i32 to index
        %parallel_loop3A_463 = arith.index_cast %parallel_loop3A_460 : i32 to index
        %parallel_loop3A_464 = tpu.vector_load %arg9[%parallel_loop3A_462, %parallel_loop3A_463] {strides = array<i32>} : memref<8x1024xf32, #tpu.memory_space<vmem>>, vector<16xf32>,
        tpu.vector_store %arg9[%parallel_loop3A_462, %parallel_loop3A_463], %parallel_loop3A_458 {strides = array<i32>} : memref<8x1024xf32, #tpu.memory_space<vmem>>, vector<16xf32>,
      } {sc.loop_unroll_factor = 8 : i64, sc.parallel_access}
      %mul3A_315 = arith.constant 8 : i32
      %mul3A_316 = arith.muli %add3A_251, %mul3A_315 : i32
      %add3A_317 = arith.addi %mul3A_2, %mul3A_316 : i32
      %dma_start3A_318 = arith.constant 0 : i32
      %dma_start3A_319 = tpu.memref_slice %arg4[%add3A_317, %dma_start3A_318] : memref<16384x4096xf32, #tpu.memory_space<hbm>> -> memref<8x1024xf32, #tpu.memory_space<hbm>>
      %dma_start3A_320 = arith.constant 0 : i32
      %dma_start3A_321 = tpu.memref_slice %arg4[%add3A_317, %dma_start3A_320] : memref<16384x4096xf32, #tpu.memory_space<hbm>> -> memref<8x1024xf32, #tpu.memory_space<hbm>>
      tpu.enqueue_dma source(%arg9 : memref<8x1024xf32, #tpu.memory_space<vmem>>) target(%dma_start3A_321 : memref<8x1024xf32, #tpu.memory_space<hbm>>) target_semaphore(%arg16 : memref<!tpu.dma_semaphore, #tpu.memory_space<semaphore_mem>>)
      %sub3A_322 = arith.constant 1 : i32
      %sub3A_323 = arith.subi %add3A_251, %sub3A_322 : i32
      %mul3A_324 = arith.constant 8 : i32
      %mul3A_325 = arith.muli %sub3A_323, %mul3A_324 : i32
      %add3A_326 = arith.addi %mul3A_2, %mul3A_325 : i32
      %dma_wait3A_327 = arith.constant 1024 : i32
      %dma_wait3A_328 = tpu.memref_slice %arg4[%add3A_326, %dma_wait3A_327] : memref<16384x4096xf32, #tpu.memory_space<hbm>> -> memref<8x1024xf32, #tpu.memory_space<hbm>>
      %dma_wait3A_329 = arith.constant 1024 : i32
      %dma_wait3A_330 = tpu.memref_slice %arg4[%add3A_326, %dma_wait3A_329] : memref<16384x4096xf32, #tpu.memory_space<hbm>> -> memref<8x1024xf32, #tpu.memory_space<hbm>>
      tpu.wait_dma2 semaphore(%arg17 : memref<!tpu.dma_semaphore, #tpu.memory_space<semaphore_mem>>) src(%arg10 : memref<8x1024xf32, #tpu.memory_space<vmem>>) dst(%dma_wait3A_330 : memref<8x1024xf32, #tpu.memory_space<hbm>>)
      %parallel_loop3A_331 = arith.constant 0 : i32
      %parallel_loop3A_332 = arith.constant 64 : i32
      %parallel_loop3A_333 = arith.constant 1 : i32
      scf.for %parallel_loop3A_386 = %parallel_loop3A_331 to %parallel_loop3A_332 step %parallel_loop3A_333  : i32 {
        %parallel_loop3A_387 = arith.constant 16 : i32
        %parallel_loop3A_388 = arith.muli %parallel_loop3A_386, %parallel_loop3A_387 : i32
        %parallel_loop3A_389 = arith.constant 1024 : i32
        %parallel_loop3A_390 = arith.addi %parallel_loop3A_389, %parallel_loop3A_388 : i32
        %parallel_loop3A_391 = arith.index_cast %parallel_loop3A_390 : i32 to index
        %parallel_loop3A_392 = tpu.vector_load %arg6[%parallel_loop3A_391] {strides = array<i32>} : memref<4096xi32, #tpu.memory_space<vmem>>, vector<16xi32>,
        %parallel_loop3A_393 = arith.constant 0 : i32
        %parallel_loop3A_394 = vector.broadcast %parallel_loop3A_393 : i32 to vector<16xi32>
        %parallel_loop3A_395 = tpu.vector_load_idx %arg8[%parallel_loop3A_394, %parallel_loop3A_392] : memref<8x4096xf32, #tpu.memory_space<vmem>>[vector<16xi32>, vector<16xi32>], vector<16xf32>,
        %parallel_loop3A_396 = arith.constant 16 : i32
        %parallel_loop3A_397 = arith.muli %parallel_loop3A_386, %parallel_loop3A_396 : i32
        %parallel_loop3A_398 = arith.constant 0 : i32
        %parallel_loop3A_399 = arith.index_cast %parallel_loop3A_398 : i32 to index
        %parallel_loop3A_400 = arith.index_cast %parallel_loop3A_397 : i32 to index
        %parallel_loop3A_401 = tpu.vector_load %arg10[%parallel_loop3A_399, %parallel_loop3A_400] {strides = array<i32>} : memref<8x1024xf32, #tpu.memory_space<vmem>>, vector<16xf32>,
        tpu.vector_store %arg10[%parallel_loop3A_399, %parallel_loop3A_400], %parallel_loop3A_395 {strides = array<i32>} : memref<8x1024xf32, #tpu.memory_space<vmem>>, vector<16xf32>,
        %parallel_loop3A_402 = arith.constant 1 : i32
        %parallel_loop3A_403 = vector.broadcast %parallel_loop3A_402 : i32 to vector<16xi32>
        %parallel_loop3A_404 = tpu.vector_load_idx %arg8[%parallel_loop3A_403, %parallel_loop3A_392] : memref<8x4096xf32, #tpu.memory_space<vmem>>[vector<16xi32>, vector<16xi32>], vector<16xf32>,
        %parallel_loop3A_405 = arith.constant 16 : i32
        %parallel_loop3A_406 = arith.muli %parallel_loop3A_386, %parallel_loop3A_405 : i32
        %parallel_loop3A_407 = arith.constant 1 : i32
        %parallel_loop3A_408 = arith.index_cast %parallel_loop3A_407 : i32 to index
        %parallel_loop3A_409 = arith.index_cast %parallel_loop3A_406 : i32 to index
        %parallel_loop3A_410 = tpu.vector_load %arg10[%parallel_loop3A_408, %parallel_loop3A_409] {strides = array<i32>} : memref<8x1024xf32, #tpu.memory_space<vmem>>, vector<16xf32>,
        tpu.vector_store %arg10[%parallel_loop3A_408, %parallel_loop3A_409], %parallel_loop3A_404 {strides = array<i32>} : memref<8x1024xf32, #tpu.memory_space<vmem>>, vector<16xf32>,
        %parallel_loop3A_411 = arith.constant 2 : i32
        %parallel_loop3A_412 = vector.broadcast %parallel_loop3A_411 : i32 to vector<16xi32>
        %parallel_loop3A_413 = tpu.vector_load_idx %arg8[%parallel_loop3A_412, %parallel_loop3A_392] : memref<8x4096xf32, #tpu.memory_space<vmem>>[vector<16xi32>, vector<16xi32>], vector<16xf32>,
        %parallel_loop3A_414 = arith.constant 16 : i32
        %parallel_loop3A_415 = arith.muli %parallel_loop3A_386, %parallel_loop3A_414 : i32
        %parallel_loop3A_416 = arith.constant 2 : i32
        %parallel_loop3A_417 = arith.index_cast %parallel_loop3A_416 : i32 to index
        %parallel_loop3A_418 = arith.index_cast %parallel_loop3A_415 : i32 to index
        %parallel_loop3A_419 = tpu.vector_load %arg10[%parallel_loop3A_417, %parallel_loop3A_418] {strides = array<i32>} : memref<8x1024xf32, #tpu.memory_space<vmem>>, vector<16xf32>,
        tpu.vector_store %arg10[%parallel_loop3A_417, %parallel_loop3A_418], %parallel_loop3A_413 {strides = array<i32>} : memref<8x1024xf32, #tpu.memory_space<vmem>>, vector<16xf32>,
        %parallel_loop3A_420 = arith.constant 3 : i32
        %parallel_loop3A_421 = vector.broadcast %parallel_loop3A_420 : i32 to vector<16xi32>
        %parallel_loop3A_422 = tpu.vector_load_idx %arg8[%parallel_loop3A_421, %parallel_loop3A_392] : memref<8x4096xf32, #tpu.memory_space<vmem>>[vector<16xi32>, vector<16xi32>], vector<16xf32>,
        %parallel_loop3A_423 = arith.constant 16 : i32
        %parallel_loop3A_424 = arith.muli %parallel_loop3A_386, %parallel_loop3A_423 : i32
        %parallel_loop3A_425 = arith.constant 3 : i32
        %parallel_loop3A_426 = arith.index_cast %parallel_loop3A_425 : i32 to index
        %parallel_loop3A_427 = arith.index_cast %parallel_loop3A_424 : i32 to index
        %parallel_loop3A_428 = tpu.vector_load %arg10[%parallel_loop3A_426, %parallel_loop3A_427] {strides = array<i32>} : memref<8x1024xf32, #tpu.memory_space<vmem>>, vector<16xf32>,
        tpu.vector_store %arg10[%parallel_loop3A_426, %parallel_loop3A_427], %parallel_loop3A_422 {strides = array<i32>} : memref<8x1024xf32, #tpu.memory_space<vmem>>, vector<16xf32>,
        %parallel_loop3A_429 = arith.constant 4 : i32
        %parallel_loop3A_430 = vector.broadcast %parallel_loop3A_429 : i32 to vector<16xi32>
        %parallel_loop3A_431 = tpu.vector_load_idx %arg8[%parallel_loop3A_430, %parallel_loop3A_392] : memref<8x4096xf32, #tpu.memory_space<vmem>>[vector<16xi32>, vector<16xi32>], vector<16xf32>,
        %parallel_loop3A_432 = arith.constant 16 : i32
        %parallel_loop3A_433 = arith.muli %parallel_loop3A_386, %parallel_loop3A_432 : i32
        %parallel_loop3A_434 = arith.constant 4 : i32
        %parallel_loop3A_435 = arith.index_cast %parallel_loop3A_434 : i32 to index
        %parallel_loop3A_436 = arith.index_cast %parallel_loop3A_433 : i32 to index
        %parallel_loop3A_437 = tpu.vector_load %arg10[%parallel_loop3A_435, %parallel_loop3A_436] {strides = array<i32>} : memref<8x1024xf32, #tpu.memory_space<vmem>>, vector<16xf32>,
        tpu.vector_store %arg10[%parallel_loop3A_435, %parallel_loop3A_436], %parallel_loop3A_431 {strides = array<i32>} : memref<8x1024xf32, #tpu.memory_space<vmem>>, vector<16xf32>,
        %parallel_loop3A_438 = arith.constant 5 : i32
        %parallel_loop3A_439 = vector.broadcast %parallel_loop3A_438 : i32 to vector<16xi32>
        %parallel_loop3A_440 = tpu.vector_load_idx %arg8[%parallel_loop3A_439, %parallel_loop3A_392] : memref<8x4096xf32, #tpu.memory_space<vmem>>[vector<16xi32>, vector<16xi32>], vector<16xf32>,
        %parallel_loop3A_441 = arith.constant 16 : i32
        %parallel_loop3A_442 = arith.muli %parallel_loop3A_386, %parallel_loop3A_441 : i32
        %parallel_loop3A_443 = arith.constant 5 : i32
        %parallel_loop3A_444 = arith.index_cast %parallel_loop3A_443 : i32 to index
        %parallel_loop3A_445 = arith.index_cast %parallel_loop3A_442 : i32 to index
        %parallel_loop3A_446 = tpu.vector_load %arg10[%parallel_loop3A_444, %parallel_loop3A_445] {strides = array<i32>} : memref<8x1024xf32, #tpu.memory_space<vmem>>, vector<16xf32>,
        tpu.vector_store %arg10[%parallel_loop3A_444, %parallel_loop3A_445], %parallel_loop3A_440 {strides = array<i32>} : memref<8x1024xf32, #tpu.memory_space<vmem>>, vector<16xf32>,
        %parallel_loop3A_447 = arith.constant 6 : i32
        %parallel_loop3A_448 = vector.broadcast %parallel_loop3A_447 : i32 to vector<16xi32>
        %parallel_loop3A_449 = tpu.vector_load_idx %arg8[%parallel_loop3A_448, %parallel_loop3A_392] : memref<8x4096xf32, #tpu.memory_space<vmem>>[vector<16xi32>, vector<16xi32>], vector<16xf32>,
        %parallel_loop3A_450 = arith.constant 16 : i32
        %parallel_loop3A_451 = arith.muli %parallel_loop3A_386, %parallel_loop3A_450 : i32
        %parallel_loop3A_452 = arith.constant 6 : i32
        %parallel_loop3A_453 = arith.index_cast %parallel_loop3A_452 : i32 to index
        %parallel_loop3A_454 = arith.index_cast %parallel_loop3A_451 : i32 to index
        %parallel_loop3A_455 = tpu.vector_load %arg10[%parallel_loop3A_453, %parallel_loop3A_454] {strides = array<i32>} : memref<8x1024xf32, #tpu.memory_space<vmem>>, vector<16xf32>,
        tpu.vector_store %arg10[%parallel_loop3A_453, %parallel_loop3A_454], %parallel_loop3A_449 {strides = array<i32>} : memref<8x1024xf32, #tpu.memory_space<vmem>>, vector<16xf32>,
        %parallel_loop3A_456 = arith.constant 7 : i32
        %parallel_loop3A_457 = vector.broadcast %parallel_loop3A_456 : i32 to vector<16xi32>
        %parallel_loop3A_458 = tpu.vector_load_idx %arg8[%parallel_loop3A_457, %parallel_loop3A_392] : memref<8x4096xf32, #tpu.memory_space<vmem>>[vector<16xi32>, vector<16xi32>], vector<16xf32>,
        %parallel_loop3A_459 = arith.constant 16 : i32
        %parallel_loop3A_460 = arith.muli %parallel_loop3A_386, %parallel_loop3A_459 : i32
        %parallel_loop3A_461 = arith.constant 7 : i32
        %parallel_loop3A_462 = arith.index_cast %parallel_loop3A_461 : i32 to index
        %parallel_loop3A_463 = arith.index_cast %parallel_loop3A_460 : i32 to index
        %parallel_loop3A_464 = tpu.vector_load %arg10[%parallel_loop3A_462, %parallel_loop3A_463] {strides = array<i32>} : memref<8x1024xf32, #tpu.memory_space<vmem>>, vector<16xf32>,
        tpu.vector_store %arg10[%parallel_loop3A_462, %parallel_loop3A_463], %parallel_loop3A_458 {strides = array<i32>} : memref<8x1024xf32, #tpu.memory_space<vmem>>, vector<16xf32>,
      } {sc.loop_unroll_factor = 8 : i64, sc.parallel_access}
      %mul3A_334 = arith.constant 8 : i32
      %mul3A_335 = arith.muli %add3A_251, %mul3A_334 : i32
      %add3A_336 = arith.addi %mul3A_2, %mul3A_335 : i32
      %dma_start3A_337 = arith.constant 1024 : i32
      %dma_start3A_338 = tpu.memref_slice %arg4[%add3A_336, %dma_start3A_337] : memref<16384x4096xf32, #tpu.memory_space<hbm>> -> memref<8x1024xf32, #tpu.memory_space<hbm>>
      %dma_start3A_339 = arith.constant 1024 : i32
      %dma_start3A_340 = tpu.memref_slice %arg4[%add3A_336, %dma_start3A_339] : memref<16384x4096xf32, #tpu.memory_space<hbm>> -> memref<8x1024xf32, #tpu.memory_space<hbm>>
      tpu.enqueue_dma source(%arg10 : memref<8x1024xf32, #tpu.memory_space<vmem>>) target(%dma_start3A_340 : memref<8x1024xf32, #tpu.memory_space<hbm>>) target_semaphore(%arg17 : memref<!tpu.dma_semaphore, #tpu.memory_space<semaphore_mem>>)
      %sub3A_341 = arith.constant 1 : i32
      %sub3A_342 = arith.subi %add3A_251, %sub3A_341 : i32
      %mul3A_343 = arith.constant 8 : i32
      %mul3A_344 = arith.muli %sub3A_342, %mul3A_343 : i32
      %add3A_345 = arith.addi %mul3A_2, %mul3A_344 : i32
      %dma_wait3A_346 = arith.constant 2048 : i32
      %dma_wait3A_347 = tpu.memref_slice %arg4[%add3A_345, %dma_wait3A_346] : memref<16384x4096xf32, #tpu.memory_space<hbm>> -> memref<8x1024xf32, #tpu.memory_space<hbm>>
      %dma_wait3A_348 = arith.constant 2048 : i32
      %dma_wait3A_349 = tpu.memref_slice %arg4[%add3A_345, %dma_wait3A_348] : memref<16384x4096xf32, #tpu.memory_space<hbm>> -> memref<8x1024xf32, #tpu.memory_space<hbm>>
      tpu.wait_dma2 semaphore(%arg18 : memref<!tpu.dma_semaphore, #tpu.memory_space<semaphore_mem>>) src(%arg11 : memref<8x1024xf32, #tpu.memory_space<vmem>>) dst(%dma_wait3A_349 : memref<8x1024xf32, #tpu.memory_space<hbm>>)
      %parallel_loop3A_350 = arith.constant 0 : i32
      %parallel_loop3A_351 = arith.constant 64 : i32
      %parallel_loop3A_352 = arith.constant 1 : i32
      scf.for %parallel_loop3A_386 = %parallel_loop3A_350 to %parallel_loop3A_351 step %parallel_loop3A_352  : i32 {
        %parallel_loop3A_387 = arith.constant 16 : i32
        %parallel_loop3A_388 = arith.muli %parallel_loop3A_386, %parallel_loop3A_387 : i32
        %parallel_loop3A_389 = arith.constant 2048 : i32
        %parallel_loop3A_390 = arith.addi %parallel_loop3A_389, %parallel_loop3A_388 : i32
        %parallel_loop3A_391 = arith.index_cast %parallel_loop3A_390 : i32 to index
        %parallel_loop3A_392 = tpu.vector_load %arg6[%parallel_loop3A_391] {strides = array<i32>} : memref<4096xi32, #tpu.memory_space<vmem>>, vector<16xi32>,
        %parallel_loop3A_393 = arith.constant 0 : i32
        %parallel_loop3A_394 = vector.broadcast %parallel_loop3A_393 : i32 to vector<16xi32>
        %parallel_loop3A_395 = tpu.vector_load_idx %arg8[%parallel_loop3A_394, %parallel_loop3A_392] : memref<8x4096xf32, #tpu.memory_space<vmem>>[vector<16xi32>, vector<16xi32>], vector<16xf32>,
        %parallel_loop3A_396 = arith.constant 16 : i32
        %parallel_loop3A_397 = arith.muli %parallel_loop3A_386, %parallel_loop3A_396 : i32
        %parallel_loop3A_398 = arith.constant 0 : i32
        %parallel_loop3A_399 = arith.index_cast %parallel_loop3A_398 : i32 to index
        %parallel_loop3A_400 = arith.index_cast %parallel_loop3A_397 : i32 to index
        %parallel_loop3A_401 = tpu.vector_load %arg11[%parallel_loop3A_399, %parallel_loop3A_400] {strides = array<i32>} : memref<8x1024xf32, #tpu.memory_space<vmem>>, vector<16xf32>,
        tpu.vector_store %arg11[%parallel_loop3A_399, %parallel_loop3A_400], %parallel_loop3A_395 {strides = array<i32>} : memref<8x1024xf32, #tpu.memory_space<vmem>>, vector<16xf32>,
        %parallel_loop3A_402 = arith.constant 1 : i32
        %parallel_loop3A_403 = vector.broadcast %parallel_loop3A_402 : i32 to vector<16xi32>
        %parallel_loop3A_404 = tpu.vector_load_idx %arg8[%parallel_loop3A_403, %parallel_loop3A_392] : memref<8x4096xf32, #tpu.memory_space<vmem>>[vector<16xi32>, vector<16xi32>], vector<16xf32>,
        %parallel_loop3A_405 = arith.constant 16 : i32
        %parallel_loop3A_406 = arith.muli %parallel_loop3A_386, %parallel_loop3A_405 : i32
        %parallel_loop3A_407 = arith.constant 1 : i32
        %parallel_loop3A_408 = arith.index_cast %parallel_loop3A_407 : i32 to index
        %parallel_loop3A_409 = arith.index_cast %parallel_loop3A_406 : i32 to index
        %parallel_loop3A_410 = tpu.vector_load %arg11[%parallel_loop3A_408, %parallel_loop3A_409] {strides = array<i32>} : memref<8x1024xf32, #tpu.memory_space<vmem>>, vector<16xf32>,
        tpu.vector_store %arg11[%parallel_loop3A_408, %parallel_loop3A_409], %parallel_loop3A_404 {strides = array<i32>} : memref<8x1024xf32, #tpu.memory_space<vmem>>, vector<16xf32>,
        %parallel_loop3A_411 = arith.constant 2 : i32
        %parallel_loop3A_412 = vector.broadcast %parallel_loop3A_411 : i32 to vector<16xi32>
        %parallel_loop3A_413 = tpu.vector_load_idx %arg8[%parallel_loop3A_412, %parallel_loop3A_392] : memref<8x4096xf32, #tpu.memory_space<vmem>>[vector<16xi32>, vector<16xi32>], vector<16xf32>,
        %parallel_loop3A_414 = arith.constant 16 : i32
        %parallel_loop3A_415 = arith.muli %parallel_loop3A_386, %parallel_loop3A_414 : i32
        %parallel_loop3A_416 = arith.constant 2 : i32
        %parallel_loop3A_417 = arith.index_cast %parallel_loop3A_416 : i32 to index
        %parallel_loop3A_418 = arith.index_cast %parallel_loop3A_415 : i32 to index
        %parallel_loop3A_419 = tpu.vector_load %arg11[%parallel_loop3A_417, %parallel_loop3A_418] {strides = array<i32>} : memref<8x1024xf32, #tpu.memory_space<vmem>>, vector<16xf32>,
        tpu.vector_store %arg11[%parallel_loop3A_417, %parallel_loop3A_418], %parallel_loop3A_413 {strides = array<i32>} : memref<8x1024xf32, #tpu.memory_space<vmem>>, vector<16xf32>,
        %parallel_loop3A_420 = arith.constant 3 : i32
        %parallel_loop3A_421 = vector.broadcast %parallel_loop3A_420 : i32 to vector<16xi32>
        %parallel_loop3A_422 = tpu.vector_load_idx %arg8[%parallel_loop3A_421, %parallel_loop3A_392] : memref<8x4096xf32, #tpu.memory_space<vmem>>[vector<16xi32>, vector<16xi32>], vector<16xf32>,
        %parallel_loop3A_423 = arith.constant 16 : i32
        %parallel_loop3A_424 = arith.muli %parallel_loop3A_386, %parallel_loop3A_423 : i32
        %parallel_loop3A_425 = arith.constant 3 : i32
        %parallel_loop3A_426 = arith.index_cast %parallel_loop3A_425 : i32 to index
        %parallel_loop3A_427 = arith.index_cast %parallel_loop3A_424 : i32 to index
        %parallel_loop3A_428 = tpu.vector_load %arg11[%parallel_loop3A_426, %parallel_loop3A_427] {strides = array<i32>} : memref<8x1024xf32, #tpu.memory_space<vmem>>, vector<16xf32>,
        tpu.vector_store %arg11[%parallel_loop3A_426, %parallel_loop3A_427], %parallel_loop3A_422 {strides = array<i32>} : memref<8x1024xf32, #tpu.memory_space<vmem>>, vector<16xf32>,
        %parallel_loop3A_429 = arith.constant 4 : i32
        %parallel_loop3A_430 = vector.broadcast %parallel_loop3A_429 : i32 to vector<16xi32>
        %parallel_loop3A_431 = tpu.vector_load_idx %arg8[%parallel_loop3A_430, %parallel_loop3A_392] : memref<8x4096xf32, #tpu.memory_space<vmem>>[vector<16xi32>, vector<16xi32>], vector<16xf32>,
        %parallel_loop3A_432 = arith.constant 16 : i32
        %parallel_loop3A_433 = arith.muli %parallel_loop3A_386, %parallel_loop3A_432 : i32
        %parallel_loop3A_434 = arith.constant 4 : i32
        %parallel_loop3A_435 = arith.index_cast %parallel_loop3A_434 : i32 to index
        %parallel_loop3A_436 = arith.index_cast %parallel_loop3A_433 : i32 to index
        %parallel_loop3A_437 = tpu.vector_load %arg11[%parallel_loop3A_435, %parallel_loop3A_436] {strides = array<i32>} : memref<8x1024xf32, #tpu.memory_space<vmem>>, vector<16xf32>,
        tpu.vector_store %arg11[%parallel_loop3A_435, %parallel_loop3A_436], %parallel_loop3A_431 {strides = array<i32>} : memref<8x1024xf32, #tpu.memory_space<vmem>>, vector<16xf32>,
        %parallel_loop3A_438 = arith.constant 5 : i32
        %parallel_loop3A_439 = vector.broadcast %parallel_loop3A_438 : i32 to vector<16xi32>
        %parallel_loop3A_440 = tpu.vector_load_idx %arg8[%parallel_loop3A_439, %parallel_loop3A_392] : memref<8x4096xf32, #tpu.memory_space<vmem>>[vector<16xi32>, vector<16xi32>], vector<16xf32>,
        %parallel_loop3A_441 = arith.constant 16 : i32
        %parallel_loop3A_442 = arith.muli %parallel_loop3A_386, %parallel_loop3A_441 : i32
        %parallel_loop3A_443 = arith.constant 5 : i32
        %parallel_loop3A_444 = arith.index_cast %parallel_loop3A_443 : i32 to index
        %parallel_loop3A_445 = arith.index_cast %parallel_loop3A_442 : i32 to index
        %parallel_loop3A_446 = tpu.vector_load %arg11[%parallel_loop3A_444, %parallel_loop3A_445] {strides = array<i32>} : memref<8x1024xf32, #tpu.memory_space<vmem>>, vector<16xf32>,
        tpu.vector_store %arg11[%parallel_loop3A_444, %parallel_loop3A_445], %parallel_loop3A_440 {strides = array<i32>} : memref<8x1024xf32, #tpu.memory_space<vmem>>, vector<16xf32>,
        %parallel_loop3A_447 = arith.constant 6 : i32
        %parallel_loop3A_448 = vector.broadcast %parallel_loop3A_447 : i32 to vector<16xi32>
        %parallel_loop3A_449 = tpu.vector_load_idx %arg8[%parallel_loop3A_448, %parallel_loop3A_392] : memref<8x4096xf32, #tpu.memory_space<vmem>>[vector<16xi32>, vector<16xi32>], vector<16xf32>,
        %parallel_loop3A_450 = arith.constant 16 : i32
        %parallel_loop3A_451 = arith.muli %parallel_loop3A_386, %parallel_loop3A_450 : i32
        %parallel_loop3A_452 = arith.constant 6 : i32
        %parallel_loop3A_453 = arith.index_cast %parallel_loop3A_452 : i32 to index
        %parallel_loop3A_454 = arith.index_cast %parallel_loop3A_451 : i32 to index
        %parallel_loop3A_455 = tpu.vector_load %arg11[%parallel_loop3A_453, %parallel_loop3A_454] {strides = array<i32>} : memref<8x1024xf32, #tpu.memory_space<vmem>>, vector<16xf32>,
        tpu.vector_store %arg11[%parallel_loop3A_453, %parallel_loop3A_454], %parallel_loop3A_449 {strides = array<i32>} : memref<8x1024xf32, #tpu.memory_space<vmem>>, vector<16xf32>,
        %parallel_loop3A_456 = arith.constant 7 : i32
        %parallel_loop3A_457 = vector.broadcast %parallel_loop3A_456 : i32 to vector<16xi32>
        %parallel_loop3A_458 = tpu.vector_load_idx %arg8[%parallel_loop3A_457, %parallel_loop3A_392] : memref<8x4096xf32, #tpu.memory_space<vmem>>[vector<16xi32>, vector<16xi32>], vector<16xf32>,
        %parallel_loop3A_459 = arith.constant 16 : i32
        %parallel_loop3A_460 = arith.muli %parallel_loop3A_386, %parallel_loop3A_459 : i32
        %parallel_loop3A_461 = arith.constant 7 : i32
        %parallel_loop3A_462 = arith.index_cast %parallel_loop3A_461 : i32 to index
        %parallel_loop3A_463 = arith.index_cast %parallel_loop3A_460 : i32 to index
        %parallel_loop3A_464 = tpu.vector_load %arg11[%parallel_loop3A_462, %parallel_loop3A_463] {strides = array<i32>} : memref<8x1024xf32, #tpu.memory_space<vmem>>, vector<16xf32>,
        tpu.vector_store %arg11[%parallel_loop3A_462, %parallel_loop3A_463], %parallel_loop3A_458 {strides = array<i32>} : memref<8x1024xf32, #tpu.memory_space<vmem>>, vector<16xf32>,
      } {sc.loop_unroll_factor = 8 : i64, sc.parallel_access}
      %mul3A_353 = arith.constant 8 : i32
      %mul3A_354 = arith.muli %add3A_251, %mul3A_353 : i32
      %add3A_355 = arith.addi %mul3A_2, %mul3A_354 : i32
      %dma_start3A_356 = arith.constant 2048 : i32
      %dma_start3A_357 = tpu.memref_slice %arg4[%add3A_355, %dma_start3A_356] : memref<16384x4096xf32, #tpu.memory_space<hbm>> -> memref<8x1024xf32, #tpu.memory_space<hbm>>
      %dma_start3A_358 = arith.constant 2048 : i32
      %dma_start3A_359 = tpu.memref_slice %arg4[%add3A_355, %dma_start3A_358] : memref<16384x4096xf32, #tpu.memory_space<hbm>> -> memref<8x1024xf32, #tpu.memory_space<hbm>>
      tpu.enqueue_dma source(%arg11 : memref<8x1024xf32, #tpu.memory_space<vmem>>) target(%dma_start3A_359 : memref<8x1024xf32, #tpu.memory_space<hbm>>) target_semaphore(%arg18 : memref<!tpu.dma_semaphore, #tpu.memory_space<semaphore_mem>>)
      %sub3A_360 = arith.constant 1 : i32
      %sub3A_361 = arith.subi %add3A_251, %sub3A_360 : i32
      %mul3A_362 = arith.constant 8 : i32
      %mul3A_363 = arith.muli %sub3A_361, %mul3A_362 : i32
      %add3A_364 = arith.addi %mul3A_2, %mul3A_363 : i32
      %dma_wait3A_365 = arith.constant 3072 : i32
      %dma_wait3A_366 = tpu.memref_slice %arg4[%add3A_364, %dma_wait3A_365] : memref<16384x4096xf32, #tpu.memory_space<hbm>> -> memref<8x1024xf32, #tpu.memory_space<hbm>>
      %dma_wait3A_367 = arith.constant 3072 : i32
      %dma_wait3A_368 = tpu.memref_slice %arg4[%add3A_364, %dma_wait3A_367] : memref<16384x4096xf32, #tpu.memory_space<hbm>> -> memref<8x1024xf32, #tpu.memory_space<hbm>>
      tpu.wait_dma2 semaphore(%arg19 : memref<!tpu.dma_semaphore, #tpu.memory_space<semaphore_mem>>) src(%arg12 : memref<8x1024xf32, #tpu.memory_space<vmem>>) dst(%dma_wait3A_368 : memref<8x1024xf32, #tpu.memory_space<hbm>>)
      %parallel_loop3A_369 = arith.constant 0 : i32
      %parallel_loop3A_370 = arith.constant 64 : i32
      %parallel_loop3A_371 = arith.constant 1 : i32
      scf.for %parallel_loop3A_386 = %parallel_loop3A_369 to %parallel_loop3A_370 step %parallel_loop3A_371  : i32 {
        %parallel_loop3A_387 = arith.constant 16 : i32
        %parallel_loop3A_388 = arith.muli %parallel_loop3A_386, %parallel_loop3A_387 : i32
        %parallel_loop3A_389 = arith.constant 3072 : i32
        %parallel_loop3A_390 = arith.addi %parallel_loop3A_389, %parallel_loop3A_388 : i32
        %parallel_loop3A_391 = arith.index_cast %parallel_loop3A_390 : i32 to index
        %parallel_loop3A_392 = tpu.vector_load %arg6[%parallel_loop3A_391] {strides = array<i32>} : memref<4096xi32, #tpu.memory_space<vmem>>, vector<16xi32>,
        %parallel_loop3A_393 = arith.constant 0 : i32
        %parallel_loop3A_394 = vector.broadcast %parallel_loop3A_393 : i32 to vector<16xi32>
        %parallel_loop3A_395 = tpu.vector_load_idx %arg8[%parallel_loop3A_394, %parallel_loop3A_392] : memref<8x4096xf32, #tpu.memory_space<vmem>>[vector<16xi32>, vector<16xi32>], vector<16xf32>,
        %parallel_loop3A_396 = arith.constant 16 : i32
        %parallel_loop3A_397 = arith.muli %parallel_loop3A_386, %parallel_loop3A_396 : i32
        %parallel_loop3A_398 = arith.constant 0 : i32
        %parallel_loop3A_399 = arith.index_cast %parallel_loop3A_398 : i32 to index
        %parallel_loop3A_400 = arith.index_cast %parallel_loop3A_397 : i32 to index
        %parallel_loop3A_401 = tpu.vector_load %arg12[%parallel_loop3A_399, %parallel_loop3A_400] {strides = array<i32>} : memref<8x1024xf32, #tpu.memory_space<vmem>>, vector<16xf32>,
        tpu.vector_store %arg12[%parallel_loop3A_399, %parallel_loop3A_400], %parallel_loop3A_395 {strides = array<i32>} : memref<8x1024xf32, #tpu.memory_space<vmem>>, vector<16xf32>,
        %parallel_loop3A_402 = arith.constant 1 : i32
        %parallel_loop3A_403 = vector.broadcast %parallel_loop3A_402 : i32 to vector<16xi32>
        %parallel_loop3A_404 = tpu.vector_load_idx %arg8[%parallel_loop3A_403, %parallel_loop3A_392] : memref<8x4096xf32, #tpu.memory_space<vmem>>[vector<16xi32>, vector<16xi32>], vector<16xf32>,
        %parallel_loop3A_405 = arith.constant 16 : i32
        %parallel_loop3A_406 = arith.muli %parallel_loop3A_386, %parallel_loop3A_405 : i32
        %parallel_loop3A_407 = arith.constant 1 : i32
        %parallel_loop3A_408 = arith.index_cast %parallel_loop3A_407 : i32 to index
        %parallel_loop3A_409 = arith.index_cast %parallel_loop3A_406 : i32 to index
        %parallel_loop3A_410 = tpu.vector_load %arg12[%parallel_loop3A_408, %parallel_loop3A_409] {strides = array<i32>} : memref<8x1024xf32, #tpu.memory_space<vmem>>, vector<16xf32>,
        tpu.vector_store %arg12[%parallel_loop3A_408, %parallel_loop3A_409], %parallel_loop3A_404 {strides = array<i32>} : memref<8x1024xf32, #tpu.memory_space<vmem>>, vector<16xf32>,
        %parallel_loop3A_411 = arith.constant 2 : i32
        %parallel_loop3A_412 = vector.broadcast %parallel_loop3A_411 : i32 to vector<16xi32>
        %parallel_loop3A_413 = tpu.vector_load_idx %arg8[%parallel_loop3A_412, %parallel_loop3A_392] : memref<8x4096xf32, #tpu.memory_space<vmem>>[vector<16xi32>, vector<16xi32>], vector<16xf32>,
        %parallel_loop3A_414 = arith.constant 16 : i32
        %parallel_loop3A_415 = arith.muli %parallel_loop3A_386, %parallel_loop3A_414 : i32
        %parallel_loop3A_416 = arith.constant 2 : i32
        %parallel_loop3A_417 = arith.index_cast %parallel_loop3A_416 : i32 to index
        %parallel_loop3A_418 = arith.index_cast %parallel_loop3A_415 : i32 to index
        %parallel_loop3A_419 = tpu.vector_load %arg12[%parallel_loop3A_417, %parallel_loop3A_418] {strides = array<i32>} : memref<8x1024xf32, #tpu.memory_space<vmem>>, vector<16xf32>,
        tpu.vector_store %arg12[%parallel_loop3A_417, %parallel_loop3A_418], %parallel_loop3A_413 {strides = array<i32>} : memref<8x1024xf32, #tpu.memory_space<vmem>>, vector<16xf32>,
        %parallel_loop3A_420 = arith.constant 3 : i32
        %parallel_loop3A_421 = vector.broadcast %parallel_loop3A_420 : i32 to vector<16xi32>
        %parallel_loop3A_422 = tpu.vector_load_idx %arg8[%parallel_loop3A_421, %parallel_loop3A_392] : memref<8x4096xf32, #tpu.memory_space<vmem>>[vector<16xi32>, vector<16xi32>], vector<16xf32>,
        %parallel_loop3A_423 = arith.constant 16 : i32
        %parallel_loop3A_424 = arith.muli %parallel_loop3A_386, %parallel_loop3A_423 : i32
        %parallel_loop3A_425 = arith.constant 3 : i32
        %parallel_loop3A_426 = arith.index_cast %parallel_loop3A_425 : i32 to index
        %parallel_loop3A_427 = arith.index_cast %parallel_loop3A_424 : i32 to index
        %parallel_loop3A_428 = tpu.vector_load %arg12[%parallel_loop3A_426, %parallel_loop3A_427] {strides = array<i32>} : memref<8x1024xf32, #tpu.memory_space<vmem>>, vector<16xf32>,
        tpu.vector_store %arg12[%parallel_loop3A_426, %parallel_loop3A_427], %parallel_loop3A_422 {strides = array<i32>} : memref<8x1024xf32, #tpu.memory_space<vmem>>, vector<16xf32>,
        %parallel_loop3A_429 = arith.constant 4 : i32
        %parallel_loop3A_430 = vector.broadcast %parallel_loop3A_429 : i32 to vector<16xi32>
        %parallel_loop3A_431 = tpu.vector_load_idx %arg8[%parallel_loop3A_430, %parallel_loop3A_392] : memref<8x4096xf32, #tpu.memory_space<vmem>>[vector<16xi32>, vector<16xi32>], vector<16xf32>,
        %parallel_loop3A_432 = arith.constant 16 : i32
        %parallel_loop3A_433 = arith.muli %parallel_loop3A_386, %parallel_loop3A_432 : i32
        %parallel_loop3A_434 = arith.constant 4 : i32
        %parallel_loop3A_435 = arith.index_cast %parallel_loop3A_434 : i32 to index
        %parallel_loop3A_436 = arith.index_cast %parallel_loop3A_433 : i32 to index
        %parallel_loop3A_437 = tpu.vector_load %arg12[%parallel_loop3A_435, %parallel_loop3A_436] {strides = array<i32>} : memref<8x1024xf32, #tpu.memory_space<vmem>>, vector<16xf32>,
        tpu.vector_store %arg12[%parallel_loop3A_435, %parallel_loop3A_436], %parallel_loop3A_431 {strides = array<i32>} : memref<8x1024xf32, #tpu.memory_space<vmem>>, vector<16xf32>,
        %parallel_loop3A_438 = arith.constant 5 : i32
        %parallel_loop3A_439 = vector.broadcast %parallel_loop3A_438 : i32 to vector<16xi32>
        %parallel_loop3A_440 = tpu.vector_load_idx %arg8[%parallel_loop3A_439, %parallel_loop3A_392] : memref<8x4096xf32, #tpu.memory_space<vmem>>[vector<16xi32>, vector<16xi32>], vector<16xf32>,
        %parallel_loop3A_441 = arith.constant 16 : i32
        %parallel_loop3A_442 = arith.muli %parallel_loop3A_386, %parallel_loop3A_441 : i32
        %parallel_loop3A_443 = arith.constant 5 : i32
        %parallel_loop3A_444 = arith.index_cast %parallel_loop3A_443 : i32 to index
        %parallel_loop3A_445 = arith.index_cast %parallel_loop3A_442 : i32 to index
        %parallel_loop3A_446 = tpu.vector_load %arg12[%parallel_loop3A_444, %parallel_loop3A_445] {strides = array<i32>} : memref<8x1024xf32, #tpu.memory_space<vmem>>, vector<16xf32>,
        tpu.vector_store %arg12[%parallel_loop3A_444, %parallel_loop3A_445], %parallel_loop3A_440 {strides = array<i32>} : memref<8x1024xf32, #tpu.memory_space<vmem>>, vector<16xf32>,
        %parallel_loop3A_447 = arith.constant 6 : i32
        %parallel_loop3A_448 = vector.broadcast %parallel_loop3A_447 : i32 to vector<16xi32>
        %parallel_loop3A_449 = tpu.vector_load_idx %arg8[%parallel_loop3A_448, %parallel_loop3A_392] : memref<8x4096xf32, #tpu.memory_space<vmem>>[vector<16xi32>, vector<16xi32>], vector<16xf32>,
        %parallel_loop3A_450 = arith.constant 16 : i32
        %parallel_loop3A_451 = arith.muli %parallel_loop3A_386, %parallel_loop3A_450 : i32
        %parallel_loop3A_452 = arith.constant 6 : i32
        %parallel_loop3A_453 = arith.index_cast %parallel_loop3A_452 : i32 to index
        %parallel_loop3A_454 = arith.index_cast %parallel_loop3A_451 : i32 to index
        %parallel_loop3A_455 = tpu.vector_load %arg12[%parallel_loop3A_453, %parallel_loop3A_454] {strides = array<i32>} : memref<8x1024xf32, #tpu.memory_space<vmem>>, vector<16xf32>,
        tpu.vector_store %arg12[%parallel_loop3A_453, %parallel_loop3A_454], %parallel_loop3A_449 {strides = array<i32>} : memref<8x1024xf32, #tpu.memory_space<vmem>>, vector<16xf32>,
        %parallel_loop3A_456 = arith.constant 7 : i32
        %parallel_loop3A_457 = vector.broadcast %parallel_loop3A_456 : i32 to vector<16xi32>
        %parallel_loop3A_458 = tpu.vector_load_idx %arg8[%parallel_loop3A_457, %parallel_loop3A_392] : memref<8x4096xf32, #tpu.memory_space<vmem>>[vector<16xi32>, vector<16xi32>], vector<16xf32>,
        %parallel_loop3A_459 = arith.constant 16 : i32
        %parallel_loop3A_460 = arith.muli %parallel_loop3A_386, %parallel_loop3A_459 : i32
        %parallel_loop3A_461 = arith.constant 7 : i32
        %parallel_loop3A_462 = arith.index_cast %parallel_loop3A_461 : i32 to index
        %parallel_loop3A_463 = arith.index_cast %parallel_loop3A_460 : i32 to index
        %parallel_loop3A_464 = tpu.vector_load %arg12[%parallel_loop3A_462, %parallel_loop3A_463] {strides = array<i32>} : memref<8x1024xf32, #tpu.memory_space<vmem>>, vector<16xf32>,
        tpu.vector_store %arg12[%parallel_loop3A_462, %parallel_loop3A_463], %parallel_loop3A_458 {strides = array<i32>} : memref<8x1024xf32, #tpu.memory_space<vmem>>, vector<16xf32>,
      } {sc.loop_unroll_factor = 8 : i64, sc.parallel_access}
      %mul3A_372 = arith.constant 8 : i32
      %mul3A_373 = arith.muli %add3A_251, %mul3A_372 : i32
      %add3A_374 = arith.addi %mul3A_2, %mul3A_373 : i32
      %dma_start3A_375 = arith.constant 3072 : i32
      %dma_start3A_376 = tpu.memref_slice %arg4[%add3A_374, %dma_start3A_375] : memref<16384x4096xf32, #tpu.memory_space<hbm>> -> memref<8x1024xf32, #tpu.memory_space<hbm>>
      %dma_start3A_377 = arith.constant 3072 : i32
      %dma_start3A_378 = tpu.memref_slice %arg4[%add3A_374, %dma_start3A_377] : memref<16384x4096xf32, #tpu.memory_space<hbm>> -> memref<8x1024xf32, #tpu.memory_space<hbm>>
      tpu.enqueue_dma source(%arg12 : memref<8x1024xf32, #tpu.memory_space<vmem>>) target(%dma_start3A_378 : memref<8x1024xf32, #tpu.memory_space<hbm>>) target_semaphore(%arg19 : memref<!tpu.dma_semaphore, #tpu.memory_space<semaphore_mem>>)
      %add3A_379 = arith.constant 2 : i32
      %add3A_380 = arith.addi %add3A_251, %add3A_379 : i32
      %lt3A_381 = arith.constant 64 : i32
      %lt3A_382 = arith.cmpi slt, %add3A_380, %lt3A_381 : i32
      %convert_element_type3A_383 = arith.extui %lt3A_382 : i1 to i32
      %cond3A_384 = arith.constant 0 : i32
      %cond3A_385 = arith.cmpi ne, %convert_element_type3A_383, %cond3A_384 : i32
      scf.if %cond3A_385 {
        %add3A_386 = arith.constant 2 : i32
        %add3A_387 = arith.addi %add3A_251, %add3A_386 : i32
        %mul3A_388 = arith.constant 8 : i32
        %mul3A_389 = arith.muli %add3A_387, %mul3A_388 : i32
        %add3A_390 = arith.addi %mul3A_2, %mul3A_389 : i32
        %dma_start3A_391 = arith.constant 0 : i32
        %dma_start3A_392 = arith.constant 0 : i32
        %dma_start3A_393 = tpu.memref_slice %arg8[%dma_start3A_391, %dma_start3A_392] : memref<8x4096xf32, #tpu.memory_space<vmem>> -> memref<8x1024xf32, #tpu.memory_space<vmem>>
        %dma_start3A_394 = arith.constant 0 : i32
        %dma_start3A_395 = tpu.memref_slice %arg2[%add3A_390, %dma_start3A_394] : memref<16384x4096xf32, #tpu.memory_space<hbm>> -> memref<8x1024xf32, #tpu.memory_space<hbm>>
        %dma_start3A_396 = arith.constant 0 : i32
        %dma_start3A_397 = arith.constant 0 : i32
        %dma_start3A_398 = tpu.memref_slice %arg8[%dma_start3A_396, %dma_start3A_397] : memref<8x4096xf32, #tpu.memory_space<vmem>> -> memref<8x1024xf32, #tpu.memory_space<vmem>>
        %dma_start3A_399 = arith.constant 0 : i32
        %dma_start3A_400 = tpu.memref_slice %arg2[%add3A_390, %dma_start3A_399] : memref<16384x4096xf32, #tpu.memory_space<hbm>> -> memref<8x1024xf32, #tpu.memory_space<hbm>>
        tpu.enqueue_dma source(%dma_start3A_400 : memref<8x1024xf32, #tpu.memory_space<hbm>>) target(%dma_start3A_398 : memref<8x1024xf32, #tpu.memory_space<vmem>>) target_semaphore(%arg15 : memref<!tpu.dma_semaphore, #tpu.memory_space<semaphore_mem>>)
        %mul3A_401 = arith.constant 8 : i32
        %mul3A_402 = arith.muli %add3A_387, %mul3A_401 : i32
        %add3A_403 = arith.addi %mul3A_2, %mul3A_402 : i32
        %dma_start3A_404 = arith.constant 0 : i32
        %dma_start3A_405 = arith.constant 1024 : i32
        %dma_start3A_406 = tpu.memref_slice %arg8[%dma_start3A_404, %dma_start3A_405] : memref<8x4096xf32, #tpu.memory_space<vmem>> -> memref<8x1024xf32, #tpu.memory_space<vmem>>
        %dma_start3A_407 = arith.constant 1024 : i32
        %dma_start3A_408 = tpu.memref_slice %arg2[%add3A_403, %dma_start3A_407] : memref<16384x4096xf32, #tpu.memory_space<hbm>> -> memref<8x1024xf32, #tpu.memory_space<hbm>>
        %dma_start3A_409 = arith.constant 0 : i32
        %dma_start3A_410 = arith.constant 1024 : i32
        %dma_start3A_411 = tpu.memref_slice %arg8[%dma_start3A_409, %dma_start3A_410] : memref<8x4096xf32, #tpu.memory_space<vmem>> -> memref<8x1024xf32, #tpu.memory_space<vmem>>
        %dma_start3A_412 = arith.constant 1024 : i32
        %dma_start3A_413 = tpu.memref_slice %arg2[%add3A_403, %dma_start3A_412] : memref<16384x4096xf32, #tpu.memory_space<hbm>> -> memref<8x1024xf32, #tpu.memory_space<hbm>>
        tpu.enqueue_dma source(%dma_start3A_413 : memref<8x1024xf32, #tpu.memory_space<hbm>>) target(%dma_start3A_411 : memref<8x1024xf32, #tpu.memory_space<vmem>>) target_semaphore(%arg15 : memref<!tpu.dma_semaphore, #tpu.memory_space<semaphore_mem>>)
        %mul3A_414 = arith.constant 8 : i32
        %mul3A_415 = arith.muli %add3A_387, %mul3A_414 : i32
        %add3A_416 = arith.addi %mul3A_2, %mul3A_415 : i32
        %dma_start3A_417 = arith.constant 0 : i32
        %dma_start3A_418 = arith.constant 2048 : i32
        %dma_start3A_419 = tpu.memref_slice %arg8[%dma_start3A_417, %dma_start3A_418] : memref<8x4096xf32, #tpu.memory_space<vmem>> -> memref<8x1024xf32, #tpu.memory_space<vmem>>
        %dma_start3A_420 = arith.constant 2048 : i32
        %dma_start3A_421 = tpu.memref_slice %arg2[%add3A_416, %dma_start3A_420] : memref<16384x4096xf32, #tpu.memory_space<hbm>> -> memref<8x1024xf32, #tpu.memory_space<hbm>>
        %dma_start3A_422 = arith.constant 0 : i32
        %dma_start3A_423 = arith.constant 2048 : i32
        %dma_start3A_424 = tpu.memref_slice %arg8[%dma_start3A_422, %dma_start3A_423] : memref<8x4096xf32, #tpu.memory_space<vmem>> -> memref<8x1024xf32, #tpu.memory_space<vmem>>
        %dma_start3A_425 = arith.constant 2048 : i32
        %dma_start3A_426 = tpu.memref_slice %arg2[%add3A_416, %dma_start3A_425] : memref<16384x4096xf32, #tpu.memory_space<hbm>> -> memref<8x1024xf32, #tpu.memory_space<hbm>>
        tpu.enqueue_dma source(%dma_start3A_426 : memref<8x1024xf32, #tpu.memory_space<hbm>>) target(%dma_start3A_424 : memref<8x1024xf32, #tpu.memory_space<vmem>>) target_semaphore(%arg15 : memref<!tpu.dma_semaphore, #tpu.memory_space<semaphore_mem>>)
        %mul3A_427 = arith.constant 8 : i32
        %mul3A_428 = arith.muli %add3A_387, %mul3A_427 : i32
        %add3A_429 = arith.addi %mul3A_2, %mul3A_428 : i32
        %dma_start3A_430 = arith.constant 0 : i32
        %dma_start3A_431 = arith.constant 3072 : i32
        %dma_start3A_432 = tpu.memref_slice %arg8[%dma_start3A_430, %dma_start3A_431] : memref<8x4096xf32, #tpu.memory_space<vmem>> -> memref<8x1024xf32, #tpu.memory_space<vmem>>
        %dma_start3A_433 = arith.constant 3072 : i32
        %dma_start3A_434 = tpu.memref_slice %arg2[%add3A_429, %dma_start3A_433] : memref<16384x4096xf32, #tpu.memory_space<hbm>> -> memref<8x1024xf32, #tpu.memory_space<hbm>>
        %dma_start3A_435 = arith.constant 0 : i32
        %dma_start3A_436 = arith.constant 3072 : i32
        %dma_start3A_437 = tpu.memref_slice %arg8[%dma_start3A_435, %dma_start3A_436] : memref<8x4096xf32, #tpu.memory_space<vmem>> -> memref<8x1024xf32, #tpu.memory_space<vmem>>
        %dma_start3A_438 = arith.constant 3072 : i32
        %dma_start3A_439 = tpu.memref_slice %arg2[%add3A_429, %dma_start3A_438] : memref<16384x4096xf32, #tpu.memory_space<hbm>> -> memref<8x1024xf32, #tpu.memory_space<hbm>>
        tpu.enqueue_dma source(%dma_start3A_439 : memref<8x1024xf32, #tpu.memory_space<hbm>>) target(%dma_start3A_437 : memref<8x1024xf32, #tpu.memory_space<vmem>>) target_semaphore(%arg15 : memref<!tpu.dma_semaphore, #tpu.memory_space<semaphore_mem>>)
      } else {
      }
    }
    %scan3A_104 = arith.constant 32 : i32
    %add3A_105 = arith.constant 504 : i32
    %add3A_106 = arith.addi %mul3A_2, %add3A_105 : i32
    %dma_wait3A = arith.constant 0 : i32
    %dma_wait3A_107 = tpu.memref_slice %arg4[%add3A_106, %dma_wait3A] : memref<16384x4096xf32, #tpu.memory_space<hbm>> -> memref<8x1024xf32, #tpu.memory_space<hbm>>
    %dma_wait3A_108 = arith.constant 0 : i32
    %dma_wait3A_109 = tpu.memref_slice %arg4[%add3A_106, %dma_wait3A_108] : memref<16384x4096xf32, #tpu.memory_space<hbm>> -> memref<8x1024xf32, #tpu.memory_space<hbm>>
    tpu.wait_dma2 semaphore(%arg16 : memref<!tpu.dma_semaphore, #tpu.memory_space<semaphore_mem>>) src(%arg9 : memref<8x1024xf32, #tpu.memory_space<vmem>>) dst(%dma_wait3A_109 : memref<8x1024xf32, #tpu.memory_space<hbm>>)
    %add3A_110 = arith.constant 504 : i32
    %add3A_111 = arith.addi %mul3A_2, %add3A_110 : i32
    %dma_wait3A_112 = arith.constant 1024 : i32
    %dma_wait3A_113 = tpu.memref_slice %arg4[%add3A_111, %dma_wait3A_112] : memref<16384x4096xf32, #tpu.memory_space<hbm>> -> memref<8x1024xf32, #tpu.memory_space<hbm>>
    %dma_wait3A_114 = arith.constant 1024 : i32
    %dma_wait3A_115 = tpu.memref_slice %arg4[%add3A_111, %dma_wait3A_114] : memref<16384x4096xf32, #tpu.memory_space<hbm>> -> memref<8x1024xf32, #tpu.memory_space<hbm>>
    tpu.wait_dma2 semaphore(%arg17 : memref<!tpu.dma_semaphore, #tpu.memory_space<semaphore_mem>>) src(%arg10 : memref<8x1024xf32, #tpu.memory_space<vmem>>) dst(%dma_wait3A_115 : memref<8x1024xf32, #tpu.memory_space<hbm>>)
    %add3A_116 = arith.constant 504 : i32
    %add3A_117 = arith.addi %mul3A_2, %add3A_116 : i32
    %dma_wait3A_118 = arith.constant 2048 : i32
    %dma_wait3A_119 = tpu.memref_slice %arg4[%add3A_117, %dma_wait3A_118] : memref<16384x4096xf32, #tpu.memory_space<hbm>> -> memref<8x1024xf32, #tpu.memory_space<hbm>>
    %dma_wait3A_120 = arith.constant 2048 : i32
    %dma_wait3A_121 = tpu.memref_slice %arg4[%add3A_117, %dma_wait3A_120] : memref<16384x4096xf32, #tpu.memory_space<hbm>> -> memref<8x1024xf32, #tpu.memory_space<hbm>>
    tpu.wait_dma2 semaphore(%arg18 : memref<!tpu.dma_semaphore, #tpu.memory_space<semaphore_mem>>) src(%arg11 : memref<8x1024xf32, #tpu.memory_space<vmem>>) dst(%dma_wait3A_121 : memref<8x1024xf32, #tpu.memory_space<hbm>>)
    %add3A_122 = arith.constant 504 : i32
    %add3A_123 = arith.addi %mul3A_2, %add3A_122 : i32
    %dma_wait3A_124 = arith.constant 3072 : i32
    %dma_wait3A_125 = tpu.memref_slice %arg4[%add3A_123, %dma_wait3A_124] : memref<16384x4096xf32, #tpu.memory_space<hbm>> -> memref<8x1024xf32, #tpu.memory_space<hbm>>
    %dma_wait3A_126 = arith.constant 3072 : i32
    %dma_wait3A_127 = tpu.memref_slice %arg4[%add3A_123, %dma_wait3A_126] : memref<16384x4096xf32, #tpu.memory_space<hbm>> -> memref<8x1024xf32, #tpu.memory_space<hbm>>
    tpu.wait_dma2 semaphore(%arg19 : memref<!tpu.dma_semaphore, #tpu.memory_space<semaphore_mem>>) src(%arg12 : memref<8x1024xf32, #tpu.memory_space<vmem>>) dst(%dma_wait3A_127 : memref<8x1024xf32, #tpu.memory_space<hbm>>)
    return
  }
}

</mosaic_0001>

<sc_bundles>
// kernel: kernel.3.cloned.1.call-start
scs
__scs_entry_jumppad:
0x0: {  	(pc) =	sbr.rel $0x88, $3  }
0x1: {  	(tag) =	ssettag $0x0;
	lr =	simm.s32 $0x1  }
0x2: {  	[smem:$0x3F9F] =	sst lr;
	_ =	strace $0xD0000000  }
0x3: {  	_ = 	snop  }
0x4: {  	_ = 	snop  }
0x5: {  	_ = 	snop  }
0x6: {  	_ = 	snop  }
0x7: {  	_ = 	snop  }
__scs_overlays_trampoline_lowered:
0x8: {  	[smem:$0x3FAE] =	sst s0  }
0x9: {  	[smem:$0x3FAF] =	sst s1  }
0xa: {  	[smem:$0x3FB0] =	sst s2  }
0xb: {  	[smem:$0x3FB1] =	sst s3  }
0xc: {  	[smem:$0x3FB2] =	sst s4  }
0xd: {  	[smem:$0x3FB3] =	sst s5  }
0xe: {  	[smem:$0x3FB4] =	sst s6  }
0xf: {  	[smem:$0x3FB5] =	sst s7  }
0x10: {  	[smem:$0x3FB6] =	sst s8  }
0x11: {  	[smem:$0x3FB7] =	sst s9;
	s0 =	simm.s32 @!p0 $0x0  }
0x12: {  	s1 =	sld [smem:$0x3F9D];
	s0 =	simm.s32 @p0 $0x1  }
0x13: {  	[smem:$0x3FB8] =	sst s0;
	s0 =	simm.s32 @!p1 $0x0  }
0x14: {  	s2 =	sld [smem:$0x3F9C];
	s0 =	simm.s32 @p1 $0x1  }
0x15: {  	[smem:$0x3FB9] =	sst s0;
	s0 =	simm.s32 @!p2 $0x0  }
0x16: {  	s3 =	sld [smem:$0x3FDB];
	s0 =	simm.s32 @p2 $0x1  }
0x17: {  	s4 =	simm.s32 $0x1BF5;
	[smem:$0x3FBB] =	sst s0  }
0x18: {  	s0 =	sld [smem:$0x3F9E];
	_ =	swait.ge [sflag:s4], $0x0  }
0x19: {  	s7 =	sld [smem:$0x3F9F]  }
0x1a: {  	s8 =	sadd.s32 $0xFFFFE003, lr  }
0x1b: {  	s9 =	sadd.s32 $0xFFFFFEF7, lr;
	s5 =	simm.s32 $0xFFFFFFFF;
	p2 =	slt.u32 s8, $0xFFFFF086  }
0x1c: {  	p1 =	slt.u32 s9, $0xF7A;
	s5 =	simm.s32 @!p2 $0x0  }
0x1d: {  	s5 =	simm.s32 @p1 $0x1;
	p0 =	seq.s32 s7, s2  }
0x1e: {  	s7 =	smul.u32 @!p0 $0xF7A, s2;
	p2 =	seq.s32 @!p0 s5, $0x0  }
0x1f: {  	s9 =	smul.u32 $0xF7A, s1;
	s8 =	simm.s32 @!p0 $0x1BF5;
	p2 =	por !p2, p0  }
0x20: {  	[sflag:s8] =	ssyncset.s32 @!p0 $0xFFFFF086;
	s6 =	sadd.s32 @!p0 s3, s7;
	s7 =	simm.s32 @!p0 $0x108  }
0x21: {  	s3 =	sadd.s32 s3, s9;
	s6 =	sadd.s32 @!p0 $0x88, s6;
	s7 =	simm.s32 @p2 $0x1082  }
0x22: {  	[simem:s7], [sflag:s8] =	dma.local @!p0 [hbm:s6], $0xF7A  }
0x23: {  	s9 =	sor.u32 $0xD0000000, s2;
	s6 =	simm.s32 $0x108;
	_ =	swait.ge @!p0 [sflag:s8], $0x0  }
0x24: {  	s3 =	sadd.s32 $0x88, s3;
	s6 =	simm.s32 @!p1 $0x1082;
	[sflag:s4] =	ssyncset.s32 $0xFFFFF086  }
0x25: {  	[simem:s6], [sflag:s4] =	dma.local [hbm:s3], $0xF7A  }
0x26: {  	[smem:$0x3F9F] =	sst s1;
	(tag) =	ssettag s2;
	_ =	strace s9  }
0x27: {  	s1 =	sld [smem:$0x3FAF]  }
0x28: {  	s2 =	sld [smem:$0x3FB0]  }
0x29: {  	s4 =	sld [smem:$0x3FB2]  }
0x2a: {  	p0 =	seq.s32 s5, $0x0;
	s5 =	sld [smem:$0x3FB3]  }
0x2b: {  	s6 =	sld [smem:$0x3FB4]  }
0x2c: {  	s7 =	sld [smem:$0x3FB5]  }
0x2d: {  	s3 =	simm.s32 $0x108;
	s8 =	sld [smem:$0x3FB6]  }
0x2e: {  	s3 =	simm.s32 @!p0 $0x1082;
	s9 =	sld [smem:$0x3FB7]  }
0x2f: {  	lr =	sadd.s32 s0, s3;
	s0 =	sld [smem:$0x3FAE]  }
0x30: {  	s3 =	sld [smem:$0x3FB1]  }
0x31: {  	[smem:$0x3FBA] =	sst s10  }
0x32: {  	s10 =	sld [smem:$0x3FB8];
	_ =	sdelay $0x3  }
0x33: {  	p0 =	seq.s32 s10, $0x1;
	s10 =	sld [smem:$0x3FBA];
	_ =	sdelay $0x3  }
0x34: {  	[smem:$0x3FBA] =	sst s10  }
0x35: {  	s10 =	sld [smem:$0x3FB9];
	_ =	sdelay $0x3  }
0x36: {  	p1 =	seq.s32 s10, $0x1;
	s10 =	sld [smem:$0x3FBA];
	_ =	sdelay $0x3  }
0x37: {  	[smem:$0x3FBA] =	sst s10  }
0x38: {  	s10 =	sld [smem:$0x3FBB]  }
0x39: {  	_ = 	snop;
	(pc) =	sbr.ind lr, $3  }
0x3a: {  	_ = 	snop  }
0x3b: {  	_ = 	snop  }
0x3c: {  	p2 =	seq.s32 s10, $0x1;
	s10 =	sld [smem:$0x3FBA]  }
0x3d: {  	_ =	shalt  }
0x3e: {  	_ =	shalt  }
0x3f: {  	_ =	shalt  }
0x40: {  	_ =	shalt  }
0x41: {  	_ =	shalt  }
0x42: {  	_ =	shalt  }
0x43: {  	_ =	shalt  }
0x44: {  	_ =	shalt  }
0x45: {  	_ =	shalt  }
0x46: {  	_ =	shalt  }
0x47: {  	_ =	shalt  }
0x48: {  	_ =	shalt  }
0x49: {  	_ =	shalt  }
0x4a: {  	_ =	shalt  }
0x4b: {  	_ =	shalt  }
0x4c: {  	_ =	shalt  }
0x4d: {  	_ =	shalt  }
0x4e: {  	_ =	shalt  }
0x4f: {  	_ =	shalt  }
0x50: {  	_ =	shalt  }
0x51: {  	_ =	shalt  }
0x52: {  	_ =	shalt  }
0x53: {  	_ =	shalt  }
0x54: {  	_ =	shalt  }
0x55: {  	_ =	shalt  }
0x56: {  	_ =	shalt  }
0x57: {  	_ =	shalt  }
0x58: {  	_ =	shalt  }
0x59: {  	_ =	shalt  }
0x5a: {  	_ =	shalt  }
0x5b: {  	_ =	shalt  }
0x5c: {  	_ =	shalt  }
0x5d: {  	_ =	shalt  }
0x5e: {  	_ =	shalt  }
0x5f: {  	_ =	shalt  }
0x60: {  	_ =	shalt  }
0x61: {  	_ =	shalt  }
0x62: {  	_ =	shalt  }
0x63: {  	_ =	shalt  }
0x64: {  	_ =	shalt  }
0x65: {  	_ =	shalt  }
0x66: {  	_ =	shalt  }
0x67: {  	_ =	shalt  }
0x68: {  	_ =	shalt  }
0x69: {  	_ =	shalt  }
0x6a: {  	_ =	shalt  }
0x6b: {  	_ =	shalt  }
0x6c: {  	_ =	shalt  }
0x6d: {  	_ =	shalt  }
0x6e: {  	_ =	shalt  }
0x6f: {  	_ =	shalt  }
0x70: {  	_ =	shalt  }
0x71: {  	_ =	shalt  }
0x72: {  	_ =	shalt  }
0x73: {  	_ =	shalt  }
0x74: {  	_ =	shalt  }
0x75: {  	_ =	shalt  }
0x76: {  	_ =	shalt  }
0x77: {  	_ =	shalt  }
0x78: {  	_ =	shalt  }
0x79: {  	_ =	shalt  }
0x7a: {  	_ =	shalt  }
0x7b: {  	_ =	shalt  }
0x7c: {  	_ =	shalt  }
0x7d: {  	_ =	shalt  }
0x7e: {  	_ =	shalt  }
0x7f: {  	_ =	shalt  }
0x80: {  	_ =	shalt  }
0x81: {  	_ =	shalt  }
0x82: {  	_ =	shalt  }
0x83: {  	_ =	shalt  }
0x84: {  	_ =	shalt  }
0x85: {  	_ =	shalt  }
0x86: {  	_ =	shalt  }
0x87: {  	_ =	shalt  }
.Lfunc_end0:
.L_simem_size_0:
called_computation_lowered:
.L_overlay_start_0:
0x88: {  	s2 =	sld [smem:$0x3FD9]  }
0x89: {  	s3 =	sld [smem:$0x3FFE];
	_ =	sdelay $0x1  }
0x8a: {  	s1 =	srdreg.scid  }
0x8b: {  	s0 =	sand.u32 $0x1, s1  }
0x8c: {  	s15 =	sshll.u32 s0, $0xA;
	s2 =	sadd.s32 s3, s2  }
0x8d: {  	s2 =	sadd.s32 s2, s15  }
0x8e: {  	[smem:$0x3FC6] =	sst s2  }
0x8f: {  	_ = 	snop  }
0x90: {  	s2 =	sld [smem:$0x3FD0];
	_ =	sdelay $0x1  }
0x91: {  	s16 =	sld [smem:$0x3FC9]  }
0x92: {  	s5 =	simm.s32 $0xA;
	s6 =	simm.s32 $0x10;
	s4 =	sld [smem:$0x3FC8]  }
0x93: {  	[smem:s6], [sflag:s5] =	dma.local [hbm:s2], $0x1  }
0x94: {  	_ =	swait.eq [sflag:s5], $0x1  }
0x95: {  	[sflag:s5] =	ssyncset.done $0x0  }
0x96: {  	s17 =	sld [smem:$0x10];
	[sflag:s5] =	ssyncadd.s32 $0xFFFFFFFF  }
0x97: {  	s18 =	sld [smem:$0x11];
	(tm) =	ssettm $0x1  }
0x98: {  	s19 =	sld [smem:$0x3FFB];
	_ =	sdelay $0x3  }
0x99: {  	_ =	strace s19  }
0x9a: {  	s6 =	sld [smem:$0x3FFC];
	_ =	sdelay $0x3  }
0x9b: {  	_ =	strace s6  }
0x9c: {  	s6 =	sld [smem:$0x3FFD];
	_ =	sdelay $0x3  }
0x9d: {  	_ =	strace s6  }
0x9e: {  	_ =	strace $0x8FFFFFFF  }
0x9f: {  	s20 =	sld [smem:$0x3FDB];
	_ =	sdelay $0x1  }
0xa0: {  	s7 =	simm.s32 $_scs_section_size  }
0xa1: {  	s8 =	simm.s32 $_size__tile_overlayer_lowered;
	s9 =	simm.s32 $_tile_overlayer_lowered  }
0xa2: {  	s23 =	simm.s32 $0x1BFF;
	s22 =	sshll.u32 s9, $0x1;
	s6 =	sadd.s32 s7, s20  }
0xa3: {  	s10 =	simm.s32 $0x0;
	s21 =	sshll.u32 s8, $0x1;
	s8 =	sadd.s32 s22, s6  }
0xa4: {  	[timem:s10], [sflag:s23] =	dma.local [hbm:s8], s21  }
0xa5: {  	_ =	swait.ge [sflag:s23], s21  }
0xa6: {  	s7 =	ssub.s32 $0x0, s21;
	[sflag:s23] =	ssyncset.done $0x0  }
0xa7: {  	[sflag:s23] =	ssyncadd.s32 s7;
	_ =	sdelay $0x1  }
0xa8: {  	s24 =	simm.s32 $0x1B8B  }
0xa9: {  	_ =	swait.ge [sflag:s24], $0x1  }
0xaa: {  	[sflag:s24] =	ssyncset.done $0x0  }
0xab: {  	s25 =	simm.s32 $0x1B8E;
	[sflag:s24] =	ssyncadd.s32 $0xFFFFFFFF  }
0xac: {  	s26 =	simm.s32 $execute0_lowered;
	[smem:$0x3FD2] =	sst s25  }
0xad: {  	s7 =	sshll.u32 s26, $0x1;
	_ =	strace $0x80000046;
	[dreg:$0x1] =	wrdreg $0xFFFFFFFF  }
0xae: {  	s28 =	simm.s32 $_size_execute0_lowered;
	s6 =	sadd.s32 s6, s7;
	[dreg:$0x0] =	wrdreg $0x0  }
0xaf: {  	s7 =	sshll.u32 s28, $0x1;
	[dreg:$0x2] =	wrdreg s6  }
0xb0: {  	[dreg:$0x3] =	wrdreg s7  }
0xb1: {  	[dreg:$0x4] =	wrdreg $0xC0  }
0xb2: {  	_ =	task [dreg:s10], $0x5FFFF  }
0xb3: {  	[dreg:$0x1] =	wrdreg $0xFFFFFFFF  }
0xb4: {  	[dreg:$0x0] =	wrdreg $0x60  }
0xb5: {  	[dreg:$0x2] =	wrdreg s16  }
0xb6: {  	[dreg:$0x3] =	wrdreg s4  }
0xb7: {  	[dreg:$0x4] =	wrdreg s17  }
0xb8: {  	[dreg:$0x5] =	wrdreg s18  }
0xb9: {  	[dreg:$0x6] =	wrdreg $0x9  }
0xba: {  	_ =	task.clear_ibuf [dreg:s10], $0x7FFFF;
	_ =	strace $0x90000046  }
0xbb: {  	s29 =	simm.s32 $0x9;
	_ =	strace $0x80000048  }
0xbc: {  	_ =	swait.ge [sflag:s29], $0x1  }
0xbd: {  	[sflag:s29] =	ssyncadd.s32 $0xFFFFFFFF  }
0xbe: {  	_ =	strace $0x90000048  }
0xbf: {  	_ =	sfence  }
0xc0: {  	s30 =	sld [smem:$0x0];
	_ =	sdelay $0x2  }
0xc1: {  	s31 =	sshll.u32 s1, $0xD;
	s1 =	sshrl.u32 s1, $0x2  }
0xc2: {  	s3 =	sand.u32 $0x4000, s31;
	s1 =	sadd.s32 s1, s30  }
0xc3: {  	s0 =	sor.u32 s3, s0;
	s1 =	sshll.u32 s1, $0x11  }
0xc4: {  	s0 =	sor.u32 s1, s0  }
0xc5: {  	s0 =	sadd.s32 $0x8F2B, s0  }
0xc6: {  	[sflag:s0] =	ssyncadd.remote.s32 $0x1  }
0xc7: {  	_ =	sfence.sel $0xFFFF  }
0xc8: {  	[dreg:$0x0] =	wrdreg $0xFFFFFFFF;
	(pc) =	sbr.abs _section_cstart, $3  }
0xc9: {  	[dreg:$0x1] =	wrdreg $0xFFFFFFFF  }
0xca: {  	_ =	task.clear_ibuf [dreg:s10], $0x2FFFF;
	_ =	strace $0x9FFFFFFF  }
0xcb: {  	(tm) =	ssettm $0x7FFFFFFF  }
tec
execute0_lowered:
.L_overlay_start_1:
0x0: {  	(tag) =	ssettag $0x1  }
0x1: {  	s7 =	rddreg [dreg:$0x0]  }
0x2: {  	s4 =	rddreg [dreg:$0x2]  }
0x3: {  	s0 =	rddreg [dreg:$0x3]  }
0x4: {  	s1 =	srdreg.scid;
	s2 =	stileid.u32  }
0x5: {  	s5 =	simm.s32 $0x0;
	s31 =	simm.s32 $0x9000;
	s30 =	simm.s32 $0x1  }
0x6: {  	s29 =	simm.s32 $0x11000;
	s12 =	simm.s32 $0x15000;
	s13 =	simm.s32 $0x17000  }
0x7: {  	s14 =	simm.s32 $0x2;
	s15 =	simm.s32 $0x3;
	s16 =	simm.s32 $0x4  }
0x8: {  	s17 =	simm.s32 $0x5;
	s18 =	simm.s32 $0x6;
	s1 =	sand.u32 $0x1, s1  }
0x9: {  	s2 =	sshll.u32 s2, $0xA;
	[smem:$0x7FF] =	sst s5;
	s3 =	sshll.u32 s1, $0x9  }
0xa: {  	s8 =	sadd.s32 $0x400, s7;
	s10 =	sadd.s32 $0x800, s7;
	s2 =	sor.u32 s3, s2  }
0xb: {  	s11 =	sadd.s32 $0xC00, s7;
	s1 =	ssub.s32 $0x2, s1;
	s6 =	sshll.u32 s2, $0x9  }
0xc: {  	_ =	strace $0x80000047;
	s19 =	sshrl.u32 s1, $0x1;
	s9 =	sadd.s32 s6, s8  }
0xd: {  	s1 =	ssub.s32 s1, s19;
	s21 =	sadd.s32 s6, s10;
	[dreg:$0x6] =	wrdreg s9  }
0xe: {  	s2 =	sshrl.u32 s2, $0x3;
	s22 =	sadd.s32 s6, s11;
	[dreg:$0x7] =	wrdreg s21  }
0xf: {  	s19 =	sadd.s32 $0x400, s4;
	s20 =	sadd.s32 s7, s6;
	[dreg:$0x8] =	wrdreg s22  }
0x10: {  	s0 =	sadd.s32 s0, s2;
	s26 =	sor.u32 $0x3, s2;
	[dreg:$0x5] =	wrdreg s20  }
0x11: {  	s28 =	smax.u32 s1, $0x1;
	s1 =	simm.s32 $0x0;
	[dreg:$0xd] =	wrdreg s0  }
0x12: {  	s23 =	sadd.s32 $0x1000, s20;
	s24 =	sadd.s32 $0x1400, s20;
	[dreg:$0xe] =	wrdreg s26  }
.Ltmp0:
0x13: {  	s25 =	sadd.s32 $0x1800, s20;
	[dreg:$0xf] =	wrdreg s28;
	(pc) =	sbr.rel .LBB2_1-.Ltmp0, $4  }
0x14: {  	s3 =	sadd.s32 $0x1C00, s20;
	s20 =	sadd.s32 $0x800, s4;
	[dreg:$0x9] =	wrdreg s23  }
0x15: {  	s21 =	sadd.s32 $0xC00, s4;
	s22 =	sor.u32 $0x2, s2;
	[dreg:$0xa] =	wrdreg s24  }
0x16: {  	s26 =	simm.s32 $0x1000;
	s2 =	simm.s32 $0x7;
	[dreg:$0xb] =	wrdreg s25  }
0x17: {  	v0 =	vimm.f32 $0.0e+00;
	s9 =	simm.s32 $0x13000;
	[dreg:$0xc] =	wrdreg s3;
	s25 =	sor.u32 $0x1000, s6  }
.LBB2_22:
0x18: {  	_ =	swait.ge [sflag:s15], $0x2000  }
0x19: {  	[sflag:s15] =	ssyncset.done $0x0  }
0x1a: {  	[sflag:s15] =	ssyncadd.s32 $0xFFFFE000  }
0x1b: {  	_ =	swait.ge [sflag:s16], $0x2000  }
0x1c: {  	[sflag:s16] =	ssyncset.done $0x0  }
0x1d: {  	[sflag:s16] =	ssyncadd.s32 $0xFFFFE000  }
0x1e: {  	_ =	swait.ge [sflag:s17], $0x2000  }
0x1f: {  	[sflag:s17] =	ssyncset.done $0x0  }
0x20: {  	[sflag:s17] =	ssyncadd.s32 $0xFFFFE000  }
0x21: {  	_ =	swait.ge [sflag:s18], $0x2000  }
0x22: {  	s1 =	rddreg [dreg:$0x10]  }
0x23: {  	s0 =	rddreg [dreg:$0xf];
	s1 =	sadd.s32 $0x1, s1  }
0x24: {  	p0 =	sne.s32 s1, s0  }
.Ltmp1:
0x25: {  	_ = 	snop;
	(pc) =	sbr.rel @!p0 .LBB2_23-.Ltmp1, $3  }
0x26: {  	_ =	sdelay $0x1  }
0x27: {  	[sflag:s18] =	ssyncset.done $0x0  }
0x28: {  	s2 =	simm.s32 $0x7;
	[sflag:s18] =	ssyncadd.s32 $0xFFFFE000  }
.LBB2_1:
0x29: {  	[dreg:$0x10] =	wrdreg s1  }
0x2a: {  	s0 =	rddreg [dreg:$0x5]  }
0x2b: {  	[tilespmem:s26], [sflag:$0x1] =	stream.linear.gather [hbm4b:s0+s5], $0x2000, $0x38;
	[tilespmem:$0x19200] =	vst v63  }
0x2c: {  	s7 =	rddreg [dreg:$0x6];
	s23 =	simm.s32 $0x3000  }
0x2d: {  	[tilespmem:s23], [sflag:$0x1] =	stream.linear.gather [hbm4b:s7+s5], $0x2000, $0x38;
	[tilespmem:$0x19200] =	vst v63  }
0x2e: {  	s24 =	rddreg [dreg:$0x7];
	s28 =	simm.s32 $0x5000  }
0x2f: {  	[tilespmem:s28], [sflag:$0x1] =	stream.linear.gather [hbm4b:s24+s5], $0x2000, $0x38;
	[tilespmem:$0x19200] =	vst v63  }
0x30: {  	s3 =	rddreg [dreg:$0x8];
	s7 =	simm.s32 $0x7000  }
0x31: {  	[tilespmem:s7], [sflag:$0x1] =	stream.linear.gather [hbm4b:s3+s5], $0x2000, $0x38;
	[tilespmem:$0x19200] =	vst v63  }
0x32: {  	s23 =	rddreg [dreg:$0x9]  }
0x33: {  	[tilespmem:s31], [sflag:$0x2] =	stream.linear.gather [hbm4b:s23+s5], $0x2000, $0x38;
	[tilespmem:$0x19200] =	vst v63  }
0x34: {  	s24 =	rddreg [dreg:$0xa];
	s28 =	simm.s32 $0xB000  }
0x35: {  	[tilespmem:s28], [sflag:$0x2] =	stream.linear.gather [hbm4b:s24+s5], $0x2000, $0x38;
	[tilespmem:$0x19200] =	vst v63  }
0x36: {  	s3 =	rddreg [dreg:$0xb];
	s7 =	simm.s32 $0xD000  }
0x37: {  	[tilespmem:s7], [sflag:$0x2] =	stream.linear.gather [hbm4b:s3+s5], $0x2000, $0x38;
	[tilespmem:$0x19200] =	vst v63  }
0x38: {  	s23 =	rddreg [dreg:$0xc];
	s24 =	simm.s32 $0xF000  }
0x39: {  	[tilespmem:s24], [sflag:$0x2] =	stream.linear.gather [hbm4b:s23+s5], $0x2000, $0x38;
	[tilespmem:$0x19200] =	vst v63  }
0x3a: {  	s28 =	rddreg [dreg:$0x1]  }
0x3b: {  	[tilespmem:s5], [sflag:$0x7] =	stream.linear.gather [hbm4b:s28+s5], $0x1000, $0x38;
	[tilespmem:$0x19200] =	vst v63  }
0x3c: {  	_ =	swait.ge [sflag:s2], $0x1000  }
0x3d: {  	[sflag:s2] =	ssyncset.done $0x0  }
0x3e: {  	s0 =	simm.s32 $0x19040;
	[sflag:s2] =	ssyncadd.s32 $0xFFFFF000  }
0x3f: {  	[tilespmem:s0+$0xFFFFFFC0] =	vst v0  }
0x40: {  	[tilespmem:s0+$0x30] =	vst v0  }
0x41: {  	[tilespmem:s0+$0x20] =	vst v0  }
0x42: {  	[tilespmem:s0+$0x10] =	vst v0  }
0x43: {  	[tilespmem:s0+$0x0] =	vst v0  }
0x44: {  	[tilespmem:s0+$0xFFFFFFF0] =	vst v0  }
0x45: {  	s1 =	simm.s32 $0x0;
	[tilespmem:s0+$0xFFFFFFE0] =	vst v0  }
.LBB2_2:
0x46: {  	s1 =	sadd.s32 $0x8, s1;
	[tilespmem:s0+$0xFFFFFFD0] =	vst v0;
	s0 =	sadd.s32 $0x80, s0  }
0x47: {  	[tilespmem:s0+$0xFFFFFFC0] =	vst v0;
	p0 =	slt.u32 s1, $0x18  }
0x48: {  	[tilespmem:s0+$0x30] =	vst v0  }
.Ltmp2:
0x49: {  	[tilespmem:s0+$0x20] =	vst v0;
	(pc) =	sbr.rel @p0 .LBB2_2-.Ltmp2, $4  }
0x4a: {  	[tilespmem:s0+$0x10] =	vst v0  }
0x4b: {  	[tilespmem:s0+$0x0] =	vst v0  }
0x4c: {  	[tilespmem:s0+$0xFFFFFFF0] =	vst v0  }
0x4d: {  	[tilespmem:s0+$0xFFFFFFE0] =	vst v0  }
0x4e: {  	[tilespmem:s0+$0xFFFFFFD0] =	vst v0  }
0x4f: {  	s7 =	simm.s32 $0x0;
	s1 =	simm.s32 $0x19000;
	s0 =	rddreg [dreg:$0xd]  }
0x50: {  	[hbm4b:s0+s7] =	stream.linear.scatter [tilespmem:s1], [sflag:$0x7], $0x200, $0x38;
	[tilespmem:$0x19200] =	vst v63  }
0x51: {  	_ =	swait.ge [sflag:s2], $0x200  }
0x52: {  	[sflag:s2] =	ssyncset.done $0x0  }
0x53: {  	[sflag:s2] =	ssyncadd.s32 $0xFFFFFE00  }
.LBB2_4:
0x54: {  	_ =	swait.ge [sflag:s30], $0x2000  }
0x55: {  	[sflag:s30] =	ssyncset.done $0x0  }
0x56: {  	[sflag:s30] =	ssyncadd.s32 $0xFFFFE000  }
0x57: {  	_ =	swait.ge [sflag:s30], $0x2000  }
0x58: {  	[sflag:s30] =	ssyncset.done $0x0  }
0x59: {  	[sflag:s30] =	ssyncadd.s32 $0xFFFFE000  }
0x5a: {  	_ =	swait.ge [sflag:s30], $0x2000  }
0x5b: {  	[sflag:s30] =	ssyncset.done $0x0  }
0x5c: {  	[sflag:s30] =	ssyncadd.s32 $0xFFFFE000  }
0x5d: {  	_ =	swait.ge [sflag:s30], $0x2000  }
0x5e: {  	p0 =	seq.s32 s7, $0x0;
	[sflag:s30] =	ssyncset.done $0x0  }
0x5f: {  	s0 =	simm.s32 @!p0 $0x3;
	[sflag:s30] =	ssyncadd.s32 $0xFFFFE000  }
0x60: {  	_ =	swait.ge @!p0 [sflag:s0], $0x2000  }
0x61: {  	[sflag:s0] =	ssyncset.done @!p0 $0x0  }
0x62: {  	s24 =	simm.s32 $0x40;
	[sflag:s0] =	ssyncadd.s32 @!p0 $0xFFFFE000  }
0x63: {  	v1 =	vld [tilespmem:s24+$0x30]  }
0x64: {  	v2 =	vld [tilespmem:s24+$0xFFFFFFD0]  }
0x65: {  	v7 =	vld [tilespmem:s24+$0xFFFFFFF0]  }
0x66: {  	v4 =	vld [tilespmem:s24+$0xFFFFFFE0]  }
0x67: {  	v6 =	vld [tilespmem:s24+$0xFFFFFFC0]  }
0x68: {  	v3 =	vshll.u32 v1, $0x3  }
0x69: {  	v1 =	vand.u32 $0x7F, v1;
	v3 =	vand.u32 $0xFFFFFC00, v3  }
0x6a: {  	v14 =	vshll.u32 v7, $0x3;
	v5 =	vor.u32 v1, v3;
	v1 =	vshll.u32 v2, $0x3  }
0x6b: {  	v7 =	vand.u32 $0x7F, v7;
	v3 =	vand.u32 $0xFFFFFC00, v1;
	v1 =	vshll.u32 v4, $0x3  }
0x6c: {  	v9 =	vld [tilespmem:s24+$0x10];
	v2 =	vand.u32 $0x7F, v2;
	v10 =	vand.u32 $0xFFFFFC00, v1;
	v1 =	vshll.u32 v6, $0x3  }
0x6d: {  	v8 =	vld [tilespmem:s24+$0x0];
	v6 =	vand.u32 $0x7F, v6;
	v3 =	vor.u32 v2, v3;
	v1 =	vand.u32 $0xFFFFFC00, v1  }
0x6e: {  	v4 =	vand.u32 $0x7F, v4;
	v1 =	vor.u32 v6, v1;
	v6 =	vand.u32 $0xFFFFFC00, v14  }
0x6f: {  	v2 =	vor.u32 v4, v10;
	v11 =	vld.idx.msk [tilespmem:v5+s26+$0x0], $0xffff;
	v4 =	vor.u32 v7, v6  }
0x70: {  	v13 =	vld [tilespmem:s24+$0x20];
	v12 =	vor.u32 $0x80, v5  }
0x71: {  	v10 =	vshll.u32 v9, $0x3  }
0x72: {  	v14 =	vshll.u32 v8, $0x3;
	v6 =	vand.u32 $0xFFFFFC00, v10;
	v10 =	vld.idx.msk [tilespmem:v3+s26+$0x0], $0xffff  }
0x73: {  	s0 =	simm.s32 $0x11200;
	v16 =	vor.u32 $0x80, v3;
	v8 =	vand.u32 $0x7F, v8;
	v14 =	vand.u32 $0xFFFFFC00, v14  }
0x74: {  	v7 =	vand.u32 $0x7F, v9;
	[tilespmem:s0+$0xFFFFFE70] =	vst v11;
	v11 =	vor.u32 v8, v14;
	v15 =	vld.idx.msk [tilespmem:v4+s26+$0x0], $0xffff  }
0x75: {  	v9 =	vshll.u32 v13, $0x3;
	v8 =	vld.idx.msk [tilespmem:v12+s26+$0x0], $0xffff;
	v12 =	vor.u32 v7, v6  }
0x76: {  	v14 =	vor.u32 $0x100, v5;
	v6 =	vld.idx.msk [tilespmem:v1+s26+$0x0], $0xffff;
	v7 =	vand.u32 $0xFFFFFC00, v9;
	v9 =	vand.u32 $0x7F, v13  }
0x77: {  	v13 =	vor.u32 v9, v7;
	v7 =	vld.idx.msk [tilespmem:v2+s26+$0x0], $0xffff;
	v9 =	vor.u32 $0x80, v1;
	[tilespmem:s0+$0xFFFFFE10] =	vst v10  }
0x78: {  	v16 =	vld.idx.msk [tilespmem:v16+s26+$0x0], $0xffff  }
0x79: {  	v18 =	vor.u32 $0x80, v2;
	v17 =	vld.idx.msk [tilespmem:v11+s26+$0x0], $0xffff  }
0x7a: {  	v19 =	vld.idx.msk [tilespmem:v12+s26+$0x0], $0xffff;
	[tilespmem:s0+$0xFFFFFEF0] =	vst v8;
	v8 =	vor.u32 $0x80, v4  }
0x7b: {  	[tilespmem:s0+$0xFFFFFE00] =	vst v6;
	v6 =	vld.idx.msk [tilespmem:v14+s26+$0x0], $0xffff;
	v14 =	vor.u32 $0x80, v11  }
0x7c: {  	v20 =	vor.u32 $0x80, v12;
	[tilespmem:s0+$0xFFFFFE30] =	vst v15;
	v9 =	vld.idx.msk [tilespmem:v9+s26+$0x0], $0xffff  }
0x7d: {  	v10 =	vld.idx.msk [tilespmem:v13+s26+$0x0], $0xffff;
	[tilespmem:s0+$0xFFFFFE20] =	vst v7;
	v7 =	vor.u32 $0x180, v5  }
0x7e: {  	v15 =	vor.u32 $0x80, v13;
	v18 =	vld.idx.msk [tilespmem:v18+s26+$0x0], $0xffff;
	[tilespmem:s0+$0xFFFFFE40] =	vst v17  }
0x7f: {  	v17 =	vor.u32 $0x100, v1;
	v8 =	vld.idx.msk [tilespmem:v8+s26+$0x0], $0xffff;
	[tilespmem:s0+$0xFFFFFE50] =	vst v19  }
0x80: {  	v19 =	vor.u32 $0x100, v3;
	v14 =	vld.idx.msk [tilespmem:v14+s26+$0x0], $0xffff;
	[tilespmem:s0+$0xFFFFFF70] =	vst v6  }
0x81: {  	v6 =	vor.u32 $0x100, v2;
	[tilespmem:s0+$0xFFFFFE80] =	vst v9;
	v9 =	vld.idx.msk [tilespmem:v20+s26+$0x0], $0xffff  }
0x82: {  	[tilespmem:s0+$0xFFFFFE60] =	vst v10;
	v10 =	vor.u32 $0x100, v4;
	v7 =	vld.idx.msk [tilespmem:v7+s26+$0x0], $0xffff  }
0x83: {  	v61 =	vor.u32 $0x100, v11;
	[tilespmem:s0+$0xFFFFFE90] =	vst v16;
	v15 =	vld.idx.msk [tilespmem:v15+s26+$0x0], $0xffff  }
0x84: {  	[tilespmem:s0+$0xFFFFFEA0] =	vst v18;
	v18 =	vor.u32 $0x100, v12;
	v17 =	vld.idx.msk [tilespmem:v17+s26+$0x0], $0xffff  }
0x85: {  	v16 =	vor.u32 $0x200, v5;
	v19 =	vld.idx.msk [tilespmem:v19+s26+$0x0], $0xffff;
	[tilespmem:s0+$0xFFFFFEB0] =	vst v8  }
0x86: {  	v8 =	vor.u32 $0x100, v13;
	v6 =	vld.idx.msk [tilespmem:v6+s26+$0x0], $0xffff;
	[tilespmem:s0+$0xFFFFFEC0] =	vst v14  }
0x87: {  	v14 =	vor.u32 $0x180, v1;
	v10 =	vld.idx.msk [tilespmem:v10+s26+$0x0], $0xffff;
	[tilespmem:s0+$0xFFFFFED0] =	vst v9  }
0x88: {  	[tilespmem:s0+$0xFFFFFFF0] =	vst v7;
	v7 =	vor.u32 $0x180, v3;
	v20 =	vld.idx.msk [tilespmem:v61+s26+$0x0], $0xffff  }
0x89: {  	[tilespmem:s0+$0xFFFFFEE0] =	vst v15;
	v15 =	vld.idx.msk [tilespmem:v18+s26+$0x0], $0xffff;
	v18 =	vor.u32 $0x180, v4  }
0x8a: {  	v9 =	vld.idx.msk [tilespmem:v16+s26+$0x0], $0xffff;
	v16 =	vor.u32 $0x180, v2;
	[tilespmem:s0+$0xFFFFFF00] =	vst v17  }
0x8b: {  	v17 =	vor.u32 $0x280, v5;
	[tilespmem:s0+$0xFFFFFF10] =	vst v19;
	v8 =	vld.idx.msk [tilespmem:v8+s26+$0x0], $0xffff  }
0x8c: {  	v19 =	vor.u32 $0x180, v11;
	v14 =	vld.idx.msk [tilespmem:v14+s26+$0x0], $0xffff;
	[tilespmem:s0+$0xFFFFFF20] =	vst v6  }
0x8d: {  	v6 =	vor.u32 $0x180, v12;
	[tilespmem:s0+$0xFFFFFF30] =	vst v10;
	v7 =	vld.idx.msk [tilespmem:v7+s26+$0x0], $0xffff  }
0x8e: {  	v10 =	vor.u32 $0x180, v13;
	[tilespmem:s0+$0xFFFFFF40] =	vst v20;
	v18 =	vld.idx.msk [tilespmem:v18+s26+$0x0], $0xffff  }
0x8f: {  	v16 =	vld.idx.msk [tilespmem:v16+s26+$0x0], $0xffff;
	[tilespmem:s0+$0x70] =	vst v9;
	v9 =	vor.u32 $0x200, v1  }
0x90: {  	v62 =	vor.u32 $0x200, v3;
	[tilespmem:s0+$0xFFFFFF50] =	vst v15;
	v17 =	vld.idx.msk [tilespmem:v17+s26+$0x0], $0xffff  }
0x91: {  	v15 =	vld.idx.msk [tilespmem:v19+s26+$0x0], $0xffff;
	[tilespmem:s0+$0xFFFFFF60] =	vst v8;
	v8 =	vor.u32 $0x300, v5  }
0x92: {  	v19 =	vor.u32 $0x200, v2;
	[tilespmem:s0+$0xFFFFFF80] =	vst v14;
	v6 =	vld.idx.msk [tilespmem:v6+s26+$0x0], $0xffff  }
0x93: {  	v14 =	vor.u32 $0x200, v4;
	[tilespmem:s0+$0xFFFFFF90] =	vst v7;
	v7 =	vld.idx.msk [tilespmem:v10+s26+$0x0], $0xffff  }
0x94: {  	v10 =	vor.u32 $0x200, v11;
	v9 =	vld.idx.msk [tilespmem:v9+s26+$0x0], $0xffff;
	[tilespmem:s0+$0xFFFFFFA0] =	vst v16  }
0x95: {  	v16 =	vor.u32 $0x200, v12;
	v20 =	vld.idx.msk [tilespmem:v62+s26+$0x0], $0xffff;
	[tilespmem:s0+$0xF0] =	vst v17  }
0x96: {  	[tilespmem:s0+$0xFFFFFFB0] =	vst v18;
	v17 =	vor.u32 $0x200, v13;
	v8 =	vld.idx.msk [tilespmem:v8+s26+$0x0], $0xffff  }
0x97: {  	v18 =	vor.u32 $0x280, v1;
	v19 =	vld.idx.msk [tilespmem:v19+s26+$0x0], $0xffff;
	[tilespmem:s0+$0xFFFFFFC0] =	vst v15  }
0x98: {  	v5 =	vor.u32 $0x380, v5;
	v14 =	vld.idx.msk [tilespmem:v14+s26+$0x0], $0xffff;
	[tilespmem:s0+$0xFFFFFFD0] =	vst v6  }
0x99: {  	v6 =	vor.u32 $0x280, v3;
	v10 =	vld.idx.msk [tilespmem:v10+s26+$0x0], $0xffff;
	[tilespmem:s0+$0xFFFFFFE0] =	vst v7  }
0x9a: {  	v7 =	vor.u32 $0x280, v2;
	[tilespmem:s0+$0x0] =	vst v9;
	v9 =	vld.idx.msk [tilespmem:v16+s26+$0x0], $0xffff  }
0x9b: {  	v15 =	vor.u32 $0x280, v4;
	[tilespmem:s0+$0x10] =	vst v20;
	v16 =	vld.idx.msk [tilespmem:v17+s26+$0x0], $0xffff  }
0x9c: {  	v17 =	vor.u32 $0x280, v11;
	v18 =	vld.idx.msk [tilespmem:v18+s26+$0x0], $0xffff;
	[tilespmem:s0+$0x170] =	vst v8  }
0x9d: {  	v8 =	vor.u32 $0x280, v12;
	[tilespmem:s0+$0x20] =	vst v19;
	v5 =	vld.idx.msk [tilespmem:v5+s26+$0x0], $0xffff  }
0x9e: {  	v19 =	vor.u32 $0x280, v13;
	v6 =	vld.idx.msk [tilespmem:v6+s26+$0x0], $0xffff;
	[tilespmem:s0+$0x30] =	vst v14  }
0x9f: {  	v14 =	vor.u32 $0x300, v1;
	v7 =	vld.idx.msk [tilespmem:v7+s26+$0x0], $0xffff;
	[tilespmem:s0+$0x40] =	vst v10  }
0xa0: {  	v10 =	vor.u32 $0x300, v3;
	v63 =	vld.idx.msk [tilespmem:v15+s26+$0x0], $0xffff;
	[tilespmem:s0+$0x50] =	vst v9  }
0xa1: {  	v21 =	vor.u32 $0x300, v2;
	v22 =	vld.idx.msk [tilespmem:v17+s26+$0x0], $0xffff;
	[tilespmem:s0+$0x60] =	vst v16  }
0xa2: {  	v23 =	vor.u32 $0x300, v4;
	[tilespmem:s0+$0x80] =	vst v18;
	v18 =	vld.idx.msk [tilespmem:v8+s26+$0x0], $0xffff  }
0xa3: {  	v24 =	vor.u32 $0x300, v11;
	v16 =	vld.idx.msk [tilespmem:v19+s26+$0x0], $0xffff;
	[tilespmem:s0+$0x1F0] =	vst v5  }
0xa4: {  	v15 =	vld.idx.msk [tilespmem:v14+s26+$0x0], $0xffff;
	[tilespmem:s0+$0x90] =	vst v6  }
0xa5: {  	v14 =	vld.idx.msk [tilespmem:v10+s26+$0x0], $0xffff;
	[tilespmem:s0+$0xA0] =	vst v7  }
0xa6: {  	v9 =	vor.u32 $0x300, v12;
	v8 =	vor.u32 $0x380, v1;
	v1 =	vor.u32 $0x380, v13;
	[tilespmem:s0+$0xB0] =	vst v63;
	v17 =	vld.idx.msk [tilespmem:v21+s26+$0x0], $0xffff  }
0xa7: {  	s28 =	sshll.u32 s7, $0x1;
	v6 =	vor.u32 $0x380, v2;
	v5 =	vor.u32 $0x380, v4;
	v2 =	vor.u32 $0x380, v12;
	v4 =	vld.idx.msk [tilespmem:v23+s26+$0x0], $0xffff;
	[tilespmem:s0+$0xC0] =	vst v22  }
0xa8: {  	s2 =	simm.s32 $0x0;
	s23 =	simm.s32 $0xC0;
	s3 =	simm.s32 $0x11200;
	v7 =	vor.u32 $0x380, v3;
	v10 =	vor.u32 $0x300, v13;
	v3 =	vor.u32 $0x380, v11;
	v11 =	vld.idx.msk [tilespmem:v24+s26+$0x0], $0xffff;
	[tilespmem:s0+$0xD0] =	vst v18  }
.LBB2_5:
0xa9: {  	v12 =	vld [tilespmem:s23+$0x30];
	s2 =	sadd.s32 $0x8, s2;
	[tilespmem:s0+$0xE0] =	vst v16  }
0xaa: {  	v13 =	vld [tilespmem:s23+$0xFFFFFFD0];
	p1 =	slt.u32 s2, $0x38;
	[tilespmem:s0+$0x100] =	vst v15  }
0xab: {  	v15 =	vld [tilespmem:s23+$0xFFFFFFE0];
	[tilespmem:s0+$0x110] =	vst v14  }
0xac: {  	v14 =	vld [tilespmem:s23+$0xFFFFFFF0];
	[tilespmem:s0+$0x120] =	vst v17  }
0xad: {  	v16 =	vld [tilespmem:s23+$0x0];
	[tilespmem:s0+$0x130] =	vst v4  }
0xae: {  	v17 =	vld [tilespmem:s23+$0x10];
	v4 =	vshll.u32 v12, $0x3;
	[tilespmem:s0+$0x140] =	vst v11  }
0xaf: {  	v12 =	vand.u32 $0x7F, v12;
	v11 =	vshll.u32 v13, $0x3;
	v18 =	vld [tilespmem:s23+$0x20];
	v4 =	vand.u32 $0xFFFFFC00, v4  }
0xb0: {  	v19 =	vld [tilespmem:s23+$0xFFFFFFC0];
	v11 =	vand.u32 $0xFFFFFC00, v11;
	v20 =	vshll.u32 v15, $0x3;
	v4 =	vor.u32 v12, v4  }
0xb1: {  	v12 =	vand.u32 $0x7F, v13;
	v13 =	vand.u32 $0xFFFFFC00, v20;
	v20 =	vshll.u32 v14, $0x3;
	v9 =	vld.idx.msk [tilespmem:v9+s26+$0x0], $0xffff  }
0xb2: {  	v15 =	vand.u32 $0x7F, v15;
	v20 =	vand.u32 $0xFFFFFC00, v20;
	v21 =	vshll.u32 v16, $0x3;
	v10 =	vld.idx.msk [tilespmem:v10+s26+$0x0], $0xffff  }
0xb3: {  	v14 =	vand.u32 $0x7F, v14;
	v21 =	vand.u32 $0xFFFFFC00, v21;
	v22 =	vshll.u32 v17, $0x3;
	v8 =	vld.idx.msk [tilespmem:v8+s26+$0x0], $0xffff  }
0xb4: {  	v16 =	vand.u32 $0x7F, v16;
	v22 =	vand.u32 $0xFFFFFC00, v22;
	v23 =	vshll.u32 v18, $0x3;
	v7 =	vld.idx.msk [tilespmem:v7+s26+$0x0], $0xffff  }
0xb5: {  	v24 =	vand.u32 $0x7F, v19;
	v19 =	vshll.u32 v19, $0x3;
	v23 =	vand.u32 $0xFFFFFC00, v23;
	v25 =	vld.idx.msk [tilespmem:v4+s26+$0x0], $0xffff  }
0xb6: {  	v17 =	vand.u32 $0x7F, v17;
	v18 =	vand.u32 $0x7F, v18;
	v19 =	vand.u32 $0xFFFFFC00, v19;
	v6 =	vld.idx.msk [tilespmem:v6+s26+$0x0], $0xffff  }
0xb7: {  	v26 =	vor.u32 v12, v11;
	v11 =	vor.u32 $0x80, v4;
	v24 =	vor.u32 v24, v19;
	v5 =	vld.idx.msk [tilespmem:v5+s26+$0x0], $0xffff;
	[tilespmem:s0+$0x150] =	vst v9  }
0xb8: {  	v27 =	vor.u32 v15, v13;
	v28 =	vor.u32 v14, v20;
	v29 =	vor.u32 v16, v21;
	[tilespmem:s0+$0x160] =	vst v10  }
0xb9: {  	v22 =	vor.u32 v17, v22;
	v23 =	vor.u32 v18, v23;
	v9 =	vor.u32 $0x80, v24;
	[tilespmem:s0+$0x180] =	vst v8;
	v3 =	vld.idx.msk [tilespmem:v3+s26+$0x0], $0xffff  }
0xba: {  	v30 =	vor.u32 $0x80, v28;
	v10 =	vor.u32 $0x80, v27;
	v8 =	vor.u32 $0x80, v26;
	s0 =	sadd.s32 $0x400, s0;
	[tilespmem:s3+$0x190] =	vst v7;
	v2 =	vld.idx.msk [tilespmem:v2+s26+$0x0], $0xffff  }
0xbb: {  	v31 =	vor.u32 $0x80, v29;
	v32 =	vor.u32 $0x80, v22;
	v33 =	vor.u32 $0x80, v23;
	[tilespmem:s0+$0xFFFFFE70] =	vst v25;
	v1 =	vld.idx.msk [tilespmem:v1+s26+$0x0], $0xffff  }
0xbc: {  	v34 =	vor.u32 $0x100, v26;
	v35 =	vor.u32 $0x100, v27;
	v25 =	vor.u32 $0x100, v24;
	v7 =	vld.idx.msk [tilespmem:v11+s26+$0x0], $0xffff;
	[tilespmem:s3+$0x1A0] =	vst v6  }
0xbd: {  	v36 =	vor.u32 $0x100, v28;
	v37 =	vor.u32 $0x100, v29;
	v38 =	vor.u32 $0x100, v22;
	v6 =	vld.idx.msk [tilespmem:v24+s26+$0x0], $0xffff;
	[tilespmem:s3+$0x1B0] =	vst v5  }
0xbe: {  	v40 =	vor.u32 $0x100, v23;
	v39 =	vor.u32 $0x180, v24;
	v11 =	vor.u32 $0x100, v4;
	v5 =	vld.idx.msk [tilespmem:v26+s26+$0x0], $0xffff  }
0xbf: {  	v41 =	vor.u32 $0x180, v26;
	v42 =	vor.u32 $0x180, v27;
	v43 =	vor.u32 $0x180, v28;
	v12 =	vld.idx.msk [tilespmem:v27+s26+$0x0], $0xffff;
	[tilespmem:s3+$0x1C0] =	vst v3  }
0xc0: {  	v44 =	vor.u32 $0x180, v29;
	v45 =	vor.u32 $0x180, v22;
	v46 =	vor.u32 $0x180, v23;
	v3 =	vld.idx.msk [tilespmem:v28+s26+$0x0], $0xffff;
	[tilespmem:s3+$0x1D0] =	vst v2  }
0xc1: {  	v48 =	vor.u32 $0x200, v26;
	v49 =	vor.u32 $0x200, v27;
	v47 =	vor.u32 $0x200, v24;
	v2 =	vld.idx.msk [tilespmem:v29+s26+$0x0], $0xffff;
	[tilespmem:s3+$0x1E0] =	vst v1;
	s3 =	smov.u32 s0  }
0xc2: {  	v50 =	vor.u32 $0x200, v28;
	v51 =	vor.u32 $0x200, v29;
	v52 =	vor.u32 $0x200, v22;
	v1 =	vld.idx.msk [tilespmem:v22+s26+$0x0], $0xffff;
	[tilespmem:s0+$0xFFFFFEF0] =	vst v7  }
0xc3: {  	v19 =	vor.u32 $0x280, v26;
	v54 =	vor.u32 $0x200, v23;
	v53 =	vor.u32 $0x280, v24;
	[tilespmem:s0+$0xFFFFFE00] =	vst v6;
	v55 =	vld.idx.msk [tilespmem:v11+s26+$0x0], $0xffff  }
0xc4: {  	v21 =	vor.u32 $0x280, v27;
	v20 =	vor.u32 $0x280, v28;
	v16 =	vor.u32 $0x280, v29;
	[tilespmem:s0+$0xFFFFFE10] =	vst v5;
	v56 =	vld.idx.msk [tilespmem:v23+s26+$0x0], $0xffff  }
0xc5: {  	v58 =	vor.u32 $0x180, v4;
	v18 =	vor.u32 $0x280, v22;
	v17 =	vor.u32 $0x280, v23;
	v57 =	vld.idx.msk [tilespmem:v9+s26+$0x0], $0xffff;
	[tilespmem:s0+$0xFFFFFE20] =	vst v12  }
0xc6: {  	v14 =	vor.u32 $0x300, v26;
	v15 =	vor.u32 $0x300, v24;
	v11 =	vor.u32 $0x300, v27;
	v59 =	vld.idx.msk [tilespmem:v8+s26+$0x0], $0xffff;
	[tilespmem:s0+$0xFFFFFE30] =	vst v3  }
0xc7: {  	v13 =	vor.u32 $0x300, v28;
	v12 =	vor.u32 $0x300, v29;
	v9 =	vor.u32 $0x300, v22;
	v60 =	vld.idx.msk [tilespmem:v10+s26+$0x0], $0xffff;
	[tilespmem:s0+$0xFFFFFE40] =	vst v2  }
0xc8: {  	v7 =	vor.u32 $0x380, v26;
	v8 =	vor.u32 $0x380, v24;
	v10 =	vor.u32 $0x300, v23;
	v24 =	vld.idx.msk [tilespmem:v30+s26+$0x0], $0xffff;
	[tilespmem:s0+$0xFFFFFE50] =	vst v1  }
0xc9: {  	v6 =	vor.u32 $0x380, v27;
	v5 =	vor.u32 $0x380, v28;
	v3 =	vor.u32 $0x380, v29;
	v26 =	vld.idx.msk [tilespmem:v31+s26+$0x0], $0xffff;
	[tilespmem:s0+$0xFFFFFF70] =	vst v55  }
0xca: {  	v2 =	vor.u32 $0x380, v22;
	v1 =	vor.u32 $0x380, v23;
	[tilespmem:s0+$0xFFFFFE60] =	vst v56;
	v22 =	vld.idx.msk [tilespmem:v58+s26+$0x0], $0xffff  }
0xcb: {  	[tilespmem:s0+$0xFFFFFE80] =	vst v57;
	v23 =	vld.idx.msk [tilespmem:v32+s26+$0x0], $0xffff  }
0xcc: {  	v28 =	vor.u32 $0x200, v4;
	[tilespmem:s0+$0xFFFFFE90] =	vst v59;
	v27 =	vld.idx.msk [tilespmem:v33+s26+$0x0], $0xffff  }
0xcd: {  	v25 =	vld.idx.msk [tilespmem:v25+s26+$0x0], $0xffff;
	[tilespmem:s0+$0xFFFFFEA0] =	vst v60  }
0xce: {  	v29 =	vld.idx.msk [tilespmem:v34+s26+$0x0], $0xffff;
	[tilespmem:s0+$0xFFFFFEB0] =	vst v24  }
0xcf: {  	v24 =	vld.idx.msk [tilespmem:v35+s26+$0x0], $0xffff;
	[tilespmem:s0+$0xFFFFFEC0] =	vst v26  }
0xd0: {  	v26 =	vld.idx.msk [tilespmem:v36+s26+$0x0], $0xffff;
	[tilespmem:s0+$0xFFFFFFF0] =	vst v22  }
0xd1: {  	[tilespmem:s0+$0xFFFFFED0] =	vst v23;
	v22 =	vld.idx.msk [tilespmem:v28+s26+$0x0], $0xffff  }
0xd2: {  	v23 =	vld.idx.msk [tilespmem:v37+s26+$0x0], $0xffff;
	[tilespmem:s0+$0xFFFFFEE0] =	vst v27  }
0xd3: {  	v27 =	vor.u32 $0x280, v4;
	[tilespmem:s0+$0xFFFFFF00] =	vst v25;
	v25 =	vld.idx.msk [tilespmem:v38+s26+$0x0], $0xffff  }
0xd4: {  	[tilespmem:s0+$0xFFFFFF10] =	vst v29;
	v28 =	vld.idx.msk [tilespmem:v40+s26+$0x0], $0xffff  }
0xd5: {  	v29 =	vld.idx.msk [tilespmem:v39+s26+$0x0], $0xffff;
	[tilespmem:s0+$0xFFFFFF20] =	vst v24  }
0xd6: {  	v24 =	vld.idx.msk [tilespmem:v41+s26+$0x0], $0xffff;
	[tilespmem:s0+$0xFFFFFF30] =	vst v26  }
0xd7: {  	v26 =	vld.idx.msk [tilespmem:v42+s26+$0x0], $0xffff;
	[tilespmem:s0+$0x70] =	vst v22  }
0xd8: {  	[tilespmem:s0+$0xFFFFFF40] =	vst v23;
	v22 =	vld.idx.msk [tilespmem:v27+s26+$0x0], $0xffff  }
0xd9: {  	v23 =	vld.idx.msk [tilespmem:v43+s26+$0x0], $0xffff;
	[tilespmem:s0+$0xFFFFFF50] =	vst v25  }
0xda: {  	v27 =	vor.u32 $0x300, v4;
	v25 =	vld.idx.msk [tilespmem:v44+s26+$0x0], $0xffff;
	[tilespmem:s0+$0xFFFFFF60] =	vst v28  }
0xdb: {  	[tilespmem:s0+$0xFFFFFF80] =	vst v29;
	v28 =	vld.idx.msk [tilespmem:v45+s26+$0x0], $0xffff  }
0xdc: {  	[tilespmem:s0+$0xFFFFFF90] =	vst v24;
	v24 =	vld.idx.msk [tilespmem:v46+s26+$0x0], $0xffff  }
0xdd: {  	v29 =	vld.idx.msk [tilespmem:v47+s26+$0x0], $0xffff;
	[tilespmem:s0+$0xFFFFFFA0] =	vst v26  }
0xde: {  	v26 =	vld.idx.msk [tilespmem:v48+s26+$0x0], $0xffff;
	[tilespmem:s0+$0xF0] =	vst v22  }
0xdf: {  	[tilespmem:s0+$0xFFFFFFB0] =	vst v23;
	v22 =	vld.idx.msk [tilespmem:v27+s26+$0x0], $0xffff  }
0xe0: {  	v23 =	vld.idx.msk [tilespmem:v49+s26+$0x0], $0xffff;
	[tilespmem:s0+$0xFFFFFFC0] =	vst v25  }
0xe1: {  	v4 =	vor.u32 $0x380, v4;
	v25 =	vld.idx.msk [tilespmem:v50+s26+$0x0], $0xffff;
	[tilespmem:s0+$0xFFFFFFD0] =	vst v28  }
0xe2: {  	v27 =	vld.idx.msk [tilespmem:v51+s26+$0x0], $0xffff;
	[tilespmem:s0+$0xFFFFFFE0] =	vst v24  }
0xe3: {  	[tilespmem:s0+$0x0] =	vst v29;
	v24 =	vld.idx.msk [tilespmem:v52+s26+$0x0], $0xffff  }
0xe4: {  	[tilespmem:s0+$0x10] =	vst v26;
	v26 =	vld.idx.msk [tilespmem:v54+s26+$0x0], $0xffff  }
0xe5: {  	v28 =	vld.idx.msk [tilespmem:v53+s26+$0x0], $0xffff;
	[tilespmem:s0+$0x170] =	vst v22  }
0xe6: {  	[tilespmem:s0+$0x20] =	vst v23;
	v4 =	vld.idx.msk [tilespmem:v4+s26+$0x0], $0xffff  }
0xe7: {  	v19 =	vld.idx.msk [tilespmem:v19+s26+$0x0], $0xffff;
	[tilespmem:s0+$0x30] =	vst v25  }
0xe8: {  	v21 =	vld.idx.msk [tilespmem:v21+s26+$0x0], $0xffff;
	[tilespmem:s0+$0x40] =	vst v27  }
0xe9: {  	v20 =	vld.idx.msk [tilespmem:v20+s26+$0x0], $0xffff;
	[tilespmem:s0+$0x50] =	vst v24  }
0xea: {  	v22 =	vld.idx.msk [tilespmem:v16+s26+$0x0], $0xffff;
	[tilespmem:s0+$0x60] =	vst v26  }
0xeb: {  	[tilespmem:s0+$0x80] =	vst v28;
	v18 =	vld.idx.msk [tilespmem:v18+s26+$0x0], $0xffff  }
0xec: {  	v16 =	vld.idx.msk [tilespmem:v17+s26+$0x0], $0xffff;
	[tilespmem:s0+$0x1F0] =	vst v4  }
.Ltmp3:
0xed: {  	v15 =	vld.idx.msk [tilespmem:v15+s26+$0x0], $0xffff;
	[tilespmem:s0+$0x90] =	vst v19;
	(pc) =	sbr.rel @p1 .LBB2_5-.Ltmp3, $4  }
0xee: {  	v14 =	vld.idx.msk [tilespmem:v14+s26+$0x0], $0xffff;
	[tilespmem:s0+$0xA0] =	vst v21  }
0xef: {  	v17 =	vld.idx.msk [tilespmem:v11+s26+$0x0], $0xffff;
	[tilespmem:s0+$0xB0] =	vst v20  }
0xf0: {  	v4 =	vld.idx.msk [tilespmem:v13+s26+$0x0], $0xffff;
	[tilespmem:s0+$0xC0] =	vst v22  }
0xf1: {  	s23 =	sadd.s32 $0x80, s23;
	v11 =	vld.idx.msk [tilespmem:v12+s26+$0x0], $0xffff;
	[tilespmem:s0+$0xD0] =	vst v18  }
0xf2: {  	_ =	sdelay $0x2  }
0xf3: {  	[tilespmem:s0+$0xE0] =	vst v16  }
0xf4: {  	[tilespmem:s0+$0x100] =	vst v15;
	v9 =	vld.idx.msk [tilespmem:v9+s26+$0x0], $0xffff  }
0xf5: {  	[tilespmem:s0+$0x110] =	vst v14;
	v10 =	vld.idx.msk [tilespmem:v10+s26+$0x0], $0xffff  }
0xf6: {  	v8 =	vld.idx.msk [tilespmem:v8+s26+$0x0], $0xffff;
	[tilespmem:s0+$0x120] =	vst v17  }
0xf7: {  	[tilespmem:s0+$0x130] =	vst v4;
	v4 =	vld.idx.msk [tilespmem:v7+s26+$0x0], $0xffff  }
0xf8: {  	v6 =	vld.idx.msk [tilespmem:v6+s26+$0x0], $0xffff;
	[tilespmem:s0+$0x140] =	vst v11  }
0xf9: {  	v5 =	vld.idx.msk [tilespmem:v5+s26+$0x0], $0xffff;
	[tilespmem:s0+$0x150] =	vst v9  }
0xfa: {  	v3 =	vld.idx.msk [tilespmem:v3+s26+$0x0], $0xffff;
	[tilespmem:s0+$0x160] =	vst v10  }
0xfb: {  	[tilespmem:s0+$0x180] =	vst v8;
	v2 =	vld.idx.msk [tilespmem:v2+s26+$0x0], $0xffff  }
0xfc: {  	v1 =	vld.idx.msk [tilespmem:v1+s26+$0x0], $0xffff;
	[tilespmem:s3+$0x190] =	vst v4  }
0xfd: {  	[tilespmem:s3+$0x1A0] =	vst v6  }
0xfe: {  	[tilespmem:s3+$0x1B0] =	vst v5  }
0xff: {  	s24 =	sshll.u32 s7, $0xD;
	[tilespmem:s3+$0x1C0] =	vst v3  }
0x100: {  	s0 =	sadd.s32 s6, s24;
	[tilespmem:s3+$0x1D0] =	vst v2  }
0x101: {  	s1 =	sadd.s32 s4, s0;
	[tilespmem:s3+$0x1E0] =	vst v1  }
0x102: {  	[hbm4b:s1+s5] =	stream.linear.scatter [tilespmem:s29], [sflag:$0x3], $0x2000, $0x38;
	[tilespmem:$0x19200] =	vst v63  }
0x103: {  	s1 =	simm.s32 @!p0 $0x4  }
0x104: {  	_ =	swait.ge @!p0 [sflag:s1], $0x2000  }
0x105: {  	[sflag:s1] =	ssyncset.done @!p0 $0x0  }
0x106: {  	s23 =	simm.s32 $0x470;
	[sflag:s1] =	ssyncadd.s32 @!p0 $0xFFFFE000  }
0x107: {  	v1 =	vld [tilespmem:s23+$0x0];
	_ =	sdelay $0x3  }
0x108: {  	v2 =	vld [tilespmem:s23+$0xFFFFFFA0]  }
0x109: {  	v3 =	vshll.u32 v1, $0x3  }
0x10a: {  	v4 =	vld [tilespmem:s23+$0xFFFFFFB0];
	v1 =	vand.u32 $0x7F, v1;
	v3 =	vand.u32 $0xFFFFFC00, v3  }
0x10b: {  	v6 =	vld [tilespmem:s23+$0xFFFFFF90];
	v5 =	vor.u32 v1, v3;
	_ =	sdelay $0x1  }
0x10c: {  	v3 =	vld [tilespmem:s23+$0xFFFFFFC0];
	v1 =	vshll.u32 v2, $0x3  }
0x10d: {  	v8 =	vld [tilespmem:s23+$0xFFFFFFE0];
	v2 =	vand.u32 $0x7F, v2;
	v9 =	vand.u32 $0xFFFFFC00, v1  }
0x10e: {  	v7 =	vld [tilespmem:s23+$0xFFFFFFD0];
	v1 =	vshll.u32 v4, $0x3;
	v2 =	vor.u32 v2, v9  }
0x10f: {  	v12 =	vor.u32 $0x80, v5;
	v10 =	vand.u32 $0xFFFFFC00, v1;
	v1 =	vshll.u32 v6, $0x3;
	v11 =	vld.idx.msk [tilespmem:v5+s26+$0x0], $0xffff  }
0x110: {  	v13 =	vld [tilespmem:s23+$0xFFFFFFF0];
	v4 =	vand.u32 $0x7F, v4;
	v6 =	vand.u32 $0x7F, v6;
	v1 =	vand.u32 $0xFFFFFC00, v1  }
0x111: {  	v1 =	vor.u32 v6, v1;
	v14 =	vshll.u32 v3, $0x3;
	v9 =	vand.u32 $0x7F, v3  }
0x112: {  	v3 =	vor.u32 v4, v10;
	v10 =	vshll.u32 v8, $0x3;
	v6 =	vand.u32 $0xFFFFFC00, v14  }
0x113: {  	s3 =	simm.s32 $0x13200;
	v14 =	vshll.u32 v7, $0x3;
	v4 =	vor.u32 v9, v6;
	v6 =	vand.u32 $0xFFFFFC00, v10;
	v10 =	vld.idx.msk [tilespmem:v2+s26+$0x0], $0xffff  }
0x114: {  	v16 =	vor.u32 $0x80, v2;
	v7 =	vand.u32 $0x7F, v7;
	v14 =	vand.u32 $0xFFFFFC00, v14;
	[tilespmem:s3+$0xFFFFFE70] =	vst v11  }
0x115: {  	v8 =	vand.u32 $0x7F, v8;
	v9 =	vshll.u32 v13, $0x3;
	v11 =	vor.u32 v7, v14;
	v7 =	vld.idx.msk [tilespmem:v12+s26+$0x0], $0xffff  }
0x116: {  	v12 =	vor.u32 v8, v6;
	v6 =	vld.idx.msk [tilespmem:v1+s26+$0x0], $0xffff;
	v8 =	vand.u32 $0xFFFFFC00, v9;
	v9 =	vand.u32 $0x7F, v13  }
0x117: {  	v14 =	vor.u32 $0x100, v5;
	v13 =	vor.u32 v9, v8;
	v8 =	vld.idx.msk [tilespmem:v3+s26+$0x0], $0xffff  }
0x118: {  	v9 =	vor.u32 $0x80, v1;
	v15 =	vld.idx.msk [tilespmem:v4+s26+$0x0], $0xffff;
	[tilespmem:s3+$0xFFFFFE10] =	vst v10  }
0x119: {  	v16 =	vld.idx.msk [tilespmem:v16+s26+$0x0], $0xffff  }
0x11a: {  	v18 =	vor.u32 $0x80, v3;
	v17 =	vld.idx.msk [tilespmem:v11+s26+$0x0], $0xffff  }
0x11b: {  	v19 =	vld.idx.msk [tilespmem:v12+s26+$0x0], $0xffff;
	[tilespmem:s3+$0xFFFFFEF0] =	vst v7;
	v7 =	vor.u32 $0x80, v4  }
0x11c: {  	[tilespmem:s3+$0xFFFFFE00] =	vst v6;
	v6 =	vld.idx.msk [tilespmem:v14+s26+$0x0], $0xffff;
	v14 =	vor.u32 $0x80, v11  }
0x11d: {  	v20 =	vor.u32 $0x80, v12;
	v9 =	vld.idx.msk [tilespmem:v9+s26+$0x0], $0xffff;
	[tilespmem:s3+$0xFFFFFE20] =	vst v8  }
0x11e: {  	v10 =	vld.idx.msk [tilespmem:v13+s26+$0x0], $0xffff;
	v8 =	vor.u32 $0x180, v5;
	[tilespmem:s3+$0xFFFFFE30] =	vst v15  }
0x11f: {  	v15 =	vor.u32 $0x80, v13;
	v18 =	vld.idx.msk [tilespmem:v18+s26+$0x0], $0xffff;
	[tilespmem:s3+$0xFFFFFE40] =	vst v17  }
0x120: {  	v17 =	vor.u32 $0x100, v1;
	v7 =	vld.idx.msk [tilespmem:v7+s26+$0x0], $0xffff;
	[tilespmem:s3+$0xFFFFFE50] =	vst v19  }
0x121: {  	v19 =	vor.u32 $0x100, v2;
	v14 =	vld.idx.msk [tilespmem:v14+s26+$0x0], $0xffff;
	[tilespmem:s3+$0xFFFFFF70] =	vst v6  }
0x122: {  	v6 =	vor.u32 $0x100, v3;
	[tilespmem:s3+$0xFFFFFE80] =	vst v9;
	v9 =	vld.idx.msk [tilespmem:v20+s26+$0x0], $0xffff  }
0x123: {  	[tilespmem:s3+$0xFFFFFE60] =	vst v10;
	v10 =	vor.u32 $0x100, v4;
	v8 =	vld.idx.msk [tilespmem:v8+s26+$0x0], $0xffff  }
0x124: {  	v61 =	vor.u32 $0x100, v11;
	[tilespmem:s3+$0xFFFFFE90] =	vst v16;
	v15 =	vld.idx.msk [tilespmem:v15+s26+$0x0], $0xffff  }
0x125: {  	[tilespmem:s3+$0xFFFFFEA0] =	vst v18;
	v18 =	vor.u32 $0x100, v12;
	v17 =	vld.idx.msk [tilespmem:v17+s26+$0x0], $0xffff  }
0x126: {  	v16 =	vor.u32 $0x200, v5;
	v19 =	vld.idx.msk [tilespmem:v19+s26+$0x0], $0xffff;
	[tilespmem:s3+$0xFFFFFEB0] =	vst v7  }
0x127: {  	v7 =	vor.u32 $0x100, v13;
	v6 =	vld.idx.msk [tilespmem:v6+s26+$0x0], $0xffff;
	[tilespmem:s3+$0xFFFFFEC0] =	vst v14  }
0x128: {  	v14 =	vor.u32 $0x180, v1;
	v10 =	vld.idx.msk [tilespmem:v10+s26+$0x0], $0xffff;
	[tilespmem:s3+$0xFFFFFED0] =	vst v9  }
0x129: {  	[tilespmem:s3+$0xFFFFFFF0] =	vst v8;
	v8 =	vor.u32 $0x180, v2;
	v20 =	vld.idx.msk [tilespmem:v61+s26+$0x0], $0xffff  }
0x12a: {  	[tilespmem:s3+$0xFFFFFEE0] =	vst v15;
	v15 =	vld.idx.msk [tilespmem:v18+s26+$0x0], $0xffff;
	v18 =	vor.u32 $0x180, v4  }
0x12b: {  	v9 =	vld.idx.msk [tilespmem:v16+s26+$0x0], $0xffff;
	v16 =	vor.u32 $0x180, v3;
	[tilespmem:s3+$0xFFFFFF00] =	vst v17  }
0x12c: {  	v17 =	vor.u32 $0x280, v5;
	[tilespmem:s3+$0xFFFFFF10] =	vst v19;
	v7 =	vld.idx.msk [tilespmem:v7+s26+$0x0], $0xffff  }
0x12d: {  	v19 =	vor.u32 $0x180, v11;
	v14 =	vld.idx.msk [tilespmem:v14+s26+$0x0], $0xffff;
	[tilespmem:s3+$0xFFFFFF20] =	vst v6  }
0x12e: {  	v6 =	vor.u32 $0x180, v12;
	[tilespmem:s3+$0xFFFFFF30] =	vst v10;
	v8 =	vld.idx.msk [tilespmem:v8+s26+$0x0], $0xffff  }
0x12f: {  	v10 =	vor.u32 $0x180, v13;
	[tilespmem:s3+$0xFFFFFF40] =	vst v20;
	v18 =	vld.idx.msk [tilespmem:v18+s26+$0x0], $0xffff  }
0x130: {  	v16 =	vld.idx.msk [tilespmem:v16+s26+$0x0], $0xffff;
	[tilespmem:s3+$0x70] =	vst v9;
	v9 =	vor.u32 $0x200, v1  }
0x131: {  	v62 =	vor.u32 $0x200, v2;
	[tilespmem:s3+$0xFFFFFF50] =	vst v15;
	v17 =	vld.idx.msk [tilespmem:v17+s26+$0x0], $0xffff  }
0x132: {  	v15 =	vld.idx.msk [tilespmem:v19+s26+$0x0], $0xffff;
	[tilespmem:s3+$0xFFFFFF60] =	vst v7;
	v7 =	vor.u32 $0x300, v5  }
0x133: {  	v19 =	vor.u32 $0x200, v3;
	[tilespmem:s3+$0xFFFFFF80] =	vst v14;
	v6 =	vld.idx.msk [tilespmem:v6+s26+$0x0], $0xffff  }
0x134: {  	v14 =	vor.u32 $0x200, v4;
	[tilespmem:s3+$0xFFFFFF90] =	vst v8;
	v8 =	vld.idx.msk [tilespmem:v10+s26+$0x0], $0xffff  }
0x135: {  	v10 =	vor.u32 $0x200, v11;
	v9 =	vld.idx.msk [tilespmem:v9+s26+$0x0], $0xffff;
	[tilespmem:s3+$0xFFFFFFA0] =	vst v16  }
0x136: {  	v16 =	vor.u32 $0x200, v12;
	v20 =	vld.idx.msk [tilespmem:v62+s26+$0x0], $0xffff;
	[tilespmem:s3+$0xF0] =	vst v17  }
0x137: {  	[tilespmem:s3+$0xFFFFFFB0] =	vst v18;
	v17 =	vor.u32 $0x200, v13;
	v7 =	vld.idx.msk [tilespmem:v7+s26+$0x0], $0xffff  }
0x138: {  	v18 =	vor.u32 $0x280, v1;
	v19 =	vld.idx.msk [tilespmem:v19+s26+$0x0], $0xffff;
	[tilespmem:s3+$0xFFFFFFC0] =	vst v15  }
0x139: {  	v5 =	vor.u32 $0x380, v5;
	v14 =	vld.idx.msk [tilespmem:v14+s26+$0x0], $0xffff;
	[tilespmem:s3+$0xFFFFFFD0] =	vst v6  }
0x13a: {  	v6 =	vor.u32 $0x280, v2;
	v10 =	vld.idx.msk [tilespmem:v10+s26+$0x0], $0xffff;
	[tilespmem:s3+$0xFFFFFFE0] =	vst v8  }
0x13b: {  	v8 =	vor.u32 $0x280, v3;
	[tilespmem:s3+$0x0] =	vst v9;
	v9 =	vld.idx.msk [tilespmem:v16+s26+$0x0], $0xffff  }
0x13c: {  	v15 =	vor.u32 $0x280, v4;
	[tilespmem:s3+$0x10] =	vst v20;
	v16 =	vld.idx.msk [tilespmem:v17+s26+$0x0], $0xffff  }
0x13d: {  	v17 =	vor.u32 $0x280, v11;
	v18 =	vld.idx.msk [tilespmem:v18+s26+$0x0], $0xffff;
	[tilespmem:s3+$0x170] =	vst v7  }
0x13e: {  	v7 =	vor.u32 $0x280, v12;
	[tilespmem:s3+$0x20] =	vst v19;
	v5 =	vld.idx.msk [tilespmem:v5+s26+$0x0], $0xffff  }
0x13f: {  	v19 =	vor.u32 $0x280, v13;
	v6 =	vld.idx.msk [tilespmem:v6+s26+$0x0], $0xffff;
	[tilespmem:s3+$0x30] =	vst v14  }
0x140: {  	v14 =	vor.u32 $0x300, v1;
	v8 =	vld.idx.msk [tilespmem:v8+s26+$0x0], $0xffff;
	[tilespmem:s3+$0x40] =	vst v10  }
0x141: {  	v10 =	vor.u32 $0x300, v2;
	v63 =	vld.idx.msk [tilespmem:v15+s26+$0x0], $0xffff;
	[tilespmem:s3+$0x50] =	vst v9  }
0x142: {  	v21 =	vor.u32 $0x300, v3;
	v22 =	vld.idx.msk [tilespmem:v17+s26+$0x0], $0xffff;
	[tilespmem:s3+$0x60] =	vst v16  }
0x143: {  	v23 =	vor.u32 $0x300, v4;
	[tilespmem:s3+$0x80] =	vst v18;
	v18 =	vld.idx.msk [tilespmem:v7+s26+$0x0], $0xffff  }
0x144: {  	v24 =	vor.u32 $0x300, v11;
	v16 =	vld.idx.msk [tilespmem:v19+s26+$0x0], $0xffff;
	[tilespmem:s3+$0x1F0] =	vst v5  }
0x145: {  	v15 =	vld.idx.msk [tilespmem:v14+s26+$0x0], $0xffff;
	[tilespmem:s3+$0x90] =	vst v6  }
0x146: {  	v14 =	vld.idx.msk [tilespmem:v10+s26+$0x0], $0xffff;
	[tilespmem:s3+$0xA0] =	vst v8  }
0x147: {  	v9 =	vor.u32 $0x300, v12;
	v7 =	vor.u32 $0x380, v2;
	v2 =	vor.u32 $0x380, v12;
	[tilespmem:s3+$0xB0] =	vst v63;
	v17 =	vld.idx.msk [tilespmem:v21+s26+$0x0], $0xffff  }
0x148: {  	v6 =	vor.u32 $0x380, v3;
	v5 =	vor.u32 $0x380, v4;
	v3 =	vor.u32 $0x380, v11;
	v4 =	vld.idx.msk [tilespmem:v23+s26+$0x0], $0xffff;
	[tilespmem:s3+$0xC0] =	vst v22  }
0x149: {  	s2 =	simm.s32 $0x13200;
	s1 =	simm.s32 $0x4F0;
	s23 =	simm.s32 $0x0;
	v8 =	vor.u32 $0x380, v1;
	v10 =	vor.u32 $0x300, v13;
	v1 =	vor.u32 $0x380, v13;
	v11 =	vld.idx.msk [tilespmem:v24+s26+$0x0], $0xffff;
	[tilespmem:s3+$0xD0] =	vst v18  }
.LBB2_7:
0x14a: {  	v12 =	vld [tilespmem:s1+$0x0];
	s23 =	sadd.s32 $0x8, s23;
	[tilespmem:s3+$0xE0] =	vst v16  }
0x14b: {  	v13 =	vld [tilespmem:s1+$0xFFFFFFA0];
	p1 =	slt.u32 s23, $0x38;
	[tilespmem:s3+$0x100] =	vst v15  }
0x14c: {  	v15 =	vld [tilespmem:s1+$0xFFFFFFB0];
	[tilespmem:s3+$0x110] =	vst v14  }
0x14d: {  	v14 =	vld [tilespmem:s1+$0xFFFFFFC0];
	[tilespmem:s3+$0x120] =	vst v17  }
0x14e: {  	v16 =	vld [tilespmem:s1+$0xFFFFFFD0];
	[tilespmem:s3+$0x130] =	vst v4  }
0x14f: {  	v17 =	vld [tilespmem:s1+$0xFFFFFFE0];
	v4 =	vshll.u32 v12, $0x3;
	[tilespmem:s3+$0x140] =	vst v11  }
0x150: {  	v12 =	vand.u32 $0x7F, v12;
	v11 =	vshll.u32 v13, $0x3;
	v18 =	vld [tilespmem:s1+$0xFFFFFFF0];
	v4 =	vand.u32 $0xFFFFFC00, v4  }
0x151: {  	v19 =	vld [tilespmem:s1+$0xFFFFFF90];
	v11 =	vand.u32 $0xFFFFFC00, v11;
	v20 =	vshll.u32 v15, $0x3;
	v4 =	vor.u32 v12, v4  }
0x152: {  	v12 =	vand.u32 $0x7F, v13;
	v13 =	vand.u32 $0xFFFFFC00, v20;
	v20 =	vshll.u32 v14, $0x3;
	v9 =	vld.idx.msk [tilespmem:v9+s26+$0x0], $0xffff  }
0x153: {  	v15 =	vand.u32 $0x7F, v15;
	v20 =	vand.u32 $0xFFFFFC00, v20;
	v21 =	vshll.u32 v16, $0x3;
	v10 =	vld.idx.msk [tilespmem:v10+s26+$0x0], $0xffff  }
0x154: {  	v14 =	vand.u32 $0x7F, v14;
	v21 =	vand.u32 $0xFFFFFC00, v21;
	v22 =	vshll.u32 v17, $0x3;
	v8 =	vld.idx.msk [tilespmem:v8+s26+$0x0], $0xffff  }
0x155: {  	v16 =	vand.u32 $0x7F, v16;
	v22 =	vand.u32 $0xFFFFFC00, v22;
	v23 =	vshll.u32 v18, $0x3;
	v7 =	vld.idx.msk [tilespmem:v7+s26+$0x0], $0xffff  }
0x156: {  	v24 =	vand.u32 $0x7F, v19;
	v19 =	vshll.u32 v19, $0x3;
	v23 =	vand.u32 $0xFFFFFC00, v23;
	v25 =	vld.idx.msk [tilespmem:v4+s26+$0x0], $0xffff  }
0x157: {  	v17 =	vand.u32 $0x7F, v17;
	v18 =	vand.u32 $0x7F, v18;
	v19 =	vand.u32 $0xFFFFFC00, v19;
	v6 =	vld.idx.msk [tilespmem:v6+s26+$0x0], $0xffff  }
0x158: {  	v26 =	vor.u32 v12, v11;
	v11 =	vor.u32 $0x80, v4;
	v24 =	vor.u32 v24, v19;
	v5 =	vld.idx.msk [tilespmem:v5+s26+$0x0], $0xffff;
	[tilespmem:s3+$0x150] =	vst v9  }
0x159: {  	v27 =	vor.u32 v15, v13;
	v28 =	vor.u32 v14, v20;
	v29 =	vor.u32 v16, v21;
	[tilespmem:s3+$0x160] =	vst v10  }
0x15a: {  	v22 =	vor.u32 v17, v22;
	v23 =	vor.u32 v18, v23;
	v9 =	vor.u32 $0x80, v24;
	[tilespmem:s3+$0x180] =	vst v8;
	v3 =	vld.idx.msk [tilespmem:v3+s26+$0x0], $0xffff  }
0x15b: {  	v30 =	vor.u32 $0x80, v28;
	v10 =	vor.u32 $0x80, v27;
	v8 =	vor.u32 $0x80, v26;
	s3 =	sadd.s32 $0x400, s3;
	[tilespmem:s2+$0x190] =	vst v7;
	v2 =	vld.idx.msk [tilespmem:v2+s26+$0x0], $0xffff  }
0x15c: {  	v31 =	vor.u32 $0x80, v29;
	v32 =	vor.u32 $0x80, v22;
	v33 =	vor.u32 $0x80, v23;
	[tilespmem:s3+$0xFFFFFE70] =	vst v25;
	v1 =	vld.idx.msk [tilespmem:v1+s26+$0x0], $0xffff  }
0x15d: {  	v34 =	vor.u32 $0x100, v26;
	v35 =	vor.u32 $0x100, v27;
	v25 =	vor.u32 $0x100, v24;
	v7 =	vld.idx.msk [tilespmem:v11+s26+$0x0], $0xffff;
	[tilespmem:s2+$0x1A0] =	vst v6  }
0x15e: {  	v36 =	vor.u32 $0x100, v28;
	v37 =	vor.u32 $0x100, v29;
	v38 =	vor.u32 $0x100, v22;
	v6 =	vld.idx.msk [tilespmem:v24+s26+$0x0], $0xffff;
	[tilespmem:s2+$0x1B0] =	vst v5  }
0x15f: {  	v40 =	vor.u32 $0x100, v23;
	v39 =	vor.u32 $0x180, v24;
	v11 =	vor.u32 $0x100, v4;
	v5 =	vld.idx.msk [tilespmem:v26+s26+$0x0], $0xffff  }
0x160: {  	v41 =	vor.u32 $0x180, v26;
	v42 =	vor.u32 $0x180, v27;
	v43 =	vor.u32 $0x180, v28;
	v12 =	vld.idx.msk [tilespmem:v27+s26+$0x0], $0xffff;
	[tilespmem:s2+$0x1C0] =	vst v3  }
0x161: {  	v44 =	vor.u32 $0x180, v29;
	v45 =	vor.u32 $0x180, v22;
	v46 =	vor.u32 $0x180, v23;
	v3 =	vld.idx.msk [tilespmem:v28+s26+$0x0], $0xffff;
	[tilespmem:s2+$0x1D0] =	vst v2  }
0x162: {  	v48 =	vor.u32 $0x200, v26;
	v49 =	vor.u32 $0x200, v27;
	v47 =	vor.u32 $0x200, v24;
	v2 =	vld.idx.msk [tilespmem:v29+s26+$0x0], $0xffff;
	[tilespmem:s2+$0x1E0] =	vst v1;
	s2 =	smov.u32 s3  }
0x163: {  	v50 =	vor.u32 $0x200, v28;
	v51 =	vor.u32 $0x200, v29;
	v52 =	vor.u32 $0x200, v22;
	v1 =	vld.idx.msk [tilespmem:v22+s26+$0x0], $0xffff;
	[tilespmem:s3+$0xFFFFFEF0] =	vst v7  }
0x164: {  	v19 =	vor.u32 $0x280, v26;
	v54 =	vor.u32 $0x200, v23;
	v53 =	vor.u32 $0x280, v24;
	[tilespmem:s3+$0xFFFFFE00] =	vst v6;
	v55 =	vld.idx.msk [tilespmem:v11+s26+$0x0], $0xffff  }
0x165: {  	v21 =	vor.u32 $0x280, v27;
	v20 =	vor.u32 $0x280, v28;
	v16 =	vor.u32 $0x280, v29;
	[tilespmem:s3+$0xFFFFFE10] =	vst v5;
	v56 =	vld.idx.msk [tilespmem:v23+s26+$0x0], $0xffff  }
0x166: {  	v58 =	vor.u32 $0x180, v4;
	v18 =	vor.u32 $0x280, v22;
	v17 =	vor.u32 $0x280, v23;
	v57 =	vld.idx.msk [tilespmem:v9+s26+$0x0], $0xffff;
	[tilespmem:s3+$0xFFFFFE20] =	vst v12  }
0x167: {  	v14 =	vor.u32 $0x300, v26;
	v15 =	vor.u32 $0x300, v24;
	v11 =	vor.u32 $0x300, v27;
	v59 =	vld.idx.msk [tilespmem:v8+s26+$0x0], $0xffff;
	[tilespmem:s3+$0xFFFFFE30] =	vst v3  }
0x168: {  	v13 =	vor.u32 $0x300, v28;
	v12 =	vor.u32 $0x300, v29;
	v9 =	vor.u32 $0x300, v22;
	v60 =	vld.idx.msk [tilespmem:v10+s26+$0x0], $0xffff;
	[tilespmem:s3+$0xFFFFFE40] =	vst v2  }
0x169: {  	v7 =	vor.u32 $0x380, v26;
	v8 =	vor.u32 $0x380, v24;
	v10 =	vor.u32 $0x300, v23;
	v24 =	vld.idx.msk [tilespmem:v30+s26+$0x0], $0xffff;
	[tilespmem:s3+$0xFFFFFE50] =	vst v1  }
0x16a: {  	v6 =	vor.u32 $0x380, v27;
	v5 =	vor.u32 $0x380, v28;
	v3 =	vor.u32 $0x380, v29;
	v26 =	vld.idx.msk [tilespmem:v31+s26+$0x0], $0xffff;
	[tilespmem:s3+$0xFFFFFF70] =	vst v55  }
0x16b: {  	v2 =	vor.u32 $0x380, v22;
	v1 =	vor.u32 $0x380, v23;
	[tilespmem:s3+$0xFFFFFE60] =	vst v56;
	v22 =	vld.idx.msk [tilespmem:v58+s26+$0x0], $0xffff  }
0x16c: {  	[tilespmem:s3+$0xFFFFFE80] =	vst v57;
	v23 =	vld.idx.msk [tilespmem:v32+s26+$0x0], $0xffff  }
0x16d: {  	v28 =	vor.u32 $0x200, v4;
	[tilespmem:s3+$0xFFFFFE90] =	vst v59;
	v27 =	vld.idx.msk [tilespmem:v33+s26+$0x0], $0xffff  }
0x16e: {  	v25 =	vld.idx.msk [tilespmem:v25+s26+$0x0], $0xffff;
	[tilespmem:s3+$0xFFFFFEA0] =	vst v60  }
0x16f: {  	v29 =	vld.idx.msk [tilespmem:v34+s26+$0x0], $0xffff;
	[tilespmem:s3+$0xFFFFFEB0] =	vst v24  }
0x170: {  	v24 =	vld.idx.msk [tilespmem:v35+s26+$0x0], $0xffff;
	[tilespmem:s3+$0xFFFFFEC0] =	vst v26  }
0x171: {  	v26 =	vld.idx.msk [tilespmem:v36+s26+$0x0], $0xffff;
	[tilespmem:s3+$0xFFFFFFF0] =	vst v22  }
0x172: {  	[tilespmem:s3+$0xFFFFFED0] =	vst v23;
	v22 =	vld.idx.msk [tilespmem:v28+s26+$0x0], $0xffff  }
0x173: {  	v23 =	vld.idx.msk [tilespmem:v37+s26+$0x0], $0xffff;
	[tilespmem:s3+$0xFFFFFEE0] =	vst v27  }
0x174: {  	v27 =	vor.u32 $0x280, v4;
	[tilespmem:s3+$0xFFFFFF00] =	vst v25;
	v25 =	vld.idx.msk [tilespmem:v38+s26+$0x0], $0xffff  }
0x175: {  	[tilespmem:s3+$0xFFFFFF10] =	vst v29;
	v28 =	vld.idx.msk [tilespmem:v40+s26+$0x0], $0xffff  }
0x176: {  	v29 =	vld.idx.msk [tilespmem:v39+s26+$0x0], $0xffff;
	[tilespmem:s3+$0xFFFFFF20] =	vst v24  }
0x177: {  	v24 =	vld.idx.msk [tilespmem:v41+s26+$0x0], $0xffff;
	[tilespmem:s3+$0xFFFFFF30] =	vst v26  }
0x178: {  	v26 =	vld.idx.msk [tilespmem:v42+s26+$0x0], $0xffff;
	[tilespmem:s3+$0x70] =	vst v22  }
0x179: {  	[tilespmem:s3+$0xFFFFFF40] =	vst v23;
	v22 =	vld.idx.msk [tilespmem:v27+s26+$0x0], $0xffff  }
0x17a: {  	v23 =	vld.idx.msk [tilespmem:v43+s26+$0x0], $0xffff;
	[tilespmem:s3+$0xFFFFFF50] =	vst v25  }
0x17b: {  	v27 =	vor.u32 $0x300, v4;
	v25 =	vld.idx.msk [tilespmem:v44+s26+$0x0], $0xffff;
	[tilespmem:s3+$0xFFFFFF60] =	vst v28  }
0x17c: {  	[tilespmem:s3+$0xFFFFFF80] =	vst v29;
	v28 =	vld.idx.msk [tilespmem:v45+s26+$0x0], $0xffff  }
0x17d: {  	[tilespmem:s3+$0xFFFFFF90] =	vst v24;
	v24 =	vld.idx.msk [tilespmem:v46+s26+$0x0], $0xffff  }
0x17e: {  	v29 =	vld.idx.msk [tilespmem:v47+s26+$0x0], $0xffff;
	[tilespmem:s3+$0xFFFFFFA0] =	vst v26  }
0x17f: {  	v26 =	vld.idx.msk [tilespmem:v48+s26+$0x0], $0xffff;
	[tilespmem:s3+$0xF0] =	vst v22  }
0x180: {  	[tilespmem:s3+$0xFFFFFFB0] =	vst v23;
	v22 =	vld.idx.msk [tilespmem:v27+s26+$0x0], $0xffff  }
0x181: {  	v23 =	vld.idx.msk [tilespmem:v49+s26+$0x0], $0xffff;
	[tilespmem:s3+$0xFFFFFFC0] =	vst v25  }
0x182: {  	v4 =	vor.u32 $0x380, v4;
	v25 =	vld.idx.msk [tilespmem:v50+s26+$0x0], $0xffff;
	[tilespmem:s3+$0xFFFFFFD0] =	vst v28  }
0x183: {  	v27 =	vld.idx.msk [tilespmem:v51+s26+$0x0], $0xffff;
	[tilespmem:s3+$0xFFFFFFE0] =	vst v24  }
0x184: {  	[tilespmem:s3+$0x0] =	vst v29;
	v24 =	vld.idx.msk [tilespmem:v52+s26+$0x0], $0xffff  }
0x185: {  	[tilespmem:s3+$0x10] =	vst v26;
	v26 =	vld.idx.msk [tilespmem:v54+s26+$0x0], $0xffff  }
0x186: {  	v28 =	vld.idx.msk [tilespmem:v53+s26+$0x0], $0xffff;
	[tilespmem:s3+$0x170] =	vst v22  }
0x187: {  	[tilespmem:s3+$0x20] =	vst v23;
	v4 =	vld.idx.msk [tilespmem:v4+s26+$0x0], $0xffff  }
0x188: {  	v19 =	vld.idx.msk [tilespmem:v19+s26+$0x0], $0xffff;
	[tilespmem:s3+$0x30] =	vst v25  }
0x189: {  	v21 =	vld.idx.msk [tilespmem:v21+s26+$0x0], $0xffff;
	[tilespmem:s3+$0x40] =	vst v27  }
0x18a: {  	v20 =	vld.idx.msk [tilespmem:v20+s26+$0x0], $0xffff;
	[tilespmem:s3+$0x50] =	vst v24  }
0x18b: {  	v22 =	vld.idx.msk [tilespmem:v16+s26+$0x0], $0xffff;
	[tilespmem:s3+$0x60] =	vst v26  }
0x18c: {  	[tilespmem:s3+$0x80] =	vst v28;
	v18 =	vld.idx.msk [tilespmem:v18+s26+$0x0], $0xffff  }
0x18d: {  	v16 =	vld.idx.msk [tilespmem:v17+s26+$0x0], $0xffff;
	[tilespmem:s3+$0x1F0] =	vst v4  }
.Ltmp4:
0x18e: {  	v15 =	vld.idx.msk [tilespmem:v15+s26+$0x0], $0xffff;
	[tilespmem:s3+$0x90] =	vst v19;
	(pc) =	sbr.rel @p1 .LBB2_7-.Ltmp4, $4  }
0x18f: {  	v14 =	vld.idx.msk [tilespmem:v14+s26+$0x0], $0xffff;
	[tilespmem:s3+$0xA0] =	vst v21  }
0x190: {  	v17 =	vld.idx.msk [tilespmem:v11+s26+$0x0], $0xffff;
	[tilespmem:s3+$0xB0] =	vst v20  }
0x191: {  	v4 =	vld.idx.msk [tilespmem:v13+s26+$0x0], $0xffff;
	[tilespmem:s3+$0xC0] =	vst v22  }
0x192: {  	s1 =	sadd.s32 $0x80, s1;
	v11 =	vld.idx.msk [tilespmem:v12+s26+$0x0], $0xffff;
	[tilespmem:s3+$0xD0] =	vst v18  }
0x193: {  	_ =	sdelay $0x2  }
0x194: {  	[tilespmem:s3+$0xE0] =	vst v16  }
0x195: {  	[tilespmem:s3+$0x100] =	vst v15;
	v9 =	vld.idx.msk [tilespmem:v9+s26+$0x0], $0xffff  }
0x196: {  	[tilespmem:s3+$0x110] =	vst v14;
	v10 =	vld.idx.msk [tilespmem:v10+s26+$0x0], $0xffff  }
0x197: {  	v8 =	vld.idx.msk [tilespmem:v8+s26+$0x0], $0xffff;
	[tilespmem:s3+$0x120] =	vst v17  }
0x198: {  	[tilespmem:s3+$0x130] =	vst v4;
	v4 =	vld.idx.msk [tilespmem:v7+s26+$0x0], $0xffff  }
0x199: {  	v6 =	vld.idx.msk [tilespmem:v6+s26+$0x0], $0xffff;
	[tilespmem:s3+$0x140] =	vst v11  }
0x19a: {  	v5 =	vld.idx.msk [tilespmem:v5+s26+$0x0], $0xffff;
	[tilespmem:s3+$0x150] =	vst v9  }
0x19b: {  	v3 =	vld.idx.msk [tilespmem:v3+s26+$0x0], $0xffff;
	[tilespmem:s3+$0x160] =	vst v10  }
0x19c: {  	[tilespmem:s3+$0x180] =	vst v8;
	v2 =	vld.idx.msk [tilespmem:v2+s26+$0x0], $0xffff  }
0x19d: {  	v1 =	vld.idx.msk [tilespmem:v1+s26+$0x0], $0xffff;
	[tilespmem:s2+$0x190] =	vst v4  }
0x19e: {  	[tilespmem:s2+$0x1A0] =	vst v6  }
0x19f: {  	[tilespmem:s2+$0x1B0] =	vst v5  }
0x1a0: {  	[tilespmem:s2+$0x1C0] =	vst v3  }
0x1a1: {  	[tilespmem:s2+$0x1D0] =	vst v2  }
0x1a2: {  	s1 =	sadd.s32 s0, s19;
	[tilespmem:s2+$0x1E0] =	vst v1  }
0x1a3: {  	[hbm4b:s1+s5] =	stream.linear.scatter [tilespmem:s9], [sflag:$0x4], $0x2000, $0x38;
	[tilespmem:$0x19200] =	vst v63  }
0x1a4: {  	s1 =	simm.s32 @!p0 $0x5  }
0x1a5: {  	_ =	swait.ge @!p0 [sflag:s1], $0x2000  }
0x1a6: {  	[sflag:s1] =	ssyncset.done @!p0 $0x0  }
0x1a7: {  	s23 =	simm.s32 $0x870;
	[sflag:s1] =	ssyncadd.s32 @!p0 $0xFFFFE000  }
0x1a8: {  	v1 =	vld [tilespmem:s23+$0x0];
	_ =	sdelay $0x3  }
0x1a9: {  	v2 =	vld [tilespmem:s23+$0xFFFFFFA0]  }
0x1aa: {  	v3 =	vshll.u32 v1, $0x3  }
0x1ab: {  	v4 =	vld [tilespmem:s23+$0xFFFFFFB0];
	v1 =	vand.u32 $0x7F, v1;
	v3 =	vand.u32 $0xFFFFFC00, v3  }
0x1ac: {  	v6 =	vld [tilespmem:s23+$0xFFFFFF90];
	v5 =	vor.u32 v1, v3;
	_ =	sdelay $0x1  }
0x1ad: {  	v3 =	vld [tilespmem:s23+$0xFFFFFFC0];
	v1 =	vshll.u32 v2, $0x3  }
0x1ae: {  	v8 =	vld [tilespmem:s23+$0xFFFFFFE0];
	v2 =	vand.u32 $0x7F, v2;
	v9 =	vand.u32 $0xFFFFFC00, v1  }
0x1af: {  	v7 =	vld [tilespmem:s23+$0xFFFFFFD0];
	v1 =	vshll.u32 v4, $0x3;
	v2 =	vor.u32 v2, v9  }
0x1b0: {  	v12 =	vor.u32 $0x80, v5;
	v10 =	vand.u32 $0xFFFFFC00, v1;
	v1 =	vshll.u32 v6, $0x3;
	v11 =	vld.idx.msk [tilespmem:v5+s26+$0x0], $0xffff  }
0x1b1: {  	v13 =	vld [tilespmem:s23+$0xFFFFFFF0];
	v4 =	vand.u32 $0x7F, v4;
	v6 =	vand.u32 $0x7F, v6;
	v1 =	vand.u32 $0xFFFFFC00, v1  }
0x1b2: {  	v1 =	vor.u32 v6, v1;
	v14 =	vshll.u32 v3, $0x3;
	v9 =	vand.u32 $0x7F, v3  }
0x1b3: {  	v3 =	vor.u32 v4, v10;
	v10 =	vshll.u32 v8, $0x3;
	v6 =	vand.u32 $0xFFFFFC00, v14  }
0x1b4: {  	s3 =	simm.s32 $0x15200;
	v14 =	vshll.u32 v7, $0x3;
	v4 =	vor.u32 v9, v6;
	v6 =	vand.u32 $0xFFFFFC00, v10;
	v10 =	vld.idx.msk [tilespmem:v2+s26+$0x0], $0xffff  }
0x1b5: {  	v16 =	vor.u32 $0x80, v2;
	v7 =	vand.u32 $0x7F, v7;
	v14 =	vand.u32 $0xFFFFFC00, v14;
	[tilespmem:s3+$0xFFFFFE70] =	vst v11  }
0x1b6: {  	v8 =	vand.u32 $0x7F, v8;
	v9 =	vshll.u32 v13, $0x3;
	v11 =	vor.u32 v7, v14;
	v7 =	vld.idx.msk [tilespmem:v12+s26+$0x0], $0xffff  }
0x1b7: {  	v12 =	vor.u32 v8, v6;
	v6 =	vld.idx.msk [tilespmem:v1+s26+$0x0], $0xffff;
	v8 =	vand.u32 $0xFFFFFC00, v9;
	v9 =	vand.u32 $0x7F, v13  }
0x1b8: {  	v14 =	vor.u32 $0x100, v5;
	v13 =	vor.u32 v9, v8;
	v8 =	vld.idx.msk [tilespmem:v3+s26+$0x0], $0xffff  }
0x1b9: {  	v9 =	vor.u32 $0x80, v1;
	v15 =	vld.idx.msk [tilespmem:v4+s26+$0x0], $0xffff;
	[tilespmem:s3+$0xFFFFFE10] =	vst v10  }
0x1ba: {  	v16 =	vld.idx.msk [tilespmem:v16+s26+$0x0], $0xffff  }
0x1bb: {  	v18 =	vor.u32 $0x80, v3;
	v17 =	vld.idx.msk [tilespmem:v11+s26+$0x0], $0xffff  }
0x1bc: {  	v19 =	vld.idx.msk [tilespmem:v12+s26+$0x0], $0xffff;
	[tilespmem:s3+$0xFFFFFEF0] =	vst v7;
	v7 =	vor.u32 $0x80, v4  }
0x1bd: {  	[tilespmem:s3+$0xFFFFFE00] =	vst v6;
	v6 =	vld.idx.msk [tilespmem:v14+s26+$0x0], $0xffff;
	v14 =	vor.u32 $0x80, v11  }
0x1be: {  	v20 =	vor.u32 $0x80, v12;
	v9 =	vld.idx.msk [tilespmem:v9+s26+$0x0], $0xffff;
	[tilespmem:s3+$0xFFFFFE20] =	vst v8  }
0x1bf: {  	v10 =	vld.idx.msk [tilespmem:v13+s26+$0x0], $0xffff;
	v8 =	vor.u32 $0x180, v5;
	[tilespmem:s3+$0xFFFFFE30] =	vst v15  }
0x1c0: {  	v15 =	vor.u32 $0x80, v13;
	v18 =	vld.idx.msk [tilespmem:v18+s26+$0x0], $0xffff;
	[tilespmem:s3+$0xFFFFFE40] =	vst v17  }
0x1c1: {  	v17 =	vor.u32 $0x100, v1;
	v7 =	vld.idx.msk [tilespmem:v7+s26+$0x0], $0xffff;
	[tilespmem:s3+$0xFFFFFE50] =	vst v19  }
0x1c2: {  	v19 =	vor.u32 $0x100, v2;
	v14 =	vld.idx.msk [tilespmem:v14+s26+$0x0], $0xffff;
	[tilespmem:s3+$0xFFFFFF70] =	vst v6  }
0x1c3: {  	v6 =	vor.u32 $0x100, v3;
	[tilespmem:s3+$0xFFFFFE80] =	vst v9;
	v9 =	vld.idx.msk [tilespmem:v20+s26+$0x0], $0xffff  }
0x1c4: {  	[tilespmem:s3+$0xFFFFFE60] =	vst v10;
	v10 =	vor.u32 $0x100, v4;
	v8 =	vld.idx.msk [tilespmem:v8+s26+$0x0], $0xffff  }
0x1c5: {  	v61 =	vor.u32 $0x100, v11;
	[tilespmem:s3+$0xFFFFFE90] =	vst v16;
	v15 =	vld.idx.msk [tilespmem:v15+s26+$0x0], $0xffff  }
0x1c6: {  	[tilespmem:s3+$0xFFFFFEA0] =	vst v18;
	v18 =	vor.u32 $0x100, v12;
	v17 =	vld.idx.msk [tilespmem:v17+s26+$0x0], $0xffff  }
0x1c7: {  	v16 =	vor.u32 $0x200, v5;
	v19 =	vld.idx.msk [tilespmem:v19+s26+$0x0], $0xffff;
	[tilespmem:s3+$0xFFFFFEB0] =	vst v7  }
0x1c8: {  	v7 =	vor.u32 $0x100, v13;
	v6 =	vld.idx.msk [tilespmem:v6+s26+$0x0], $0xffff;
	[tilespmem:s3+$0xFFFFFEC0] =	vst v14  }
0x1c9: {  	v14 =	vor.u32 $0x180, v1;
	v10 =	vld.idx.msk [tilespmem:v10+s26+$0x0], $0xffff;
	[tilespmem:s3+$0xFFFFFED0] =	vst v9  }
0x1ca: {  	[tilespmem:s3+$0xFFFFFFF0] =	vst v8;
	v8 =	vor.u32 $0x180, v2;
	v20 =	vld.idx.msk [tilespmem:v61+s26+$0x0], $0xffff  }
0x1cb: {  	[tilespmem:s3+$0xFFFFFEE0] =	vst v15;
	v15 =	vld.idx.msk [tilespmem:v18+s26+$0x0], $0xffff;
	v18 =	vor.u32 $0x180, v4  }
0x1cc: {  	v9 =	vld.idx.msk [tilespmem:v16+s26+$0x0], $0xffff;
	v16 =	vor.u32 $0x180, v3;
	[tilespmem:s3+$0xFFFFFF00] =	vst v17  }
0x1cd: {  	v17 =	vor.u32 $0x280, v5;
	[tilespmem:s3+$0xFFFFFF10] =	vst v19;
	v7 =	vld.idx.msk [tilespmem:v7+s26+$0x0], $0xffff  }
0x1ce: {  	v19 =	vor.u32 $0x180, v11;
	v14 =	vld.idx.msk [tilespmem:v14+s26+$0x0], $0xffff;
	[tilespmem:s3+$0xFFFFFF20] =	vst v6  }
0x1cf: {  	v6 =	vor.u32 $0x180, v12;
	[tilespmem:s3+$0xFFFFFF30] =	vst v10;
	v8 =	vld.idx.msk [tilespmem:v8+s26+$0x0], $0xffff  }
0x1d0: {  	v10 =	vor.u32 $0x180, v13;
	[tilespmem:s3+$0xFFFFFF40] =	vst v20;
	v18 =	vld.idx.msk [tilespmem:v18+s26+$0x0], $0xffff  }
0x1d1: {  	v16 =	vld.idx.msk [tilespmem:v16+s26+$0x0], $0xffff;
	[tilespmem:s3+$0x70] =	vst v9;
	v9 =	vor.u32 $0x200, v1  }
0x1d2: {  	v62 =	vor.u32 $0x200, v2;
	[tilespmem:s3+$0xFFFFFF50] =	vst v15;
	v17 =	vld.idx.msk [tilespmem:v17+s26+$0x0], $0xffff  }
0x1d3: {  	v15 =	vld.idx.msk [tilespmem:v19+s26+$0x0], $0xffff;
	[tilespmem:s3+$0xFFFFFF60] =	vst v7;
	v7 =	vor.u32 $0x300, v5  }
0x1d4: {  	v19 =	vor.u32 $0x200, v3;
	[tilespmem:s3+$0xFFFFFF80] =	vst v14;
	v6 =	vld.idx.msk [tilespmem:v6+s26+$0x0], $0xffff  }
0x1d5: {  	v14 =	vor.u32 $0x200, v4;
	[tilespmem:s3+$0xFFFFFF90] =	vst v8;
	v8 =	vld.idx.msk [tilespmem:v10+s26+$0x0], $0xffff  }
0x1d6: {  	v10 =	vor.u32 $0x200, v11;
	v9 =	vld.idx.msk [tilespmem:v9+s26+$0x0], $0xffff;
	[tilespmem:s3+$0xFFFFFFA0] =	vst v16  }
0x1d7: {  	v16 =	vor.u32 $0x200, v12;
	v20 =	vld.idx.msk [tilespmem:v62+s26+$0x0], $0xffff;
	[tilespmem:s3+$0xF0] =	vst v17  }
0x1d8: {  	[tilespmem:s3+$0xFFFFFFB0] =	vst v18;
	v17 =	vor.u32 $0x200, v13;
	v7 =	vld.idx.msk [tilespmem:v7+s26+$0x0], $0xffff  }
0x1d9: {  	v18 =	vor.u32 $0x280, v1;
	v19 =	vld.idx.msk [tilespmem:v19+s26+$0x0], $0xffff;
	[tilespmem:s3+$0xFFFFFFC0] =	vst v15  }
0x1da: {  	v5 =	vor.u32 $0x380, v5;
	v14 =	vld.idx.msk [tilespmem:v14+s26+$0x0], $0xffff;
	[tilespmem:s3+$0xFFFFFFD0] =	vst v6  }
0x1db: {  	v6 =	vor.u32 $0x280, v2;
	v10 =	vld.idx.msk [tilespmem:v10+s26+$0x0], $0xffff;
	[tilespmem:s3+$0xFFFFFFE0] =	vst v8  }
0x1dc: {  	v8 =	vor.u32 $0x280, v3;
	[tilespmem:s3+$0x0] =	vst v9;
	v9 =	vld.idx.msk [tilespmem:v16+s26+$0x0], $0xffff  }
0x1dd: {  	v15 =	vor.u32 $0x280, v4;
	[tilespmem:s3+$0x10] =	vst v20;
	v16 =	vld.idx.msk [tilespmem:v17+s26+$0x0], $0xffff  }
0x1de: {  	v17 =	vor.u32 $0x280, v11;
	v18 =	vld.idx.msk [tilespmem:v18+s26+$0x0], $0xffff;
	[tilespmem:s3+$0x170] =	vst v7  }
0x1df: {  	v7 =	vor.u32 $0x280, v12;
	[tilespmem:s3+$0x20] =	vst v19;
	v5 =	vld.idx.msk [tilespmem:v5+s26+$0x0], $0xffff  }
0x1e0: {  	v19 =	vor.u32 $0x280, v13;
	v6 =	vld.idx.msk [tilespmem:v6+s26+$0x0], $0xffff;
	[tilespmem:s3+$0x30] =	vst v14  }
0x1e1: {  	v14 =	vor.u32 $0x300, v1;
	v8 =	vld.idx.msk [tilespmem:v8+s26+$0x0], $0xffff;
	[tilespmem:s3+$0x40] =	vst v10  }
0x1e2: {  	v10 =	vor.u32 $0x300, v2;
	v63 =	vld.idx.msk [tilespmem:v15+s26+$0x0], $0xffff;
	[tilespmem:s3+$0x50] =	vst v9  }
0x1e3: {  	v21 =	vor.u32 $0x300, v3;
	v22 =	vld.idx.msk [tilespmem:v17+s26+$0x0], $0xffff;
	[tilespmem:s3+$0x60] =	vst v16  }
0x1e4: {  	v23 =	vor.u32 $0x300, v4;
	[tilespmem:s3+$0x80] =	vst v18;
	v18 =	vld.idx.msk [tilespmem:v7+s26+$0x0], $0xffff  }
0x1e5: {  	v24 =	vor.u32 $0x300, v11;
	v16 =	vld.idx.msk [tilespmem:v19+s26+$0x0], $0xffff;
	[tilespmem:s3+$0x1F0] =	vst v5  }
0x1e6: {  	v15 =	vld.idx.msk [tilespmem:v14+s26+$0x0], $0xffff;
	[tilespmem:s3+$0x90] =	vst v6  }
0x1e7: {  	v14 =	vld.idx.msk [tilespmem:v10+s26+$0x0], $0xffff;
	[tilespmem:s3+$0xA0] =	vst v8  }
0x1e8: {  	v9 =	vor.u32 $0x300, v12;
	v7 =	vor.u32 $0x380, v2;
	v2 =	vor.u32 $0x380, v12;
	[tilespmem:s3+$0xB0] =	vst v63;
	v17 =	vld.idx.msk [tilespmem:v21+s26+$0x0], $0xffff  }
0x1e9: {  	v6 =	vor.u32 $0x380, v3;
	v5 =	vor.u32 $0x380, v4;
	v3 =	vor.u32 $0x380, v11;
	v4 =	vld.idx.msk [tilespmem:v23+s26+$0x0], $0xffff;
	[tilespmem:s3+$0xC0] =	vst v22  }
0x1ea: {  	s2 =	simm.s32 $0x15200;
	s1 =	simm.s32 $0x8F0;
	s23 =	simm.s32 $0x0;
	v8 =	vor.u32 $0x380, v1;
	v10 =	vor.u32 $0x300, v13;
	v1 =	vor.u32 $0x380, v13;
	v11 =	vld.idx.msk [tilespmem:v24+s26+$0x0], $0xffff;
	[tilespmem:s3+$0xD0] =	vst v18  }
.LBB2_9:
0x1eb: {  	v12 =	vld [tilespmem:s1+$0x0];
	s23 =	sadd.s32 $0x8, s23;
	[tilespmem:s3+$0xE0] =	vst v16  }
0x1ec: {  	v13 =	vld [tilespmem:s1+$0xFFFFFFA0];
	p1 =	slt.u32 s23, $0x38;
	[tilespmem:s3+$0x100] =	vst v15  }
0x1ed: {  	v15 =	vld [tilespmem:s1+$0xFFFFFFB0];
	[tilespmem:s3+$0x110] =	vst v14  }
0x1ee: {  	v14 =	vld [tilespmem:s1+$0xFFFFFFC0];
	[tilespmem:s3+$0x120] =	vst v17  }
0x1ef: {  	v16 =	vld [tilespmem:s1+$0xFFFFFFD0];
	[tilespmem:s3+$0x130] =	vst v4  }
0x1f0: {  	v17 =	vld [tilespmem:s1+$0xFFFFFFE0];
	v4 =	vshll.u32 v12, $0x3;
	[tilespmem:s3+$0x140] =	vst v11  }
0x1f1: {  	v12 =	vand.u32 $0x7F, v12;
	v11 =	vshll.u32 v13, $0x3;
	v18 =	vld [tilespmem:s1+$0xFFFFFFF0];
	v4 =	vand.u32 $0xFFFFFC00, v4  }
0x1f2: {  	v19 =	vld [tilespmem:s1+$0xFFFFFF90];
	v11 =	vand.u32 $0xFFFFFC00, v11;
	v20 =	vshll.u32 v15, $0x3;
	v4 =	vor.u32 v12, v4  }
0x1f3: {  	v12 =	vand.u32 $0x7F, v13;
	v13 =	vand.u32 $0xFFFFFC00, v20;
	v20 =	vshll.u32 v14, $0x3;
	v9 =	vld.idx.msk [tilespmem:v9+s26+$0x0], $0xffff  }
0x1f4: {  	v15 =	vand.u32 $0x7F, v15;
	v20 =	vand.u32 $0xFFFFFC00, v20;
	v21 =	vshll.u32 v16, $0x3;
	v10 =	vld.idx.msk [tilespmem:v10+s26+$0x0], $0xffff  }
0x1f5: {  	v14 =	vand.u32 $0x7F, v14;
	v21 =	vand.u32 $0xFFFFFC00, v21;
	v22 =	vshll.u32 v17, $0x3;
	v8 =	vld.idx.msk [tilespmem:v8+s26+$0x0], $0xffff  }
0x1f6: {  	v16 =	vand.u32 $0x7F, v16;
	v22 =	vand.u32 $0xFFFFFC00, v22;
	v23 =	vshll.u32 v18, $0x3;
	v7 =	vld.idx.msk [tilespmem:v7+s26+$0x0], $0xffff  }
0x1f7: {  	v24 =	vand.u32 $0x7F, v19;
	v19 =	vshll.u32 v19, $0x3;
	v23 =	vand.u32 $0xFFFFFC00, v23;
	v25 =	vld.idx.msk [tilespmem:v4+s26+$0x0], $0xffff  }
0x1f8: {  	v17 =	vand.u32 $0x7F, v17;
	v18 =	vand.u32 $0x7F, v18;
	v19 =	vand.u32 $0xFFFFFC00, v19;
	v6 =	vld.idx.msk [tilespmem:v6+s26+$0x0], $0xffff  }
0x1f9: {  	v26 =	vor.u32 v12, v11;
	v11 =	vor.u32 $0x80, v4;
	v24 =	vor.u32 v24, v19;
	v5 =	vld.idx.msk [tilespmem:v5+s26+$0x0], $0xffff;
	[tilespmem:s3+$0x150] =	vst v9  }
0x1fa: {  	v27 =	vor.u32 v15, v13;
	v28 =	vor.u32 v14, v20;
	v29 =	vor.u32 v16, v21;
	[tilespmem:s3+$0x160] =	vst v10  }
0x1fb: {  	v22 =	vor.u32 v17, v22;
	v23 =	vor.u32 v18, v23;
	v9 =	vor.u32 $0x80, v24;
	[tilespmem:s3+$0x180] =	vst v8;
	v3 =	vld.idx.msk [tilespmem:v3+s26+$0x0], $0xffff  }
0x1fc: {  	v30 =	vor.u32 $0x80, v28;
	v10 =	vor.u32 $0x80, v27;
	v8 =	vor.u32 $0x80, v26;
	s3 =	sadd.s32 $0x400, s3;
	[tilespmem:s2+$0x190] =	vst v7;
	v2 =	vld.idx.msk [tilespmem:v2+s26+$0x0], $0xffff  }
0x1fd: {  	v31 =	vor.u32 $0x80, v29;
	v32 =	vor.u32 $0x80, v22;
	v33 =	vor.u32 $0x80, v23;
	[tilespmem:s3+$0xFFFFFE70] =	vst v25;
	v1 =	vld.idx.msk [tilespmem:v1+s26+$0x0], $0xffff  }
0x1fe: {  	v34 =	vor.u32 $0x100, v26;
	v35 =	vor.u32 $0x100, v27;
	v25 =	vor.u32 $0x100, v24;
	v7 =	vld.idx.msk [tilespmem:v11+s26+$0x0], $0xffff;
	[tilespmem:s2+$0x1A0] =	vst v6  }
0x1ff: {  	v36 =	vor.u32 $0x100, v28;
	v37 =	vor.u32 $0x100, v29;
	v38 =	vor.u32 $0x100, v22;
	v6 =	vld.idx.msk [tilespmem:v24+s26+$0x0], $0xffff;
	[tilespmem:s2+$0x1B0] =	vst v5  }
0x200: {  	v40 =	vor.u32 $0x100, v23;
	v39 =	vor.u32 $0x180, v24;
	v11 =	vor.u32 $0x100, v4;
	v5 =	vld.idx.msk [tilespmem:v26+s26+$0x0], $0xffff  }
0x201: {  	v41 =	vor.u32 $0x180, v26;
	v42 =	vor.u32 $0x180, v27;
	v43 =	vor.u32 $0x180, v28;
	v12 =	vld.idx.msk [tilespmem:v27+s26+$0x0], $0xffff;
	[tilespmem:s2+$0x1C0] =	vst v3  }
0x202: {  	v44 =	vor.u32 $0x180, v29;
	v45 =	vor.u32 $0x180, v22;
	v46 =	vor.u32 $0x180, v23;
	v3 =	vld.idx.msk [tilespmem:v28+s26+$0x0], $0xffff;
	[tilespmem:s2+$0x1D0] =	vst v2  }
0x203: {  	v48 =	vor.u32 $0x200, v26;
	v49 =	vor.u32 $0x200, v27;
	v47 =	vor.u32 $0x200, v24;
	v2 =	vld.idx.msk [tilespmem:v29+s26+$0x0], $0xffff;
	[tilespmem:s2+$0x1E0] =	vst v1;
	s2 =	smov.u32 s3  }
0x204: {  	v50 =	vor.u32 $0x200, v28;
	v51 =	vor.u32 $0x200, v29;
	v52 =	vor.u32 $0x200, v22;
	v1 =	vld.idx.msk [tilespmem:v22+s26+$0x0], $0xffff;
	[tilespmem:s3+$0xFFFFFEF0] =	vst v7  }
0x205: {  	v19 =	vor.u32 $0x280, v26;
	v54 =	vor.u32 $0x200, v23;
	v53 =	vor.u32 $0x280, v24;
	[tilespmem:s3+$0xFFFFFE00] =	vst v6;
	v55 =	vld.idx.msk [tilespmem:v11+s26+$0x0], $0xffff  }
0x206: {  	v21 =	vor.u32 $0x280, v27;
	v20 =	vor.u32 $0x280, v28;
	v16 =	vor.u32 $0x280, v29;
	[tilespmem:s3+$0xFFFFFE10] =	vst v5;
	v56 =	vld.idx.msk [tilespmem:v23+s26+$0x0], $0xffff  }
0x207: {  	v58 =	vor.u32 $0x180, v4;
	v18 =	vor.u32 $0x280, v22;
	v17 =	vor.u32 $0x280, v23;
	v57 =	vld.idx.msk [tilespmem:v9+s26+$0x0], $0xffff;
	[tilespmem:s3+$0xFFFFFE20] =	vst v12  }
0x208: {  	v14 =	vor.u32 $0x300, v26;
	v15 =	vor.u32 $0x300, v24;
	v11 =	vor.u32 $0x300, v27;
	v59 =	vld.idx.msk [tilespmem:v8+s26+$0x0], $0xffff;
	[tilespmem:s3+$0xFFFFFE30] =	vst v3  }
0x209: {  	v13 =	vor.u32 $0x300, v28;
	v12 =	vor.u32 $0x300, v29;
	v9 =	vor.u32 $0x300, v22;
	v60 =	vld.idx.msk [tilespmem:v10+s26+$0x0], $0xffff;
	[tilespmem:s3+$0xFFFFFE40] =	vst v2  }
0x20a: {  	v7 =	vor.u32 $0x380, v26;
	v8 =	vor.u32 $0x380, v24;
	v10 =	vor.u32 $0x300, v23;
	v24 =	vld.idx.msk [tilespmem:v30+s26+$0x0], $0xffff;
	[tilespmem:s3+$0xFFFFFE50] =	vst v1  }
0x20b: {  	v6 =	vor.u32 $0x380, v27;
	v5 =	vor.u32 $0x380, v28;
	v3 =	vor.u32 $0x380, v29;
	v26 =	vld.idx.msk [tilespmem:v31+s26+$0x0], $0xffff;
	[tilespmem:s3+$0xFFFFFF70] =	vst v55  }
0x20c: {  	v2 =	vor.u32 $0x380, v22;
	v1 =	vor.u32 $0x380, v23;
	[tilespmem:s3+$0xFFFFFE60] =	vst v56;
	v22 =	vld.idx.msk [tilespmem:v58+s26+$0x0], $0xffff  }
0x20d: {  	[tilespmem:s3+$0xFFFFFE80] =	vst v57;
	v23 =	vld.idx.msk [tilespmem:v32+s26+$0x0], $0xffff  }
0x20e: {  	v28 =	vor.u32 $0x200, v4;
	[tilespmem:s3+$0xFFFFFE90] =	vst v59;
	v27 =	vld.idx.msk [tilespmem:v33+s26+$0x0], $0xffff  }
0x20f: {  	v25 =	vld.idx.msk [tilespmem:v25+s26+$0x0], $0xffff;
	[tilespmem:s3+$0xFFFFFEA0] =	vst v60  }
0x210: {  	v29 =	vld.idx.msk [tilespmem:v34+s26+$0x0], $0xffff;
	[tilespmem:s3+$0xFFFFFEB0] =	vst v24  }
0x211: {  	v24 =	vld.idx.msk [tilespmem:v35+s26+$0x0], $0xffff;
	[tilespmem:s3+$0xFFFFFEC0] =	vst v26  }
0x212: {  	v26 =	vld.idx.msk [tilespmem:v36+s26+$0x0], $0xffff;
	[tilespmem:s3+$0xFFFFFFF0] =	vst v22  }
0x213: {  	[tilespmem:s3+$0xFFFFFED0] =	vst v23;
	v22 =	vld.idx.msk [tilespmem:v28+s26+$0x0], $0xffff  }
0x214: {  	v23 =	vld.idx.msk [tilespmem:v37+s26+$0x0], $0xffff;
	[tilespmem:s3+$0xFFFFFEE0] =	vst v27  }
0x215: {  	v27 =	vor.u32 $0x280, v4;
	[tilespmem:s3+$0xFFFFFF00] =	vst v25;
	v25 =	vld.idx.msk [tilespmem:v38+s26+$0x0], $0xffff  }
0x216: {  	[tilespmem:s3+$0xFFFFFF10] =	vst v29;
	v28 =	vld.idx.msk [tilespmem:v40+s26+$0x0], $0xffff  }
0x217: {  	v29 =	vld.idx.msk [tilespmem:v39+s26+$0x0], $0xffff;
	[tilespmem:s3+$0xFFFFFF20] =	vst v24  }
0x218: {  	v24 =	vld.idx.msk [tilespmem:v41+s26+$0x0], $0xffff;
	[tilespmem:s3+$0xFFFFFF30] =	vst v26  }
0x219: {  	v26 =	vld.idx.msk [tilespmem:v42+s26+$0x0], $0xffff;
	[tilespmem:s3+$0x70] =	vst v22  }
0x21a: {  	[tilespmem:s3+$0xFFFFFF40] =	vst v23;
	v22 =	vld.idx.msk [tilespmem:v27+s26+$0x0], $0xffff  }
0x21b: {  	v23 =	vld.idx.msk [tilespmem:v43+s26+$0x0], $0xffff;
	[tilespmem:s3+$0xFFFFFF50] =	vst v25  }
0x21c: {  	v27 =	vor.u32 $0x300, v4;
	v25 =	vld.idx.msk [tilespmem:v44+s26+$0x0], $0xffff;
	[tilespmem:s3+$0xFFFFFF60] =	vst v28  }
0x21d: {  	[tilespmem:s3+$0xFFFFFF80] =	vst v29;
	v28 =	vld.idx.msk [tilespmem:v45+s26+$0x0], $0xffff  }
0x21e: {  	[tilespmem:s3+$0xFFFFFF90] =	vst v24;
	v24 =	vld.idx.msk [tilespmem:v46+s26+$0x0], $0xffff  }
0x21f: {  	v29 =	vld.idx.msk [tilespmem:v47+s26+$0x0], $0xffff;
	[tilespmem:s3+$0xFFFFFFA0] =	vst v26  }
0x220: {  	v26 =	vld.idx.msk [tilespmem:v48+s26+$0x0], $0xffff;
	[tilespmem:s3+$0xF0] =	vst v22  }
0x221: {  	[tilespmem:s3+$0xFFFFFFB0] =	vst v23;
	v22 =	vld.idx.msk [tilespmem:v27+s26+$0x0], $0xffff  }
0x222: {  	v23 =	vld.idx.msk [tilespmem:v49+s26+$0x0], $0xffff;
	[tilespmem:s3+$0xFFFFFFC0] =	vst v25  }
0x223: {  	v4 =	vor.u32 $0x380, v4;
	v25 =	vld.idx.msk [tilespmem:v50+s26+$0x0], $0xffff;
	[tilespmem:s3+$0xFFFFFFD0] =	vst v28  }
0x224: {  	v27 =	vld.idx.msk [tilespmem:v51+s26+$0x0], $0xffff;
	[tilespmem:s3+$0xFFFFFFE0] =	vst v24  }
0x225: {  	[tilespmem:s3+$0x0] =	vst v29;
	v24 =	vld.idx.msk [tilespmem:v52+s26+$0x0], $0xffff  }
0x226: {  	[tilespmem:s3+$0x10] =	vst v26;
	v26 =	vld.idx.msk [tilespmem:v54+s26+$0x0], $0xffff  }
0x227: {  	v28 =	vld.idx.msk [tilespmem:v53+s26+$0x0], $0xffff;
	[tilespmem:s3+$0x170] =	vst v22  }
0x228: {  	[tilespmem:s3+$0x20] =	vst v23;
	v4 =	vld.idx.msk [tilespmem:v4+s26+$0x0], $0xffff  }
0x229: {  	v19 =	vld.idx.msk [tilespmem:v19+s26+$0x0], $0xffff;
	[tilespmem:s3+$0x30] =	vst v25  }
0x22a: {  	v21 =	vld.idx.msk [tilespmem:v21+s26+$0x0], $0xffff;
	[tilespmem:s3+$0x40] =	vst v27  }
0x22b: {  	v20 =	vld.idx.msk [tilespmem:v20+s26+$0x0], $0xffff;
	[tilespmem:s3+$0x50] =	vst v24  }
0x22c: {  	v22 =	vld.idx.msk [tilespmem:v16+s26+$0x0], $0xffff;
	[tilespmem:s3+$0x60] =	vst v26  }
0x22d: {  	[tilespmem:s3+$0x80] =	vst v28;
	v18 =	vld.idx.msk [tilespmem:v18+s26+$0x0], $0xffff  }
0x22e: {  	v16 =	vld.idx.msk [tilespmem:v17+s26+$0x0], $0xffff;
	[tilespmem:s3+$0x1F0] =	vst v4  }
.Ltmp5:
0x22f: {  	v15 =	vld.idx.msk [tilespmem:v15+s26+$0x0], $0xffff;
	[tilespmem:s3+$0x90] =	vst v19;
	(pc) =	sbr.rel @p1 .LBB2_9-.Ltmp5, $4  }
0x230: {  	v14 =	vld.idx.msk [tilespmem:v14+s26+$0x0], $0xffff;
	[tilespmem:s3+$0xA0] =	vst v21  }
0x231: {  	v17 =	vld.idx.msk [tilespmem:v11+s26+$0x0], $0xffff;
	[tilespmem:s3+$0xB0] =	vst v20  }
0x232: {  	v4 =	vld.idx.msk [tilespmem:v13+s26+$0x0], $0xffff;
	[tilespmem:s3+$0xC0] =	vst v22  }
0x233: {  	s1 =	sadd.s32 $0x80, s1;
	v11 =	vld.idx.msk [tilespmem:v12+s26+$0x0], $0xffff;
	[tilespmem:s3+$0xD0] =	vst v18  }
0x234: {  	_ =	sdelay $0x2  }
0x235: {  	[tilespmem:s3+$0xE0] =	vst v16  }
0x236: {  	[tilespmem:s3+$0x100] =	vst v15;
	v9 =	vld.idx.msk [tilespmem:v9+s26+$0x0], $0xffff  }
0x237: {  	[tilespmem:s3+$0x110] =	vst v14;
	v10 =	vld.idx.msk [tilespmem:v10+s26+$0x0], $0xffff  }
0x238: {  	v8 =	vld.idx.msk [tilespmem:v8+s26+$0x0], $0xffff;
	[tilespmem:s3+$0x120] =	vst v17  }
0x239: {  	[tilespmem:s3+$0x130] =	vst v4;
	v4 =	vld.idx.msk [tilespmem:v7+s26+$0x0], $0xffff  }
0x23a: {  	v6 =	vld.idx.msk [tilespmem:v6+s26+$0x0], $0xffff;
	[tilespmem:s3+$0x140] =	vst v11  }
0x23b: {  	v5 =	vld.idx.msk [tilespmem:v5+s26+$0x0], $0xffff;
	[tilespmem:s3+$0x150] =	vst v9  }
0x23c: {  	v3 =	vld.idx.msk [tilespmem:v3+s26+$0x0], $0xffff;
	[tilespmem:s3+$0x160] =	vst v10  }
0x23d: {  	[tilespmem:s3+$0x180] =	vst v8;
	v2 =	vld.idx.msk [tilespmem:v2+s26+$0x0], $0xffff  }
0x23e: {  	v1 =	vld.idx.msk [tilespmem:v1+s26+$0x0], $0xffff;
	[tilespmem:s2+$0x190] =	vst v4  }
0x23f: {  	[tilespmem:s2+$0x1A0] =	vst v6  }
0x240: {  	[tilespmem:s2+$0x1B0] =	vst v5  }
0x241: {  	[tilespmem:s2+$0x1C0] =	vst v3  }
0x242: {  	[tilespmem:s2+$0x1D0] =	vst v2  }
0x243: {  	s1 =	sadd.s32 s0, s20;
	[tilespmem:s2+$0x1E0] =	vst v1  }
0x244: {  	[hbm4b:s1+s5] =	stream.linear.scatter [tilespmem:s12], [sflag:$0x5], $0x2000, $0x38;
	[tilespmem:$0x19200] =	vst v63  }
0x245: {  	s1 =	simm.s32 @!p0 $0x6  }
0x246: {  	_ =	swait.ge @!p0 [sflag:s1], $0x2000  }
0x247: {  	[sflag:s1] =	ssyncset.done @!p0 $0x0  }
0x248: {  	s23 =	simm.s32 $0xC70;
	[sflag:s1] =	ssyncadd.s32 @!p0 $0xFFFFE000  }
0x249: {  	v1 =	vld [tilespmem:s23+$0x0];
	_ =	sdelay $0x3  }
0x24a: {  	v2 =	vld [tilespmem:s23+$0xFFFFFFA0]  }
0x24b: {  	v3 =	vshll.u32 v1, $0x3  }
0x24c: {  	v4 =	vld [tilespmem:s23+$0xFFFFFFB0];
	v1 =	vand.u32 $0x7F, v1;
	v3 =	vand.u32 $0xFFFFFC00, v3  }
0x24d: {  	v6 =	vld [tilespmem:s23+$0xFFFFFF90];
	v5 =	vor.u32 v1, v3;
	_ =	sdelay $0x1  }
0x24e: {  	v3 =	vld [tilespmem:s23+$0xFFFFFFC0];
	v1 =	vshll.u32 v2, $0x3  }
0x24f: {  	v8 =	vld [tilespmem:s23+$0xFFFFFFE0];
	v2 =	vand.u32 $0x7F, v2;
	v9 =	vand.u32 $0xFFFFFC00, v1  }
0x250: {  	v7 =	vld [tilespmem:s23+$0xFFFFFFD0];
	v1 =	vshll.u32 v4, $0x3;
	v2 =	vor.u32 v2, v9  }
0x251: {  	v12 =	vor.u32 $0x80, v5;
	v10 =	vand.u32 $0xFFFFFC00, v1;
	v1 =	vshll.u32 v6, $0x3;
	v11 =	vld.idx.msk [tilespmem:v5+s26+$0x0], $0xffff  }
0x252: {  	v13 =	vld [tilespmem:s23+$0xFFFFFFF0];
	v4 =	vand.u32 $0x7F, v4;
	v6 =	vand.u32 $0x7F, v6;
	v1 =	vand.u32 $0xFFFFFC00, v1  }
0x253: {  	v1 =	vor.u32 v6, v1;
	v14 =	vshll.u32 v3, $0x3;
	v9 =	vand.u32 $0x7F, v3  }
0x254: {  	v3 =	vor.u32 v4, v10;
	v10 =	vshll.u32 v8, $0x3;
	v6 =	vand.u32 $0xFFFFFC00, v14  }
0x255: {  	s3 =	simm.s32 $0x17200;
	v14 =	vshll.u32 v7, $0x3;
	v4 =	vor.u32 v9, v6;
	v6 =	vand.u32 $0xFFFFFC00, v10;
	v10 =	vld.idx.msk [tilespmem:v2+s26+$0x0], $0xffff  }
0x256: {  	v16 =	vor.u32 $0x80, v2;
	v7 =	vand.u32 $0x7F, v7;
	v14 =	vand.u32 $0xFFFFFC00, v14;
	[tilespmem:s3+$0xFFFFFE70] =	vst v11  }
0x257: {  	v8 =	vand.u32 $0x7F, v8;
	v9 =	vshll.u32 v13, $0x3;
	v11 =	vor.u32 v7, v14;
	v7 =	vld.idx.msk [tilespmem:v12+s26+$0x0], $0xffff  }
0x258: {  	v12 =	vor.u32 v8, v6;
	v6 =	vld.idx.msk [tilespmem:v1+s26+$0x0], $0xffff;
	v8 =	vand.u32 $0xFFFFFC00, v9;
	v9 =	vand.u32 $0x7F, v13  }
0x259: {  	v14 =	vor.u32 $0x100, v5;
	v13 =	vor.u32 v9, v8;
	v8 =	vld.idx.msk [tilespmem:v3+s26+$0x0], $0xffff  }
0x25a: {  	v9 =	vor.u32 $0x80, v1;
	v15 =	vld.idx.msk [tilespmem:v4+s26+$0x0], $0xffff;
	[tilespmem:s3+$0xFFFFFE10] =	vst v10  }
0x25b: {  	v16 =	vld.idx.msk [tilespmem:v16+s26+$0x0], $0xffff  }
0x25c: {  	v18 =	vor.u32 $0x80, v3;
	v17 =	vld.idx.msk [tilespmem:v11+s26+$0x0], $0xffff  }
0x25d: {  	v19 =	vld.idx.msk [tilespmem:v12+s26+$0x0], $0xffff;
	[tilespmem:s3+$0xFFFFFEF0] =	vst v7;
	v7 =	vor.u32 $0x80, v4  }
0x25e: {  	[tilespmem:s3+$0xFFFFFE00] =	vst v6;
	v6 =	vld.idx.msk [tilespmem:v14+s26+$0x0], $0xffff;
	v14 =	vor.u32 $0x80, v11  }
0x25f: {  	v20 =	vor.u32 $0x80, v12;
	v9 =	vld.idx.msk [tilespmem:v9+s26+$0x0], $0xffff;
	[tilespmem:s3+$0xFFFFFE20] =	vst v8  }
0x260: {  	v10 =	vld.idx.msk [tilespmem:v13+s26+$0x0], $0xffff;
	v8 =	vor.u32 $0x180, v5;
	[tilespmem:s3+$0xFFFFFE30] =	vst v15  }
0x261: {  	v15 =	vor.u32 $0x80, v13;
	v18 =	vld.idx.msk [tilespmem:v18+s26+$0x0], $0xffff;
	[tilespmem:s3+$0xFFFFFE40] =	vst v17  }
0x262: {  	v17 =	vor.u32 $0x100, v1;
	v7 =	vld.idx.msk [tilespmem:v7+s26+$0x0], $0xffff;
	[tilespmem:s3+$0xFFFFFE50] =	vst v19  }
0x263: {  	v19 =	vor.u32 $0x100, v2;
	v14 =	vld.idx.msk [tilespmem:v14+s26+$0x0], $0xffff;
	[tilespmem:s3+$0xFFFFFF70] =	vst v6  }
0x264: {  	v6 =	vor.u32 $0x100, v3;
	[tilespmem:s3+$0xFFFFFE80] =	vst v9;
	v9 =	vld.idx.msk [tilespmem:v20+s26+$0x0], $0xffff  }
0x265: {  	[tilespmem:s3+$0xFFFFFE60] =	vst v10;
	v10 =	vor.u32 $0x100, v4;
	v8 =	vld.idx.msk [tilespmem:v8+s26+$0x0], $0xffff  }
0x266: {  	v61 =	vor.u32 $0x100, v11;
	[tilespmem:s3+$0xFFFFFE90] =	vst v16;
	v15 =	vld.idx.msk [tilespmem:v15+s26+$0x0], $0xffff  }
0x267: {  	[tilespmem:s3+$0xFFFFFEA0] =	vst v18;
	v18 =	vor.u32 $0x100, v12;
	v17 =	vld.idx.msk [tilespmem:v17+s26+$0x0], $0xffff  }
0x268: {  	v16 =	vor.u32 $0x200, v5;
	v19 =	vld.idx.msk [tilespmem:v19+s26+$0x0], $0xffff;
	[tilespmem:s3+$0xFFFFFEB0] =	vst v7  }
0x269: {  	v7 =	vor.u32 $0x100, v13;
	v6 =	vld.idx.msk [tilespmem:v6+s26+$0x0], $0xffff;
	[tilespmem:s3+$0xFFFFFEC0] =	vst v14  }
0x26a: {  	v14 =	vor.u32 $0x180, v1;
	v10 =	vld.idx.msk [tilespmem:v10+s26+$0x0], $0xffff;
	[tilespmem:s3+$0xFFFFFED0] =	vst v9  }
0x26b: {  	[tilespmem:s3+$0xFFFFFFF0] =	vst v8;
	v8 =	vor.u32 $0x180, v2;
	v20 =	vld.idx.msk [tilespmem:v61+s26+$0x0], $0xffff  }
0x26c: {  	[tilespmem:s3+$0xFFFFFEE0] =	vst v15;
	v15 =	vld.idx.msk [tilespmem:v18+s26+$0x0], $0xffff;
	v18 =	vor.u32 $0x180, v4  }
0x26d: {  	v9 =	vld.idx.msk [tilespmem:v16+s26+$0x0], $0xffff;
	v16 =	vor.u32 $0x180, v3;
	[tilespmem:s3+$0xFFFFFF00] =	vst v17  }
0x26e: {  	v17 =	vor.u32 $0x280, v5;
	[tilespmem:s3+$0xFFFFFF10] =	vst v19;
	v7 =	vld.idx.msk [tilespmem:v7+s26+$0x0], $0xffff  }
0x26f: {  	v19 =	vor.u32 $0x180, v11;
	v14 =	vld.idx.msk [tilespmem:v14+s26+$0x0], $0xffff;
	[tilespmem:s3+$0xFFFFFF20] =	vst v6  }
0x270: {  	v6 =	vor.u32 $0x180, v12;
	[tilespmem:s3+$0xFFFFFF30] =	vst v10;
	v8 =	vld.idx.msk [tilespmem:v8+s26+$0x0], $0xffff  }
0x271: {  	v10 =	vor.u32 $0x180, v13;
	[tilespmem:s3+$0xFFFFFF40] =	vst v20;
	v18 =	vld.idx.msk [tilespmem:v18+s26+$0x0], $0xffff  }
0x272: {  	v16 =	vld.idx.msk [tilespmem:v16+s26+$0x0], $0xffff;
	[tilespmem:s3+$0x70] =	vst v9;
	v9 =	vor.u32 $0x200, v1  }
0x273: {  	v62 =	vor.u32 $0x200, v2;
	[tilespmem:s3+$0xFFFFFF50] =	vst v15;
	v17 =	vld.idx.msk [tilespmem:v17+s26+$0x0], $0xffff  }
0x274: {  	v15 =	vld.idx.msk [tilespmem:v19+s26+$0x0], $0xffff;
	[tilespmem:s3+$0xFFFFFF60] =	vst v7;
	v7 =	vor.u32 $0x300, v5  }
0x275: {  	v19 =	vor.u32 $0x200, v3;
	[tilespmem:s3+$0xFFFFFF80] =	vst v14;
	v6 =	vld.idx.msk [tilespmem:v6+s26+$0x0], $0xffff  }
0x276: {  	v14 =	vor.u32 $0x200, v4;
	[tilespmem:s3+$0xFFFFFF90] =	vst v8;
	v8 =	vld.idx.msk [tilespmem:v10+s26+$0x0], $0xffff  }
0x277: {  	v10 =	vor.u32 $0x200, v11;
	v9 =	vld.idx.msk [tilespmem:v9+s26+$0x0], $0xffff;
	[tilespmem:s3+$0xFFFFFFA0] =	vst v16  }
0x278: {  	v16 =	vor.u32 $0x200, v12;
	v20 =	vld.idx.msk [tilespmem:v62+s26+$0x0], $0xffff;
	[tilespmem:s3+$0xF0] =	vst v17  }
0x279: {  	[tilespmem:s3+$0xFFFFFFB0] =	vst v18;
	v17 =	vor.u32 $0x200, v13;
	v7 =	vld.idx.msk [tilespmem:v7+s26+$0x0], $0xffff  }
0x27a: {  	v18 =	vor.u32 $0x280, v1;
	v19 =	vld.idx.msk [tilespmem:v19+s26+$0x0], $0xffff;
	[tilespmem:s3+$0xFFFFFFC0] =	vst v15  }
0x27b: {  	v5 =	vor.u32 $0x380, v5;
	v14 =	vld.idx.msk [tilespmem:v14+s26+$0x0], $0xffff;
	[tilespmem:s3+$0xFFFFFFD0] =	vst v6  }
0x27c: {  	v6 =	vor.u32 $0x280, v2;
	v10 =	vld.idx.msk [tilespmem:v10+s26+$0x0], $0xffff;
	[tilespmem:s3+$0xFFFFFFE0] =	vst v8  }
0x27d: {  	v8 =	vor.u32 $0x280, v3;
	[tilespmem:s3+$0x0] =	vst v9;
	v9 =	vld.idx.msk [tilespmem:v16+s26+$0x0], $0xffff  }
0x27e: {  	v15 =	vor.u32 $0x280, v4;
	[tilespmem:s3+$0x10] =	vst v20;
	v16 =	vld.idx.msk [tilespmem:v17+s26+$0x0], $0xffff  }
0x27f: {  	v17 =	vor.u32 $0x280, v11;
	v18 =	vld.idx.msk [tilespmem:v18+s26+$0x0], $0xffff;
	[tilespmem:s3+$0x170] =	vst v7  }
0x280: {  	v7 =	vor.u32 $0x280, v12;
	[tilespmem:s3+$0x20] =	vst v19;
	v5 =	vld.idx.msk [tilespmem:v5+s26+$0x0], $0xffff  }
0x281: {  	v19 =	vor.u32 $0x280, v13;
	v6 =	vld.idx.msk [tilespmem:v6+s26+$0x0], $0xffff;
	[tilespmem:s3+$0x30] =	vst v14  }
0x282: {  	v14 =	vor.u32 $0x300, v1;
	v8 =	vld.idx.msk [tilespmem:v8+s26+$0x0], $0xffff;
	[tilespmem:s3+$0x40] =	vst v10  }
0x283: {  	v10 =	vor.u32 $0x300, v2;
	v63 =	vld.idx.msk [tilespmem:v15+s26+$0x0], $0xffff;
	[tilespmem:s3+$0x50] =	vst v9  }
0x284: {  	v21 =	vor.u32 $0x300, v3;
	v22 =	vld.idx.msk [tilespmem:v17+s26+$0x0], $0xffff;
	[tilespmem:s3+$0x60] =	vst v16  }
0x285: {  	v23 =	vor.u32 $0x300, v4;
	[tilespmem:s3+$0x80] =	vst v18;
	v18 =	vld.idx.msk [tilespmem:v7+s26+$0x0], $0xffff  }
0x286: {  	v24 =	vor.u32 $0x300, v11;
	v16 =	vld.idx.msk [tilespmem:v19+s26+$0x0], $0xffff;
	[tilespmem:s3+$0x1F0] =	vst v5  }
0x287: {  	v15 =	vld.idx.msk [tilespmem:v14+s26+$0x0], $0xffff;
	[tilespmem:s3+$0x90] =	vst v6  }
0x288: {  	v14 =	vld.idx.msk [tilespmem:v10+s26+$0x0], $0xffff;
	[tilespmem:s3+$0xA0] =	vst v8  }
0x289: {  	v9 =	vor.u32 $0x300, v12;
	v7 =	vor.u32 $0x380, v2;
	v2 =	vor.u32 $0x380, v12;
	[tilespmem:s3+$0xB0] =	vst v63;
	v17 =	vld.idx.msk [tilespmem:v21+s26+$0x0], $0xffff  }
0x28a: {  	v6 =	vor.u32 $0x380, v3;
	v5 =	vor.u32 $0x380, v4;
	v3 =	vor.u32 $0x380, v11;
	v4 =	vld.idx.msk [tilespmem:v23+s26+$0x0], $0xffff;
	[tilespmem:s3+$0xC0] =	vst v22  }
0x28b: {  	s2 =	simm.s32 $0x17200;
	s1 =	simm.s32 $0xCF0;
	s23 =	simm.s32 $0x0;
	v8 =	vor.u32 $0x380, v1;
	v10 =	vor.u32 $0x300, v13;
	v1 =	vor.u32 $0x380, v13;
	v11 =	vld.idx.msk [tilespmem:v24+s26+$0x0], $0xffff;
	[tilespmem:s3+$0xD0] =	vst v18  }
.LBB2_11:
0x28c: {  	v12 =	vld [tilespmem:s1+$0x0];
	s23 =	sadd.s32 $0x8, s23;
	[tilespmem:s3+$0xE0] =	vst v16  }
0x28d: {  	v13 =	vld [tilespmem:s1+$0xFFFFFFA0];
	p0 =	slt.u32 s23, $0x38;
	[tilespmem:s3+$0x100] =	vst v15  }
0x28e: {  	v15 =	vld [tilespmem:s1+$0xFFFFFFB0];
	[tilespmem:s3+$0x110] =	vst v14  }
0x28f: {  	v14 =	vld [tilespmem:s1+$0xFFFFFFC0];
	[tilespmem:s3+$0x120] =	vst v17  }
0x290: {  	v16 =	vld [tilespmem:s1+$0xFFFFFFD0];
	[tilespmem:s3+$0x130] =	vst v4  }
0x291: {  	v17 =	vld [tilespmem:s1+$0xFFFFFFE0];
	v4 =	vshll.u32 v12, $0x3;
	[tilespmem:s3+$0x140] =	vst v11  }
0x292: {  	v12 =	vand.u32 $0x7F, v12;
	v11 =	vshll.u32 v13, $0x3;
	v18 =	vld [tilespmem:s1+$0xFFFFFFF0];
	v4 =	vand.u32 $0xFFFFFC00, v4  }
0x293: {  	v19 =	vld [tilespmem:s1+$0xFFFFFF90];
	v11 =	vand.u32 $0xFFFFFC00, v11;
	v20 =	vshll.u32 v15, $0x3;
	v4 =	vor.u32 v12, v4  }
0x294: {  	v12 =	vand.u32 $0x7F, v13;
	v13 =	vand.u32 $0xFFFFFC00, v20;
	v20 =	vshll.u32 v14, $0x3;
	v9 =	vld.idx.msk [tilespmem:v9+s26+$0x0], $0xffff  }
0x295: {  	v15 =	vand.u32 $0x7F, v15;
	v20 =	vand.u32 $0xFFFFFC00, v20;
	v21 =	vshll.u32 v16, $0x3;
	v10 =	vld.idx.msk [tilespmem:v10+s26+$0x0], $0xffff  }
0x296: {  	v14 =	vand.u32 $0x7F, v14;
	v21 =	vand.u32 $0xFFFFFC00, v21;
	v22 =	vshll.u32 v17, $0x3;
	v8 =	vld.idx.msk [tilespmem:v8+s26+$0x0], $0xffff  }
0x297: {  	v16 =	vand.u32 $0x7F, v16;
	v22 =	vand.u32 $0xFFFFFC00, v22;
	v23 =	vshll.u32 v18, $0x3;
	v7 =	vld.idx.msk [tilespmem:v7+s26+$0x0], $0xffff  }
0x298: {  	v24 =	vand.u32 $0x7F, v19;
	v19 =	vshll.u32 v19, $0x3;
	v23 =	vand.u32 $0xFFFFFC00, v23;
	v25 =	vld.idx.msk [tilespmem:v4+s26+$0x0], $0xffff  }
0x299: {  	v17 =	vand.u32 $0x7F, v17;
	v18 =	vand.u32 $0x7F, v18;
	v19 =	vand.u32 $0xFFFFFC00, v19;
	v6 =	vld.idx.msk [tilespmem:v6+s26+$0x0], $0xffff  }
0x29a: {  	v26 =	vor.u32 v12, v11;
	v11 =	vor.u32 $0x80, v4;
	v24 =	vor.u32 v24, v19;
	v5 =	vld.idx.msk [tilespmem:v5+s26+$0x0], $0xffff;
	[tilespmem:s3+$0x150] =	vst v9  }
0x29b: {  	v27 =	vor.u32 v15, v13;
	v28 =	vor.u32 v14, v20;
	v29 =	vor.u32 v16, v21;
	[tilespmem:s3+$0x160] =	vst v10  }
0x29c: {  	v22 =	vor.u32 v17, v22;
	v23 =	vor.u32 v18, v23;
	v9 =	vor.u32 $0x80, v24;
	[tilespmem:s3+$0x180] =	vst v8;
	v3 =	vld.idx.msk [tilespmem:v3+s26+$0x0], $0xffff  }
0x29d: {  	v30 =	vor.u32 $0x80, v28;
	v10 =	vor.u32 $0x80, v27;
	v8 =	vor.u32 $0x80, v26;
	s3 =	sadd.s32 $0x400, s3;
	[tilespmem:s2+$0x190] =	vst v7;
	v2 =	vld.idx.msk [tilespmem:v2+s26+$0x0], $0xffff  }
0x29e: {  	v31 =	vor.u32 $0x80, v29;
	v32 =	vor.u32 $0x80, v22;
	v33 =	vor.u32 $0x80, v23;
	[tilespmem:s3+$0xFFFFFE70] =	vst v25;
	v1 =	vld.idx.msk [tilespmem:v1+s26+$0x0], $0xffff  }
0x29f: {  	v34 =	vor.u32 $0x100, v26;
	v35 =	vor.u32 $0x100, v27;
	v25 =	vor.u32 $0x100, v24;
	v7 =	vld.idx.msk [tilespmem:v11+s26+$0x0], $0xffff;
	[tilespmem:s2+$0x1A0] =	vst v6  }
0x2a0: {  	v36 =	vor.u32 $0x100, v28;
	v37 =	vor.u32 $0x100, v29;
	v38 =	vor.u32 $0x100, v22;
	v6 =	vld.idx.msk [tilespmem:v24+s26+$0x0], $0xffff;
	[tilespmem:s2+$0x1B0] =	vst v5  }
0x2a1: {  	v40 =	vor.u32 $0x100, v23;
	v39 =	vor.u32 $0x180, v24;
	v11 =	vor.u32 $0x100, v4;
	v5 =	vld.idx.msk [tilespmem:v26+s26+$0x0], $0xffff  }
0x2a2: {  	v41 =	vor.u32 $0x180, v26;
	v42 =	vor.u32 $0x180, v27;
	v43 =	vor.u32 $0x180, v28;
	v12 =	vld.idx.msk [tilespmem:v27+s26+$0x0], $0xffff;
	[tilespmem:s2+$0x1C0] =	vst v3  }
0x2a3: {  	v44 =	vor.u32 $0x180, v29;
	v45 =	vor.u32 $0x180, v22;
	v46 =	vor.u32 $0x180, v23;
	v3 =	vld.idx.msk [tilespmem:v28+s26+$0x0], $0xffff;
	[tilespmem:s2+$0x1D0] =	vst v2  }
0x2a4: {  	v48 =	vor.u32 $0x200, v26;
	v49 =	vor.u32 $0x200, v27;
	v47 =	vor.u32 $0x200, v24;
	v2 =	vld.idx.msk [tilespmem:v29+s26+$0x0], $0xffff;
	[tilespmem:s2+$0x1E0] =	vst v1;
	s2 =	smov.u32 s3  }
0x2a5: {  	v50 =	vor.u32 $0x200, v28;
	v51 =	vor.u32 $0x200, v29;
	v52 =	vor.u32 $0x200, v22;
	v1 =	vld.idx.msk [tilespmem:v22+s26+$0x0], $0xffff;
	[tilespmem:s3+$0xFFFFFEF0] =	vst v7  }
0x2a6: {  	v19 =	vor.u32 $0x280, v26;
	v54 =	vor.u32 $0x200, v23;
	v53 =	vor.u32 $0x280, v24;
	[tilespmem:s3+$0xFFFFFE00] =	vst v6;
	v55 =	vld.idx.msk [tilespmem:v11+s26+$0x0], $0xffff  }
0x2a7: {  	v21 =	vor.u32 $0x280, v27;
	v20 =	vor.u32 $0x280, v28;
	v16 =	vor.u32 $0x280, v29;
	[tilespmem:s3+$0xFFFFFE10] =	vst v5;
	v56 =	vld.idx.msk [tilespmem:v23+s26+$0x0], $0xffff  }
0x2a8: {  	v58 =	vor.u32 $0x180, v4;
	v18 =	vor.u32 $0x280, v22;
	v17 =	vor.u32 $0x280, v23;
	v57 =	vld.idx.msk [tilespmem:v9+s26+$0x0], $0xffff;
	[tilespmem:s3+$0xFFFFFE20] =	vst v12  }
0x2a9: {  	v14 =	vor.u32 $0x300, v26;
	v15 =	vor.u32 $0x300, v24;
	v11 =	vor.u32 $0x300, v27;
	v59 =	vld.idx.msk [tilespmem:v8+s26+$0x0], $0xffff;
	[tilespmem:s3+$0xFFFFFE30] =	vst v3  }
0x2aa: {  	v13 =	vor.u32 $0x300, v28;
	v12 =	vor.u32 $0x300, v29;
	v9 =	vor.u32 $0x300, v22;
	v60 =	vld.idx.msk [tilespmem:v10+s26+$0x0], $0xffff;
	[tilespmem:s3+$0xFFFFFE40] =	vst v2  }
0x2ab: {  	v7 =	vor.u32 $0x380, v26;
	v8 =	vor.u32 $0x380, v24;
	v10 =	vor.u32 $0x300, v23;
	v24 =	vld.idx.msk [tilespmem:v30+s26+$0x0], $0xffff;
	[tilespmem:s3+$0xFFFFFE50] =	vst v1  }
0x2ac: {  	v6 =	vor.u32 $0x380, v27;
	v5 =	vor.u32 $0x380, v28;
	v3 =	vor.u32 $0x380, v29;
	v26 =	vld.idx.msk [tilespmem:v31+s26+$0x0], $0xffff;
	[tilespmem:s3+$0xFFFFFF70] =	vst v55  }
0x2ad: {  	v2 =	vor.u32 $0x380, v22;
	v1 =	vor.u32 $0x380, v23;
	[tilespmem:s3+$0xFFFFFE60] =	vst v56;
	v22 =	vld.idx.msk [tilespmem:v58+s26+$0x0], $0xffff  }
0x2ae: {  	[tilespmem:s3+$0xFFFFFE80] =	vst v57;
	v23 =	vld.idx.msk [tilespmem:v32+s26+$0x0], $0xffff  }
0x2af: {  	v28 =	vor.u32 $0x200, v4;
	[tilespmem:s3+$0xFFFFFE90] =	vst v59;
	v27 =	vld.idx.msk [tilespmem:v33+s26+$0x0], $0xffff  }
0x2b0: {  	v25 =	vld.idx.msk [tilespmem:v25+s26+$0x0], $0xffff;
	[tilespmem:s3+$0xFFFFFEA0] =	vst v60  }
0x2b1: {  	v29 =	vld.idx.msk [tilespmem:v34+s26+$0x0], $0xffff;
	[tilespmem:s3+$0xFFFFFEB0] =	vst v24  }
0x2b2: {  	v24 =	vld.idx.msk [tilespmem:v35+s26+$0x0], $0xffff;
	[tilespmem:s3+$0xFFFFFEC0] =	vst v26  }
0x2b3: {  	v26 =	vld.idx.msk [tilespmem:v36+s26+$0x0], $0xffff;
	[tilespmem:s3+$0xFFFFFFF0] =	vst v22  }
0x2b4: {  	[tilespmem:s3+$0xFFFFFED0] =	vst v23;
	v22 =	vld.idx.msk [tilespmem:v28+s26+$0x0], $0xffff  }
0x2b5: {  	v23 =	vld.idx.msk [tilespmem:v37+s26+$0x0], $0xffff;
	[tilespmem:s3+$0xFFFFFEE0] =	vst v27  }
0x2b6: {  	v27 =	vor.u32 $0x280, v4;
	[tilespmem:s3+$0xFFFFFF00] =	vst v25;
	v25 =	vld.idx.msk [tilespmem:v38+s26+$0x0], $0xffff  }
0x2b7: {  	[tilespmem:s3+$0xFFFFFF10] =	vst v29;
	v28 =	vld.idx.msk [tilespmem:v40+s26+$0x0], $0xffff  }
0x2b8: {  	v29 =	vld.idx.msk [tilespmem:v39+s26+$0x0], $0xffff;
	[tilespmem:s3+$0xFFFFFF20] =	vst v24  }
0x2b9: {  	v24 =	vld.idx.msk [tilespmem:v41+s26+$0x0], $0xffff;
	[tilespmem:s3+$0xFFFFFF30] =	vst v26  }
0x2ba: {  	v26 =	vld.idx.msk [tilespmem:v42+s26+$0x0], $0xffff;
	[tilespmem:s3+$0x70] =	vst v22  }
0x2bb: {  	[tilespmem:s3+$0xFFFFFF40] =	vst v23;
	v22 =	vld.idx.msk [tilespmem:v27+s26+$0x0], $0xffff  }
0x2bc: {  	v23 =	vld.idx.msk [tilespmem:v43+s26+$0x0], $0xffff;
	[tilespmem:s3+$0xFFFFFF50] =	vst v25  }
0x2bd: {  	v27 =	vor.u32 $0x300, v4;
	v25 =	vld.idx.msk [tilespmem:v44+s26+$0x0], $0xffff;
	[tilespmem:s3+$0xFFFFFF60] =	vst v28  }
0x2be: {  	[tilespmem:s3+$0xFFFFFF80] =	vst v29;
	v28 =	vld.idx.msk [tilespmem:v45+s26+$0x0], $0xffff  }
0x2bf: {  	[tilespmem:s3+$0xFFFFFF90] =	vst v24;
	v24 =	vld.idx.msk [tilespmem:v46+s26+$0x0], $0xffff  }
0x2c0: {  	v29 =	vld.idx.msk [tilespmem:v47+s26+$0x0], $0xffff;
	[tilespmem:s3+$0xFFFFFFA0] =	vst v26  }
0x2c1: {  	v26 =	vld.idx.msk [tilespmem:v48+s26+$0x0], $0xffff;
	[tilespmem:s3+$0xF0] =	vst v22  }
0x2c2: {  	[tilespmem:s3+$0xFFFFFFB0] =	vst v23;
	v22 =	vld.idx.msk [tilespmem:v27+s26+$0x0], $0xffff  }
0x2c3: {  	v23 =	vld.idx.msk [tilespmem:v49+s26+$0x0], $0xffff;
	[tilespmem:s3+$0xFFFFFFC0] =	vst v25  }
0x2c4: {  	v4 =	vor.u32 $0x380, v4;
	v25 =	vld.idx.msk [tilespmem:v50+s26+$0x0], $0xffff;
	[tilespmem:s3+$0xFFFFFFD0] =	vst v28  }
0x2c5: {  	v27 =	vld.idx.msk [tilespmem:v51+s26+$0x0], $0xffff;
	[tilespmem:s3+$0xFFFFFFE0] =	vst v24  }
0x2c6: {  	[tilespmem:s3+$0x0] =	vst v29;
	v24 =	vld.idx.msk [tilespmem:v52+s26+$0x0], $0xffff  }
0x2c7: {  	[tilespmem:s3+$0x10] =	vst v26;
	v26 =	vld.idx.msk [tilespmem:v54+s26+$0x0], $0xffff  }
0x2c8: {  	v28 =	vld.idx.msk [tilespmem:v53+s26+$0x0], $0xffff;
	[tilespmem:s3+$0x170] =	vst v22  }
0x2c9: {  	[tilespmem:s3+$0x20] =	vst v23;
	v4 =	vld.idx.msk [tilespmem:v4+s26+$0x0], $0xffff  }
0x2ca: {  	v19 =	vld.idx.msk [tilespmem:v19+s26+$0x0], $0xffff;
	[tilespmem:s3+$0x30] =	vst v25  }
0x2cb: {  	v21 =	vld.idx.msk [tilespmem:v21+s26+$0x0], $0xffff;
	[tilespmem:s3+$0x40] =	vst v27  }
0x2cc: {  	v20 =	vld.idx.msk [tilespmem:v20+s26+$0x0], $0xffff;
	[tilespmem:s3+$0x50] =	vst v24  }
0x2cd: {  	v22 =	vld.idx.msk [tilespmem:v16+s26+$0x0], $0xffff;
	[tilespmem:s3+$0x60] =	vst v26  }
0x2ce: {  	[tilespmem:s3+$0x80] =	vst v28;
	v18 =	vld.idx.msk [tilespmem:v18+s26+$0x0], $0xffff  }
0x2cf: {  	v16 =	vld.idx.msk [tilespmem:v17+s26+$0x0], $0xffff;
	[tilespmem:s3+$0x1F0] =	vst v4  }
.Ltmp6:
0x2d0: {  	v15 =	vld.idx.msk [tilespmem:v15+s26+$0x0], $0xffff;
	[tilespmem:s3+$0x90] =	vst v19;
	(pc) =	sbr.rel @p0 .LBB2_11-.Ltmp6, $4  }
0x2d1: {  	v14 =	vld.idx.msk [tilespmem:v14+s26+$0x0], $0xffff;
	[tilespmem:s3+$0xA0] =	vst v21  }
0x2d2: {  	v17 =	vld.idx.msk [tilespmem:v11+s26+$0x0], $0xffff;
	[tilespmem:s3+$0xB0] =	vst v20  }
0x2d3: {  	v4 =	vld.idx.msk [tilespmem:v13+s26+$0x0], $0xffff;
	[tilespmem:s3+$0xC0] =	vst v22  }
0x2d4: {  	s1 =	sadd.s32 $0x80, s1;
	v11 =	vld.idx.msk [tilespmem:v12+s26+$0x0], $0xffff;
	[tilespmem:s3+$0xD0] =	vst v18  }
0x2d5: {  	_ =	sdelay $0x2  }
0x2d6: {  	[tilespmem:s3+$0xE0] =	vst v16  }
0x2d7: {  	[tilespmem:s3+$0x100] =	vst v15;
	v9 =	vld.idx.msk [tilespmem:v9+s26+$0x0], $0xffff  }
0x2d8: {  	[tilespmem:s3+$0x110] =	vst v14;
	v10 =	vld.idx.msk [tilespmem:v10+s26+$0x0], $0xffff  }
0x2d9: {  	v8 =	vld.idx.msk [tilespmem:v8+s26+$0x0], $0xffff;
	[tilespmem:s3+$0x120] =	vst v17  }
0x2da: {  	[tilespmem:s3+$0x130] =	vst v4;
	v4 =	vld.idx.msk [tilespmem:v7+s26+$0x0], $0xffff  }
0x2db: {  	v6 =	vld.idx.msk [tilespmem:v6+s26+$0x0], $0xffff;
	[tilespmem:s3+$0x140] =	vst v11  }
0x2dc: {  	v5 =	vld.idx.msk [tilespmem:v5+s26+$0x0], $0xffff;
	[tilespmem:s3+$0x150] =	vst v9  }
0x2dd: {  	v3 =	vld.idx.msk [tilespmem:v3+s26+$0x0], $0xffff;
	[tilespmem:s3+$0x160] =	vst v10  }
0x2de: {  	[tilespmem:s3+$0x180] =	vst v8;
	v2 =	vld.idx.msk [tilespmem:v2+s26+$0x0], $0xffff  }
0x2df: {  	v1 =	vld.idx.msk [tilespmem:v1+s26+$0x0], $0xffff;
	[tilespmem:s2+$0x190] =	vst v4  }
0x2e0: {  	[tilespmem:s2+$0x1A0] =	vst v6  }
0x2e1: {  	[tilespmem:s2+$0x1B0] =	vst v5  }
0x2e2: {  	[tilespmem:s2+$0x1C0] =	vst v3  }
0x2e3: {  	[tilespmem:s2+$0x1D0] =	vst v2  }
0x2e4: {  	s0 =	sadd.s32 s0, s21;
	p0 =	seq.s32 s7, $0x1F;
	[tilespmem:s2+$0x1E0] =	vst v1  }
0x2e5: {  	[hbm4b:s0+s5] =	stream.linear.scatter [tilespmem:s13], [sflag:$0x6], $0x2000, $0x38;
	[tilespmem:$0x19200] =	vst v63  }
0x2e6: {  	s0 =	sadd.s32 @!p0 s28, s22  }
0x2e7: {  	s1 =	rddreg [dreg:$0x0];
	s0 =	sshll.u32 @!p0 s0, $0xC  }
0x2e8: {  	s3 =	simm.s32 @!p0 $0x1000;
	s2 =	simm.s32 @!p0 $0x0;
	s1 =	sadd.s32 @!p0 s1, s0  }
0x2e9: {  	[tilespmem:s3], [sflag:$0x1] =	stream.linear.gather @!p0 [hbm4b:s1+s2], $0x2000, $0x38;
	[tilespmem:$0x19200] =	vst v63  }
0x2ea: {  	s1 =	sadd.s32 @!p0 s0, s8;
	s3 =	simm.s32 @!p0 $0x3000  }
0x2eb: {  	[tilespmem:s3], [sflag:$0x1] =	stream.linear.gather @!p0 [hbm4b:s1+s2], $0x2000, $0x38;
	[tilespmem:$0x19200] =	vst v63  }
0x2ec: {  	s1 =	sadd.s32 @!p0 s0, s10;
	s3 =	simm.s32 @!p0 $0x5000  }
0x2ed: {  	[tilespmem:s3], [sflag:$0x1] =	stream.linear.gather @!p0 [hbm4b:s1+s2], $0x2000, $0x38;
	[tilespmem:$0x19200] =	vst v63  }
0x2ee: {  	s0 =	sadd.s32 @!p0 s0, s11;
	s1 =	simm.s32 @!p0 $0x7000  }
0x2ef: {  	[tilespmem:s1], [sflag:$0x1] =	stream.linear.gather @!p0 [hbm4b:s0+s2], $0x2000, $0x38;
	[tilespmem:$0x19200] =	vst v63  }
0x2f0: {  	_ =	swait.ge [sflag:s14], $0x2000  }
0x2f1: {  	[sflag:s14] =	ssyncset.done $0x0  }
0x2f2: {  	[sflag:s14] =	ssyncadd.s32 $0xFFFFE000  }
0x2f3: {  	_ =	swait.ge [sflag:s14], $0x2000  }
0x2f4: {  	[sflag:s14] =	ssyncset.done $0x0  }
0x2f5: {  	[sflag:s14] =	ssyncadd.s32 $0xFFFFE000  }
0x2f6: {  	_ =	swait.ge [sflag:s14], $0x2000  }
0x2f7: {  	[sflag:s14] =	ssyncset.done $0x0  }
0x2f8: {  	[sflag:s14] =	ssyncadd.s32 $0xFFFFE000  }
0x2f9: {  	_ =	swait.ge [sflag:s14], $0x2000  }
0x2fa: {  	[sflag:s14] =	ssyncset.done $0x0  }
0x2fb: {  	[sflag:s14] =	ssyncadd.s32 $0xFFFFE000  }
0x2fc: {  	_ =	swait.ge [sflag:s15], $0x2000  }
0x2fd: {  	[sflag:s15] =	ssyncset.done $0x0  }
0x2fe: {  	s23 =	simm.s32 $0x40;
	[sflag:s15] =	ssyncadd.s32 $0xFFFFE000  }
0x2ff: {  	v1 =	vld [tilespmem:s23+$0x30];
	_ =	sdelay $0x3  }
0x300: {  	v2 =	vld [tilespmem:s23+$0xFFFFFFD0]  }
0x301: {  	v3 =	vshll.u32 v1, $0x3  }
0x302: {  	v4 =	vld [tilespmem:s23+$0xFFFFFFE0];
	v1 =	vand.u32 $0x7F, v1;
	v3 =	vand.u32 $0xFFFFFC00, v3  }
0x303: {  	v6 =	vld [tilespmem:s23+$0xFFFFFFC0];
	v5 =	vor.u32 v1, v3;
	_ =	sdelay $0x1  }
0x304: {  	v3 =	vld [tilespmem:s23+$0xFFFFFFF0];
	v1 =	vshll.u32 v2, $0x3  }
0x305: {  	v8 =	vld [tilespmem:s23+$0x10];
	v2 =	vand.u32 $0x7F, v2;
	v9 =	vand.u32 $0xFFFFFC00, v1  }
0x306: {  	v7 =	vld [tilespmem:s23+$0x0];
	v1 =	vshll.u32 v4, $0x3;
	v2 =	vor.u32 v2, v9  }
0x307: {  	v12 =	vor.u32 $0x80, v5;
	v10 =	vand.u32 $0xFFFFFC00, v1;
	v1 =	vshll.u32 v6, $0x3;
	v11 =	vld.idx.msk [tilespmem:v5+s31+$0x0], $0xffff  }
0x308: {  	v13 =	vld [tilespmem:s23+$0x20];
	v4 =	vand.u32 $0x7F, v4;
	v6 =	vand.u32 $0x7F, v6;
	v1 =	vand.u32 $0xFFFFFC00, v1  }
0x309: {  	v1 =	vor.u32 v6, v1;
	v14 =	vshll.u32 v3, $0x3;
	v9 =	vand.u32 $0x7F, v3  }
0x30a: {  	v3 =	vor.u32 v4, v10;
	v10 =	vshll.u32 v8, $0x3;
	v6 =	vand.u32 $0xFFFFFC00, v14  }
0x30b: {  	s0 =	simm.s32 $0x11200;
	v14 =	vshll.u32 v7, $0x3;
	v4 =	vor.u32 v9, v6;
	v6 =	vand.u32 $0xFFFFFC00, v10;
	v10 =	vld.idx.msk [tilespmem:v2+s31+$0x0], $0xffff  }
0x30c: {  	v16 =	vor.u32 $0x80, v2;
	v7 =	vand.u32 $0x7F, v7;
	v14 =	vand.u32 $0xFFFFFC00, v14;
	[tilespmem:s0+$0xFFFFFE70] =	vst v11  }
0x30d: {  	v8 =	vand.u32 $0x7F, v8;
	v9 =	vshll.u32 v13, $0x3;
	v11 =	vor.u32 v7, v14;
	v7 =	vld.idx.msk [tilespmem:v12+s31+$0x0], $0xffff  }
0x30e: {  	v12 =	vor.u32 v8, v6;
	v6 =	vld.idx.msk [tilespmem:v1+s31+$0x0], $0xffff;
	v8 =	vand.u32 $0xFFFFFC00, v9;
	v9 =	vand.u32 $0x7F, v13  }
0x30f: {  	v14 =	vor.u32 $0x100, v5;
	v13 =	vor.u32 v9, v8;
	v8 =	vld.idx.msk [tilespmem:v3+s31+$0x0], $0xffff  }
0x310: {  	v9 =	vor.u32 $0x80, v1;
	v15 =	vld.idx.msk [tilespmem:v4+s31+$0x0], $0xffff;
	[tilespmem:s0+$0xFFFFFE10] =	vst v10  }
0x311: {  	v16 =	vld.idx.msk [tilespmem:v16+s31+$0x0], $0xffff  }
0x312: {  	v18 =	vor.u32 $0x80, v3;
	v17 =	vld.idx.msk [tilespmem:v11+s31+$0x0], $0xffff  }
0x313: {  	v19 =	vld.idx.msk [tilespmem:v12+s31+$0x0], $0xffff;
	[tilespmem:s0+$0xFFFFFEF0] =	vst v7;
	v7 =	vor.u32 $0x80, v4  }
0x314: {  	[tilespmem:s0+$0xFFFFFE00] =	vst v6;
	v6 =	vld.idx.msk [tilespmem:v14+s31+$0x0], $0xffff;
	v14 =	vor.u32 $0x80, v11  }
0x315: {  	v20 =	vor.u32 $0x80, v12;
	v9 =	vld.idx.msk [tilespmem:v9+s31+$0x0], $0xffff;
	[tilespmem:s0+$0xFFFFFE20] =	vst v8  }
0x316: {  	v10 =	vld.idx.msk [tilespmem:v13+s31+$0x0], $0xffff;
	v8 =	vor.u32 $0x180, v5;
	[tilespmem:s0+$0xFFFFFE30] =	vst v15  }
0x317: {  	v15 =	vor.u32 $0x80, v13;
	v18 =	vld.idx.msk [tilespmem:v18+s31+$0x0], $0xffff;
	[tilespmem:s0+$0xFFFFFE40] =	vst v17  }
0x318: {  	v17 =	vor.u32 $0x100, v1;
	v7 =	vld.idx.msk [tilespmem:v7+s31+$0x0], $0xffff;
	[tilespmem:s0+$0xFFFFFE50] =	vst v19  }
0x319: {  	v19 =	vor.u32 $0x100, v2;
	v14 =	vld.idx.msk [tilespmem:v14+s31+$0x0], $0xffff;
	[tilespmem:s0+$0xFFFFFF70] =	vst v6  }
0x31a: {  	v6 =	vor.u32 $0x100, v3;
	[tilespmem:s0+$0xFFFFFE80] =	vst v9;
	v9 =	vld.idx.msk [tilespmem:v20+s31+$0x0], $0xffff  }
0x31b: {  	[tilespmem:s0+$0xFFFFFE60] =	vst v10;
	v10 =	vor.u32 $0x100, v4;
	v8 =	vld.idx.msk [tilespmem:v8+s31+$0x0], $0xffff  }
0x31c: {  	v61 =	vor.u32 $0x100, v11;
	[tilespmem:s0+$0xFFFFFE90] =	vst v16;
	v15 =	vld.idx.msk [tilespmem:v15+s31+$0x0], $0xffff  }
0x31d: {  	[tilespmem:s0+$0xFFFFFEA0] =	vst v18;
	v18 =	vor.u32 $0x100, v12;
	v17 =	vld.idx.msk [tilespmem:v17+s31+$0x0], $0xffff  }
0x31e: {  	v16 =	vor.u32 $0x200, v5;
	v19 =	vld.idx.msk [tilespmem:v19+s31+$0x0], $0xffff;
	[tilespmem:s0+$0xFFFFFEB0] =	vst v7  }
0x31f: {  	v7 =	vor.u32 $0x100, v13;
	v6 =	vld.idx.msk [tilespmem:v6+s31+$0x0], $0xffff;
	[tilespmem:s0+$0xFFFFFEC0] =	vst v14  }
0x320: {  	v14 =	vor.u32 $0x180, v1;
	v10 =	vld.idx.msk [tilespmem:v10+s31+$0x0], $0xffff;
	[tilespmem:s0+$0xFFFFFED0] =	vst v9  }
0x321: {  	[tilespmem:s0+$0xFFFFFFF0] =	vst v8;
	v8 =	vor.u32 $0x180, v2;
	v20 =	vld.idx.msk [tilespmem:v61+s31+$0x0], $0xffff  }
0x322: {  	[tilespmem:s0+$0xFFFFFEE0] =	vst v15;
	v15 =	vld.idx.msk [tilespmem:v18+s31+$0x0], $0xffff;
	v18 =	vor.u32 $0x180, v4  }
0x323: {  	v9 =	vld.idx.msk [tilespmem:v16+s31+$0x0], $0xffff;
	v16 =	vor.u32 $0x180, v3;
	[tilespmem:s0+$0xFFFFFF00] =	vst v17  }
0x324: {  	v17 =	vor.u32 $0x280, v5;
	[tilespmem:s0+$0xFFFFFF10] =	vst v19;
	v7 =	vld.idx.msk [tilespmem:v7+s31+$0x0], $0xffff  }
0x325: {  	v19 =	vor.u32 $0x180, v11;
	v14 =	vld.idx.msk [tilespmem:v14+s31+$0x0], $0xffff;
	[tilespmem:s0+$0xFFFFFF20] =	vst v6  }
0x326: {  	v6 =	vor.u32 $0x180, v12;
	[tilespmem:s0+$0xFFFFFF30] =	vst v10;
	v8 =	vld.idx.msk [tilespmem:v8+s31+$0x0], $0xffff  }
0x327: {  	v10 =	vor.u32 $0x180, v13;
	[tilespmem:s0+$0xFFFFFF40] =	vst v20;
	v18 =	vld.idx.msk [tilespmem:v18+s31+$0x0], $0xffff  }
0x328: {  	v16 =	vld.idx.msk [tilespmem:v16+s31+$0x0], $0xffff;
	[tilespmem:s0+$0x70] =	vst v9;
	v9 =	vor.u32 $0x200, v1  }
0x329: {  	v62 =	vor.u32 $0x200, v2;
	[tilespmem:s0+$0xFFFFFF50] =	vst v15;
	v17 =	vld.idx.msk [tilespmem:v17+s31+$0x0], $0xffff  }
0x32a: {  	v15 =	vld.idx.msk [tilespmem:v19+s31+$0x0], $0xffff;
	[tilespmem:s0+$0xFFFFFF60] =	vst v7;
	v7 =	vor.u32 $0x300, v5  }
0x32b: {  	v19 =	vor.u32 $0x200, v3;
	[tilespmem:s0+$0xFFFFFF80] =	vst v14;
	v6 =	vld.idx.msk [tilespmem:v6+s31+$0x0], $0xffff  }
0x32c: {  	v14 =	vor.u32 $0x200, v4;
	[tilespmem:s0+$0xFFFFFF90] =	vst v8;
	v8 =	vld.idx.msk [tilespmem:v10+s31+$0x0], $0xffff  }
0x32d: {  	v10 =	vor.u32 $0x200, v11;
	v9 =	vld.idx.msk [tilespmem:v9+s31+$0x0], $0xffff;
	[tilespmem:s0+$0xFFFFFFA0] =	vst v16  }
0x32e: {  	v16 =	vor.u32 $0x200, v12;
	v20 =	vld.idx.msk [tilespmem:v62+s31+$0x0], $0xffff;
	[tilespmem:s0+$0xF0] =	vst v17  }
0x32f: {  	[tilespmem:s0+$0xFFFFFFB0] =	vst v18;
	v17 =	vor.u32 $0x200, v13;
	v7 =	vld.idx.msk [tilespmem:v7+s31+$0x0], $0xffff  }
0x330: {  	v18 =	vor.u32 $0x280, v1;
	v19 =	vld.idx.msk [tilespmem:v19+s31+$0x0], $0xffff;
	[tilespmem:s0+$0xFFFFFFC0] =	vst v15  }
0x331: {  	v5 =	vor.u32 $0x380, v5;
	v14 =	vld.idx.msk [tilespmem:v14+s31+$0x0], $0xffff;
	[tilespmem:s0+$0xFFFFFFD0] =	vst v6  }
0x332: {  	v6 =	vor.u32 $0x280, v2;
	v10 =	vld.idx.msk [tilespmem:v10+s31+$0x0], $0xffff;
	[tilespmem:s0+$0xFFFFFFE0] =	vst v8  }
0x333: {  	v8 =	vor.u32 $0x280, v3;
	[tilespmem:s0+$0x0] =	vst v9;
	v9 =	vld.idx.msk [tilespmem:v16+s31+$0x0], $0xffff  }
0x334: {  	v15 =	vor.u32 $0x280, v4;
	[tilespmem:s0+$0x10] =	vst v20;
	v16 =	vld.idx.msk [tilespmem:v17+s31+$0x0], $0xffff  }
0x335: {  	v17 =	vor.u32 $0x280, v11;
	v18 =	vld.idx.msk [tilespmem:v18+s31+$0x0], $0xffff;
	[tilespmem:s0+$0x170] =	vst v7  }
0x336: {  	v7 =	vor.u32 $0x280, v12;
	[tilespmem:s0+$0x20] =	vst v19;
	v5 =	vld.idx.msk [tilespmem:v5+s31+$0x0], $0xffff  }
0x337: {  	v19 =	vor.u32 $0x280, v13;
	v6 =	vld.idx.msk [tilespmem:v6+s31+$0x0], $0xffff;
	[tilespmem:s0+$0x30] =	vst v14  }
0x338: {  	v14 =	vor.u32 $0x300, v1;
	v8 =	vld.idx.msk [tilespmem:v8+s31+$0x0], $0xffff;
	[tilespmem:s0+$0x40] =	vst v10  }
0x339: {  	v10 =	vor.u32 $0x300, v2;
	v63 =	vld.idx.msk [tilespmem:v15+s31+$0x0], $0xffff;
	[tilespmem:s0+$0x50] =	vst v9  }
0x33a: {  	v21 =	vor.u32 $0x300, v3;
	v22 =	vld.idx.msk [tilespmem:v17+s31+$0x0], $0xffff;
	[tilespmem:s0+$0x60] =	vst v16  }
0x33b: {  	v23 =	vor.u32 $0x300, v4;
	[tilespmem:s0+$0x80] =	vst v18;
	v18 =	vld.idx.msk [tilespmem:v7+s31+$0x0], $0xffff  }
0x33c: {  	v24 =	vor.u32 $0x300, v11;
	v16 =	vld.idx.msk [tilespmem:v19+s31+$0x0], $0xffff;
	[tilespmem:s0+$0x1F0] =	vst v5  }
0x33d: {  	v15 =	vld.idx.msk [tilespmem:v14+s31+$0x0], $0xffff;
	[tilespmem:s0+$0x90] =	vst v6  }
0x33e: {  	v14 =	vld.idx.msk [tilespmem:v10+s31+$0x0], $0xffff;
	[tilespmem:s0+$0xA0] =	vst v8  }
0x33f: {  	v9 =	vor.u32 $0x300, v12;
	v7 =	vor.u32 $0x380, v2;
	v2 =	vor.u32 $0x380, v12;
	[tilespmem:s0+$0xB0] =	vst v63;
	v17 =	vld.idx.msk [tilespmem:v21+s31+$0x0], $0xffff  }
0x340: {  	v6 =	vor.u32 $0x380, v3;
	v5 =	vor.u32 $0x380, v4;
	v3 =	vor.u32 $0x380, v11;
	v4 =	vld.idx.msk [tilespmem:v23+s31+$0x0], $0xffff;
	[tilespmem:s0+$0xC0] =	vst v22  }
0x341: {  	s3 =	simm.s32 $0x11200;
	s2 =	simm.s32 $0x0;
	s1 =	simm.s32 $0xC0;
	v8 =	vor.u32 $0x380, v1;
	v10 =	vor.u32 $0x300, v13;
	v1 =	vor.u32 $0x380, v13;
	v11 =	vld.idx.msk [tilespmem:v24+s31+$0x0], $0xffff;
	[tilespmem:s0+$0xD0] =	vst v18  }
.LBB2_13:
0x342: {  	v12 =	vld [tilespmem:s1+$0x30];
	s2 =	sadd.s32 $0x8, s2;
	[tilespmem:s0+$0xE0] =	vst v16  }
0x343: {  	v13 =	vld [tilespmem:s1+$0xFFFFFFD0];
	p1 =	slt.u32 s2, $0x38;
	[tilespmem:s0+$0x100] =	vst v15  }
0x344: {  	v15 =	vld [tilespmem:s1+$0xFFFFFFE0];
	[tilespmem:s0+$0x110] =	vst v14  }
0x345: {  	v14 =	vld [tilespmem:s1+$0xFFFFFFF0];
	[tilespmem:s0+$0x120] =	vst v17  }
0x346: {  	v16 =	vld [tilespmem:s1+$0x0];
	[tilespmem:s0+$0x130] =	vst v4  }
0x347: {  	v17 =	vld [tilespmem:s1+$0x10];
	v4 =	vshll.u32 v12, $0x3;
	[tilespmem:s0+$0x140] =	vst v11  }
0x348: {  	v12 =	vand.u32 $0x7F, v12;
	v11 =	vshll.u32 v13, $0x3;
	v18 =	vld [tilespmem:s1+$0x20];
	v4 =	vand.u32 $0xFFFFFC00, v4  }
0x349: {  	v19 =	vld [tilespmem:s1+$0xFFFFFFC0];
	v11 =	vand.u32 $0xFFFFFC00, v11;
	v20 =	vshll.u32 v15, $0x3;
	v4 =	vor.u32 v12, v4  }
0x34a: {  	v12 =	vand.u32 $0x7F, v13;
	v13 =	vand.u32 $0xFFFFFC00, v20;
	v20 =	vshll.u32 v14, $0x3;
	v9 =	vld.idx.msk [tilespmem:v9+s31+$0x0], $0xffff  }
0x34b: {  	v15 =	vand.u32 $0x7F, v15;
	v20 =	vand.u32 $0xFFFFFC00, v20;
	v21 =	vshll.u32 v16, $0x3;
	v10 =	vld.idx.msk [tilespmem:v10+s31+$0x0], $0xffff  }
0x34c: {  	v14 =	vand.u32 $0x7F, v14;
	v21 =	vand.u32 $0xFFFFFC00, v21;
	v22 =	vshll.u32 v17, $0x3;
	v8 =	vld.idx.msk [tilespmem:v8+s31+$0x0], $0xffff  }
0x34d: {  	v16 =	vand.u32 $0x7F, v16;
	v22 =	vand.u32 $0xFFFFFC00, v22;
	v23 =	vshll.u32 v18, $0x3;
	v7 =	vld.idx.msk [tilespmem:v7+s31+$0x0], $0xffff  }
0x34e: {  	v24 =	vand.u32 $0x7F, v19;
	v19 =	vshll.u32 v19, $0x3;
	v23 =	vand.u32 $0xFFFFFC00, v23;
	v25 =	vld.idx.msk [tilespmem:v4+s31+$0x0], $0xffff  }
0x34f: {  	v17 =	vand.u32 $0x7F, v17;
	v18 =	vand.u32 $0x7F, v18;
	v19 =	vand.u32 $0xFFFFFC00, v19;
	v6 =	vld.idx.msk [tilespmem:v6+s31+$0x0], $0xffff  }
0x350: {  	v26 =	vor.u32 v12, v11;
	v11 =	vor.u32 $0x80, v4;
	v24 =	vor.u32 v24, v19;
	v5 =	vld.idx.msk [tilespmem:v5+s31+$0x0], $0xffff;
	[tilespmem:s0+$0x150] =	vst v9  }
0x351: {  	v27 =	vor.u32 v15, v13;
	v28 =	vor.u32 v14, v20;
	v29 =	vor.u32 v16, v21;
	[tilespmem:s0+$0x160] =	vst v10  }
0x352: {  	v22 =	vor.u32 v17, v22;
	v23 =	vor.u32 v18, v23;
	v9 =	vor.u32 $0x80, v24;
	[tilespmem:s0+$0x180] =	vst v8;
	v3 =	vld.idx.msk [tilespmem:v3+s31+$0x0], $0xffff  }
0x353: {  	v30 =	vor.u32 $0x80, v28;
	v10 =	vor.u32 $0x80, v27;
	v8 =	vor.u32 $0x80, v26;
	s0 =	sadd.s32 $0x400, s0;
	[tilespmem:s3+$0x190] =	vst v7;
	v2 =	vld.idx.msk [tilespmem:v2+s31+$0x0], $0xffff  }
0x354: {  	v31 =	vor.u32 $0x80, v29;
	v32 =	vor.u32 $0x80, v22;
	v33 =	vor.u32 $0x80, v23;
	[tilespmem:s0+$0xFFFFFE70] =	vst v25;
	v1 =	vld.idx.msk [tilespmem:v1+s31+$0x0], $0xffff  }
0x355: {  	v34 =	vor.u32 $0x100, v26;
	v35 =	vor.u32 $0x100, v27;
	v25 =	vor.u32 $0x100, v24;
	v7 =	vld.idx.msk [tilespmem:v11+s31+$0x0], $0xffff;
	[tilespmem:s3+$0x1A0] =	vst v6  }
0x356: {  	v36 =	vor.u32 $0x100, v28;
	v37 =	vor.u32 $0x100, v29;
	v38 =	vor.u32 $0x100, v22;
	v6 =	vld.idx.msk [tilespmem:v24+s31+$0x0], $0xffff;
	[tilespmem:s3+$0x1B0] =	vst v5  }
0x357: {  	v40 =	vor.u32 $0x100, v23;
	v39 =	vor.u32 $0x180, v24;
	v11 =	vor.u32 $0x100, v4;
	v5 =	vld.idx.msk [tilespmem:v26+s31+$0x0], $0xffff  }
0x358: {  	v41 =	vor.u32 $0x180, v26;
	v42 =	vor.u32 $0x180, v27;
	v43 =	vor.u32 $0x180, v28;
	v12 =	vld.idx.msk [tilespmem:v27+s31+$0x0], $0xffff;
	[tilespmem:s3+$0x1C0] =	vst v3  }
0x359: {  	v44 =	vor.u32 $0x180, v29;
	v45 =	vor.u32 $0x180, v22;
	v46 =	vor.u32 $0x180, v23;
	v3 =	vld.idx.msk [tilespmem:v28+s31+$0x0], $0xffff;
	[tilespmem:s3+$0x1D0] =	vst v2  }
0x35a: {  	v48 =	vor.u32 $0x200, v26;
	v49 =	vor.u32 $0x200, v27;
	v47 =	vor.u32 $0x200, v24;
	v2 =	vld.idx.msk [tilespmem:v29+s31+$0x0], $0xffff;
	[tilespmem:s3+$0x1E0] =	vst v1;
	s3 =	smov.u32 s0  }
0x35b: {  	v50 =	vor.u32 $0x200, v28;
	v51 =	vor.u32 $0x200, v29;
	v52 =	vor.u32 $0x200, v22;
	v1 =	vld.idx.msk [tilespmem:v22+s31+$0x0], $0xffff;
	[tilespmem:s0+$0xFFFFFEF0] =	vst v7  }
0x35c: {  	v19 =	vor.u32 $0x280, v26;
	v54 =	vor.u32 $0x200, v23;
	v53 =	vor.u32 $0x280, v24;
	[tilespmem:s0+$0xFFFFFE00] =	vst v6;
	v55 =	vld.idx.msk [tilespmem:v11+s31+$0x0], $0xffff  }
0x35d: {  	v21 =	vor.u32 $0x280, v27;
	v20 =	vor.u32 $0x280, v28;
	v16 =	vor.u32 $0x280, v29;
	[tilespmem:s0+$0xFFFFFE10] =	vst v5;
	v56 =	vld.idx.msk [tilespmem:v23+s31+$0x0], $0xffff  }
0x35e: {  	v58 =	vor.u32 $0x180, v4;
	v18 =	vor.u32 $0x280, v22;
	v17 =	vor.u32 $0x280, v23;
	v57 =	vld.idx.msk [tilespmem:v9+s31+$0x0], $0xffff;
	[tilespmem:s0+$0xFFFFFE20] =	vst v12  }
0x35f: {  	v14 =	vor.u32 $0x300, v26;
	v15 =	vor.u32 $0x300, v24;
	v11 =	vor.u32 $0x300, v27;
	v59 =	vld.idx.msk [tilespmem:v8+s31+$0x0], $0xffff;
	[tilespmem:s0+$0xFFFFFE30] =	vst v3  }
0x360: {  	v13 =	vor.u32 $0x300, v28;
	v12 =	vor.u32 $0x300, v29;
	v9 =	vor.u32 $0x300, v22;
	v60 =	vld.idx.msk [tilespmem:v10+s31+$0x0], $0xffff;
	[tilespmem:s0+$0xFFFFFE40] =	vst v2  }
0x361: {  	v7 =	vor.u32 $0x380, v26;
	v8 =	vor.u32 $0x380, v24;
	v10 =	vor.u32 $0x300, v23;
	v24 =	vld.idx.msk [tilespmem:v30+s31+$0x0], $0xffff;
	[tilespmem:s0+$0xFFFFFE50] =	vst v1  }
0x362: {  	v6 =	vor.u32 $0x380, v27;
	v5 =	vor.u32 $0x380, v28;
	v3 =	vor.u32 $0x380, v29;
	v26 =	vld.idx.msk [tilespmem:v31+s31+$0x0], $0xffff;
	[tilespmem:s0+$0xFFFFFF70] =	vst v55  }
0x363: {  	v2 =	vor.u32 $0x380, v22;
	v1 =	vor.u32 $0x380, v23;
	[tilespmem:s0+$0xFFFFFE60] =	vst v56;
	v22 =	vld.idx.msk [tilespmem:v58+s31+$0x0], $0xffff  }
0x364: {  	[tilespmem:s0+$0xFFFFFE80] =	vst v57;
	v23 =	vld.idx.msk [tilespmem:v32+s31+$0x0], $0xffff  }
0x365: {  	v28 =	vor.u32 $0x200, v4;
	[tilespmem:s0+$0xFFFFFE90] =	vst v59;
	v27 =	vld.idx.msk [tilespmem:v33+s31+$0x0], $0xffff  }
0x366: {  	v25 =	vld.idx.msk [tilespmem:v25+s31+$0x0], $0xffff;
	[tilespmem:s0+$0xFFFFFEA0] =	vst v60  }
0x367: {  	v29 =	vld.idx.msk [tilespmem:v34+s31+$0x0], $0xffff;
	[tilespmem:s0+$0xFFFFFEB0] =	vst v24  }
0x368: {  	v24 =	vld.idx.msk [tilespmem:v35+s31+$0x0], $0xffff;
	[tilespmem:s0+$0xFFFFFEC0] =	vst v26  }
0x369: {  	v26 =	vld.idx.msk [tilespmem:v36+s31+$0x0], $0xffff;
	[tilespmem:s0+$0xFFFFFFF0] =	vst v22  }
0x36a: {  	[tilespmem:s0+$0xFFFFFED0] =	vst v23;
	v22 =	vld.idx.msk [tilespmem:v28+s31+$0x0], $0xffff  }
0x36b: {  	v23 =	vld.idx.msk [tilespmem:v37+s31+$0x0], $0xffff;
	[tilespmem:s0+$0xFFFFFEE0] =	vst v27  }
0x36c: {  	v27 =	vor.u32 $0x280, v4;
	[tilespmem:s0+$0xFFFFFF00] =	vst v25;
	v25 =	vld.idx.msk [tilespmem:v38+s31+$0x0], $0xffff  }
0x36d: {  	[tilespmem:s0+$0xFFFFFF10] =	vst v29;
	v28 =	vld.idx.msk [tilespmem:v40+s31+$0x0], $0xffff  }
0x36e: {  	v29 =	vld.idx.msk [tilespmem:v39+s31+$0x0], $0xffff;
	[tilespmem:s0+$0xFFFFFF20] =	vst v24  }
0x36f: {  	v24 =	vld.idx.msk [tilespmem:v41+s31+$0x0], $0xffff;
	[tilespmem:s0+$0xFFFFFF30] =	vst v26  }
0x370: {  	v26 =	vld.idx.msk [tilespmem:v42+s31+$0x0], $0xffff;
	[tilespmem:s0+$0x70] =	vst v22  }
0x371: {  	[tilespmem:s0+$0xFFFFFF40] =	vst v23;
	v22 =	vld.idx.msk [tilespmem:v27+s31+$0x0], $0xffff  }
0x372: {  	v23 =	vld.idx.msk [tilespmem:v43+s31+$0x0], $0xffff;
	[tilespmem:s0+$0xFFFFFF50] =	vst v25  }
0x373: {  	v27 =	vor.u32 $0x300, v4;
	v25 =	vld.idx.msk [tilespmem:v44+s31+$0x0], $0xffff;
	[tilespmem:s0+$0xFFFFFF60] =	vst v28  }
0x374: {  	[tilespmem:s0+$0xFFFFFF80] =	vst v29;
	v28 =	vld.idx.msk [tilespmem:v45+s31+$0x0], $0xffff  }
0x375: {  	[tilespmem:s0+$0xFFFFFF90] =	vst v24;
	v24 =	vld.idx.msk [tilespmem:v46+s31+$0x0], $0xffff  }
0x376: {  	v29 =	vld.idx.msk [tilespmem:v47+s31+$0x0], $0xffff;
	[tilespmem:s0+$0xFFFFFFA0] =	vst v26  }
0x377: {  	v26 =	vld.idx.msk [tilespmem:v48+s31+$0x0], $0xffff;
	[tilespmem:s0+$0xF0] =	vst v22  }
0x378: {  	[tilespmem:s0+$0xFFFFFFB0] =	vst v23;
	v22 =	vld.idx.msk [tilespmem:v27+s31+$0x0], $0xffff  }
0x379: {  	v23 =	vld.idx.msk [tilespmem:v49+s31+$0x0], $0xffff;
	[tilespmem:s0+$0xFFFFFFC0] =	vst v25  }
0x37a: {  	v4 =	vor.u32 $0x380, v4;
	v25 =	vld.idx.msk [tilespmem:v50+s31+$0x0], $0xffff;
	[tilespmem:s0+$0xFFFFFFD0] =	vst v28  }
0x37b: {  	v27 =	vld.idx.msk [tilespmem:v51+s31+$0x0], $0xffff;
	[tilespmem:s0+$0xFFFFFFE0] =	vst v24  }
0x37c: {  	[tilespmem:s0+$0x0] =	vst v29;
	v24 =	vld.idx.msk [tilespmem:v52+s31+$0x0], $0xffff  }
0x37d: {  	[tilespmem:s0+$0x10] =	vst v26;
	v26 =	vld.idx.msk [tilespmem:v54+s31+$0x0], $0xffff  }
0x37e: {  	v28 =	vld.idx.msk [tilespmem:v53+s31+$0x0], $0xffff;
	[tilespmem:s0+$0x170] =	vst v22  }
0x37f: {  	[tilespmem:s0+$0x20] =	vst v23;
	v4 =	vld.idx.msk [tilespmem:v4+s31+$0x0], $0xffff  }
0x380: {  	v19 =	vld.idx.msk [tilespmem:v19+s31+$0x0], $0xffff;
	[tilespmem:s0+$0x30] =	vst v25  }
0x381: {  	v21 =	vld.idx.msk [tilespmem:v21+s31+$0x0], $0xffff;
	[tilespmem:s0+$0x40] =	vst v27  }
0x382: {  	v20 =	vld.idx.msk [tilespmem:v20+s31+$0x0], $0xffff;
	[tilespmem:s0+$0x50] =	vst v24  }
0x383: {  	v22 =	vld.idx.msk [tilespmem:v16+s31+$0x0], $0xffff;
	[tilespmem:s0+$0x60] =	vst v26  }
0x384: {  	[tilespmem:s0+$0x80] =	vst v28;
	v18 =	vld.idx.msk [tilespmem:v18+s31+$0x0], $0xffff  }
0x385: {  	v16 =	vld.idx.msk [tilespmem:v17+s31+$0x0], $0xffff;
	[tilespmem:s0+$0x1F0] =	vst v4  }
.Ltmp7:
0x386: {  	v15 =	vld.idx.msk [tilespmem:v15+s31+$0x0], $0xffff;
	[tilespmem:s0+$0x90] =	vst v19;
	(pc) =	sbr.rel @p1 .LBB2_13-.Ltmp7, $4  }
0x387: {  	v14 =	vld.idx.msk [tilespmem:v14+s31+$0x0], $0xffff;
	[tilespmem:s0+$0xA0] =	vst v21  }
0x388: {  	v17 =	vld.idx.msk [tilespmem:v11+s31+$0x0], $0xffff;
	[tilespmem:s0+$0xB0] =	vst v20  }
0x389: {  	v4 =	vld.idx.msk [tilespmem:v13+s31+$0x0], $0xffff;
	[tilespmem:s0+$0xC0] =	vst v22  }
0x38a: {  	s1 =	sadd.s32 $0x80, s1;
	v11 =	vld.idx.msk [tilespmem:v12+s31+$0x0], $0xffff;
	[tilespmem:s0+$0xD0] =	vst v18  }
0x38b: {  	_ =	sdelay $0x2  }
0x38c: {  	[tilespmem:s0+$0xE0] =	vst v16  }
0x38d: {  	[tilespmem:s0+$0x100] =	vst v15;
	v9 =	vld.idx.msk [tilespmem:v9+s31+$0x0], $0xffff  }
0x38e: {  	[tilespmem:s0+$0x110] =	vst v14;
	v10 =	vld.idx.msk [tilespmem:v10+s31+$0x0], $0xffff  }
0x38f: {  	v8 =	vld.idx.msk [tilespmem:v8+s31+$0x0], $0xffff;
	[tilespmem:s0+$0x120] =	vst v17  }
0x390: {  	[tilespmem:s0+$0x130] =	vst v4;
	v4 =	vld.idx.msk [tilespmem:v7+s31+$0x0], $0xffff  }
0x391: {  	v6 =	vld.idx.msk [tilespmem:v6+s31+$0x0], $0xffff;
	[tilespmem:s0+$0x140] =	vst v11  }
0x392: {  	v5 =	vld.idx.msk [tilespmem:v5+s31+$0x0], $0xffff;
	[tilespmem:s0+$0x150] =	vst v9  }
0x393: {  	v3 =	vld.idx.msk [tilespmem:v3+s31+$0x0], $0xffff;
	[tilespmem:s0+$0x160] =	vst v10  }
0x394: {  	[tilespmem:s0+$0x180] =	vst v8;
	v2 =	vld.idx.msk [tilespmem:v2+s31+$0x0], $0xffff  }
0x395: {  	v1 =	vld.idx.msk [tilespmem:v1+s31+$0x0], $0xffff;
	[tilespmem:s3+$0x190] =	vst v4  }
0x396: {  	[tilespmem:s3+$0x1A0] =	vst v6  }
0x397: {  	[tilespmem:s3+$0x1B0] =	vst v5  }
0x398: {  	[tilespmem:s3+$0x1C0] =	vst v3  }
0x399: {  	s0 =	sadd.s32 s25, s24;
	[tilespmem:s3+$0x1D0] =	vst v2  }
0x39a: {  	s1 =	sadd.s32 s4, s0;
	[tilespmem:s3+$0x1E0] =	vst v1  }
0x39b: {  	[hbm4b:s1+s5] =	stream.linear.scatter [tilespmem:s29], [sflag:$0x3], $0x2000, $0x38;
	[tilespmem:$0x19200] =	vst v63  }
0x39c: {  	_ =	swait.ge [sflag:s16], $0x2000  }
0x39d: {  	[sflag:s16] =	ssyncset.done $0x0  }
0x39e: {  	s24 =	simm.s32 $0x470;
	[sflag:s16] =	ssyncadd.s32 $0xFFFFE000  }
0x39f: {  	v1 =	vld [tilespmem:s24+$0x0];
	_ =	sdelay $0x3  }
0x3a0: {  	v2 =	vld [tilespmem:s24+$0xFFFFFFA0]  }
0x3a1: {  	v3 =	vshll.u32 v1, $0x3  }
0x3a2: {  	v4 =	vld [tilespmem:s24+$0xFFFFFFB0];
	v1 =	vand.u32 $0x7F, v1;
	v3 =	vand.u32 $0xFFFFFC00, v3  }
0x3a3: {  	v6 =	vld [tilespmem:s24+$0xFFFFFF90];
	v5 =	vor.u32 v1, v3;
	_ =	sdelay $0x1  }
0x3a4: {  	v3 =	vld [tilespmem:s24+$0xFFFFFFC0];
	v1 =	vshll.u32 v2, $0x3  }
0x3a5: {  	v8 =	vld [tilespmem:s24+$0xFFFFFFE0];
	v2 =	vand.u32 $0x7F, v2;
	v9 =	vand.u32 $0xFFFFFC00, v1  }
0x3a6: {  	v7 =	vld [tilespmem:s24+$0xFFFFFFD0];
	v1 =	vshll.u32 v4, $0x3;
	v2 =	vor.u32 v2, v9  }
0x3a7: {  	v12 =	vor.u32 $0x80, v5;
	v10 =	vand.u32 $0xFFFFFC00, v1;
	v1 =	vshll.u32 v6, $0x3;
	v11 =	vld.idx.msk [tilespmem:v5+s31+$0x0], $0xffff  }
0x3a8: {  	v13 =	vld [tilespmem:s24+$0xFFFFFFF0];
	v4 =	vand.u32 $0x7F, v4;
	v6 =	vand.u32 $0x7F, v6;
	v1 =	vand.u32 $0xFFFFFC00, v1  }
0x3a9: {  	v1 =	vor.u32 v6, v1;
	v14 =	vshll.u32 v3, $0x3;
	v9 =	vand.u32 $0x7F, v3  }
0x3aa: {  	v3 =	vor.u32 v4, v10;
	v10 =	vshll.u32 v8, $0x3;
	v6 =	vand.u32 $0xFFFFFC00, v14  }
0x3ab: {  	s3 =	simm.s32 $0x13200;
	v14 =	vshll.u32 v7, $0x3;
	v4 =	vor.u32 v9, v6;
	v6 =	vand.u32 $0xFFFFFC00, v10;
	v10 =	vld.idx.msk [tilespmem:v2+s31+$0x0], $0xffff  }
0x3ac: {  	v16 =	vor.u32 $0x80, v2;
	v7 =	vand.u32 $0x7F, v7;
	v14 =	vand.u32 $0xFFFFFC00, v14;
	[tilespmem:s3+$0xFFFFFE70] =	vst v11  }
0x3ad: {  	v8 =	vand.u32 $0x7F, v8;
	v9 =	vshll.u32 v13, $0x3;
	v11 =	vor.u32 v7, v14;
	v7 =	vld.idx.msk [tilespmem:v12+s31+$0x0], $0xffff  }
0x3ae: {  	v12 =	vor.u32 v8, v6;
	v6 =	vld.idx.msk [tilespmem:v1+s31+$0x0], $0xffff;
	v8 =	vand.u32 $0xFFFFFC00, v9;
	v9 =	vand.u32 $0x7F, v13  }
0x3af: {  	v14 =	vor.u32 $0x100, v5;
	v13 =	vor.u32 v9, v8;
	v8 =	vld.idx.msk [tilespmem:v3+s31+$0x0], $0xffff  }
0x3b0: {  	v9 =	vor.u32 $0x80, v1;
	v15 =	vld.idx.msk [tilespmem:v4+s31+$0x0], $0xffff;
	[tilespmem:s3+$0xFFFFFE10] =	vst v10  }
0x3b1: {  	v16 =	vld.idx.msk [tilespmem:v16+s31+$0x0], $0xffff  }
0x3b2: {  	v18 =	vor.u32 $0x80, v3;
	v17 =	vld.idx.msk [tilespmem:v11+s31+$0x0], $0xffff  }
0x3b3: {  	v19 =	vld.idx.msk [tilespmem:v12+s31+$0x0], $0xffff;
	[tilespmem:s3+$0xFFFFFEF0] =	vst v7;
	v7 =	vor.u32 $0x80, v4  }
0x3b4: {  	[tilespmem:s3+$0xFFFFFE00] =	vst v6;
	v6 =	vld.idx.msk [tilespmem:v14+s31+$0x0], $0xffff;
	v14 =	vor.u32 $0x80, v11  }
0x3b5: {  	v20 =	vor.u32 $0x80, v12;
	v9 =	vld.idx.msk [tilespmem:v9+s31+$0x0], $0xffff;
	[tilespmem:s3+$0xFFFFFE20] =	vst v8  }
0x3b6: {  	v10 =	vld.idx.msk [tilespmem:v13+s31+$0x0], $0xffff;
	v8 =	vor.u32 $0x180, v5;
	[tilespmem:s3+$0xFFFFFE30] =	vst v15  }
0x3b7: {  	v15 =	vor.u32 $0x80, v13;
	v18 =	vld.idx.msk [tilespmem:v18+s31+$0x0], $0xffff;
	[tilespmem:s3+$0xFFFFFE40] =	vst v17  }
0x3b8: {  	v17 =	vor.u32 $0x100, v1;
	v7 =	vld.idx.msk [tilespmem:v7+s31+$0x0], $0xffff;
	[tilespmem:s3+$0xFFFFFE50] =	vst v19  }
0x3b9: {  	v19 =	vor.u32 $0x100, v2;
	v14 =	vld.idx.msk [tilespmem:v14+s31+$0x0], $0xffff;
	[tilespmem:s3+$0xFFFFFF70] =	vst v6  }
0x3ba: {  	v6 =	vor.u32 $0x100, v3;
	[tilespmem:s3+$0xFFFFFE80] =	vst v9;
	v9 =	vld.idx.msk [tilespmem:v20+s31+$0x0], $0xffff  }
0x3bb: {  	[tilespmem:s3+$0xFFFFFE60] =	vst v10;
	v10 =	vor.u32 $0x100, v4;
	v8 =	vld.idx.msk [tilespmem:v8+s31+$0x0], $0xffff  }
0x3bc: {  	v61 =	vor.u32 $0x100, v11;
	[tilespmem:s3+$0xFFFFFE90] =	vst v16;
	v15 =	vld.idx.msk [tilespmem:v15+s31+$0x0], $0xffff  }
0x3bd: {  	[tilespmem:s3+$0xFFFFFEA0] =	vst v18;
	v18 =	vor.u32 $0x100, v12;
	v17 =	vld.idx.msk [tilespmem:v17+s31+$0x0], $0xffff  }
0x3be: {  	v16 =	vor.u32 $0x200, v5;
	v19 =	vld.idx.msk [tilespmem:v19+s31+$0x0], $0xffff;
	[tilespmem:s3+$0xFFFFFEB0] =	vst v7  }
0x3bf: {  	v7 =	vor.u32 $0x100, v13;
	v6 =	vld.idx.msk [tilespmem:v6+s31+$0x0], $0xffff;
	[tilespmem:s3+$0xFFFFFEC0] =	vst v14  }
0x3c0: {  	v14 =	vor.u32 $0x180, v1;
	v10 =	vld.idx.msk [tilespmem:v10+s31+$0x0], $0xffff;
	[tilespmem:s3+$0xFFFFFED0] =	vst v9  }
0x3c1: {  	[tilespmem:s3+$0xFFFFFFF0] =	vst v8;
	v8 =	vor.u32 $0x180, v2;
	v20 =	vld.idx.msk [tilespmem:v61+s31+$0x0], $0xffff  }
0x3c2: {  	[tilespmem:s3+$0xFFFFFEE0] =	vst v15;
	v15 =	vld.idx.msk [tilespmem:v18+s31+$0x0], $0xffff;
	v18 =	vor.u32 $0x180, v4  }
0x3c3: {  	v9 =	vld.idx.msk [tilespmem:v16+s31+$0x0], $0xffff;
	v16 =	vor.u32 $0x180, v3;
	[tilespmem:s3+$0xFFFFFF00] =	vst v17  }
0x3c4: {  	v17 =	vor.u32 $0x280, v5;
	[tilespmem:s3+$0xFFFFFF10] =	vst v19;
	v7 =	vld.idx.msk [tilespmem:v7+s31+$0x0], $0xffff  }
0x3c5: {  	v19 =	vor.u32 $0x180, v11;
	v14 =	vld.idx.msk [tilespmem:v14+s31+$0x0], $0xffff;
	[tilespmem:s3+$0xFFFFFF20] =	vst v6  }
0x3c6: {  	v6 =	vor.u32 $0x180, v12;
	[tilespmem:s3+$0xFFFFFF30] =	vst v10;
	v8 =	vld.idx.msk [tilespmem:v8+s31+$0x0], $0xffff  }
0x3c7: {  	v10 =	vor.u32 $0x180, v13;
	[tilespmem:s3+$0xFFFFFF40] =	vst v20;
	v18 =	vld.idx.msk [tilespmem:v18+s31+$0x0], $0xffff  }
0x3c8: {  	v16 =	vld.idx.msk [tilespmem:v16+s31+$0x0], $0xffff;
	[tilespmem:s3+$0x70] =	vst v9;
	v9 =	vor.u32 $0x200, v1  }
0x3c9: {  	v62 =	vor.u32 $0x200, v2;
	[tilespmem:s3+$0xFFFFFF50] =	vst v15;
	v17 =	vld.idx.msk [tilespmem:v17+s31+$0x0], $0xffff  }
0x3ca: {  	v15 =	vld.idx.msk [tilespmem:v19+s31+$0x0], $0xffff;
	[tilespmem:s3+$0xFFFFFF60] =	vst v7;
	v7 =	vor.u32 $0x300, v5  }
0x3cb: {  	v19 =	vor.u32 $0x200, v3;
	[tilespmem:s3+$0xFFFFFF80] =	vst v14;
	v6 =	vld.idx.msk [tilespmem:v6+s31+$0x0], $0xffff  }
0x3cc: {  	v14 =	vor.u32 $0x200, v4;
	[tilespmem:s3+$0xFFFFFF90] =	vst v8;
	v8 =	vld.idx.msk [tilespmem:v10+s31+$0x0], $0xffff  }
0x3cd: {  	v10 =	vor.u32 $0x200, v11;
	v9 =	vld.idx.msk [tilespmem:v9+s31+$0x0], $0xffff;
	[tilespmem:s3+$0xFFFFFFA0] =	vst v16  }
0x3ce: {  	v16 =	vor.u32 $0x200, v12;
	v20 =	vld.idx.msk [tilespmem:v62+s31+$0x0], $0xffff;
	[tilespmem:s3+$0xF0] =	vst v17  }
0x3cf: {  	[tilespmem:s3+$0xFFFFFFB0] =	vst v18;
	v17 =	vor.u32 $0x200, v13;
	v7 =	vld.idx.msk [tilespmem:v7+s31+$0x0], $0xffff  }
0x3d0: {  	v18 =	vor.u32 $0x280, v1;
	v19 =	vld.idx.msk [tilespmem:v19+s31+$0x0], $0xffff;
	[tilespmem:s3+$0xFFFFFFC0] =	vst v15  }
0x3d1: {  	v5 =	vor.u32 $0x380, v5;
	v14 =	vld.idx.msk [tilespmem:v14+s31+$0x0], $0xffff;
	[tilespmem:s3+$0xFFFFFFD0] =	vst v6  }
0x3d2: {  	v6 =	vor.u32 $0x280, v2;
	v10 =	vld.idx.msk [tilespmem:v10+s31+$0x0], $0xffff;
	[tilespmem:s3+$0xFFFFFFE0] =	vst v8  }
0x3d3: {  	v8 =	vor.u32 $0x280, v3;
	[tilespmem:s3+$0x0] =	vst v9;
	v9 =	vld.idx.msk [tilespmem:v16+s31+$0x0], $0xffff  }
0x3d4: {  	v15 =	vor.u32 $0x280, v4;
	[tilespmem:s3+$0x10] =	vst v20;
	v16 =	vld.idx.msk [tilespmem:v17+s31+$0x0], $0xffff  }
0x3d5: {  	v17 =	vor.u32 $0x280, v11;
	v18 =	vld.idx.msk [tilespmem:v18+s31+$0x0], $0xffff;
	[tilespmem:s3+$0x170] =	vst v7  }
0x3d6: {  	v7 =	vor.u32 $0x280, v12;
	[tilespmem:s3+$0x20] =	vst v19;
	v5 =	vld.idx.msk [tilespmem:v5+s31+$0x0], $0xffff  }
0x3d7: {  	v19 =	vor.u32 $0x280, v13;
	v6 =	vld.idx.msk [tilespmem:v6+s31+$0x0], $0xffff;
	[tilespmem:s3+$0x30] =	vst v14  }
0x3d8: {  	v14 =	vor.u32 $0x300, v1;
	v8 =	vld.idx.msk [tilespmem:v8+s31+$0x0], $0xffff;
	[tilespmem:s3+$0x40] =	vst v10  }
0x3d9: {  	v10 =	vor.u32 $0x300, v2;
	v63 =	vld.idx.msk [tilespmem:v15+s31+$0x0], $0xffff;
	[tilespmem:s3+$0x50] =	vst v9  }
0x3da: {  	v21 =	vor.u32 $0x300, v3;
	v22 =	vld.idx.msk [tilespmem:v17+s31+$0x0], $0xffff;
	[tilespmem:s3+$0x60] =	vst v16  }
0x3db: {  	v23 =	vor.u32 $0x300, v4;
	[tilespmem:s3+$0x80] =	vst v18;
	v18 =	vld.idx.msk [tilespmem:v7+s31+$0x0], $0xffff  }
0x3dc: {  	v24 =	vor.u32 $0x300, v11;
	v16 =	vld.idx.msk [tilespmem:v19+s31+$0x0], $0xffff;
	[tilespmem:s3+$0x1F0] =	vst v5  }
0x3dd: {  	v15 =	vld.idx.msk [tilespmem:v14+s31+$0x0], $0xffff;
	[tilespmem:s3+$0x90] =	vst v6  }
0x3de: {  	v14 =	vld.idx.msk [tilespmem:v10+s31+$0x0], $0xffff;
	[tilespmem:s3+$0xA0] =	vst v8  }
0x3df: {  	v9 =	vor.u32 $0x300, v12;
	v7 =	vor.u32 $0x380, v2;
	v2 =	vor.u32 $0x380, v12;
	[tilespmem:s3+$0xB0] =	vst v63;
	v17 =	vld.idx.msk [tilespmem:v21+s31+$0x0], $0xffff  }
0x3e0: {  	v6 =	vor.u32 $0x380, v3;
	v5 =	vor.u32 $0x380, v4;
	v3 =	vor.u32 $0x380, v11;
	v4 =	vld.idx.msk [tilespmem:v23+s31+$0x0], $0xffff;
	[tilespmem:s3+$0xC0] =	vst v22  }
0x3e1: {  	s23 =	simm.s32 $0x0;
	s2 =	simm.s32 $0x13200;
	s1 =	simm.s32 $0x4F0;
	v8 =	vor.u32 $0x380, v1;
	v10 =	vor.u32 $0x300, v13;
	v1 =	vor.u32 $0x380, v13;
	v11 =	vld.idx.msk [tilespmem:v24+s31+$0x0], $0xffff;
	[tilespmem:s3+$0xD0] =	vst v18  }
.LBB2_15:
0x3e2: {  	v12 =	vld [tilespmem:s1+$0x0];
	s23 =	sadd.s32 $0x8, s23;
	[tilespmem:s3+$0xE0] =	vst v16  }
0x3e3: {  	v13 =	vld [tilespmem:s1+$0xFFFFFFA0];
	p1 =	slt.u32 s23, $0x38;
	[tilespmem:s3+$0x100] =	vst v15  }
0x3e4: {  	v15 =	vld [tilespmem:s1+$0xFFFFFFB0];
	[tilespmem:s3+$0x110] =	vst v14  }
0x3e5: {  	v14 =	vld [tilespmem:s1+$0xFFFFFFC0];
	[tilespmem:s3+$0x120] =	vst v17  }
0x3e6: {  	v16 =	vld [tilespmem:s1+$0xFFFFFFD0];
	[tilespmem:s3+$0x130] =	vst v4  }
0x3e7: {  	v17 =	vld [tilespmem:s1+$0xFFFFFFE0];
	v4 =	vshll.u32 v12, $0x3;
	[tilespmem:s3+$0x140] =	vst v11  }
0x3e8: {  	v12 =	vand.u32 $0x7F, v12;
	v11 =	vshll.u32 v13, $0x3;
	v18 =	vld [tilespmem:s1+$0xFFFFFFF0];
	v4 =	vand.u32 $0xFFFFFC00, v4  }
0x3e9: {  	v19 =	vld [tilespmem:s1+$0xFFFFFF90];
	v11 =	vand.u32 $0xFFFFFC00, v11;
	v20 =	vshll.u32 v15, $0x3;
	v4 =	vor.u32 v12, v4  }
0x3ea: {  	v12 =	vand.u32 $0x7F, v13;
	v13 =	vand.u32 $0xFFFFFC00, v20;
	v20 =	vshll.u32 v14, $0x3;
	v9 =	vld.idx.msk [tilespmem:v9+s31+$0x0], $0xffff  }
0x3eb: {  	v15 =	vand.u32 $0x7F, v15;
	v20 =	vand.u32 $0xFFFFFC00, v20;
	v21 =	vshll.u32 v16, $0x3;
	v10 =	vld.idx.msk [tilespmem:v10+s31+$0x0], $0xffff  }
0x3ec: {  	v14 =	vand.u32 $0x7F, v14;
	v21 =	vand.u32 $0xFFFFFC00, v21;
	v22 =	vshll.u32 v17, $0x3;
	v8 =	vld.idx.msk [tilespmem:v8+s31+$0x0], $0xffff  }
0x3ed: {  	v16 =	vand.u32 $0x7F, v16;
	v22 =	vand.u32 $0xFFFFFC00, v22;
	v23 =	vshll.u32 v18, $0x3;
	v7 =	vld.idx.msk [tilespmem:v7+s31+$0x0], $0xffff  }
0x3ee: {  	v24 =	vand.u32 $0x7F, v19;
	v19 =	vshll.u32 v19, $0x3;
	v23 =	vand.u32 $0xFFFFFC00, v23;
	v25 =	vld.idx.msk [tilespmem:v4+s31+$0x0], $0xffff  }
0x3ef: {  	v17 =	vand.u32 $0x7F, v17;
	v18 =	vand.u32 $0x7F, v18;
	v19 =	vand.u32 $0xFFFFFC00, v19;
	v6 =	vld.idx.msk [tilespmem:v6+s31+$0x0], $0xffff  }
0x3f0: {  	v26 =	vor.u32 v12, v11;
	v11 =	vor.u32 $0x80, v4;
	v24 =	vor.u32 v24, v19;
	v5 =	vld.idx.msk [tilespmem:v5+s31+$0x0], $0xffff;
	[tilespmem:s3+$0x150] =	vst v9  }
0x3f1: {  	v27 =	vor.u32 v15, v13;
	v28 =	vor.u32 v14, v20;
	v29 =	vor.u32 v16, v21;
	[tilespmem:s3+$0x160] =	vst v10  }
0x3f2: {  	v22 =	vor.u32 v17, v22;
	v23 =	vor.u32 v18, v23;
	v9 =	vor.u32 $0x80, v24;
	[tilespmem:s3+$0x180] =	vst v8;
	v3 =	vld.idx.msk [tilespmem:v3+s31+$0x0], $0xffff  }
0x3f3: {  	v30 =	vor.u32 $0x80, v28;
	v10 =	vor.u32 $0x80, v27;
	v8 =	vor.u32 $0x80, v26;
	s3 =	sadd.s32 $0x400, s3;
	[tilespmem:s2+$0x190] =	vst v7;
	v2 =	vld.idx.msk [tilespmem:v2+s31+$0x0], $0xffff  }
0x3f4: {  	v31 =	vor.u32 $0x80, v29;
	v32 =	vor.u32 $0x80, v22;
	v33 =	vor.u32 $0x80, v23;
	[tilespmem:s3+$0xFFFFFE70] =	vst v25;
	v1 =	vld.idx.msk [tilespmem:v1+s31+$0x0], $0xffff  }
0x3f5: {  	v34 =	vor.u32 $0x100, v26;
	v35 =	vor.u32 $0x100, v27;
	v25 =	vor.u32 $0x100, v24;
	v7 =	vld.idx.msk [tilespmem:v11+s31+$0x0], $0xffff;
	[tilespmem:s2+$0x1A0] =	vst v6  }
0x3f6: {  	v36 =	vor.u32 $0x100, v28;
	v37 =	vor.u32 $0x100, v29;
	v38 =	vor.u32 $0x100, v22;
	v6 =	vld.idx.msk [tilespmem:v24+s31+$0x0], $0xffff;
	[tilespmem:s2+$0x1B0] =	vst v5  }
0x3f7: {  	v40 =	vor.u32 $0x100, v23;
	v39 =	vor.u32 $0x180, v24;
	v11 =	vor.u32 $0x100, v4;
	v5 =	vld.idx.msk [tilespmem:v26+s31+$0x0], $0xffff  }
0x3f8: {  	v41 =	vor.u32 $0x180, v26;
	v42 =	vor.u32 $0x180, v27;
	v43 =	vor.u32 $0x180, v28;
	v12 =	vld.idx.msk [tilespmem:v27+s31+$0x0], $0xffff;
	[tilespmem:s2+$0x1C0] =	vst v3  }
0x3f9: {  	v44 =	vor.u32 $0x180, v29;
	v45 =	vor.u32 $0x180, v22;
	v46 =	vor.u32 $0x180, v23;
	v3 =	vld.idx.msk [tilespmem:v28+s31+$0x0], $0xffff;
	[tilespmem:s2+$0x1D0] =	vst v2  }
0x3fa: {  	v48 =	vor.u32 $0x200, v26;
	v49 =	vor.u32 $0x200, v27;
	v47 =	vor.u32 $0x200, v24;
	v2 =	vld.idx.msk [tilespmem:v29+s31+$0x0], $0xffff;
	[tilespmem:s2+$0x1E0] =	vst v1;
	s2 =	smov.u32 s3  }
0x3fb: {  	v50 =	vor.u32 $0x200, v28;
	v51 =	vor.u32 $0x200, v29;
	v52 =	vor.u32 $0x200, v22;
	v1 =	vld.idx.msk [tilespmem:v22+s31+$0x0], $0xffff;
	[tilespmem:s3+$0xFFFFFEF0] =	vst v7  }
0x3fc: {  	v19 =	vor.u32 $0x280, v26;
	v54 =	vor.u32 $0x200, v23;
	v53 =	vor.u32 $0x280, v24;
	[tilespmem:s3+$0xFFFFFE00] =	vst v6;
	v55 =	vld.idx.msk [tilespmem:v11+s31+$0x0], $0xffff  }
0x3fd: {  	v21 =	vor.u32 $0x280, v27;
	v20 =	vor.u32 $0x280, v28;
	v16 =	vor.u32 $0x280, v29;
	[tilespmem:s3+$0xFFFFFE10] =	vst v5;
	v56 =	vld.idx.msk [tilespmem:v23+s31+$0x0], $0xffff  }
0x3fe: {  	v58 =	vor.u32 $0x180, v4;
	v18 =	vor.u32 $0x280, v22;
	v17 =	vor.u32 $0x280, v23;
	v57 =	vld.idx.msk [tilespmem:v9+s31+$0x0], $0xffff;
	[tilespmem:s3+$0xFFFFFE20] =	vst v12  }
0x3ff: {  	v14 =	vor.u32 $0x300, v26;
	v15 =	vor.u32 $0x300, v24;
	v11 =	vor.u32 $0x300, v27;
	v59 =	vld.idx.msk [tilespmem:v8+s31+$0x0], $0xffff;
	[tilespmem:s3+$0xFFFFFE30] =	vst v3  }
0x400: {  	v13 =	vor.u32 $0x300, v28;
	v12 =	vor.u32 $0x300, v29;
	v9 =	vor.u32 $0x300, v22;
	v60 =	vld.idx.msk [tilespmem:v10+s31+$0x0], $0xffff;
	[tilespmem:s3+$0xFFFFFE40] =	vst v2  }
0x401: {  	v7 =	vor.u32 $0x380, v26;
	v8 =	vor.u32 $0x380, v24;
	v10 =	vor.u32 $0x300, v23;
	v24 =	vld.idx.msk [tilespmem:v30+s31+$0x0], $0xffff;
	[tilespmem:s3+$0xFFFFFE50] =	vst v1  }
0x402: {  	v6 =	vor.u32 $0x380, v27;
	v5 =	vor.u32 $0x380, v28;
	v3 =	vor.u32 $0x380, v29;
	v26 =	vld.idx.msk [tilespmem:v31+s31+$0x0], $0xffff;
	[tilespmem:s3+$0xFFFFFF70] =	vst v55  }
0x403: {  	v2 =	vor.u32 $0x380, v22;
	v1 =	vor.u32 $0x380, v23;
	[tilespmem:s3+$0xFFFFFE60] =	vst v56;
	v22 =	vld.idx.msk [tilespmem:v58+s31+$0x0], $0xffff  }
0x404: {  	[tilespmem:s3+$0xFFFFFE80] =	vst v57;
	v23 =	vld.idx.msk [tilespmem:v32+s31+$0x0], $0xffff  }
0x405: {  	v28 =	vor.u32 $0x200, v4;
	[tilespmem:s3+$0xFFFFFE90] =	vst v59;
	v27 =	vld.idx.msk [tilespmem:v33+s31+$0x0], $0xffff  }
0x406: {  	v25 =	vld.idx.msk [tilespmem:v25+s31+$0x0], $0xffff;
	[tilespmem:s3+$0xFFFFFEA0] =	vst v60  }
0x407: {  	v29 =	vld.idx.msk [tilespmem:v34+s31+$0x0], $0xffff;
	[tilespmem:s3+$0xFFFFFEB0] =	vst v24  }
0x408: {  	v24 =	vld.idx.msk [tilespmem:v35+s31+$0x0], $0xffff;
	[tilespmem:s3+$0xFFFFFEC0] =	vst v26  }
0x409: {  	v26 =	vld.idx.msk [tilespmem:v36+s31+$0x0], $0xffff;
	[tilespmem:s3+$0xFFFFFFF0] =	vst v22  }
0x40a: {  	[tilespmem:s3+$0xFFFFFED0] =	vst v23;
	v22 =	vld.idx.msk [tilespmem:v28+s31+$0x0], $0xffff  }
0x40b: {  	v23 =	vld.idx.msk [tilespmem:v37+s31+$0x0], $0xffff;
	[tilespmem:s3+$0xFFFFFEE0] =	vst v27  }
0x40c: {  	v27 =	vor.u32 $0x280, v4;
	[tilespmem:s3+$0xFFFFFF00] =	vst v25;
	v25 =	vld.idx.msk [tilespmem:v38+s31+$0x0], $0xffff  }
0x40d: {  	[tilespmem:s3+$0xFFFFFF10] =	vst v29;
	v28 =	vld.idx.msk [tilespmem:v40+s31+$0x0], $0xffff  }
0x40e: {  	v29 =	vld.idx.msk [tilespmem:v39+s31+$0x0], $0xffff;
	[tilespmem:s3+$0xFFFFFF20] =	vst v24  }
0x40f: {  	v24 =	vld.idx.msk [tilespmem:v41+s31+$0x0], $0xffff;
	[tilespmem:s3+$0xFFFFFF30] =	vst v26  }
0x410: {  	v26 =	vld.idx.msk [tilespmem:v42+s31+$0x0], $0xffff;
	[tilespmem:s3+$0x70] =	vst v22  }
0x411: {  	[tilespmem:s3+$0xFFFFFF40] =	vst v23;
	v22 =	vld.idx.msk [tilespmem:v27+s31+$0x0], $0xffff  }
0x412: {  	v23 =	vld.idx.msk [tilespmem:v43+s31+$0x0], $0xffff;
	[tilespmem:s3+$0xFFFFFF50] =	vst v25  }
0x413: {  	v27 =	vor.u32 $0x300, v4;
	v25 =	vld.idx.msk [tilespmem:v44+s31+$0x0], $0xffff;
	[tilespmem:s3+$0xFFFFFF60] =	vst v28  }
0x414: {  	[tilespmem:s3+$0xFFFFFF80] =	vst v29;
	v28 =	vld.idx.msk [tilespmem:v45+s31+$0x0], $0xffff  }
0x415: {  	[tilespmem:s3+$0xFFFFFF90] =	vst v24;
	v24 =	vld.idx.msk [tilespmem:v46+s31+$0x0], $0xffff  }
0x416: {  	v29 =	vld.idx.msk [tilespmem:v47+s31+$0x0], $0xffff;
	[tilespmem:s3+$0xFFFFFFA0] =	vst v26  }
0x417: {  	v26 =	vld.idx.msk [tilespmem:v48+s31+$0x0], $0xffff;
	[tilespmem:s3+$0xF0] =	vst v22  }
0x418: {  	[tilespmem:s3+$0xFFFFFFB0] =	vst v23;
	v22 =	vld.idx.msk [tilespmem:v27+s31+$0x0], $0xffff  }
0x419: {  	v23 =	vld.idx.msk [tilespmem:v49+s31+$0x0], $0xffff;
	[tilespmem:s3+$0xFFFFFFC0] =	vst v25  }
0x41a: {  	v4 =	vor.u32 $0x380, v4;
	v25 =	vld.idx.msk [tilespmem:v50+s31+$0x0], $0xffff;
	[tilespmem:s3+$0xFFFFFFD0] =	vst v28  }
0x41b: {  	v27 =	vld.idx.msk [tilespmem:v51+s31+$0x0], $0xffff;
	[tilespmem:s3+$0xFFFFFFE0] =	vst v24  }
0x41c: {  	[tilespmem:s3+$0x0] =	vst v29;
	v24 =	vld.idx.msk [tilespmem:v52+s31+$0x0], $0xffff  }
0x41d: {  	[tilespmem:s3+$0x10] =	vst v26;
	v26 =	vld.idx.msk [tilespmem:v54+s31+$0x0], $0xffff  }
0x41e: {  	v28 =	vld.idx.msk [tilespmem:v53+s31+$0x0], $0xffff;
	[tilespmem:s3+$0x170] =	vst v22  }
0x41f: {  	[tilespmem:s3+$0x20] =	vst v23;
	v4 =	vld.idx.msk [tilespmem:v4+s31+$0x0], $0xffff  }
0x420: {  	v19 =	vld.idx.msk [tilespmem:v19+s31+$0x0], $0xffff;
	[tilespmem:s3+$0x30] =	vst v25  }
0x421: {  	v21 =	vld.idx.msk [tilespmem:v21+s31+$0x0], $0xffff;
	[tilespmem:s3+$0x40] =	vst v27  }
0x422: {  	v20 =	vld.idx.msk [tilespmem:v20+s31+$0x0], $0xffff;
	[tilespmem:s3+$0x50] =	vst v24  }
0x423: {  	v22 =	vld.idx.msk [tilespmem:v16+s31+$0x0], $0xffff;
	[tilespmem:s3+$0x60] =	vst v26  }
0x424: {  	[tilespmem:s3+$0x80] =	vst v28;
	v18 =	vld.idx.msk [tilespmem:v18+s31+$0x0], $0xffff  }
0x425: {  	v16 =	vld.idx.msk [tilespmem:v17+s31+$0x0], $0xffff;
	[tilespmem:s3+$0x1F0] =	vst v4  }
.Ltmp8:
0x426: {  	v15 =	vld.idx.msk [tilespmem:v15+s31+$0x0], $0xffff;
	[tilespmem:s3+$0x90] =	vst v19;
	(pc) =	sbr.rel @p1 .LBB2_15-.Ltmp8, $4  }
0x427: {  	v14 =	vld.idx.msk [tilespmem:v14+s31+$0x0], $0xffff;
	[tilespmem:s3+$0xA0] =	vst v21  }
0x428: {  	v17 =	vld.idx.msk [tilespmem:v11+s31+$0x0], $0xffff;
	[tilespmem:s3+$0xB0] =	vst v20  }
0x429: {  	v4 =	vld.idx.msk [tilespmem:v13+s31+$0x0], $0xffff;
	[tilespmem:s3+$0xC0] =	vst v22  }
0x42a: {  	s1 =	sadd.s32 $0x80, s1;
	v11 =	vld.idx.msk [tilespmem:v12+s31+$0x0], $0xffff;
	[tilespmem:s3+$0xD0] =	vst v18  }
0x42b: {  	_ =	sdelay $0x2  }
0x42c: {  	[tilespmem:s3+$0xE0] =	vst v16  }
0x42d: {  	[tilespmem:s3+$0x100] =	vst v15;
	v9 =	vld.idx.msk [tilespmem:v9+s31+$0x0], $0xffff  }
0x42e: {  	[tilespmem:s3+$0x110] =	vst v14;
	v10 =	vld.idx.msk [tilespmem:v10+s31+$0x0], $0xffff  }
0x42f: {  	v8 =	vld.idx.msk [tilespmem:v8+s31+$0x0], $0xffff;
	[tilespmem:s3+$0x120] =	vst v17  }
0x430: {  	[tilespmem:s3+$0x130] =	vst v4;
	v4 =	vld.idx.msk [tilespmem:v7+s31+$0x0], $0xffff  }
0x431: {  	v6 =	vld.idx.msk [tilespmem:v6+s31+$0x0], $0xffff;
	[tilespmem:s3+$0x140] =	vst v11  }
0x432: {  	v5 =	vld.idx.msk [tilespmem:v5+s31+$0x0], $0xffff;
	[tilespmem:s3+$0x150] =	vst v9  }
0x433: {  	v3 =	vld.idx.msk [tilespmem:v3+s31+$0x0], $0xffff;
	[tilespmem:s3+$0x160] =	vst v10  }
0x434: {  	[tilespmem:s3+$0x180] =	vst v8;
	v2 =	vld.idx.msk [tilespmem:v2+s31+$0x0], $0xffff  }
0x435: {  	v1 =	vld.idx.msk [tilespmem:v1+s31+$0x0], $0xffff;
	[tilespmem:s2+$0x190] =	vst v4  }
0x436: {  	[tilespmem:s2+$0x1A0] =	vst v6  }
0x437: {  	[tilespmem:s2+$0x1B0] =	vst v5  }
0x438: {  	[tilespmem:s2+$0x1C0] =	vst v3  }
0x439: {  	[tilespmem:s2+$0x1D0] =	vst v2  }
0x43a: {  	s1 =	sadd.s32 s0, s19;
	[tilespmem:s2+$0x1E0] =	vst v1  }
0x43b: {  	[hbm4b:s1+s5] =	stream.linear.scatter [tilespmem:s9], [sflag:$0x4], $0x2000, $0x38;
	[tilespmem:$0x19200] =	vst v63  }
0x43c: {  	_ =	swait.ge [sflag:s17], $0x2000  }
0x43d: {  	[sflag:s17] =	ssyncset.done $0x0  }
0x43e: {  	s24 =	simm.s32 $0x870;
	[sflag:s17] =	ssyncadd.s32 $0xFFFFE000  }
0x43f: {  	v1 =	vld [tilespmem:s24+$0x0];
	_ =	sdelay $0x3  }
0x440: {  	v2 =	vld [tilespmem:s24+$0xFFFFFFA0]  }
0x441: {  	v3 =	vshll.u32 v1, $0x3  }
0x442: {  	v4 =	vld [tilespmem:s24+$0xFFFFFFB0];
	v1 =	vand.u32 $0x7F, v1;
	v3 =	vand.u32 $0xFFFFFC00, v3  }
0x443: {  	v6 =	vld [tilespmem:s24+$0xFFFFFF90];
	v5 =	vor.u32 v1, v3;
	_ =	sdelay $0x1  }
0x444: {  	v3 =	vld [tilespmem:s24+$0xFFFFFFC0];
	v1 =	vshll.u32 v2, $0x3  }
0x445: {  	v8 =	vld [tilespmem:s24+$0xFFFFFFE0];
	v2 =	vand.u32 $0x7F, v2;
	v9 =	vand.u32 $0xFFFFFC00, v1  }
0x446: {  	v7 =	vld [tilespmem:s24+$0xFFFFFFD0];
	v1 =	vshll.u32 v4, $0x3;
	v2 =	vor.u32 v2, v9  }
0x447: {  	v12 =	vor.u32 $0x80, v5;
	v10 =	vand.u32 $0xFFFFFC00, v1;
	v1 =	vshll.u32 v6, $0x3;
	v11 =	vld.idx.msk [tilespmem:v5+s31+$0x0], $0xffff  }
0x448: {  	v13 =	vld [tilespmem:s24+$0xFFFFFFF0];
	v4 =	vand.u32 $0x7F, v4;
	v6 =	vand.u32 $0x7F, v6;
	v1 =	vand.u32 $0xFFFFFC00, v1  }
0x449: {  	v1 =	vor.u32 v6, v1;
	v14 =	vshll.u32 v3, $0x3;
	v9 =	vand.u32 $0x7F, v3  }
0x44a: {  	v3 =	vor.u32 v4, v10;
	v10 =	vshll.u32 v8, $0x3;
	v6 =	vand.u32 $0xFFFFFC00, v14  }
0x44b: {  	s3 =	simm.s32 $0x15200;
	v14 =	vshll.u32 v7, $0x3;
	v4 =	vor.u32 v9, v6;
	v6 =	vand.u32 $0xFFFFFC00, v10;
	v10 =	vld.idx.msk [tilespmem:v2+s31+$0x0], $0xffff  }
0x44c: {  	v16 =	vor.u32 $0x80, v2;
	v7 =	vand.u32 $0x7F, v7;
	v14 =	vand.u32 $0xFFFFFC00, v14;
	[tilespmem:s3+$0xFFFFFE70] =	vst v11  }
0x44d: {  	v8 =	vand.u32 $0x7F, v8;
	v9 =	vshll.u32 v13, $0x3;
	v11 =	vor.u32 v7, v14;
	v7 =	vld.idx.msk [tilespmem:v12+s31+$0x0], $0xffff  }
0x44e: {  	v12 =	vor.u32 v8, v6;
	v6 =	vld.idx.msk [tilespmem:v1+s31+$0x0], $0xffff;
	v8 =	vand.u32 $0xFFFFFC00, v9;
	v9 =	vand.u32 $0x7F, v13  }
0x44f: {  	v14 =	vor.u32 $0x100, v5;
	v13 =	vor.u32 v9, v8;
	v8 =	vld.idx.msk [tilespmem:v3+s31+$0x0], $0xffff  }
0x450: {  	v9 =	vor.u32 $0x80, v1;
	v15 =	vld.idx.msk [tilespmem:v4+s31+$0x0], $0xffff;
	[tilespmem:s3+$0xFFFFFE10] =	vst v10  }
0x451: {  	v16 =	vld.idx.msk [tilespmem:v16+s31+$0x0], $0xffff  }
0x452: {  	v18 =	vor.u32 $0x80, v3;
	v17 =	vld.idx.msk [tilespmem:v11+s31+$0x0], $0xffff  }
0x453: {  	v19 =	vld.idx.msk [tilespmem:v12+s31+$0x0], $0xffff;
	[tilespmem:s3+$0xFFFFFEF0] =	vst v7;
	v7 =	vor.u32 $0x80, v4  }
0x454: {  	[tilespmem:s3+$0xFFFFFE00] =	vst v6;
	v6 =	vld.idx.msk [tilespmem:v14+s31+$0x0], $0xffff;
	v14 =	vor.u32 $0x80, v11  }
0x455: {  	v20 =	vor.u32 $0x80, v12;
	v9 =	vld.idx.msk [tilespmem:v9+s31+$0x0], $0xffff;
	[tilespmem:s3+$0xFFFFFE20] =	vst v8  }
0x456: {  	v10 =	vld.idx.msk [tilespmem:v13+s31+$0x0], $0xffff;
	v8 =	vor.u32 $0x180, v5;
	[tilespmem:s3+$0xFFFFFE30] =	vst v15  }
0x457: {  	v15 =	vor.u32 $0x80, v13;
	v18 =	vld.idx.msk [tilespmem:v18+s31+$0x0], $0xffff;
	[tilespmem:s3+$0xFFFFFE40] =	vst v17  }
0x458: {  	v17 =	vor.u32 $0x100, v1;
	v7 =	vld.idx.msk [tilespmem:v7+s31+$0x0], $0xffff;
	[tilespmem:s3+$0xFFFFFE50] =	vst v19  }
0x459: {  	v19 =	vor.u32 $0x100, v2;
	v14 =	vld.idx.msk [tilespmem:v14+s31+$0x0], $0xffff;
	[tilespmem:s3+$0xFFFFFF70] =	vst v6  }
0x45a: {  	v6 =	vor.u32 $0x100, v3;
	[tilespmem:s3+$0xFFFFFE80] =	vst v9;
	v9 =	vld.idx.msk [tilespmem:v20+s31+$0x0], $0xffff  }
0x45b: {  	[tilespmem:s3+$0xFFFFFE60] =	vst v10;
	v10 =	vor.u32 $0x100, v4;
	v8 =	vld.idx.msk [tilespmem:v8+s31+$0x0], $0xffff  }
0x45c: {  	v61 =	vor.u32 $0x100, v11;
	[tilespmem:s3+$0xFFFFFE90] =	vst v16;
	v15 =	vld.idx.msk [tilespmem:v15+s31+$0x0], $0xffff  }
0x45d: {  	[tilespmem:s3+$0xFFFFFEA0] =	vst v18;
	v18 =	vor.u32 $0x100, v12;
	v17 =	vld.idx.msk [tilespmem:v17+s31+$0x0], $0xffff  }
0x45e: {  	v16 =	vor.u32 $0x200, v5;
	v19 =	vld.idx.msk [tilespmem:v19+s31+$0x0], $0xffff;
	[tilespmem:s3+$0xFFFFFEB0] =	vst v7  }
0x45f: {  	v7 =	vor.u32 $0x100, v13;
	v6 =	vld.idx.msk [tilespmem:v6+s31+$0x0], $0xffff;
	[tilespmem:s3+$0xFFFFFEC0] =	vst v14  }
0x460: {  	v14 =	vor.u32 $0x180, v1;
	v10 =	vld.idx.msk [tilespmem:v10+s31+$0x0], $0xffff;
	[tilespmem:s3+$0xFFFFFED0] =	vst v9  }
0x461: {  	[tilespmem:s3+$0xFFFFFFF0] =	vst v8;
	v8 =	vor.u32 $0x180, v2;
	v20 =	vld.idx.msk [tilespmem:v61+s31+$0x0], $0xffff  }
0x462: {  	[tilespmem:s3+$0xFFFFFEE0] =	vst v15;
	v15 =	vld.idx.msk [tilespmem:v18+s31+$0x0], $0xffff;
	v18 =	vor.u32 $0x180, v4  }
0x463: {  	v9 =	vld.idx.msk [tilespmem:v16+s31+$0x0], $0xffff;
	v16 =	vor.u32 $0x180, v3;
	[tilespmem:s3+$0xFFFFFF00] =	vst v17  }
0x464: {  	v17 =	vor.u32 $0x280, v5;
	[tilespmem:s3+$0xFFFFFF10] =	vst v19;
	v7 =	vld.idx.msk [tilespmem:v7+s31+$0x0], $0xffff  }
0x465: {  	v19 =	vor.u32 $0x180, v11;
	v14 =	vld.idx.msk [tilespmem:v14+s31+$0x0], $0xffff;
	[tilespmem:s3+$0xFFFFFF20] =	vst v6  }
0x466: {  	v6 =	vor.u32 $0x180, v12;
	[tilespmem:s3+$0xFFFFFF30] =	vst v10;
	v8 =	vld.idx.msk [tilespmem:v8+s31+$0x0], $0xffff  }
0x467: {  	v10 =	vor.u32 $0x180, v13;
	[tilespmem:s3+$0xFFFFFF40] =	vst v20;
	v18 =	vld.idx.msk [tilespmem:v18+s31+$0x0], $0xffff  }
0x468: {  	v16 =	vld.idx.msk [tilespmem:v16+s31+$0x0], $0xffff;
	[tilespmem:s3+$0x70] =	vst v9;
	v9 =	vor.u32 $0x200, v1  }
0x469: {  	v62 =	vor.u32 $0x200, v2;
	[tilespmem:s3+$0xFFFFFF50] =	vst v15;
	v17 =	vld.idx.msk [tilespmem:v17+s31+$0x0], $0xffff  }
0x46a: {  	v15 =	vld.idx.msk [tilespmem:v19+s31+$0x0], $0xffff;
	[tilespmem:s3+$0xFFFFFF60] =	vst v7;
	v7 =	vor.u32 $0x300, v5  }
0x46b: {  	v19 =	vor.u32 $0x200, v3;
	[tilespmem:s3+$0xFFFFFF80] =	vst v14;
	v6 =	vld.idx.msk [tilespmem:v6+s31+$0x0], $0xffff  }
0x46c: {  	v14 =	vor.u32 $0x200, v4;
	[tilespmem:s3+$0xFFFFFF90] =	vst v8;
	v8 =	vld.idx.msk [tilespmem:v10+s31+$0x0], $0xffff  }
0x46d: {  	v10 =	vor.u32 $0x200, v11;
	v9 =	vld.idx.msk [tilespmem:v9+s31+$0x0], $0xffff;
	[tilespmem:s3+$0xFFFFFFA0] =	vst v16  }
0x46e: {  	v16 =	vor.u32 $0x200, v12;
	v20 =	vld.idx.msk [tilespmem:v62+s31+$0x0], $0xffff;
	[tilespmem:s3+$0xF0] =	vst v17  }
0x46f: {  	[tilespmem:s3+$0xFFFFFFB0] =	vst v18;
	v17 =	vor.u32 $0x200, v13;
	v7 =	vld.idx.msk [tilespmem:v7+s31+$0x0], $0xffff  }
0x470: {  	v18 =	vor.u32 $0x280, v1;
	v19 =	vld.idx.msk [tilespmem:v19+s31+$0x0], $0xffff;
	[tilespmem:s3+$0xFFFFFFC0] =	vst v15  }
0x471: {  	v5 =	vor.u32 $0x380, v5;
	v14 =	vld.idx.msk [tilespmem:v14+s31+$0x0], $0xffff;
	[tilespmem:s3+$0xFFFFFFD0] =	vst v6  }
0x472: {  	v6 =	vor.u32 $0x280, v2;
	v10 =	vld.idx.msk [tilespmem:v10+s31+$0x0], $0xffff;
	[tilespmem:s3+$0xFFFFFFE0] =	vst v8  }
0x473: {  	v8 =	vor.u32 $0x280, v3;
	[tilespmem:s3+$0x0] =	vst v9;
	v9 =	vld.idx.msk [tilespmem:v16+s31+$0x0], $0xffff  }
0x474: {  	v15 =	vor.u32 $0x280, v4;
	[tilespmem:s3+$0x10] =	vst v20;
	v16 =	vld.idx.msk [tilespmem:v17+s31+$0x0], $0xffff  }
0x475: {  	v17 =	vor.u32 $0x280, v11;
	v18 =	vld.idx.msk [tilespmem:v18+s31+$0x0], $0xffff;
	[tilespmem:s3+$0x170] =	vst v7  }
0x476: {  	v7 =	vor.u32 $0x280, v12;
	[tilespmem:s3+$0x20] =	vst v19;
	v5 =	vld.idx.msk [tilespmem:v5+s31+$0x0], $0xffff  }
0x477: {  	v19 =	vor.u32 $0x280, v13;
	v6 =	vld.idx.msk [tilespmem:v6+s31+$0x0], $0xffff;
	[tilespmem:s3+$0x30] =	vst v14  }
0x478: {  	v14 =	vor.u32 $0x300, v1;
	v8 =	vld.idx.msk [tilespmem:v8+s31+$0x0], $0xffff;
	[tilespmem:s3+$0x40] =	vst v10  }
0x479: {  	v10 =	vor.u32 $0x300, v2;
	v63 =	vld.idx.msk [tilespmem:v15+s31+$0x0], $0xffff;
	[tilespmem:s3+$0x50] =	vst v9  }
0x47a: {  	v21 =	vor.u32 $0x300, v3;
	v22 =	vld.idx.msk [tilespmem:v17+s31+$0x0], $0xffff;
	[tilespmem:s3+$0x60] =	vst v16  }
0x47b: {  	v23 =	vor.u32 $0x300, v4;
	[tilespmem:s3+$0x80] =	vst v18;
	v18 =	vld.idx.msk [tilespmem:v7+s31+$0x0], $0xffff  }
0x47c: {  	v24 =	vor.u32 $0x300, v11;
	v16 =	vld.idx.msk [tilespmem:v19+s31+$0x0], $0xffff;
	[tilespmem:s3+$0x1F0] =	vst v5  }
0x47d: {  	v15 =	vld.idx.msk [tilespmem:v14+s31+$0x0], $0xffff;
	[tilespmem:s3+$0x90] =	vst v6  }
0x47e: {  	v14 =	vld.idx.msk [tilespmem:v10+s31+$0x0], $0xffff;
	[tilespmem:s3+$0xA0] =	vst v8  }
0x47f: {  	v9 =	vor.u32 $0x300, v12;
	v7 =	vor.u32 $0x380, v2;
	v2 =	vor.u32 $0x380, v12;
	[tilespmem:s3+$0xB0] =	vst v63;
	v17 =	vld.idx.msk [tilespmem:v21+s31+$0x0], $0xffff  }
0x480: {  	v6 =	vor.u32 $0x380, v3;
	v5 =	vor.u32 $0x380, v4;
	v3 =	vor.u32 $0x380, v11;
	v4 =	vld.idx.msk [tilespmem:v23+s31+$0x0], $0xffff;
	[tilespmem:s3+$0xC0] =	vst v22  }
0x481: {  	s23 =	simm.s32 $0x0;
	s2 =	simm.s32 $0x15200;
	s1 =	simm.s32 $0x8F0;
	v8 =	vor.u32 $0x380, v1;
	v10 =	vor.u32 $0x300, v13;
	v1 =	vor.u32 $0x380, v13;
	v11 =	vld.idx.msk [tilespmem:v24+s31+$0x0], $0xffff;
	[tilespmem:s3+$0xD0] =	vst v18  }
.LBB2_17:
0x482: {  	v12 =	vld [tilespmem:s1+$0x0];
	s23 =	sadd.s32 $0x8, s23;
	[tilespmem:s3+$0xE0] =	vst v16  }
0x483: {  	v13 =	vld [tilespmem:s1+$0xFFFFFFA0];
	p1 =	slt.u32 s23, $0x38;
	[tilespmem:s3+$0x100] =	vst v15  }
0x484: {  	v15 =	vld [tilespmem:s1+$0xFFFFFFB0];
	[tilespmem:s3+$0x110] =	vst v14  }
0x485: {  	v14 =	vld [tilespmem:s1+$0xFFFFFFC0];
	[tilespmem:s3+$0x120] =	vst v17  }
0x486: {  	v16 =	vld [tilespmem:s1+$0xFFFFFFD0];
	[tilespmem:s3+$0x130] =	vst v4  }
0x487: {  	v17 =	vld [tilespmem:s1+$0xFFFFFFE0];
	v4 =	vshll.u32 v12, $0x3;
	[tilespmem:s3+$0x140] =	vst v11  }
0x488: {  	v12 =	vand.u32 $0x7F, v12;
	v11 =	vshll.u32 v13, $0x3;
	v18 =	vld [tilespmem:s1+$0xFFFFFFF0];
	v4 =	vand.u32 $0xFFFFFC00, v4  }
0x489: {  	v19 =	vld [tilespmem:s1+$0xFFFFFF90];
	v11 =	vand.u32 $0xFFFFFC00, v11;
	v20 =	vshll.u32 v15, $0x3;
	v4 =	vor.u32 v12, v4  }
0x48a: {  	v12 =	vand.u32 $0x7F, v13;
	v13 =	vand.u32 $0xFFFFFC00, v20;
	v20 =	vshll.u32 v14, $0x3;
	v9 =	vld.idx.msk [tilespmem:v9+s31+$0x0], $0xffff  }
0x48b: {  	v15 =	vand.u32 $0x7F, v15;
	v20 =	vand.u32 $0xFFFFFC00, v20;
	v21 =	vshll.u32 v16, $0x3;
	v10 =	vld.idx.msk [tilespmem:v10+s31+$0x0], $0xffff  }
0x48c: {  	v14 =	vand.u32 $0x7F, v14;
	v21 =	vand.u32 $0xFFFFFC00, v21;
	v22 =	vshll.u32 v17, $0x3;
	v8 =	vld.idx.msk [tilespmem:v8+s31+$0x0], $0xffff  }
0x48d: {  	v16 =	vand.u32 $0x7F, v16;
	v22 =	vand.u32 $0xFFFFFC00, v22;
	v23 =	vshll.u32 v18, $0x3;
	v7 =	vld.idx.msk [tilespmem:v7+s31+$0x0], $0xffff  }
0x48e: {  	v24 =	vand.u32 $0x7F, v19;
	v19 =	vshll.u32 v19, $0x3;
	v23 =	vand.u32 $0xFFFFFC00, v23;
	v25 =	vld.idx.msk [tilespmem:v4+s31+$0x0], $0xffff  }
0x48f: {  	v17 =	vand.u32 $0x7F, v17;
	v18 =	vand.u32 $0x7F, v18;
	v19 =	vand.u32 $0xFFFFFC00, v19;
	v6 =	vld.idx.msk [tilespmem:v6+s31+$0x0], $0xffff  }
0x490: {  	v26 =	vor.u32 v12, v11;
	v11 =	vor.u32 $0x80, v4;
	v24 =	vor.u32 v24, v19;
	v5 =	vld.idx.msk [tilespmem:v5+s31+$0x0], $0xffff;
	[tilespmem:s3+$0x150] =	vst v9  }
0x491: {  	v27 =	vor.u32 v15, v13;
	v28 =	vor.u32 v14, v20;
	v29 =	vor.u32 v16, v21;
	[tilespmem:s3+$0x160] =	vst v10  }
0x492: {  	v22 =	vor.u32 v17, v22;
	v23 =	vor.u32 v18, v23;
	v9 =	vor.u32 $0x80, v24;
	[tilespmem:s3+$0x180] =	vst v8;
	v3 =	vld.idx.msk [tilespmem:v3+s31+$0x0], $0xffff  }
0x493: {  	v30 =	vor.u32 $0x80, v28;
	v10 =	vor.u32 $0x80, v27;
	v8 =	vor.u32 $0x80, v26;
	s3 =	sadd.s32 $0x400, s3;
	[tilespmem:s2+$0x190] =	vst v7;
	v2 =	vld.idx.msk [tilespmem:v2+s31+$0x0], $0xffff  }
0x494: {  	v31 =	vor.u32 $0x80, v29;
	v32 =	vor.u32 $0x80, v22;
	v33 =	vor.u32 $0x80, v23;
	[tilespmem:s3+$0xFFFFFE70] =	vst v25;
	v1 =	vld.idx.msk [tilespmem:v1+s31+$0x0], $0xffff  }
0x495: {  	v34 =	vor.u32 $0x100, v26;
	v35 =	vor.u32 $0x100, v27;
	v25 =	vor.u32 $0x100, v24;
	v7 =	vld.idx.msk [tilespmem:v11+s31+$0x0], $0xffff;
	[tilespmem:s2+$0x1A0] =	vst v6  }
0x496: {  	v36 =	vor.u32 $0x100, v28;
	v37 =	vor.u32 $0x100, v29;
	v38 =	vor.u32 $0x100, v22;
	v6 =	vld.idx.msk [tilespmem:v24+s31+$0x0], $0xffff;
	[tilespmem:s2+$0x1B0] =	vst v5  }
0x497: {  	v40 =	vor.u32 $0x100, v23;
	v39 =	vor.u32 $0x180, v24;
	v11 =	vor.u32 $0x100, v4;
	v5 =	vld.idx.msk [tilespmem:v26+s31+$0x0], $0xffff  }
0x498: {  	v41 =	vor.u32 $0x180, v26;
	v42 =	vor.u32 $0x180, v27;
	v43 =	vor.u32 $0x180, v28;
	v12 =	vld.idx.msk [tilespmem:v27+s31+$0x0], $0xffff;
	[tilespmem:s2+$0x1C0] =	vst v3  }
0x499: {  	v44 =	vor.u32 $0x180, v29;
	v45 =	vor.u32 $0x180, v22;
	v46 =	vor.u32 $0x180, v23;
	v3 =	vld.idx.msk [tilespmem:v28+s31+$0x0], $0xffff;
	[tilespmem:s2+$0x1D0] =	vst v2  }
0x49a: {  	v48 =	vor.u32 $0x200, v26;
	v49 =	vor.u32 $0x200, v27;
	v47 =	vor.u32 $0x200, v24;
	v2 =	vld.idx.msk [tilespmem:v29+s31+$0x0], $0xffff;
	[tilespmem:s2+$0x1E0] =	vst v1;
	s2 =	smov.u32 s3  }
0x49b: {  	v50 =	vor.u32 $0x200, v28;
	v51 =	vor.u32 $0x200, v29;
	v52 =	vor.u32 $0x200, v22;
	v1 =	vld.idx.msk [tilespmem:v22+s31+$0x0], $0xffff;
	[tilespmem:s3+$0xFFFFFEF0] =	vst v7  }
0x49c: {  	v19 =	vor.u32 $0x280, v26;
	v54 =	vor.u32 $0x200, v23;
	v53 =	vor.u32 $0x280, v24;
	[tilespmem:s3+$0xFFFFFE00] =	vst v6;
	v55 =	vld.idx.msk [tilespmem:v11+s31+$0x0], $0xffff  }
0x49d: {  	v21 =	vor.u32 $0x280, v27;
	v20 =	vor.u32 $0x280, v28;
	v16 =	vor.u32 $0x280, v29;
	[tilespmem:s3+$0xFFFFFE10] =	vst v5;
	v56 =	vld.idx.msk [tilespmem:v23+s31+$0x0], $0xffff  }
0x49e: {  	v58 =	vor.u32 $0x180, v4;
	v18 =	vor.u32 $0x280, v22;
	v17 =	vor.u32 $0x280, v23;
	v57 =	vld.idx.msk [tilespmem:v9+s31+$0x0], $0xffff;
	[tilespmem:s3+$0xFFFFFE20] =	vst v12  }
0x49f: {  	v14 =	vor.u32 $0x300, v26;
	v15 =	vor.u32 $0x300, v24;
	v11 =	vor.u32 $0x300, v27;
	v59 =	vld.idx.msk [tilespmem:v8+s31+$0x0], $0xffff;
	[tilespmem:s3+$0xFFFFFE30] =	vst v3  }
0x4a0: {  	v13 =	vor.u32 $0x300, v28;
	v12 =	vor.u32 $0x300, v29;
	v9 =	vor.u32 $0x300, v22;
	v60 =	vld.idx.msk [tilespmem:v10+s31+$0x0], $0xffff;
	[tilespmem:s3+$0xFFFFFE40] =	vst v2  }
0x4a1: {  	v7 =	vor.u32 $0x380, v26;
	v8 =	vor.u32 $0x380, v24;
	v10 =	vor.u32 $0x300, v23;
	v24 =	vld.idx.msk [tilespmem:v30+s31+$0x0], $0xffff;
	[tilespmem:s3+$0xFFFFFE50] =	vst v1  }
0x4a2: {  	v6 =	vor.u32 $0x380, v27;
	v5 =	vor.u32 $0x380, v28;
	v3 =	vor.u32 $0x380, v29;
	v26 =	vld.idx.msk [tilespmem:v31+s31+$0x0], $0xffff;
	[tilespmem:s3+$0xFFFFFF70] =	vst v55  }
0x4a3: {  	v2 =	vor.u32 $0x380, v22;
	v1 =	vor.u32 $0x380, v23;
	[tilespmem:s3+$0xFFFFFE60] =	vst v56;
	v22 =	vld.idx.msk [tilespmem:v58+s31+$0x0], $0xffff  }
0x4a4: {  	[tilespmem:s3+$0xFFFFFE80] =	vst v57;
	v23 =	vld.idx.msk [tilespmem:v32+s31+$0x0], $0xffff  }
0x4a5: {  	v28 =	vor.u32 $0x200, v4;
	[tilespmem:s3+$0xFFFFFE90] =	vst v59;
	v27 =	vld.idx.msk [tilespmem:v33+s31+$0x0], $0xffff  }
0x4a6: {  	v25 =	vld.idx.msk [tilespmem:v25+s31+$0x0], $0xffff;
	[tilespmem:s3+$0xFFFFFEA0] =	vst v60  }
0x4a7: {  	v29 =	vld.idx.msk [tilespmem:v34+s31+$0x0], $0xffff;
	[tilespmem:s3+$0xFFFFFEB0] =	vst v24  }
0x4a8: {  	v24 =	vld.idx.msk [tilespmem:v35+s31+$0x0], $0xffff;
	[tilespmem:s3+$0xFFFFFEC0] =	vst v26  }
0x4a9: {  	v26 =	vld.idx.msk [tilespmem:v36+s31+$0x0], $0xffff;
	[tilespmem:s3+$0xFFFFFFF0] =	vst v22  }
0x4aa: {  	[tilespmem:s3+$0xFFFFFED0] =	vst v23;
	v22 =	vld.idx.msk [tilespmem:v28+s31+$0x0], $0xffff  }
0x4ab: {  	v23 =	vld.idx.msk [tilespmem:v37+s31+$0x0], $0xffff;
	[tilespmem:s3+$0xFFFFFEE0] =	vst v27  }
0x4ac: {  	v27 =	vor.u32 $0x280, v4;
	[tilespmem:s3+$0xFFFFFF00] =	vst v25;
	v25 =	vld.idx.msk [tilespmem:v38+s31+$0x0], $0xffff  }
0x4ad: {  	[tilespmem:s3+$0xFFFFFF10] =	vst v29;
	v28 =	vld.idx.msk [tilespmem:v40+s31+$0x0], $0xffff  }
0x4ae: {  	v29 =	vld.idx.msk [tilespmem:v39+s31+$0x0], $0xffff;
	[tilespmem:s3+$0xFFFFFF20] =	vst v24  }
0x4af: {  	v24 =	vld.idx.msk [tilespmem:v41+s31+$0x0], $0xffff;
	[tilespmem:s3+$0xFFFFFF30] =	vst v26  }
0x4b0: {  	v26 =	vld.idx.msk [tilespmem:v42+s31+$0x0], $0xffff;
	[tilespmem:s3+$0x70] =	vst v22  }
0x4b1: {  	[tilespmem:s3+$0xFFFFFF40] =	vst v23;
	v22 =	vld.idx.msk [tilespmem:v27+s31+$0x0], $0xffff  }
0x4b2: {  	v23 =	vld.idx.msk [tilespmem:v43+s31+$0x0], $0xffff;
	[tilespmem:s3+$0xFFFFFF50] =	vst v25  }
0x4b3: {  	v27 =	vor.u32 $0x300, v4;
	v25 =	vld.idx.msk [tilespmem:v44+s31+$0x0], $0xffff;
	[tilespmem:s3+$0xFFFFFF60] =	vst v28  }
0x4b4: {  	[tilespmem:s3+$0xFFFFFF80] =	vst v29;
	v28 =	vld.idx.msk [tilespmem:v45+s31+$0x0], $0xffff  }
0x4b5: {  	[tilespmem:s3+$0xFFFFFF90] =	vst v24;
	v24 =	vld.idx.msk [tilespmem:v46+s31+$0x0], $0xffff  }
0x4b6: {  	v29 =	vld.idx.msk [tilespmem:v47+s31+$0x0], $0xffff;
	[tilespmem:s3+$0xFFFFFFA0] =	vst v26  }
0x4b7: {  	v26 =	vld.idx.msk [tilespmem:v48+s31+$0x0], $0xffff;
	[tilespmem:s3+$0xF0] =	vst v22  }
0x4b8: {  	[tilespmem:s3+$0xFFFFFFB0] =	vst v23;
	v22 =	vld.idx.msk [tilespmem:v27+s31+$0x0], $0xffff  }
0x4b9: {  	v23 =	vld.idx.msk [tilespmem:v49+s31+$0x0], $0xffff;
	[tilespmem:s3+$0xFFFFFFC0] =	vst v25  }
0x4ba: {  	v4 =	vor.u32 $0x380, v4;
	v25 =	vld.idx.msk [tilespmem:v50+s31+$0x0], $0xffff;
	[tilespmem:s3+$0xFFFFFFD0] =	vst v28  }
0x4bb: {  	v27 =	vld.idx.msk [tilespmem:v51+s31+$0x0], $0xffff;
	[tilespmem:s3+$0xFFFFFFE0] =	vst v24  }
0x4bc: {  	[tilespmem:s3+$0x0] =	vst v29;
	v24 =	vld.idx.msk [tilespmem:v52+s31+$0x0], $0xffff  }
0x4bd: {  	[tilespmem:s3+$0x10] =	vst v26;
	v26 =	vld.idx.msk [tilespmem:v54+s31+$0x0], $0xffff  }
0x4be: {  	v28 =	vld.idx.msk [tilespmem:v53+s31+$0x0], $0xffff;
	[tilespmem:s3+$0x170] =	vst v22  }
0x4bf: {  	[tilespmem:s3+$0x20] =	vst v23;
	v4 =	vld.idx.msk [tilespmem:v4+s31+$0x0], $0xffff  }
0x4c0: {  	v19 =	vld.idx.msk [tilespmem:v19+s31+$0x0], $0xffff;
	[tilespmem:s3+$0x30] =	vst v25  }
0x4c1: {  	v21 =	vld.idx.msk [tilespmem:v21+s31+$0x0], $0xffff;
	[tilespmem:s3+$0x40] =	vst v27  }
0x4c2: {  	v20 =	vld.idx.msk [tilespmem:v20+s31+$0x0], $0xffff;
	[tilespmem:s3+$0x50] =	vst v24  }
0x4c3: {  	v22 =	vld.idx.msk [tilespmem:v16+s31+$0x0], $0xffff;
	[tilespmem:s3+$0x60] =	vst v26  }
0x4c4: {  	[tilespmem:s3+$0x80] =	vst v28;
	v18 =	vld.idx.msk [tilespmem:v18+s31+$0x0], $0xffff  }
0x4c5: {  	v16 =	vld.idx.msk [tilespmem:v17+s31+$0x0], $0xffff;
	[tilespmem:s3+$0x1F0] =	vst v4  }
.Ltmp9:
0x4c6: {  	v15 =	vld.idx.msk [tilespmem:v15+s31+$0x0], $0xffff;
	[tilespmem:s3+$0x90] =	vst v19;
	(pc) =	sbr.rel @p1 .LBB2_17-.Ltmp9, $4  }
0x4c7: {  	v14 =	vld.idx.msk [tilespmem:v14+s31+$0x0], $0xffff;
	[tilespmem:s3+$0xA0] =	vst v21  }
0x4c8: {  	v17 =	vld.idx.msk [tilespmem:v11+s31+$0x0], $0xffff;
	[tilespmem:s3+$0xB0] =	vst v20  }
0x4c9: {  	v4 =	vld.idx.msk [tilespmem:v13+s31+$0x0], $0xffff;
	[tilespmem:s3+$0xC0] =	vst v22  }
0x4ca: {  	s1 =	sadd.s32 $0x80, s1;
	v11 =	vld.idx.msk [tilespmem:v12+s31+$0x0], $0xffff;
	[tilespmem:s3+$0xD0] =	vst v18  }
0x4cb: {  	_ =	sdelay $0x2  }
0x4cc: {  	[tilespmem:s3+$0xE0] =	vst v16  }
0x4cd: {  	[tilespmem:s3+$0x100] =	vst v15;
	v9 =	vld.idx.msk [tilespmem:v9+s31+$0x0], $0xffff  }
0x4ce: {  	[tilespmem:s3+$0x110] =	vst v14;
	v10 =	vld.idx.msk [tilespmem:v10+s31+$0x0], $0xffff  }
0x4cf: {  	v8 =	vld.idx.msk [tilespmem:v8+s31+$0x0], $0xffff;
	[tilespmem:s3+$0x120] =	vst v17  }
0x4d0: {  	[tilespmem:s3+$0x130] =	vst v4;
	v4 =	vld.idx.msk [tilespmem:v7+s31+$0x0], $0xffff  }
0x4d1: {  	v6 =	vld.idx.msk [tilespmem:v6+s31+$0x0], $0xffff;
	[tilespmem:s3+$0x140] =	vst v11  }
0x4d2: {  	v5 =	vld.idx.msk [tilespmem:v5+s31+$0x0], $0xffff;
	[tilespmem:s3+$0x150] =	vst v9  }
0x4d3: {  	v3 =	vld.idx.msk [tilespmem:v3+s31+$0x0], $0xffff;
	[tilespmem:s3+$0x160] =	vst v10  }
0x4d4: {  	[tilespmem:s3+$0x180] =	vst v8;
	v2 =	vld.idx.msk [tilespmem:v2+s31+$0x0], $0xffff  }
0x4d5: {  	v1 =	vld.idx.msk [tilespmem:v1+s31+$0x0], $0xffff;
	[tilespmem:s2+$0x190] =	vst v4  }
0x4d6: {  	[tilespmem:s2+$0x1A0] =	vst v6  }
0x4d7: {  	[tilespmem:s2+$0x1B0] =	vst v5  }
0x4d8: {  	[tilespmem:s2+$0x1C0] =	vst v3  }
0x4d9: {  	[tilespmem:s2+$0x1D0] =	vst v2  }
0x4da: {  	s1 =	sadd.s32 s0, s20;
	[tilespmem:s2+$0x1E0] =	vst v1  }
0x4db: {  	[hbm4b:s1+s5] =	stream.linear.scatter [tilespmem:s12], [sflag:$0x5], $0x2000, $0x38;
	[tilespmem:$0x19200] =	vst v63  }
0x4dc: {  	_ =	swait.ge [sflag:s18], $0x2000  }
0x4dd: {  	[sflag:s18] =	ssyncset.done $0x0  }
0x4de: {  	s24 =	simm.s32 $0xC70;
	[sflag:s18] =	ssyncadd.s32 $0xFFFFE000  }
0x4df: {  	v1 =	vld [tilespmem:s24+$0x0];
	_ =	sdelay $0x3  }
0x4e0: {  	v2 =	vld [tilespmem:s24+$0xFFFFFFA0]  }
0x4e1: {  	v3 =	vshll.u32 v1, $0x3  }
0x4e2: {  	v4 =	vld [tilespmem:s24+$0xFFFFFFB0];
	v1 =	vand.u32 $0x7F, v1;
	v3 =	vand.u32 $0xFFFFFC00, v3  }
0x4e3: {  	v6 =	vld [tilespmem:s24+$0xFFFFFF90];
	v5 =	vor.u32 v1, v3;
	_ =	sdelay $0x1  }
0x4e4: {  	v3 =	vld [tilespmem:s24+$0xFFFFFFC0];
	v1 =	vshll.u32 v2, $0x3  }
0x4e5: {  	v8 =	vld [tilespmem:s24+$0xFFFFFFE0];
	v2 =	vand.u32 $0x7F, v2;
	v9 =	vand.u32 $0xFFFFFC00, v1  }
0x4e6: {  	v7 =	vld [tilespmem:s24+$0xFFFFFFD0];
	v1 =	vshll.u32 v4, $0x3;
	v2 =	vor.u32 v2, v9  }
0x4e7: {  	v12 =	vor.u32 $0x80, v5;
	v10 =	vand.u32 $0xFFFFFC00, v1;
	v1 =	vshll.u32 v6, $0x3;
	v11 =	vld.idx.msk [tilespmem:v5+s31+$0x0], $0xffff  }
0x4e8: {  	v13 =	vld [tilespmem:s24+$0xFFFFFFF0];
	v4 =	vand.u32 $0x7F, v4;
	v6 =	vand.u32 $0x7F, v6;
	v1 =	vand.u32 $0xFFFFFC00, v1  }
0x4e9: {  	v1 =	vor.u32 v6, v1;
	v14 =	vshll.u32 v3, $0x3;
	v9 =	vand.u32 $0x7F, v3  }
0x4ea: {  	v3 =	vor.u32 v4, v10;
	v10 =	vshll.u32 v8, $0x3;
	v6 =	vand.u32 $0xFFFFFC00, v14  }
0x4eb: {  	s3 =	simm.s32 $0x17200;
	v14 =	vshll.u32 v7, $0x3;
	v4 =	vor.u32 v9, v6;
	v6 =	vand.u32 $0xFFFFFC00, v10;
	v10 =	vld.idx.msk [tilespmem:v2+s31+$0x0], $0xffff  }
0x4ec: {  	v16 =	vor.u32 $0x80, v2;
	v7 =	vand.u32 $0x7F, v7;
	v14 =	vand.u32 $0xFFFFFC00, v14;
	[tilespmem:s3+$0xFFFFFE70] =	vst v11  }
0x4ed: {  	v8 =	vand.u32 $0x7F, v8;
	v9 =	vshll.u32 v13, $0x3;
	v11 =	vor.u32 v7, v14;
	v7 =	vld.idx.msk [tilespmem:v12+s31+$0x0], $0xffff  }
0x4ee: {  	v12 =	vor.u32 v8, v6;
	v6 =	vld.idx.msk [tilespmem:v1+s31+$0x0], $0xffff;
	v8 =	vand.u32 $0xFFFFFC00, v9;
	v9 =	vand.u32 $0x7F, v13  }
0x4ef: {  	v14 =	vor.u32 $0x100, v5;
	v13 =	vor.u32 v9, v8;
	v8 =	vld.idx.msk [tilespmem:v3+s31+$0x0], $0xffff  }
0x4f0: {  	v9 =	vor.u32 $0x80, v1;
	v15 =	vld.idx.msk [tilespmem:v4+s31+$0x0], $0xffff;
	[tilespmem:s3+$0xFFFFFE10] =	vst v10  }
0x4f1: {  	v16 =	vld.idx.msk [tilespmem:v16+s31+$0x0], $0xffff  }
0x4f2: {  	v18 =	vor.u32 $0x80, v3;
	v17 =	vld.idx.msk [tilespmem:v11+s31+$0x0], $0xffff  }
0x4f3: {  	v19 =	vld.idx.msk [tilespmem:v12+s31+$0x0], $0xffff;
	[tilespmem:s3+$0xFFFFFEF0] =	vst v7;
	v7 =	vor.u32 $0x80, v4  }
0x4f4: {  	[tilespmem:s3+$0xFFFFFE00] =	vst v6;
	v6 =	vld.idx.msk [tilespmem:v14+s31+$0x0], $0xffff;
	v14 =	vor.u32 $0x80, v11  }
0x4f5: {  	v20 =	vor.u32 $0x80, v12;
	v9 =	vld.idx.msk [tilespmem:v9+s31+$0x0], $0xffff;
	[tilespmem:s3+$0xFFFFFE20] =	vst v8  }
0x4f6: {  	v10 =	vld.idx.msk [tilespmem:v13+s31+$0x0], $0xffff;
	v8 =	vor.u32 $0x180, v5;
	[tilespmem:s3+$0xFFFFFE30] =	vst v15  }
0x4f7: {  	v15 =	vor.u32 $0x80, v13;
	v18 =	vld.idx.msk [tilespmem:v18+s31+$0x0], $0xffff;
	[tilespmem:s3+$0xFFFFFE40] =	vst v17  }
0x4f8: {  	v17 =	vor.u32 $0x100, v1;
	v7 =	vld.idx.msk [tilespmem:v7+s31+$0x0], $0xffff;
	[tilespmem:s3+$0xFFFFFE50] =	vst v19  }
0x4f9: {  	v19 =	vor.u32 $0x100, v2;
	v14 =	vld.idx.msk [tilespmem:v14+s31+$0x0], $0xffff;
	[tilespmem:s3+$0xFFFFFF70] =	vst v6  }
0x4fa: {  	v6 =	vor.u32 $0x100, v3;
	[tilespmem:s3+$0xFFFFFE80] =	vst v9;
	v9 =	vld.idx.msk [tilespmem:v20+s31+$0x0], $0xffff  }
0x4fb: {  	[tilespmem:s3+$0xFFFFFE60] =	vst v10;
	v10 =	vor.u32 $0x100, v4;
	v8 =	vld.idx.msk [tilespmem:v8+s31+$0x0], $0xffff  }
0x4fc: {  	v61 =	vor.u32 $0x100, v11;
	[tilespmem:s3+$0xFFFFFE90] =	vst v16;
	v15 =	vld.idx.msk [tilespmem:v15+s31+$0x0], $0xffff  }
0x4fd: {  	[tilespmem:s3+$0xFFFFFEA0] =	vst v18;
	v18 =	vor.u32 $0x100, v12;
	v17 =	vld.idx.msk [tilespmem:v17+s31+$0x0], $0xffff  }
0x4fe: {  	v16 =	vor.u32 $0x200, v5;
	v19 =	vld.idx.msk [tilespmem:v19+s31+$0x0], $0xffff;
	[tilespmem:s3+$0xFFFFFEB0] =	vst v7  }
0x4ff: {  	v7 =	vor.u32 $0x100, v13;
	v6 =	vld.idx.msk [tilespmem:v6+s31+$0x0], $0xffff;
	[tilespmem:s3+$0xFFFFFEC0] =	vst v14  }
0x500: {  	v14 =	vor.u32 $0x180, v1;
	v10 =	vld.idx.msk [tilespmem:v10+s31+$0x0], $0xffff;
	[tilespmem:s3+$0xFFFFFED0] =	vst v9  }
0x501: {  	[tilespmem:s3+$0xFFFFFFF0] =	vst v8;
	v8 =	vor.u32 $0x180, v2;
	v20 =	vld.idx.msk [tilespmem:v61+s31+$0x0], $0xffff  }
0x502: {  	[tilespmem:s3+$0xFFFFFEE0] =	vst v15;
	v15 =	vld.idx.msk [tilespmem:v18+s31+$0x0], $0xffff;
	v18 =	vor.u32 $0x180, v4  }
0x503: {  	v9 =	vld.idx.msk [tilespmem:v16+s31+$0x0], $0xffff;
	v16 =	vor.u32 $0x180, v3;
	[tilespmem:s3+$0xFFFFFF00] =	vst v17  }
0x504: {  	v17 =	vor.u32 $0x280, v5;
	[tilespmem:s3+$0xFFFFFF10] =	vst v19;
	v7 =	vld.idx.msk [tilespmem:v7+s31+$0x0], $0xffff  }
0x505: {  	v19 =	vor.u32 $0x180, v11;
	v14 =	vld.idx.msk [tilespmem:v14+s31+$0x0], $0xffff;
	[tilespmem:s3+$0xFFFFFF20] =	vst v6  }
0x506: {  	v6 =	vor.u32 $0x180, v12;
	[tilespmem:s3+$0xFFFFFF30] =	vst v10;
	v8 =	vld.idx.msk [tilespmem:v8+s31+$0x0], $0xffff  }
0x507: {  	v10 =	vor.u32 $0x180, v13;
	[tilespmem:s3+$0xFFFFFF40] =	vst v20;
	v18 =	vld.idx.msk [tilespmem:v18+s31+$0x0], $0xffff  }
0x508: {  	v16 =	vld.idx.msk [tilespmem:v16+s31+$0x0], $0xffff;
	[tilespmem:s3+$0x70] =	vst v9;
	v9 =	vor.u32 $0x200, v1  }
0x509: {  	v62 =	vor.u32 $0x200, v2;
	[tilespmem:s3+$0xFFFFFF50] =	vst v15;
	v17 =	vld.idx.msk [tilespmem:v17+s31+$0x0], $0xffff  }
0x50a: {  	v15 =	vld.idx.msk [tilespmem:v19+s31+$0x0], $0xffff;
	[tilespmem:s3+$0xFFFFFF60] =	vst v7;
	v7 =	vor.u32 $0x300, v5  }
0x50b: {  	v19 =	vor.u32 $0x200, v3;
	[tilespmem:s3+$0xFFFFFF80] =	vst v14;
	v6 =	vld.idx.msk [tilespmem:v6+s31+$0x0], $0xffff  }
0x50c: {  	v14 =	vor.u32 $0x200, v4;
	[tilespmem:s3+$0xFFFFFF90] =	vst v8;
	v8 =	vld.idx.msk [tilespmem:v10+s31+$0x0], $0xffff  }
0x50d: {  	v10 =	vor.u32 $0x200, v11;
	v9 =	vld.idx.msk [tilespmem:v9+s31+$0x0], $0xffff;
	[tilespmem:s3+$0xFFFFFFA0] =	vst v16  }
0x50e: {  	v16 =	vor.u32 $0x200, v12;
	v20 =	vld.idx.msk [tilespmem:v62+s31+$0x0], $0xffff;
	[tilespmem:s3+$0xF0] =	vst v17  }
0x50f: {  	[tilespmem:s3+$0xFFFFFFB0] =	vst v18;
	v17 =	vor.u32 $0x200, v13;
	v7 =	vld.idx.msk [tilespmem:v7+s31+$0x0], $0xffff  }
0x510: {  	v18 =	vor.u32 $0x280, v1;
	v19 =	vld.idx.msk [tilespmem:v19+s31+$0x0], $0xffff;
	[tilespmem:s3+$0xFFFFFFC0] =	vst v15  }
0x511: {  	v5 =	vor.u32 $0x380, v5;
	v14 =	vld.idx.msk [tilespmem:v14+s31+$0x0], $0xffff;
	[tilespmem:s3+$0xFFFFFFD0] =	vst v6  }
0x512: {  	v6 =	vor.u32 $0x280, v2;
	v10 =	vld.idx.msk [tilespmem:v10+s31+$0x0], $0xffff;
	[tilespmem:s3+$0xFFFFFFE0] =	vst v8  }
0x513: {  	v8 =	vor.u32 $0x280, v3;
	[tilespmem:s3+$0x0] =	vst v9;
	v9 =	vld.idx.msk [tilespmem:v16+s31+$0x0], $0xffff  }
0x514: {  	v15 =	vor.u32 $0x280, v4;
	[tilespmem:s3+$0x10] =	vst v20;
	v16 =	vld.idx.msk [tilespmem:v17+s31+$0x0], $0xffff  }
0x515: {  	v17 =	vor.u32 $0x280, v11;
	v18 =	vld.idx.msk [tilespmem:v18+s31+$0x0], $0xffff;
	[tilespmem:s3+$0x170] =	vst v7  }
0x516: {  	v7 =	vor.u32 $0x280, v12;
	[tilespmem:s3+$0x20] =	vst v19;
	v5 =	vld.idx.msk [tilespmem:v5+s31+$0x0], $0xffff  }
0x517: {  	v19 =	vor.u32 $0x280, v13;
	v6 =	vld.idx.msk [tilespmem:v6+s31+$0x0], $0xffff;
	[tilespmem:s3+$0x30] =	vst v14  }
0x518: {  	v14 =	vor.u32 $0x300, v1;
	v8 =	vld.idx.msk [tilespmem:v8+s31+$0x0], $0xffff;
	[tilespmem:s3+$0x40] =	vst v10  }
0x519: {  	v10 =	vor.u32 $0x300, v2;
	v63 =	vld.idx.msk [tilespmem:v15+s31+$0x0], $0xffff;
	[tilespmem:s3+$0x50] =	vst v9  }
0x51a: {  	v21 =	vor.u32 $0x300, v3;
	v22 =	vld.idx.msk [tilespmem:v17+s31+$0x0], $0xffff;
	[tilespmem:s3+$0x60] =	vst v16  }
0x51b: {  	v23 =	vor.u32 $0x300, v4;
	[tilespmem:s3+$0x80] =	vst v18;
	v18 =	vld.idx.msk [tilespmem:v7+s31+$0x0], $0xffff  }
0x51c: {  	v24 =	vor.u32 $0x300, v11;
	v16 =	vld.idx.msk [tilespmem:v19+s31+$0x0], $0xffff;
	[tilespmem:s3+$0x1F0] =	vst v5  }
0x51d: {  	v15 =	vld.idx.msk [tilespmem:v14+s31+$0x0], $0xffff;
	[tilespmem:s3+$0x90] =	vst v6  }
0x51e: {  	v14 =	vld.idx.msk [tilespmem:v10+s31+$0x0], $0xffff;
	[tilespmem:s3+$0xA0] =	vst v8  }
0x51f: {  	v9 =	vor.u32 $0x300, v12;
	v7 =	vor.u32 $0x380, v2;
	v2 =	vor.u32 $0x380, v12;
	[tilespmem:s3+$0xB0] =	vst v63;
	v17 =	vld.idx.msk [tilespmem:v21+s31+$0x0], $0xffff  }
0x520: {  	v6 =	vor.u32 $0x380, v3;
	v5 =	vor.u32 $0x380, v4;
	v3 =	vor.u32 $0x380, v11;
	v4 =	vld.idx.msk [tilespmem:v23+s31+$0x0], $0xffff;
	[tilespmem:s3+$0xC0] =	vst v22  }
0x521: {  	s23 =	simm.s32 $0x0;
	s2 =	simm.s32 $0x17200;
	s1 =	simm.s32 $0xCF0;
	v8 =	vor.u32 $0x380, v1;
	v10 =	vor.u32 $0x300, v13;
	v1 =	vor.u32 $0x380, v13;
	v11 =	vld.idx.msk [tilespmem:v24+s31+$0x0], $0xffff;
	[tilespmem:s3+$0xD0] =	vst v18  }
.LBB2_19:
0x522: {  	v12 =	vld [tilespmem:s1+$0x0];
	s23 =	sadd.s32 $0x8, s23;
	[tilespmem:s3+$0xE0] =	vst v16  }
0x523: {  	v13 =	vld [tilespmem:s1+$0xFFFFFFA0];
	p1 =	slt.u32 s23, $0x38;
	[tilespmem:s3+$0x100] =	vst v15  }
0x524: {  	v15 =	vld [tilespmem:s1+$0xFFFFFFB0];
	[tilespmem:s3+$0x110] =	vst v14  }
0x525: {  	v14 =	vld [tilespmem:s1+$0xFFFFFFC0];
	[tilespmem:s3+$0x120] =	vst v17  }
0x526: {  	v16 =	vld [tilespmem:s1+$0xFFFFFFD0];
	[tilespmem:s3+$0x130] =	vst v4  }
0x527: {  	v17 =	vld [tilespmem:s1+$0xFFFFFFE0];
	v4 =	vshll.u32 v12, $0x3;
	[tilespmem:s3+$0x140] =	vst v11  }
0x528: {  	v12 =	vand.u32 $0x7F, v12;
	v11 =	vshll.u32 v13, $0x3;
	v18 =	vld [tilespmem:s1+$0xFFFFFFF0];
	v4 =	vand.u32 $0xFFFFFC00, v4  }
0x529: {  	v19 =	vld [tilespmem:s1+$0xFFFFFF90];
	v11 =	vand.u32 $0xFFFFFC00, v11;
	v20 =	vshll.u32 v15, $0x3;
	v4 =	vor.u32 v12, v4  }
0x52a: {  	v12 =	vand.u32 $0x7F, v13;
	v13 =	vand.u32 $0xFFFFFC00, v20;
	v20 =	vshll.u32 v14, $0x3;
	v9 =	vld.idx.msk [tilespmem:v9+s31+$0x0], $0xffff  }
0x52b: {  	v15 =	vand.u32 $0x7F, v15;
	v20 =	vand.u32 $0xFFFFFC00, v20;
	v21 =	vshll.u32 v16, $0x3;
	v10 =	vld.idx.msk [tilespmem:v10+s31+$0x0], $0xffff  }
0x52c: {  	v14 =	vand.u32 $0x7F, v14;
	v21 =	vand.u32 $0xFFFFFC00, v21;
	v22 =	vshll.u32 v17, $0x3;
	v8 =	vld.idx.msk [tilespmem:v8+s31+$0x0], $0xffff  }
0x52d: {  	v16 =	vand.u32 $0x7F, v16;
	v22 =	vand.u32 $0xFFFFFC00, v22;
	v23 =	vshll.u32 v18, $0x3;
	v7 =	vld.idx.msk [tilespmem:v7+s31+$0x0], $0xffff  }
0x52e: {  	v24 =	vand.u32 $0x7F, v19;
	v19 =	vshll.u32 v19, $0x3;
	v23 =	vand.u32 $0xFFFFFC00, v23;
	v25 =	vld.idx.msk [tilespmem:v4+s31+$0x0], $0xffff  }
0x52f: {  	v17 =	vand.u32 $0x7F, v17;
	v18 =	vand.u32 $0x7F, v18;
	v19 =	vand.u32 $0xFFFFFC00, v19;
	v6 =	vld.idx.msk [tilespmem:v6+s31+$0x0], $0xffff  }
0x530: {  	v26 =	vor.u32 v12, v11;
	v11 =	vor.u32 $0x80, v4;
	v24 =	vor.u32 v24, v19;
	v5 =	vld.idx.msk [tilespmem:v5+s31+$0x0], $0xffff;
	[tilespmem:s3+$0x150] =	vst v9  }
0x531: {  	v27 =	vor.u32 v15, v13;
	v28 =	vor.u32 v14, v20;
	v29 =	vor.u32 v16, v21;
	[tilespmem:s3+$0x160] =	vst v10  }
0x532: {  	v22 =	vor.u32 v17, v22;
	v23 =	vor.u32 v18, v23;
	v9 =	vor.u32 $0x80, v24;
	[tilespmem:s3+$0x180] =	vst v8;
	v3 =	vld.idx.msk [tilespmem:v3+s31+$0x0], $0xffff  }
0x533: {  	v30 =	vor.u32 $0x80, v28;
	v10 =	vor.u32 $0x80, v27;
	v8 =	vor.u32 $0x80, v26;
	s3 =	sadd.s32 $0x400, s3;
	[tilespmem:s2+$0x190] =	vst v7;
	v2 =	vld.idx.msk [tilespmem:v2+s31+$0x0], $0xffff  }
0x534: {  	v31 =	vor.u32 $0x80, v29;
	v32 =	vor.u32 $0x80, v22;
	v33 =	vor.u32 $0x80, v23;
	[tilespmem:s3+$0xFFFFFE70] =	vst v25;
	v1 =	vld.idx.msk [tilespmem:v1+s31+$0x0], $0xffff  }
0x535: {  	v34 =	vor.u32 $0x100, v26;
	v35 =	vor.u32 $0x100, v27;
	v25 =	vor.u32 $0x100, v24;
	v7 =	vld.idx.msk [tilespmem:v11+s31+$0x0], $0xffff;
	[tilespmem:s2+$0x1A0] =	vst v6  }
0x536: {  	v36 =	vor.u32 $0x100, v28;
	v37 =	vor.u32 $0x100, v29;
	v38 =	vor.u32 $0x100, v22;
	v6 =	vld.idx.msk [tilespmem:v24+s31+$0x0], $0xffff;
	[tilespmem:s2+$0x1B0] =	vst v5  }
0x537: {  	v40 =	vor.u32 $0x100, v23;
	v39 =	vor.u32 $0x180, v24;
	v11 =	vor.u32 $0x100, v4;
	v5 =	vld.idx.msk [tilespmem:v26+s31+$0x0], $0xffff  }
0x538: {  	v41 =	vor.u32 $0x180, v26;
	v42 =	vor.u32 $0x180, v27;
	v43 =	vor.u32 $0x180, v28;
	v12 =	vld.idx.msk [tilespmem:v27+s31+$0x0], $0xffff;
	[tilespmem:s2+$0x1C0] =	vst v3  }
0x539: {  	v44 =	vor.u32 $0x180, v29;
	v45 =	vor.u32 $0x180, v22;
	v46 =	vor.u32 $0x180, v23;
	v3 =	vld.idx.msk [tilespmem:v28+s31+$0x0], $0xffff;
	[tilespmem:s2+$0x1D0] =	vst v2  }
0x53a: {  	v48 =	vor.u32 $0x200, v26;
	v49 =	vor.u32 $0x200, v27;
	v47 =	vor.u32 $0x200, v24;
	v2 =	vld.idx.msk [tilespmem:v29+s31+$0x0], $0xffff;
	[tilespmem:s2+$0x1E0] =	vst v1;
	s2 =	smov.u32 s3  }
0x53b: {  	v50 =	vor.u32 $0x200, v28;
	v51 =	vor.u32 $0x200, v29;
	v52 =	vor.u32 $0x200, v22;
	v1 =	vld.idx.msk [tilespmem:v22+s31+$0x0], $0xffff;
	[tilespmem:s3+$0xFFFFFEF0] =	vst v7  }
0x53c: {  	v19 =	vor.u32 $0x280, v26;
	v54 =	vor.u32 $0x200, v23;
	v53 =	vor.u32 $0x280, v24;
	[tilespmem:s3+$0xFFFFFE00] =	vst v6;
	v55 =	vld.idx.msk [tilespmem:v11+s31+$0x0], $0xffff  }
0x53d: {  	v21 =	vor.u32 $0x280, v27;
	v20 =	vor.u32 $0x280, v28;
	v16 =	vor.u32 $0x280, v29;
	[tilespmem:s3+$0xFFFFFE10] =	vst v5;
	v56 =	vld.idx.msk [tilespmem:v23+s31+$0x0], $0xffff  }
0x53e: {  	v58 =	vor.u32 $0x180, v4;
	v18 =	vor.u32 $0x280, v22;
	v17 =	vor.u32 $0x280, v23;
	v57 =	vld.idx.msk [tilespmem:v9+s31+$0x0], $0xffff;
	[tilespmem:s3+$0xFFFFFE20] =	vst v12  }
0x53f: {  	v14 =	vor.u32 $0x300, v26;
	v15 =	vor.u32 $0x300, v24;
	v11 =	vor.u32 $0x300, v27;
	v59 =	vld.idx.msk [tilespmem:v8+s31+$0x0], $0xffff;
	[tilespmem:s3+$0xFFFFFE30] =	vst v3  }
0x540: {  	v13 =	vor.u32 $0x300, v28;
	v12 =	vor.u32 $0x300, v29;
	v9 =	vor.u32 $0x300, v22;
	v60 =	vld.idx.msk [tilespmem:v10+s31+$0x0], $0xffff;
	[tilespmem:s3+$0xFFFFFE40] =	vst v2  }
0x541: {  	v7 =	vor.u32 $0x380, v26;
	v8 =	vor.u32 $0x380, v24;
	v10 =	vor.u32 $0x300, v23;
	v24 =	vld.idx.msk [tilespmem:v30+s31+$0x0], $0xffff;
	[tilespmem:s3+$0xFFFFFE50] =	vst v1  }
0x542: {  	v6 =	vor.u32 $0x380, v27;
	v5 =	vor.u32 $0x380, v28;
	v3 =	vor.u32 $0x380, v29;
	v26 =	vld.idx.msk [tilespmem:v31+s31+$0x0], $0xffff;
	[tilespmem:s3+$0xFFFFFF70] =	vst v55  }
0x543: {  	v2 =	vor.u32 $0x380, v22;
	v1 =	vor.u32 $0x380, v23;
	[tilespmem:s3+$0xFFFFFE60] =	vst v56;
	v22 =	vld.idx.msk [tilespmem:v58+s31+$0x0], $0xffff  }
0x544: {  	[tilespmem:s3+$0xFFFFFE80] =	vst v57;
	v23 =	vld.idx.msk [tilespmem:v32+s31+$0x0], $0xffff  }
0x545: {  	v28 =	vor.u32 $0x200, v4;
	[tilespmem:s3+$0xFFFFFE90] =	vst v59;
	v27 =	vld.idx.msk [tilespmem:v33+s31+$0x0], $0xffff  }
0x546: {  	v25 =	vld.idx.msk [tilespmem:v25+s31+$0x0], $0xffff;
	[tilespmem:s3+$0xFFFFFEA0] =	vst v60  }
0x547: {  	v29 =	vld.idx.msk [tilespmem:v34+s31+$0x0], $0xffff;
	[tilespmem:s3+$0xFFFFFEB0] =	vst v24  }
0x548: {  	v24 =	vld.idx.msk [tilespmem:v35+s31+$0x0], $0xffff;
	[tilespmem:s3+$0xFFFFFEC0] =	vst v26  }
0x549: {  	v26 =	vld.idx.msk [tilespmem:v36+s31+$0x0], $0xffff;
	[tilespmem:s3+$0xFFFFFFF0] =	vst v22  }
0x54a: {  	[tilespmem:s3+$0xFFFFFED0] =	vst v23;
	v22 =	vld.idx.msk [tilespmem:v28+s31+$0x0], $0xffff  }
0x54b: {  	v23 =	vld.idx.msk [tilespmem:v37+s31+$0x0], $0xffff;
	[tilespmem:s3+$0xFFFFFEE0] =	vst v27  }
0x54c: {  	v27 =	vor.u32 $0x280, v4;
	[tilespmem:s3+$0xFFFFFF00] =	vst v25;
	v25 =	vld.idx.msk [tilespmem:v38+s31+$0x0], $0xffff  }
0x54d: {  	[tilespmem:s3+$0xFFFFFF10] =	vst v29;
	v28 =	vld.idx.msk [tilespmem:v40+s31+$0x0], $0xffff  }
0x54e: {  	v29 =	vld.idx.msk [tilespmem:v39+s31+$0x0], $0xffff;
	[tilespmem:s3+$0xFFFFFF20] =	vst v24  }
0x54f: {  	v24 =	vld.idx.msk [tilespmem:v41+s31+$0x0], $0xffff;
	[tilespmem:s3+$0xFFFFFF30] =	vst v26  }
0x550: {  	v26 =	vld.idx.msk [tilespmem:v42+s31+$0x0], $0xffff;
	[tilespmem:s3+$0x70] =	vst v22  }
0x551: {  	[tilespmem:s3+$0xFFFFFF40] =	vst v23;
	v22 =	vld.idx.msk [tilespmem:v27+s31+$0x0], $0xffff  }
0x552: {  	v23 =	vld.idx.msk [tilespmem:v43+s31+$0x0], $0xffff;
	[tilespmem:s3+$0xFFFFFF50] =	vst v25  }
0x553: {  	v27 =	vor.u32 $0x300, v4;
	v25 =	vld.idx.msk [tilespmem:v44+s31+$0x0], $0xffff;
	[tilespmem:s3+$0xFFFFFF60] =	vst v28  }
0x554: {  	[tilespmem:s3+$0xFFFFFF80] =	vst v29;
	v28 =	vld.idx.msk [tilespmem:v45+s31+$0x0], $0xffff  }
0x555: {  	[tilespmem:s3+$0xFFFFFF90] =	vst v24;
	v24 =	vld.idx.msk [tilespmem:v46+s31+$0x0], $0xffff  }
0x556: {  	v29 =	vld.idx.msk [tilespmem:v47+s31+$0x0], $0xffff;
	[tilespmem:s3+$0xFFFFFFA0] =	vst v26  }
0x557: {  	v26 =	vld.idx.msk [tilespmem:v48+s31+$0x0], $0xffff;
	[tilespmem:s3+$0xF0] =	vst v22  }
0x558: {  	[tilespmem:s3+$0xFFFFFFB0] =	vst v23;
	v22 =	vld.idx.msk [tilespmem:v27+s31+$0x0], $0xffff  }
0x559: {  	v23 =	vld.idx.msk [tilespmem:v49+s31+$0x0], $0xffff;
	[tilespmem:s3+$0xFFFFFFC0] =	vst v25  }
0x55a: {  	v4 =	vor.u32 $0x380, v4;
	v25 =	vld.idx.msk [tilespmem:v50+s31+$0x0], $0xffff;
	[tilespmem:s3+$0xFFFFFFD0] =	vst v28  }
0x55b: {  	v27 =	vld.idx.msk [tilespmem:v51+s31+$0x0], $0xffff;
	[tilespmem:s3+$0xFFFFFFE0] =	vst v24  }
0x55c: {  	[tilespmem:s3+$0x0] =	vst v29;
	v24 =	vld.idx.msk [tilespmem:v52+s31+$0x0], $0xffff  }
0x55d: {  	[tilespmem:s3+$0x10] =	vst v26;
	v26 =	vld.idx.msk [tilespmem:v54+s31+$0x0], $0xffff  }
0x55e: {  	v28 =	vld.idx.msk [tilespmem:v53+s31+$0x0], $0xffff;
	[tilespmem:s3+$0x170] =	vst v22  }
0x55f: {  	[tilespmem:s3+$0x20] =	vst v23;
	v4 =	vld.idx.msk [tilespmem:v4+s31+$0x0], $0xffff  }
0x560: {  	v19 =	vld.idx.msk [tilespmem:v19+s31+$0x0], $0xffff;
	[tilespmem:s3+$0x30] =	vst v25  }
0x561: {  	v21 =	vld.idx.msk [tilespmem:v21+s31+$0x0], $0xffff;
	[tilespmem:s3+$0x40] =	vst v27  }
0x562: {  	v20 =	vld.idx.msk [tilespmem:v20+s31+$0x0], $0xffff;
	[tilespmem:s3+$0x50] =	vst v24  }
0x563: {  	v22 =	vld.idx.msk [tilespmem:v16+s31+$0x0], $0xffff;
	[tilespmem:s3+$0x60] =	vst v26  }
0x564: {  	[tilespmem:s3+$0x80] =	vst v28;
	v18 =	vld.idx.msk [tilespmem:v18+s31+$0x0], $0xffff  }
0x565: {  	v16 =	vld.idx.msk [tilespmem:v17+s31+$0x0], $0xffff;
	[tilespmem:s3+$0x1F0] =	vst v4  }
.Ltmp10:
0x566: {  	v15 =	vld.idx.msk [tilespmem:v15+s31+$0x0], $0xffff;
	[tilespmem:s3+$0x90] =	vst v19;
	(pc) =	sbr.rel @p1 .LBB2_19-.Ltmp10, $4  }
0x567: {  	v14 =	vld.idx.msk [tilespmem:v14+s31+$0x0], $0xffff;
	[tilespmem:s3+$0xA0] =	vst v21  }
0x568: {  	v17 =	vld.idx.msk [tilespmem:v11+s31+$0x0], $0xffff;
	[tilespmem:s3+$0xB0] =	vst v20  }
0x569: {  	v4 =	vld.idx.msk [tilespmem:v13+s31+$0x0], $0xffff;
	[tilespmem:s3+$0xC0] =	vst v22  }
0x56a: {  	s1 =	sadd.s32 $0x80, s1;
	v11 =	vld.idx.msk [tilespmem:v12+s31+$0x0], $0xffff;
	[tilespmem:s3+$0xD0] =	vst v18  }
0x56b: {  	_ =	sdelay $0x2  }
0x56c: {  	[tilespmem:s3+$0xE0] =	vst v16  }
0x56d: {  	[tilespmem:s3+$0x100] =	vst v15;
	v9 =	vld.idx.msk [tilespmem:v9+s31+$0x0], $0xffff  }
0x56e: {  	[tilespmem:s3+$0x110] =	vst v14;
	v10 =	vld.idx.msk [tilespmem:v10+s31+$0x0], $0xffff  }
0x56f: {  	v8 =	vld.idx.msk [tilespmem:v8+s31+$0x0], $0xffff;
	[tilespmem:s3+$0x120] =	vst v17  }
0x570: {  	v63 =	vld.idx.msk [tilespmem:v7+s31+$0x0], $0xffff;
	[tilespmem:s3+$0x130] =	vst v4  }
0x571: {  	v6 =	vld.idx.msk [tilespmem:v6+s31+$0x0], $0xffff;
	[tilespmem:s3+$0x140] =	vst v11  }
0x572: {  	v5 =	vld.idx.msk [tilespmem:v5+s31+$0x0], $0xffff;
	[tilespmem:s3+$0x150] =	vst v9  }
0x573: {  	v3 =	vld.idx.msk [tilespmem:v3+s31+$0x0], $0xffff;
	[tilespmem:s3+$0x160] =	vst v10  }
0x574: {  	[tilespmem:s3+$0x180] =	vst v8;
	v2 =	vld.idx.msk [tilespmem:v2+s31+$0x0], $0xffff  }
0x575: {  	[tilespmem:s2+$0x190] =	vst v63;
	v1 =	vld.idx.msk [tilespmem:v1+s31+$0x0], $0xffff  }
0x576: {  	[tilespmem:s2+$0x1A0] =	vst v6  }
.Ltmp11:
0x577: {  	[tilespmem:s2+$0x1B0] =	vst v5;
	(pc) =	sbr.rel @p0 .LBB2_22-.Ltmp11, $4  }
0x578: {  	[tilespmem:s2+$0x1C0] =	vst v3  }
0x579: {  	[tilespmem:s2+$0x1D0] =	vst v2  }
0x57a: {  	s0 =	sadd.s32 s0, s21;
	[tilespmem:s2+$0x1E0] =	vst v1  }
0x57b: {  	[hbm4b:s0+s5] =	stream.linear.scatter [tilespmem:s13], [sflag:$0x6], $0x2000, $0x38;
	[tilespmem:$0x19200] =	vst v63  }
0x57c: {  	s0 =	rddreg [dreg:$0xe]  }
0x57d: {  	s0 =	sadd.s32 s28, s0  }
0x57e: {  	s1 =	rddreg [dreg:$0x0];
	s0 =	sshll.u32 s0, $0xC  }
0x57f: {  	s1 =	sadd.s32 s1, s0  }
0x580: {  	[tilespmem:s31], [sflag:$0x2] =	stream.linear.gather [hbm4b:s1+s5], $0x2000, $0x38;
	[tilespmem:$0x19200] =	vst v63  }
0x581: {  	s2 =	simm.s32 $0xB000;
	s3 =	sadd.s32 s0, s8  }
0x582: {  	[tilespmem:s2], [sflag:$0x2] =	stream.linear.gather [hbm4b:s3+s5], $0x2000, $0x38;
	[tilespmem:$0x19200] =	vst v63  }
.Ltmp12:
0x583: {  	_ = 	snop;
	(pc) =	sbr.rel .LBB2_4-.Ltmp12, $4  }
0x584: {  	s24 =	simm.s32 $0xD000;
	s23 =	sadd.s32 s0, s10  }
0x585: {  	[tilespmem:s24], [sflag:$0x2] =	stream.linear.gather [hbm4b:s23+s5], $0x2000, $0x38;
	[tilespmem:$0x19200] =	vst v63  }
0x586: {  	s7 =	sadd.s32 $0x1, s7;
	s28 =	simm.s32 $0xF000;
	s0 =	sadd.s32 s0, s11  }
0x587: {  	[tilespmem:s28], [sflag:$0x2] =	stream.linear.gather [hbm4b:s0+s5], $0x2000, $0x38;
	[tilespmem:$0x19200] =	vst v63  }
.LBB2_23:
0x588: {  	_ =	sfence.sel $0x180000  }
0x589: {  	[bflag:$0x0] =	sbarrier.arrive $0xFFFF  }
0x58a: {  	_ =	strace $0x90000047  }
0x58b: {  	s0 =	stileid.u32;
	[bflag:$0x2] =	sbarrier.arrive $0xFFFF  }
0x58c: {  	p0 =	sne.s32 s0, $0x0;
	s0 =	rddreg [dreg:$0x4]  }
0x58d: {  	s0 =	sadd.s32 @!p0 $0x100000, s0  }
0x58e: {  	[sflag:s0] =	ssyncadd.tile.s32 @!p0 $0x1;
	_ =	shalt  }
.Lfunc_end2:
_tile_overlayer_lowered:
.L_overlay_start_2:
0x58f: {  	(tag) =	ssettag $0x2  }
0x590: {  	s0 =	rddreg [dreg:$0x0];
	s2 =	stileid.u32  }
0x591: {  	s1 =	rddreg [dreg:$0x1];
	p0 =	sne.s32 s2, $0x0  }
0x592: {  	s3 =	rddreg [dreg:$0x2];
	[bflag:$0x3] =	sbarrier.arrive $0xFFFF;
	s2 =	simm.s32 @!p0 $0x1C07  }
0x593: {  	[timem:s3], [sflag:s2] =	dma.local @!p0 [hbm:s0], s1  }
0x594: {  	s0 =	simm.s32 @!p0 $0x7  }
0x595: {  	_ =	swait.ge @!p0 [sflag:s0], s1  }
0x596: {  	s1 =	ssub.s32 @!p0 $0x0, s1;
	[sflag:s0] =	ssyncset.done @!p0 $0x0  }
0x597: {  	[sflag:s0] =	ssyncadd.s32 @!p0 s1  }
0x598: {  	[bflag:$0x3] =	sbarrier.arrive $0xFFFF  }
0x599: {  	_ =	shalt  }

</sc_bundles>
